<compile_context>
chip_gen: v7x
topology: tpu7x:2x2x1
jax: 0.10.2.dev20260603
libtpu: 0.0.44.dev20260713+nightly
codegen_flags: <defaults>
</compile_context>

<pallas_src>
import jax
import jax.numpy as jnp
from jax import lax
from jax.experimental import pallas as pl
from jax.experimental.pallas import tpu as pltpu
from jax.experimental.pallas import tpu_sc as plsc

N = 10000
E = 320000
D_IN = 128
H = 8

NC = 2
NS = 16
NW = NC * NS

C = 2000
K = E // (NW * C)

ACC_N = 10240
ZR = ACC_N // NS
FR = ACC_N // 16
NFR = N // 16

_mesh = plsc.VectorSubcoreMesh(core_axis_name="c", subcore_axis_name="s")
_sc_params = pltpu.CompilerParams(use_tc_tiling_on_sc=False)



def _deg_body(edges, ones_h, z1, out, dst_v, ones_v, acc, semp, sems):
    c = lax.axis_index("c")
    s = lax.axis_index("s")
    w = s * NC + c
    pz = pltpu.async_copy(z1.at[pl.ds(s * ZR, ZR)], acc.at[pl.ds(s * ZR, ZR)],
                          semp.at[0])
    pds = [pltpu.async_copy(edges.at[1, pl.ds(w * K * C + j * C, C)],
                            dst_v.at[j], semp.at[1]) for j in range(K)]
    po = pltpu.async_copy(ones_h, ones_v, semp.at[2])
    pz.wait()
    for p in pds:
        p.wait()
    po.wait()
    plsc.subcore_barrier()

    descs = [
        pltpu.async_copy(ones_v, acc.at[dst_v.at[j]], sems.at[j], add=True)
        for j in range(K)
    ]
    for d in descs:
        d.wait()
    plsc.subcore_barrier()
    pltpu.sync_copy(acc.at[pl.ds(s * ZR, ZR)], out.at[c, pl.ds(s * ZR, ZR)])


def _sc_degree(edges, ones_h, z1):
    return pl.kernel(
        _deg_body,
        out_type=jax.ShapeDtypeStruct((NC, ACC_N), jnp.float32),
        mesh=_mesh,
        scratch_types=[
            pltpu.VMEM((K, C), jnp.int32),
            pltpu.VMEM((C,), jnp.float32),
            pltpu.VMEM_SHARED((ACC_N,), jnp.float32),
            pltpu.SemaphoreType.DMA((3,)),
            pltpu.SemaphoreType.DMA((K,)),
        ],
        compiler_params=_sc_params,
    )(edges, ones_h, z1)


def _scat_body(g, edges, z8, out, src_v, dst_v, rows_v, acc, semp,
               semg, sems):
    c = lax.axis_index("c")
    s = lax.axis_index("s")
    w = s * NC + c
    base = w * K * C
    pz = pltpu.async_copy(z8.at[pl.ds(s * ZR, ZR)], acc.at[pl.ds(s * ZR, ZR)],
                          semp.at[0])
    pss = [pltpu.async_copy(edges.at[0, pl.ds(base + j * C, C)], src_v.at[j],
                            semp.at[1]) for j in range(K)]
    pds = [pltpu.async_copy(edges.at[1, pl.ds(base + j * C, C)], dst_v.at[j],
                            semp.at[2]) for j in range(K)]
    for p in pss:
        p.wait()
    gds = [
        pltpu.async_copy(g.at[src_v.at[j]], rows_v.at[j], semg.at[j])
        for j in range(K)
    ]
    pz.wait()
    for p in pds:
        p.wait()
    plsc.subcore_barrier()
    sds = []
    for j in range(K):
        gds[j].wait()
        sds.append(pltpu.async_copy(rows_v.at[j], acc.at[dst_v.at[j]],
                                    sems.at[j], add=True))
    for d in sds:
        d.wait()
    plsc.subcore_barrier()
    pltpu.sync_copy(acc.at[pl.ds(s * ZR, ZR)], out.at[c, pl.ds(s * ZR, ZR)])


def _sc_scatter(g, edges, z8):
    return pl.kernel(
        _scat_body,
        out_type=jax.ShapeDtypeStruct((NC, ACC_N, H), jnp.float32),
        mesh=_mesh,
        scratch_types=[
            pltpu.VMEM((K, C), jnp.int32),
            pltpu.VMEM((K, C), jnp.int32),
            pltpu.VMEM((K, C, H), jnp.float32),
            pltpu.VMEM_SHARED((ACC_N, H), jnp.float32),
            pltpu.SemaphoreType.DMA((3,)),
            pltpu.SemaphoreType.DMA((K,)),
            pltpu.SemaphoreType.DMA((K,)),
        ],
        compiler_params=_sc_params,
    )(g, edges, z8)



def _mm1_body(xg_ref, bw1_ref, h_ref):
    h_ref[...] = jnp.dot(xg_ref[...], bw1_ref[...],
                         preferred_element_type=jnp.float32,
                           precision=lax.Precision.HIGHEST)


def _tc_mm1(xg, BigW1):
    return pl.pallas_call(
        _mm1_body,
        out_shape=jax.ShapeDtypeStruct((FR, 128), jnp.float32),
    )(xg, BigW1)


def _scale_body(h_ref, degt_ref, brd_ref, g_ref, dinvx_ref):
    deg = degt_ref[0] + degt_ref[1] + 1.0
    dinv = lax.rsqrt(deg)
    dinvx = jnp.dot(dinv, brd_ref[...], preferred_element_type=jnp.float32,
                           precision=lax.Precision.HIGHEST)
    dinvx_ref[...] = dinvx
    g_ref[...] = h_ref[...] * dinvx


def _tc_scale(h1, degt_rows, Brd):
    return pl.pallas_call(
        _scale_body,
        out_shape=(
            jax.ShapeDtypeStruct((FR, 128), jnp.float32),
            jax.ShapeDtypeStruct((FR, 128), jnp.float32),
        ),
    )(h1, degt_rows, Brd)


def _layer_body(accp_ref, g_ref, dinvx_ref, wbd_ref, b_ref, out_ref):
    dinvx = dinvx_ref[...]
    acc = accp_ref[0] + accp_ref[1] + g_ref[...]
    hh = jnp.maximum(acc * dinvx + b_ref[...], 0.0)
    out_ref[...] = jnp.dot(hh, wbd_ref[...],
                           preferred_element_type=jnp.float32,
                           precision=lax.Precision.HIGHEST) * dinvx


def _tc_layer(accpf, g_prev, dinvx, WBD, bf):
    return pl.pallas_call(
        _layer_body,
        out_shape=jax.ShapeDtypeStruct((FR, 128), jnp.float32),
    )(accpf, g_prev, dinvx, WBD, bf)


def _final_body(accp_ref, g_ref, dinvx_ref, b_ref, wpbd_ref, fold_ref,
                wv_ref, bp_ref, bv_ref, proba_ref, value_ref):
    acc = accp_ref[0] + accp_ref[1] + g_ref[...]
    h3 = jnp.maximum(acc * dinvx_ref[...] + b_ref[...], 0.0)
    proba_ref[...] = jnp.dot(h3, wpbd_ref[...],
                             preferred_element_type=jnp.float32,
                           precision=lax.Precision.HIGHEST) + bp_ref[...]
    s128 = jnp.sum(h3[:NFR, :], axis=0, keepdims=True)
    feat = jnp.dot(s128, fold_ref[...],
                   preferred_element_type=jnp.float32,
                           precision=lax.Precision.HIGHEST) * (1.0 / N)
    value_ref[...] = jnp.dot(feat, wv_ref[...],
                             preferred_element_type=jnp.float32,
                           precision=lax.Precision.HIGHEST) + bv_ref[...]


def _tc_final(accpf, g3, dinvx, b3f, WpBD, FoldM, Wv, bp, bv):
    return pl.pallas_call(
        _final_body,
        out_shape=(
            jax.ShapeDtypeStruct((FR, 16), jnp.float32),
            jax.ShapeDtypeStruct((1, 1), jnp.float32),
        ),
    )(accpf, g3, dinvx, b3f, WpBD, FoldM, Wv, bp, bv)



def kernel(x, edge_index, W1, b1, W2, b2, W3, b3, Wp, bp, Wv, bv):
    edges = edge_index.astype(jnp.int32)
    f32 = jnp.float32

    ones_h = jnp.ones((C,), f32)
    z1 = jnp.zeros((ACC_N,), f32)
    z8 = jnp.zeros((ACC_N, H), f32)

    eye16 = jnp.eye(16, dtype=f32)
    xg = jnp.concatenate([x, jnp.zeros((ACC_N - N, D_IN), f32)]
                         ).reshape(FR, 16 * D_IN)
    BigW1 = jnp.kron(eye16, W1)
    Brd = jnp.kron(eye16, jnp.ones((1, H), f32))
    WBD2 = jnp.kron(eye16, W2)
    WBD3 = jnp.kron(eye16, W3)
    WpBD = jnp.kron(eye16, Wp)
    FoldM = jnp.kron(jnp.ones((16, 1), f32), jnp.eye(H, dtype=f32))

    degp = _sc_degree(edges, ones_h, z1)
    h1 = _tc_mm1(xg, BigW1)
    g1, dinvx = _tc_scale(h1, degp.reshape(NC, FR, 16), Brd)

    acc1 = _sc_scatter(g1.reshape(ACC_N, H), edges, z8)
    g2 = _tc_layer(acc1.reshape(NC, FR, 128), g1, dinvx, WBD2,
                   jnp.tile(b1, 16).reshape(1, 128))
    acc2 = _sc_scatter(g2.reshape(ACC_N, H), edges, z8)
    g3 = _tc_layer(acc2.reshape(NC, FR, 128), g2, dinvx, WBD3,
                   jnp.tile(b2, 16).reshape(1, 128))
    acc3 = _sc_scatter(g3.reshape(ACC_N, H), edges, z8)

    proba_f, value = _tc_final(acc3.reshape(NC, FR, 128), g3, dinvx,
                               jnp.tile(b3, 16).reshape(1, 128),
                               WpBD, FoldM, Wv,
                               bp.reshape(1, 1), bv.reshape(1, 1))
    proba = proba_f.reshape(ACC_N, 1)[:N]
    return (proba, value)

# --- scband reference (transcript-rebuilt; emitter-appended) ---
"""Pipeline reference for scband-agent-52991306498170 (READ-ONLY COPY).

The authoritative reference and input builder live on the scoring server;
editing this copy changes nothing except your own understanding.
"""

import jax, jax.numpy as jnp
import numpy as np

N_NODES = 10000
N_EDGES = 320000
D_IN = 128
D_H = 8


def gcn_conv(x, edge_index, W, b):
    # GCNConv: x' = D^{-1/2} (A + I) D^{-1/2} (x W) + b
    n = x.shape[0]
    h = x @ W
    loop = jnp.arange(n, dtype=edge_index.dtype)
    src = jnp.concatenate([edge_index[0], loop])
    dst = jnp.concatenate([edge_index[1], loop])
    deg = jnp.zeros((n,), dtype=h.dtype).at[dst].add(1.0)
    dinv = jnp.where(deg > 0, deg ** -0.5, 0.0)
    norm = dinv[src] * dinv[dst]
    msg = h[src] * norm[:, None]
    out = jnp.zeros((n, h.shape[1]), dtype=h.dtype).at[dst].add(msg)
    return out + b


def setup_inputs(seed: int = 0) -> dict:
    key = jax.random.key(seed)
    ks = jax.random.split(key, 12)
    x = jax.random.normal(ks[0], (N_NODES, D_IN), dtype=jnp.float32)
    edge_index = jax.random.randint(ks[1], (2, N_EDGES), 0, N_NODES, dtype=jnp.int64 if jax.config.jax_enable_x64 else jnp.int32)
    def glorot(k, shape):
        fan_in, fan_out = shape[0], shape[1]
        lim = (6.0 / (fan_in + fan_out)) ** 0.5
        return jax.random.uniform(k, shape, dtype=jnp.float32, minval=-lim, maxval=lim)
    W1 = glorot(ks[2], (D_IN, D_H)); b1 = jnp.zeros((D_H,), jnp.float32)
    W2 = glorot(ks[3], (D_H, D_H)); b2 = jnp.zeros((D_H,), jnp.float32)
    W3 = glorot(ks[4], (D_H, D_H)); b3 = jnp.zeros((D_H,), jnp.float32)
    Wp = glorot(ks[5], (D_H, 1)); bp = jnp.zeros((1,), jnp.float32)
    Wv = glorot(ks[6], (D_H, 1)); bv = jnp.zeros((1,), jnp.float32)
    return {"x": x, "edge_index": edge_index, "W1": W1, "b1": b1, "W2": W2, "b2": b2, "W3": W3, "b3": b3, "Wp": Wp, "bp": bp, "Wv": Wv, "bv": bv}


def reference(x, edge_index, W1, b1, W2, b2, W3, b3, Wp, bp, Wv, bv):
    h = x.astype(jnp.float32)
    h = jax.nn.relu(gcn_conv(h, edge_index, W1, b1))
    h = jax.nn.relu(gcn_conv(h, edge_index, W2, b2))
    h = jax.nn.relu(gcn_conv(h, edge_index, W3, b3))
    # global_mean_pool with all-zero batch ids == mean over all nodes
    mean_val = jnp.mean(h, axis=0, keepdims=True)
    proba = h @ Wp + bp
    value = mean_val @ Wv + bv
    return (proba, value)

if __name__ == "__main__":
    import jax
    _d = setup_inputs()
    print(jax.jit(kernel)(*tuple(_d.values())))

</pallas_src>

<mosaic_0001>
#map = affine_map<(d0, d1) -> (0, 0)>
#map1 = affine_map<(d0, d1) -> (0)>
module attributes {stable_mosaic.version = 14 : i64} {
  func.func @_deg_body(%arg0: i32, %arg1: i32, %arg2: memref<2x320000xi32, #tpu.memory_space<hbm>>, %arg3: memref<2000xf32, #tpu.memory_space<hbm>>, %arg4: memref<10240xf32, #tpu.memory_space<hbm>>, %arg5: memref<2x10240xf32, #tpu.memory_space<hbm>>, %arg6: memref<5x2000xi32, #tpu.memory_space<vmem>>, %arg7: memref<2000xf32, #tpu.memory_space<vmem>>, %arg8: memref<10240xf32, #tpu.memory_space<vmem_shared>>, %arg9: memref<3x!tpu.dma_semaphore, #tpu.memory_space<semaphore_mem>>, %arg10: memref<5x!tpu.dma_semaphore, #tpu.memory_space<semaphore_mem>>) attributes {dimension_semantics = [#tpu.dimension_semantics<core_parallel>, #tpu.dimension_semantics<subcore_parallel>], iteration_bounds = array<i64: 2, 16>, scalar_prefetch = 0 : i64, scratch_operands = 5 : i64, tpu.core_type = #tpu.core_type<sc_vector_subcore>, window_params = [{transform_indices = #map}, {transform_indices = #map1}, {transform_indices = #map1}, {transform_indices = #map}]} {
    %mul3A = arith.constant 2 : i32
    %mul3A_0 = arith.muli %arg1, %mul3A : i32
    %add3A = arith.addi %mul3A_0, %arg0 : i32
    %mul3A_1 = arith.constant 640 : i32
    %mul3A_2 = arith.muli %arg1, %mul3A_1 : i32
    %mul3A_3 = arith.constant 640 : i32
    %mul3A_4 = arith.muli %arg1, %mul3A_3 : i32
    %dma_start3A = arith.constant 0 : i32
    %dma_start3A_5 = tpu.memref_slice %arg9[%dma_start3A] : memref<3x!tpu.dma_semaphore, #tpu.memory_space<semaphore_mem>> -> memref<1x!tpu.dma_semaphore, #tpu.memory_space<semaphore_mem>>
    %dma_start3A_6 = tpu.memref_squeeze %dma_start3A_5 : memref<1x!tpu.dma_semaphore, #tpu.memory_space<semaphore_mem>> -> memref<!tpu.dma_semaphore, #tpu.memory_space<semaphore_mem>>
    %dma_start3A_7 = tpu.memref_slice %arg8[%mul3A_4] : memref<10240xf32, #tpu.memory_space<vmem_shared>> -> memref<640xf32, #tpu.memory_space<vmem_shared>>
    %dma_start3A_8 = tpu.memref_slice %arg4[%mul3A_2] : memref<10240xf32, #tpu.memory_space<hbm>> -> memref<640xf32, #tpu.memory_space<hbm>>
    tpu.enqueue_dma source(%dma_start3A_8 : memref<640xf32, #tpu.memory_space<hbm>>) target(%dma_start3A_7 : memref<640xf32, #tpu.memory_space<vmem_shared>>) target_semaphore(%dma_start3A_6 : memref<!tpu.dma_semaphore, #tpu.memory_space<semaphore_mem>>)
    %mul3A_9 = arith.constant 5 : i32
    %mul3A_10 = arith.muli %add3A, %mul3A_9 : i32
    %mul3A_11 = arith.constant 2000 : i32
    %mul3A_12 = arith.muli %mul3A_10, %mul3A_11 : i32
    %add3A_13 = arith.constant 0 : i32
    %add3A_14 = arith.addi %mul3A_12, %add3A_13 : i32
    %dma_start3A_15 = arith.constant 1 : i32
    %dma_start3A_16 = arith.constant 0 : i32
    %dma_start3A_17 = arith.constant 1 : i32
    %dma_start3A_18 = arith.constant 0 : i32
    %dma_start3A_19 = tpu.memref_slice %arg6[%dma_start3A_16, %dma_start3A_18] : memref<5x2000xi32, #tpu.memory_space<vmem>> -> memref<1x2000xi32, #tpu.memory_space<vmem>>
    %dma_start3A_20 = tpu.memref_squeeze %dma_start3A_19 : memref<1x2000xi32, #tpu.memory_space<vmem>> -> memref<2000xi32, #tpu.memory_space<vmem>>
    %dma_start3A_21 = tpu.memref_slice %arg2[%dma_start3A_15, %add3A_14] : memref<2x320000xi32, #tpu.memory_space<hbm>> -> memref<1x2000xi32, #tpu.memory_space<hbm>>
    %dma_start3A_22 = tpu.memref_squeeze %dma_start3A_21 : memref<1x2000xi32, #tpu.memory_space<hbm>> -> memref<2000xi32, #tpu.memory_space<hbm>>
    %dma_start3A_23 = tpu.memref_slice %arg9[%dma_start3A_17] : memref<3x!tpu.dma_semaphore, #tpu.memory_space<semaphore_mem>> -> memref<1x!tpu.dma_semaphore, #tpu.memory_space<semaphore_mem>>
    %dma_start3A_24 = tpu.memref_squeeze %dma_start3A_23 : memref<1x!tpu.dma_semaphore, #tpu.memory_space<semaphore_mem>> -> memref<!tpu.dma_semaphore, #tpu.memory_space<semaphore_mem>>
    %dma_start3A_25 = arith.constant 0 : i32
    %dma_start3A_26 = tpu.memref_slice %arg6[%dma_start3A_16, %dma_start3A_25] : memref<5x2000xi32, #tpu.memory_space<vmem>> -> memref<1x2000xi32, #tpu.memory_space<vmem>>
    %dma_start3A_27 = tpu.memref_squeeze %dma_start3A_26 : memref<1x2000xi32, #tpu.memory_space<vmem>> -> memref<2000xi32, #tpu.memory_space<vmem>>
    %dma_start3A_28 = tpu.memref_slice %arg2[%dma_start3A_15, %add3A_14] : memref<2x320000xi32, #tpu.memory_space<hbm>> -> memref<1x2000xi32, #tpu.memory_space<hbm>>
    %dma_start3A_29 = tpu.memref_squeeze %dma_start3A_28 : memref<1x2000xi32, #tpu.memory_space<hbm>> -> memref<2000xi32, #tpu.memory_space<hbm>>
    tpu.enqueue_dma source(%dma_start3A_29 : memref<2000xi32, #tpu.memory_space<hbm>>) target(%dma_start3A_27 : memref<2000xi32, #tpu.memory_space<vmem>>) target_semaphore(%dma_start3A_24 : memref<!tpu.dma_semaphore, #tpu.memory_space<semaphore_mem>>)
    %mul3A_30 = arith.constant 5 : i32
    %mul3A_31 = arith.muli %add3A, %mul3A_30 : i32
    %mul3A_32 = arith.constant 2000 : i32
    %mul3A_33 = arith.muli %mul3A_31, %mul3A_32 : i32
    %add3A_34 = arith.constant 2000 : i32
    %add3A_35 = arith.addi %mul3A_33, %add3A_34 : i32
    %dma_start3A_36 = arith.constant 1 : i32
    %dma_start3A_37 = arith.constant 1 : i32
    %dma_start3A_38 = arith.constant 1 : i32
    %dma_start3A_39 = arith.constant 0 : i32
    %dma_start3A_40 = tpu.memref_slice %arg6[%dma_start3A_37, %dma_start3A_39] : memref<5x2000xi32, #tpu.memory_space<vmem>> -> memref<1x2000xi32, #tpu.memory_space<vmem>>
    %dma_start3A_41 = tpu.memref_squeeze %dma_start3A_40 : memref<1x2000xi32, #tpu.memory_space<vmem>> -> memref<2000xi32, #tpu.memory_space<vmem>>
    %dma_start3A_42 = tpu.memref_slice %arg2[%dma_start3A_36, %add3A_35] : memref<2x320000xi32, #tpu.memory_space<hbm>> -> memref<1x2000xi32, #tpu.memory_space<hbm>>
    %dma_start3A_43 = tpu.memref_squeeze %dma_start3A_42 : memref<1x2000xi32, #tpu.memory_space<hbm>> -> memref<2000xi32, #tpu.memory_space<hbm>>
    %dma_start3A_44 = tpu.memref_slice %arg9[%dma_start3A_38] : memref<3x!tpu.dma_semaphore, #tpu.memory_space<semaphore_mem>> -> memref<1x!tpu.dma_semaphore, #tpu.memory_space<semaphore_mem>>
    %dma_start3A_45 = tpu.memref_squeeze %dma_start3A_44 : memref<1x!tpu.dma_semaphore, #tpu.memory_space<semaphore_mem>> -> memref<!tpu.dma_semaphore, #tpu.memory_space<semaphore_mem>>
    %dma_start3A_46 = arith.constant 0 : i32
    %dma_start3A_47 = tpu.memref_slice %arg6[%dma_start3A_37, %dma_start3A_46] : memref<5x2000xi32, #tpu.memory_space<vmem>> -> memref<1x2000xi32, #tpu.memory_space<vmem>>
    %dma_start3A_48 = tpu.memref_squeeze %dma_start3A_47 : memref<1x2000xi32, #tpu.memory_space<vmem>> -> memref<2000xi32, #tpu.memory_space<vmem>>
    %dma_start3A_49 = tpu.memref_slice %arg2[%dma_start3A_36, %add3A_35] : memref<2x320000xi32, #tpu.memory_space<hbm>> -> memref<1x2000xi32, #tpu.memory_space<hbm>>
    %dma_start3A_50 = tpu.memref_squeeze %dma_start3A_49 : memref<1x2000xi32, #tpu.memory_space<hbm>> -> memref<2000xi32, #tpu.memory_space<hbm>>
    tpu.enqueue_dma source(%dma_start3A_50 : memref<2000xi32, #tpu.memory_space<hbm>>) target(%dma_start3A_48 : memref<2000xi32, #tpu.memory_space<vmem>>) target_semaphore(%dma_start3A_45 : memref<!tpu.dma_semaphore, #tpu.memory_space<semaphore_mem>>)
    %mul3A_51 = arith.constant 5 : i32
    %mul3A_52 = arith.muli %add3A, %mul3A_51 : i32
    %mul3A_53 = arith.constant 2000 : i32
    %mul3A_54 = arith.muli %mul3A_52, %mul3A_53 : i32
    %add3A_55 = arith.constant 4000 : i32
    %add3A_56 = arith.addi %mul3A_54, %add3A_55 : i32
    %dma_start3A_57 = arith.constant 1 : i32
    %dma_start3A_58 = arith.constant 2 : i32
    %dma_start3A_59 = arith.constant 1 : i32
    %dma_start3A_60 = arith.constant 0 : i32
    %dma_start3A_61 = tpu.memref_slice %arg6[%dma_start3A_58, %dma_start3A_60] : memref<5x2000xi32, #tpu.memory_space<vmem>> -> memref<1x2000xi32, #tpu.memory_space<vmem>>
    %dma_start3A_62 = tpu.memref_squeeze %dma_start3A_61 : memref<1x2000xi32, #tpu.memory_space<vmem>> -> memref<2000xi32, #tpu.memory_space<vmem>>
    %dma_start3A_63 = tpu.memref_slice %arg2[%dma_start3A_57, %add3A_56] : memref<2x320000xi32, #tpu.memory_space<hbm>> -> memref<1x2000xi32, #tpu.memory_space<hbm>>
    %dma_start3A_64 = tpu.memref_squeeze %dma_start3A_63 : memref<1x2000xi32, #tpu.memory_space<hbm>> -> memref<2000xi32, #tpu.memory_space<hbm>>
    %dma_start3A_65 = tpu.memref_slice %arg9[%dma_start3A_59] : memref<3x!tpu.dma_semaphore, #tpu.memory_space<semaphore_mem>> -> memref<1x!tpu.dma_semaphore, #tpu.memory_space<semaphore_mem>>
    %dma_start3A_66 = tpu.memref_squeeze %dma_start3A_65 : memref<1x!tpu.dma_semaphore, #tpu.memory_space<semaphore_mem>> -> memref<!tpu.dma_semaphore, #tpu.memory_space<semaphore_mem>>
    %dma_start3A_67 = arith.constant 0 : i32
    %dma_start3A_68 = tpu.memref_slice %arg6[%dma_start3A_58, %dma_start3A_67] : memref<5x2000xi32, #tpu.memory_space<vmem>> -> memref<1x2000xi32, #tpu.memory_space<vmem>>
    %dma_start3A_69 = tpu.memref_squeeze %dma_start3A_68 : memref<1x2000xi32, #tpu.memory_space<vmem>> -> memref<2000xi32, #tpu.memory_space<vmem>>
    %dma_start3A_70 = tpu.memref_slice %arg2[%dma_start3A_57, %add3A_56] : memref<2x320000xi32, #tpu.memory_space<hbm>> -> memref<1x2000xi32, #tpu.memory_space<hbm>>
    %dma_start3A_71 = tpu.memref_squeeze %dma_start3A_70 : memref<1x2000xi32, #tpu.memory_space<hbm>> -> memref<2000xi32, #tpu.memory_space<hbm>>
    tpu.enqueue_dma source(%dma_start3A_71 : memref<2000xi32, #tpu.memory_space<hbm>>) target(%dma_start3A_69 : memref<2000xi32, #tpu.memory_space<vmem>>) target_semaphore(%dma_start3A_66 : memref<!tpu.dma_semaphore, #tpu.memory_space<semaphore_mem>>)
    %mul3A_72 = arith.constant 5 : i32
    %mul3A_73 = arith.muli %add3A, %mul3A_72 : i32
    %mul3A_74 = arith.constant 2000 : i32
    %mul3A_75 = arith.muli %mul3A_73, %mul3A_74 : i32
    %add3A_76 = arith.constant 6000 : i32
    %add3A_77 = arith.addi %mul3A_75, %add3A_76 : i32
    %dma_start3A_78 = arith.constant 1 : i32
    %dma_start3A_79 = arith.constant 3 : i32
    %dma_start3A_80 = arith.constant 1 : i32
    %dma_start3A_81 = arith.constant 0 : i32
    %dma_start3A_82 = tpu.memref_slice %arg6[%dma_start3A_79, %dma_start3A_81] : memref<5x2000xi32, #tpu.memory_space<vmem>> -> memref<1x2000xi32, #tpu.memory_space<vmem>>
    %dma_start3A_83 = tpu.memref_squeeze %dma_start3A_82 : memref<1x2000xi32, #tpu.memory_space<vmem>> -> memref<2000xi32, #tpu.memory_space<vmem>>
    %dma_start3A_84 = tpu.memref_slice %arg2[%dma_start3A_78, %add3A_77] : memref<2x320000xi32, #tpu.memory_space<hbm>> -> memref<1x2000xi32, #tpu.memory_space<hbm>>
    %dma_start3A_85 = tpu.memref_squeeze %dma_start3A_84 : memref<1x2000xi32, #tpu.memory_space<hbm>> -> memref<2000xi32, #tpu.memory_space<hbm>>
    %dma_start3A_86 = tpu.memref_slice %arg9[%dma_start3A_80] : memref<3x!tpu.dma_semaphore, #tpu.memory_space<semaphore_mem>> -> memref<1x!tpu.dma_semaphore, #tpu.memory_space<semaphore_mem>>
    %dma_start3A_87 = tpu.memref_squeeze %dma_start3A_86 : memref<1x!tpu.dma_semaphore, #tpu.memory_space<semaphore_mem>> -> memref<!tpu.dma_semaphore, #tpu.memory_space<semaphore_mem>>
    %dma_start3A_88 = arith.constant 0 : i32
    %dma_start3A_89 = tpu.memref_slice %arg6[%dma_start3A_79, %dma_start3A_88] : memref<5x2000xi32, #tpu.memory_space<vmem>> -> memref<1x2000xi32, #tpu.memory_space<vmem>>
    %dma_start3A_90 = tpu.memref_squeeze %dma_start3A_89 : memref<1x2000xi32, #tpu.memory_space<vmem>> -> memref<2000xi32, #tpu.memory_space<vmem>>
    %dma_start3A_91 = tpu.memref_slice %arg2[%dma_start3A_78, %add3A_77] : memref<2x320000xi32, #tpu.memory_space<hbm>> -> memref<1x2000xi32, #tpu.memory_space<hbm>>
    %dma_start3A_92 = tpu.memref_squeeze %dma_start3A_91 : memref<1x2000xi32, #tpu.memory_space<hbm>> -> memref<2000xi32, #tpu.memory_space<hbm>>
    tpu.enqueue_dma source(%dma_start3A_92 : memref<2000xi32, #tpu.memory_space<hbm>>) target(%dma_start3A_90 : memref<2000xi32, #tpu.memory_space<vmem>>) target_semaphore(%dma_start3A_87 : memref<!tpu.dma_semaphore, #tpu.memory_space<semaphore_mem>>)
    %mul3A_93 = arith.constant 5 : i32
    %mul3A_94 = arith.muli %add3A, %mul3A_93 : i32
    %mul3A_95 = arith.constant 2000 : i32
    %mul3A_96 = arith.muli %mul3A_94, %mul3A_95 : i32
    %add3A_97 = arith.constant 8000 : i32
    %add3A_98 = arith.addi %mul3A_96, %add3A_97 : i32
    %dma_start3A_99 = arith.constant 1 : i32
    %dma_start3A_100 = arith.constant 4 : i32
    %dma_start3A_101 = arith.constant 1 : i32
    %dma_start3A_102 = arith.constant 0 : i32
    %dma_start3A_103 = tpu.memref_slice %arg6[%dma_start3A_100, %dma_start3A_102] : memref<5x2000xi32, #tpu.memory_space<vmem>> -> memref<1x2000xi32, #tpu.memory_space<vmem>>
    %dma_start3A_104 = tpu.memref_squeeze %dma_start3A_103 : memref<1x2000xi32, #tpu.memory_space<vmem>> -> memref<2000xi32, #tpu.memory_space<vmem>>
    %dma_start3A_105 = tpu.memref_slice %arg2[%dma_start3A_99, %add3A_98] : memref<2x320000xi32, #tpu.memory_space<hbm>> -> memref<1x2000xi32, #tpu.memory_space<hbm>>
    %dma_start3A_106 = tpu.memref_squeeze %dma_start3A_105 : memref<1x2000xi32, #tpu.memory_space<hbm>> -> memref<2000xi32, #tpu.memory_space<hbm>>
    %dma_start3A_107 = tpu.memref_slice %arg9[%dma_start3A_101] : memref<3x!tpu.dma_semaphore, #tpu.memory_space<semaphore_mem>> -> memref<1x!tpu.dma_semaphore, #tpu.memory_space<semaphore_mem>>
    %dma_start3A_108 = tpu.memref_squeeze %dma_start3A_107 : memref<1x!tpu.dma_semaphore, #tpu.memory_space<semaphore_mem>> -> memref<!tpu.dma_semaphore, #tpu.memory_space<semaphore_mem>>
    %dma_start3A_109 = arith.constant 0 : i32
    %dma_start3A_110 = tpu.memref_slice %arg6[%dma_start3A_100, %dma_start3A_109] : memref<5x2000xi32, #tpu.memory_space<vmem>> -> memref<1x2000xi32, #tpu.memory_space<vmem>>
    %dma_start3A_111 = tpu.memref_squeeze %dma_start3A_110 : memref<1x2000xi32, #tpu.memory_space<vmem>> -> memref<2000xi32, #tpu.memory_space<vmem>>
    %dma_start3A_112 = tpu.memref_slice %arg2[%dma_start3A_99, %add3A_98] : memref<2x320000xi32, #tpu.memory_space<hbm>> -> memref<1x2000xi32, #tpu.memory_space<hbm>>
    %dma_start3A_113 = tpu.memref_squeeze %dma_start3A_112 : memref<1x2000xi32, #tpu.memory_space<hbm>> -> memref<2000xi32, #tpu.memory_space<hbm>>
    tpu.enqueue_dma source(%dma_start3A_113 : memref<2000xi32, #tpu.memory_space<hbm>>) target(%dma_start3A_111 : memref<2000xi32, #tpu.memory_space<vmem>>) target_semaphore(%dma_start3A_108 : memref<!tpu.dma_semaphore, #tpu.memory_space<semaphore_mem>>)
    %dma_start3A_114 = arith.constant 2 : i32
    %dma_start3A_115 = tpu.memref_slice %arg9[%dma_start3A_114] : memref<3x!tpu.dma_semaphore, #tpu.memory_space<semaphore_mem>> -> memref<1x!tpu.dma_semaphore, #tpu.memory_space<semaphore_mem>>
    %dma_start3A_116 = tpu.memref_squeeze %dma_start3A_115 : memref<1x!tpu.dma_semaphore, #tpu.memory_space<semaphore_mem>> -> memref<!tpu.dma_semaphore, #tpu.memory_space<semaphore_mem>>
    tpu.enqueue_dma source(%arg3 : memref<2000xf32, #tpu.memory_space<hbm>>) target(%arg7 : memref<2000xf32, #tpu.memory_space<vmem>>) target_semaphore(%dma_start3A_116 : memref<!tpu.dma_semaphore, #tpu.memory_space<semaphore_mem>>)
    %dma_wait3A = arith.constant 0 : i32
    %dma_wait3A_117 = tpu.memref_slice %arg9[%dma_wait3A] : memref<3x!tpu.dma_semaphore, #tpu.memory_space<semaphore_mem>> -> memref<1x!tpu.dma_semaphore, #tpu.memory_space<semaphore_mem>>
    %dma_wait3A_118 = tpu.memref_squeeze %dma_wait3A_117 : memref<1x!tpu.dma_semaphore, #tpu.memory_space<semaphore_mem>> -> memref<!tpu.dma_semaphore, #tpu.memory_space<semaphore_mem>>
    %dma_wait3A_119 = tpu.memref_slice %arg8[%mul3A_4] : memref<10240xf32, #tpu.memory_space<vmem_shared>> -> memref<640xf32, #tpu.memory_space<vmem_shared>>
    %dma_wait3A_120 = tpu.memref_slice %arg4[%mul3A_2] : memref<10240xf32, #tpu.memory_space<hbm>> -> memref<640xf32, #tpu.memory_space<hbm>>
    tpu.wait_dma2 semaphore(%dma_wait3A_118 : memref<!tpu.dma_semaphore, #tpu.memory_space<semaphore_mem>>) src(%dma_wait3A_120 : memref<640xf32, #tpu.memory_space<hbm>>) dst(%dma_wait3A_119 : memref<640xf32, #tpu.memory_space<vmem_shared>>)
    %dma_wait3A_121 = arith.constant 1 : i32
    %dma_wait3A_122 = arith.constant 0 : i32
    %dma_wait3A_123 = arith.constant 1 : i32
    %dma_wait3A_124 = arith.constant 0 : i32
    %dma_wait3A_125 = tpu.memref_slice %arg6[%dma_wait3A_122, %dma_wait3A_124] : memref<5x2000xi32, #tpu.memory_space<vmem>> -> memref<1x2000xi32, #tpu.memory_space<vmem>>
    %dma_wait3A_126 = tpu.memref_squeeze %dma_wait3A_125 : memref<1x2000xi32, #tpu.memory_space<vmem>> -> memref<2000xi32, #tpu.memory_space<vmem>>
    %dma_wait3A_127 = tpu.memref_slice %arg2[%dma_wait3A_121, %add3A_14] : memref<2x320000xi32, #tpu.memory_space<hbm>> -> memref<1x2000xi32, #tpu.memory_space<hbm>>
    %dma_wait3A_128 = tpu.memref_squeeze %dma_wait3A_127 : memref<1x2000xi32, #tpu.memory_space<hbm>> -> memref<2000xi32, #tpu.memory_space<hbm>>
    %dma_wait3A_129 = tpu.memref_slice %arg9[%dma_wait3A_123] : memref<3x!tpu.dma_semaphore, #tpu.memory_space<semaphore_mem>> -> memref<1x!tpu.dma_semaphore, #tpu.memory_space<semaphore_mem>>
    %dma_wait3A_130 = tpu.memref_squeeze %dma_wait3A_129 : memref<1x!tpu.dma_semaphore, #tpu.memory_space<semaphore_mem>> -> memref<!tpu.dma_semaphore, #tpu.memory_space<semaphore_mem>>
    %dma_wait3A_131 = arith.constant 0 : i32
    %dma_wait3A_132 = tpu.memref_slice %arg6[%dma_wait3A_122, %dma_wait3A_131] : memref<5x2000xi32, #tpu.memory_space<vmem>> -> memref<1x2000xi32, #tpu.memory_space<vmem>>
    %dma_wait3A_133 = tpu.memref_squeeze %dma_wait3A_132 : memref<1x2000xi32, #tpu.memory_space<vmem>> -> memref<2000xi32, #tpu.memory_space<vmem>>
    %dma_wait3A_134 = tpu.memref_slice %arg2[%dma_wait3A_121, %add3A_14] : memref<2x320000xi32, #tpu.memory_space<hbm>> -> memref<1x2000xi32, #tpu.memory_space<hbm>>
    %dma_wait3A_135 = tpu.memref_squeeze %dma_wait3A_134 : memref<1x2000xi32, #tpu.memory_space<hbm>> -> memref<2000xi32, #tpu.memory_space<hbm>>
    tpu.wait_dma2 semaphore(%dma_wait3A_130 : memref<!tpu.dma_semaphore, #tpu.memory_space<semaphore_mem>>) src(%dma_wait3A_135 : memref<2000xi32, #tpu.memory_space<hbm>>) dst(%dma_wait3A_133 : memref<2000xi32, #tpu.memory_space<vmem>>)
    %dma_wait3A_136 = arith.constant 1 : i32
    %dma_wait3A_137 = arith.constant 1 : i32
    %dma_wait3A_138 = arith.constant 1 : i32
    %dma_wait3A_139 = arith.constant 0 : i32
    %dma_wait3A_140 = tpu.memref_slice %arg6[%dma_wait3A_137, %dma_wait3A_139] : memref<5x2000xi32, #tpu.memory_space<vmem>> -> memref<1x2000xi32, #tpu.memory_space<vmem>>
    %dma_wait3A_141 = tpu.memref_squeeze %dma_wait3A_140 : memref<1x2000xi32, #tpu.memory_space<vmem>> -> memref<2000xi32, #tpu.memory_space<vmem>>
    %dma_wait3A_142 = tpu.memref_slice %arg2[%dma_wait3A_136, %add3A_35] : memref<2x320000xi32, #tpu.memory_space<hbm>> -> memref<1x2000xi32, #tpu.memory_space<hbm>>
    %dma_wait3A_143 = tpu.memref_squeeze %dma_wait3A_142 : memref<1x2000xi32, #tpu.memory_space<hbm>> -> memref<2000xi32, #tpu.memory_space<hbm>>
    %dma_wait3A_144 = tpu.memref_slice %arg9[%dma_wait3A_138] : memref<3x!tpu.dma_semaphore, #tpu.memory_space<semaphore_mem>> -> memref<1x!tpu.dma_semaphore, #tpu.memory_space<semaphore_mem>>
    %dma_wait3A_145 = tpu.memref_squeeze %dma_wait3A_144 : memref<1x!tpu.dma_semaphore, #tpu.memory_space<semaphore_mem>> -> memref<!tpu.dma_semaphore, #tpu.memory_space<semaphore_mem>>
    %dma_wait3A_146 = arith.constant 0 : i32
    %dma_wait3A_147 = tpu.memref_slice %arg6[%dma_wait3A_137, %dma_wait3A_146] : memref<5x2000xi32, #tpu.memory_space<vmem>> -> memref<1x2000xi32, #tpu.memory_space<vmem>>
    %dma_wait3A_148 = tpu.memref_squeeze %dma_wait3A_147 : memref<1x2000xi32, #tpu.memory_space<vmem>> -> memref<2000xi32, #tpu.memory_space<vmem>>
    %dma_wait3A_149 = tpu.memref_slice %arg2[%dma_wait3A_136, %add3A_35] : memref<2x320000xi32, #tpu.memory_space<hbm>> -> memref<1x2000xi32, #tpu.memory_space<hbm>>
    %dma_wait3A_150 = tpu.memref_squeeze %dma_wait3A_149 : memref<1x2000xi32, #tpu.memory_space<hbm>> -> memref<2000xi32, #tpu.memory_space<hbm>>
    tpu.wait_dma2 semaphore(%dma_wait3A_145 : memref<!tpu.dma_semaphore, #tpu.memory_space<semaphore_mem>>) src(%dma_wait3A_150 : memref<2000xi32, #tpu.memory_space<hbm>>) dst(%dma_wait3A_148 : memref<2000xi32, #tpu.memory_space<vmem>>)
    %dma_wait3A_151 = arith.constant 1 : i32
    %dma_wait3A_152 = arith.constant 2 : i32
    %dma_wait3A_153 = arith.constant 1 : i32
    %dma_wait3A_154 = arith.constant 0 : i32
    %dma_wait3A_155 = tpu.memref_slice %arg6[%dma_wait3A_152, %dma_wait3A_154] : memref<5x2000xi32, #tpu.memory_space<vmem>> -> memref<1x2000xi32, #tpu.memory_space<vmem>>
    %dma_wait3A_156 = tpu.memref_squeeze %dma_wait3A_155 : memref<1x2000xi32, #tpu.memory_space<vmem>> -> memref<2000xi32, #tpu.memory_space<vmem>>
    %dma_wait3A_157 = tpu.memref_slice %arg2[%dma_wait3A_151, %add3A_56] : memref<2x320000xi32, #tpu.memory_space<hbm>> -> memref<1x2000xi32, #tpu.memory_space<hbm>>
    %dma_wait3A_158 = tpu.memref_squeeze %dma_wait3A_157 : memref<1x2000xi32, #tpu.memory_space<hbm>> -> memref<2000xi32, #tpu.memory_space<hbm>>
    %dma_wait3A_159 = tpu.memref_slice %arg9[%dma_wait3A_153] : memref<3x!tpu.dma_semaphore, #tpu.memory_space<semaphore_mem>> -> memref<1x!tpu.dma_semaphore, #tpu.memory_space<semaphore_mem>>
    %dma_wait3A_160 = tpu.memref_squeeze %dma_wait3A_159 : memref<1x!tpu.dma_semaphore, #tpu.memory_space<semaphore_mem>> -> memref<!tpu.dma_semaphore, #tpu.memory_space<semaphore_mem>>
    %dma_wait3A_161 = arith.constant 0 : i32
    %dma_wait3A_162 = tpu.memref_slice %arg6[%dma_wait3A_152, %dma_wait3A_161] : memref<5x2000xi32, #tpu.memory_space<vmem>> -> memref<1x2000xi32, #tpu.memory_space<vmem>>
    %dma_wait3A_163 = tpu.memref_squeeze %dma_wait3A_162 : memref<1x2000xi32, #tpu.memory_space<vmem>> -> memref<2000xi32, #tpu.memory_space<vmem>>
    %dma_wait3A_164 = tpu.memref_slice %arg2[%dma_wait3A_151, %add3A_56] : memref<2x320000xi32, #tpu.memory_space<hbm>> -> memref<1x2000xi32, #tpu.memory_space<hbm>>
    %dma_wait3A_165 = tpu.memref_squeeze %dma_wait3A_164 : memref<1x2000xi32, #tpu.memory_space<hbm>> -> memref<2000xi32, #tpu.memory_space<hbm>>
    tpu.wait_dma2 semaphore(%dma_wait3A_160 : memref<!tpu.dma_semaphore, #tpu.memory_space<semaphore_mem>>) src(%dma_wait3A_165 : memref<2000xi32, #tpu.memory_space<hbm>>) dst(%dma_wait3A_163 : memref<2000xi32, #tpu.memory_space<vmem>>)
    %dma_wait3A_166 = arith.constant 1 : i32
    %dma_wait3A_167 = arith.constant 3 : i32
    %dma_wait3A_168 = arith.constant 1 : i32
    %dma_wait3A_169 = arith.constant 0 : i32
    %dma_wait3A_170 = tpu.memref_slice %arg6[%dma_wait3A_167, %dma_wait3A_169] : memref<5x2000xi32, #tpu.memory_space<vmem>> -> memref<1x2000xi32, #tpu.memory_space<vmem>>
    %dma_wait3A_171 = tpu.memref_squeeze %dma_wait3A_170 : memref<1x2000xi32, #tpu.memory_space<vmem>> -> memref<2000xi32, #tpu.memory_space<vmem>>
    %dma_wait3A_172 = tpu.memref_slice %arg2[%dma_wait3A_166, %add3A_77] : memref<2x320000xi32, #tpu.memory_space<hbm>> -> memref<1x2000xi32, #tpu.memory_space<hbm>>
    %dma_wait3A_173 = tpu.memref_squeeze %dma_wait3A_172 : memref<1x2000xi32, #tpu.memory_space<hbm>> -> memref<2000xi32, #tpu.memory_space<hbm>>
    %dma_wait3A_174 = tpu.memref_slice %arg9[%dma_wait3A_168] : memref<3x!tpu.dma_semaphore, #tpu.memory_space<semaphore_mem>> -> memref<1x!tpu.dma_semaphore, #tpu.memory_space<semaphore_mem>>
    %dma_wait3A_175 = tpu.memref_squeeze %dma_wait3A_174 : memref<1x!tpu.dma_semaphore, #tpu.memory_space<semaphore_mem>> -> memref<!tpu.dma_semaphore, #tpu.memory_space<semaphore_mem>>
    %dma_wait3A_176 = arith.constant 0 : i32
    %dma_wait3A_177 = tpu.memref_slice %arg6[%dma_wait3A_167, %dma_wait3A_176] : memref<5x2000xi32, #tpu.memory_space<vmem>> -> memref<1x2000xi32, #tpu.memory_space<vmem>>
    %dma_wait3A_178 = tpu.memref_squeeze %dma_wait3A_177 : memref<1x2000xi32, #tpu.memory_space<vmem>> -> memref<2000xi32, #tpu.memory_space<vmem>>
    %dma_wait3A_179 = tpu.memref_slice %arg2[%dma_wait3A_166, %add3A_77] : memref<2x320000xi32, #tpu.memory_space<hbm>> -> memref<1x2000xi32, #tpu.memory_space<hbm>>
    %dma_wait3A_180 = tpu.memref_squeeze %dma_wait3A_179 : memref<1x2000xi32, #tpu.memory_space<hbm>> -> memref<2000xi32, #tpu.memory_space<hbm>>
    tpu.wait_dma2 semaphore(%dma_wait3A_175 : memref<!tpu.dma_semaphore, #tpu.memory_space<semaphore_mem>>) src(%dma_wait3A_180 : memref<2000xi32, #tpu.memory_space<hbm>>) dst(%dma_wait3A_178 : memref<2000xi32, #tpu.memory_space<vmem>>)
    %dma_wait3A_181 = arith.constant 1 : i32
    %dma_wait3A_182 = arith.constant 4 : i32
    %dma_wait3A_183 = arith.constant 1 : i32
    %dma_wait3A_184 = arith.constant 0 : i32
    %dma_wait3A_185 = tpu.memref_slice %arg6[%dma_wait3A_182, %dma_wait3A_184] : memref<5x2000xi32, #tpu.memory_space<vmem>> -> memref<1x2000xi32, #tpu.memory_space<vmem>>
    %dma_wait3A_186 = tpu.memref_squeeze %dma_wait3A_185 : memref<1x2000xi32, #tpu.memory_space<vmem>> -> memref<2000xi32, #tpu.memory_space<vmem>>
    %dma_wait3A_187 = tpu.memref_slice %arg2[%dma_wait3A_181, %add3A_98] : memref<2x320000xi32, #tpu.memory_space<hbm>> -> memref<1x2000xi32, #tpu.memory_space<hbm>>
    %dma_wait3A_188 = tpu.memref_squeeze %dma_wait3A_187 : memref<1x2000xi32, #tpu.memory_space<hbm>> -> memref<2000xi32, #tpu.memory_space<hbm>>
    %dma_wait3A_189 = tpu.memref_slice %arg9[%dma_wait3A_183] : memref<3x!tpu.dma_semaphore, #tpu.memory_space<semaphore_mem>> -> memref<1x!tpu.dma_semaphore, #tpu.memory_space<semaphore_mem>>
    %dma_wait3A_190 = tpu.memref_squeeze %dma_wait3A_189 : memref<1x!tpu.dma_semaphore, #tpu.memory_space<semaphore_mem>> -> memref<!tpu.dma_semaphore, #tpu.memory_space<semaphore_mem>>
    %dma_wait3A_191 = arith.constant 0 : i32
    %dma_wait3A_192 = tpu.memref_slice %arg6[%dma_wait3A_182, %dma_wait3A_191] : memref<5x2000xi32, #tpu.memory_space<vmem>> -> memref<1x2000xi32, #tpu.memory_space<vmem>>
    %dma_wait3A_193 = tpu.memref_squeeze %dma_wait3A_192 : memref<1x2000xi32, #tpu.memory_space<vmem>> -> memref<2000xi32, #tpu.memory_space<vmem>>
    %dma_wait3A_194 = tpu.memref_slice %arg2[%dma_wait3A_181, %add3A_98] : memref<2x320000xi32, #tpu.memory_space<hbm>> -> memref<1x2000xi32, #tpu.memory_space<hbm>>
    %dma_wait3A_195 = tpu.memref_squeeze %dma_wait3A_194 : memref<1x2000xi32, #tpu.memory_space<hbm>> -> memref<2000xi32, #tpu.memory_space<hbm>>
    tpu.wait_dma2 semaphore(%dma_wait3A_190 : memref<!tpu.dma_semaphore, #tpu.memory_space<semaphore_mem>>) src(%dma_wait3A_195 : memref<2000xi32, #tpu.memory_space<hbm>>) dst(%dma_wait3A_193 : memref<2000xi32, #tpu.memory_space<vmem>>)
    %dma_wait3A_196 = arith.constant 2 : i32
    %dma_wait3A_197 = tpu.memref_slice %arg9[%dma_wait3A_196] : memref<3x!tpu.dma_semaphore, #tpu.memory_space<semaphore_mem>> -> memref<1x!tpu.dma_semaphore, #tpu.memory_space<semaphore_mem>>
    %dma_wait3A_198 = tpu.memref_squeeze %dma_wait3A_197 : memref<1x!tpu.dma_semaphore, #tpu.memory_space<semaphore_mem>> -> memref<!tpu.dma_semaphore, #tpu.memory_space<semaphore_mem>>
    tpu.wait_dma2 semaphore(%dma_wait3A_198 : memref<!tpu.dma_semaphore, #tpu.memory_space<semaphore_mem>>) src(%arg3 : memref<2000xf32, #tpu.memory_space<hbm>>) dst(%arg7 : memref<2000xf32, #tpu.memory_space<vmem>>)
    %barrier3A = arith.constant 0 : index
    tpu.barrier barrier_id(%barrier3A)
    %dma_start3A_199 = arith.constant 0 : i32
    %dma_start3A_200 = arith.constant 0 : i32
    %dma_start3A_201 = arith.constant 0 : i32
    %dma_start3A_202 = tpu.memref_slice %arg6[%dma_start3A_199, %dma_start3A_201] : memref<5x2000xi32, #tpu.memory_space<vmem>> -> memref<1x2000xi32, #tpu.memory_space<vmem>>
    %dma_start3A_203 = tpu.memref_squeeze %dma_start3A_202 : memref<1x2000xi32, #tpu.memory_space<vmem>> -> memref<2000xi32, #tpu.memory_space<vmem>>
    %dma_start3A_204 = arith.constant 0 : i32
    %dma_start3A_205 = tpu.memref_slice %arg8[%dma_start3A_204] : memref<10240xf32, #tpu.memory_space<vmem_shared>> -> memref<10240xf32, #tpu.memory_space<vmem_shared>>
    %dma_start3A_206 = tpu.memref_slice %arg10[%dma_start3A_200] : memref<5x!tpu.dma_semaphore, #tpu.memory_space<semaphore_mem>> -> memref<1x!tpu.dma_semaphore, #tpu.memory_space<semaphore_mem>>
    %dma_start3A_207 = tpu.memref_squeeze %dma_start3A_206 : memref<1x!tpu.dma_semaphore, #tpu.memory_space<semaphore_mem>> -> memref<!tpu.dma_semaphore, #tpu.memory_space<semaphore_mem>>
    tpu.enqueue_indirect_dma source(%arg7 : memref<2000xf32, #tpu.memory_space<vmem>>) target(%dma_start3A_205 : memref<10240xf32, #tpu.memory_space<vmem_shared>>) offsets(%dma_start3A_203 : memref<2000xi32, #tpu.memory_space<vmem>>) semaphore(%dma_start3A_207 : memref<!tpu.dma_semaphore, #tpu.memory_space<semaphore_mem>>) {add = true}
    %dma_start3A_208 = arith.constant 1 : i32
    %dma_start3A_209 = arith.constant 1 : i32
    %dma_start3A_210 = arith.constant 0 : i32
    %dma_start3A_211 = tpu.memref_slice %arg6[%dma_start3A_208, %dma_start3A_210] : memref<5x2000xi32, #tpu.memory_space<vmem>> -> memref<1x2000xi32, #tpu.memory_space<vmem>>
    %dma_start3A_212 = tpu.memref_squeeze %dma_start3A_211 : memref<1x2000xi32, #tpu.memory_space<vmem>> -> memref<2000xi32, #tpu.memory_space<vmem>>
    %dma_start3A_213 = arith.constant 0 : i32
    %dma_start3A_214 = tpu.memref_slice %arg8[%dma_start3A_213] : memref<10240xf32, #tpu.memory_space<vmem_shared>> -> memref<10240xf32, #tpu.memory_space<vmem_shared>>
    %dma_start3A_215 = tpu.memref_slice %arg10[%dma_start3A_209] : memref<5x!tpu.dma_semaphore, #tpu.memory_space<semaphore_mem>> -> memref<1x!tpu.dma_semaphore, #tpu.memory_space<semaphore_mem>>
    %dma_start3A_216 = tpu.memref_squeeze %dma_start3A_215 : memref<1x!tpu.dma_semaphore, #tpu.memory_space<semaphore_mem>> -> memref<!tpu.dma_semaphore, #tpu.memory_space<semaphore_mem>>
    tpu.enqueue_indirect_dma source(%arg7 : memref<2000xf32, #tpu.memory_space<vmem>>) target(%dma_start3A_214 : memref<10240xf32, #tpu.memory_space<vmem_shared>>) offsets(%dma_start3A_212 : memref<2000xi32, #tpu.memory_space<vmem>>) semaphore(%dma_start3A_216 : memref<!tpu.dma_semaphore, #tpu.memory_space<semaphore_mem>>) {add = true}
    %dma_start3A_217 = arith.constant 2 : i32
    %dma_start3A_218 = arith.constant 2 : i32
    %dma_start3A_219 = arith.constant 0 : i32
    %dma_start3A_220 = tpu.memref_slice %arg6[%dma_start3A_217, %dma_start3A_219] : memref<5x2000xi32, #tpu.memory_space<vmem>> -> memref<1x2000xi32, #tpu.memory_space<vmem>>
    %dma_start3A_221 = tpu.memref_squeeze %dma_start3A_220 : memref<1x2000xi32, #tpu.memory_space<vmem>> -> memref<2000xi32, #tpu.memory_space<vmem>>
    %dma_start3A_222 = arith.constant 0 : i32
    %dma_start3A_223 = tpu.memref_slice %arg8[%dma_start3A_222] : memref<10240xf32, #tpu.memory_space<vmem_shared>> -> memref<10240xf32, #tpu.memory_space<vmem_shared>>
    %dma_start3A_224 = tpu.memref_slice %arg10[%dma_start3A_218] : memref<5x!tpu.dma_semaphore, #tpu.memory_space<semaphore_mem>> -> memref<1x!tpu.dma_semaphore, #tpu.memory_space<semaphore_mem>>
    %dma_start3A_225 = tpu.memref_squeeze %dma_start3A_224 : memref<1x!tpu.dma_semaphore, #tpu.memory_space<semaphore_mem>> -> memref<!tpu.dma_semaphore, #tpu.memory_space<semaphore_mem>>
    tpu.enqueue_indirect_dma source(%arg7 : memref<2000xf32, #tpu.memory_space<vmem>>) target(%dma_start3A_223 : memref<10240xf32, #tpu.memory_space<vmem_shared>>) offsets(%dma_start3A_221 : memref<2000xi32, #tpu.memory_space<vmem>>) semaphore(%dma_start3A_225 : memref<!tpu.dma_semaphore, #tpu.memory_space<semaphore_mem>>) {add = true}
    %dma_start3A_226 = arith.constant 3 : i32
    %dma_start3A_227 = arith.constant 3 : i32
    %dma_start3A_228 = arith.constant 0 : i32
    %dma_start3A_229 = tpu.memref_slice %arg6[%dma_start3A_226, %dma_start3A_228] : memref<5x2000xi32, #tpu.memory_space<vmem>> -> memref<1x2000xi32, #tpu.memory_space<vmem>>
    %dma_start3A_230 = tpu.memref_squeeze %dma_start3A_229 : memref<1x2000xi32, #tpu.memory_space<vmem>> -> memref<2000xi32, #tpu.memory_space<vmem>>
    %dma_start3A_231 = arith.constant 0 : i32
    %dma_start3A_232 = tpu.memref_slice %arg8[%dma_start3A_231] : memref<10240xf32, #tpu.memory_space<vmem_shared>> -> memref<10240xf32, #tpu.memory_space<vmem_shared>>
    %dma_start3A_233 = tpu.memref_slice %arg10[%dma_start3A_227] : memref<5x!tpu.dma_semaphore, #tpu.memory_space<semaphore_mem>> -> memref<1x!tpu.dma_semaphore, #tpu.memory_space<semaphore_mem>>
    %dma_start3A_234 = tpu.memref_squeeze %dma_start3A_233 : memref<1x!tpu.dma_semaphore, #tpu.memory_space<semaphore_mem>> -> memref<!tpu.dma_semaphore, #tpu.memory_space<semaphore_mem>>
    tpu.enqueue_indirect_dma source(%arg7 : memref<2000xf32, #tpu.memory_space<vmem>>) target(%dma_start3A_232 : memref<10240xf32, #tpu.memory_space<vmem_shared>>) offsets(%dma_start3A_230 : memref<2000xi32, #tpu.memory_space<vmem>>) semaphore(%dma_start3A_234 : memref<!tpu.dma_semaphore, #tpu.memory_space<semaphore_mem>>) {add = true}
    %dma_start3A_235 = arith.constant 4 : i32
    %dma_start3A_236 = arith.constant 4 : i32
    %dma_start3A_237 = arith.constant 0 : i32
    %dma_start3A_238 = tpu.memref_slice %arg6[%dma_start3A_235, %dma_start3A_237] : memref<5x2000xi32, #tpu.memory_space<vmem>> -> memref<1x2000xi32, #tpu.memory_space<vmem>>
    %dma_start3A_239 = tpu.memref_squeeze %dma_start3A_238 : memref<1x2000xi32, #tpu.memory_space<vmem>> -> memref<2000xi32, #tpu.memory_space<vmem>>
    %dma_start3A_240 = arith.constant 0 : i32
    %dma_start3A_241 = tpu.memref_slice %arg8[%dma_start3A_240] : memref<10240xf32, #tpu.memory_space<vmem_shared>> -> memref<10240xf32, #tpu.memory_space<vmem_shared>>
    %dma_start3A_242 = tpu.memref_slice %arg10[%dma_start3A_236] : memref<5x!tpu.dma_semaphore, #tpu.memory_space<semaphore_mem>> -> memref<1x!tpu.dma_semaphore, #tpu.memory_space<semaphore_mem>>
    %dma_start3A_243 = tpu.memref_squeeze %dma_start3A_242 : memref<1x!tpu.dma_semaphore, #tpu.memory_space<semaphore_mem>> -> memref<!tpu.dma_semaphore, #tpu.memory_space<semaphore_mem>>
    tpu.enqueue_indirect_dma source(%arg7 : memref<2000xf32, #tpu.memory_space<vmem>>) target(%dma_start3A_241 : memref<10240xf32, #tpu.memory_space<vmem_shared>>) offsets(%dma_start3A_239 : memref<2000xi32, #tpu.memory_space<vmem>>) semaphore(%dma_start3A_243 : memref<!tpu.dma_semaphore, #tpu.memory_space<semaphore_mem>>) {add = true}
    %dma_wait3A_244 = arith.constant 0 : i32
    %dma_wait3A_245 = arith.constant 0 : i32
    %dma_wait3A_246 = arith.constant 0 : i32
    %dma_wait3A_247 = tpu.memref_slice %arg6[%dma_wait3A_244, %dma_wait3A_246] : memref<5x2000xi32, #tpu.memory_space<vmem>> -> memref<1x2000xi32, #tpu.memory_space<vmem>>
    %dma_wait3A_248 = tpu.memref_squeeze %dma_wait3A_247 : memref<1x2000xi32, #tpu.memory_space<vmem>> -> memref<2000xi32, #tpu.memory_space<vmem>>
    %dma_wait3A_249 = arith.constant 0 : i32
    %dma_wait3A_250 = tpu.memref_slice %arg8[%dma_wait3A_249] : memref<10240xf32, #tpu.memory_space<vmem_shared>> -> memref<10240xf32, #tpu.memory_space<vmem_shared>>
    %dma_wait3A_251 = tpu.memref_slice %arg10[%dma_wait3A_245] : memref<5x!tpu.dma_semaphore, #tpu.memory_space<semaphore_mem>> -> memref<1x!tpu.dma_semaphore, #tpu.memory_space<semaphore_mem>>
    %dma_wait3A_252 = tpu.memref_squeeze %dma_wait3A_251 : memref<1x!tpu.dma_semaphore, #tpu.memory_space<semaphore_mem>> -> memref<!tpu.dma_semaphore, #tpu.memory_space<semaphore_mem>>
    tpu.wait_indirect_dma semaphore(%dma_wait3A_252 : memref<!tpu.dma_semaphore, #tpu.memory_space<semaphore_mem>>) src(%arg7 : memref<2000xf32, #tpu.memory_space<vmem>>) dst(%dma_wait3A_250 : memref<10240xf32, #tpu.memory_space<vmem_shared>>)
    %dma_wait3A_253 = arith.constant 1 : i32
    %dma_wait3A_254 = arith.constant 1 : i32
    %dma_wait3A_255 = arith.constant 0 : i32
    %dma_wait3A_256 = tpu.memref_slice %arg6[%dma_wait3A_253, %dma_wait3A_255] : memref<5x2000xi32, #tpu.memory_space<vmem>> -> memref<1x2000xi32, #tpu.memory_space<vmem>>
    %dma_wait3A_257 = tpu.memref_squeeze %dma_wait3A_256 : memref<1x2000xi32, #tpu.memory_space<vmem>> -> memref<2000xi32, #tpu.memory_space<vmem>>
    %dma_wait3A_258 = arith.constant 0 : i32
    %dma_wait3A_259 = tpu.memref_slice %arg8[%dma_wait3A_258] : memref<10240xf32, #tpu.memory_space<vmem_shared>> -> memref<10240xf32, #tpu.memory_space<vmem_shared>>
    %dma_wait3A_260 = tpu.memref_slice %arg10[%dma_wait3A_254] : memref<5x!tpu.dma_semaphore, #tpu.memory_space<semaphore_mem>> -> memref<1x!tpu.dma_semaphore, #tpu.memory_space<semaphore_mem>>
    %dma_wait3A_261 = tpu.memref_squeeze %dma_wait3A_260 : memref<1x!tpu.dma_semaphore, #tpu.memory_space<semaphore_mem>> -> memref<!tpu.dma_semaphore, #tpu.memory_space<semaphore_mem>>
    tpu.wait_indirect_dma semaphore(%dma_wait3A_261 : memref<!tpu.dma_semaphore, #tpu.memory_space<semaphore_mem>>) src(%arg7 : memref<2000xf32, #tpu.memory_space<vmem>>) dst(%dma_wait3A_259 : memref<10240xf32, #tpu.memory_space<vmem_shared>>)
    %dma_wait3A_262 = arith.constant 2 : i32
    %dma_wait3A_263 = arith.constant 2 : i32
    %dma_wait3A_264 = arith.constant 0 : i32
    %dma_wait3A_265 = tpu.memref_slice %arg6[%dma_wait3A_262, %dma_wait3A_264] : memref<5x2000xi32, #tpu.memory_space<vmem>> -> memref<1x2000xi32, #tpu.memory_space<vmem>>
    %dma_wait3A_266 = tpu.memref_squeeze %dma_wait3A_265 : memref<1x2000xi32, #tpu.memory_space<vmem>> -> memref<2000xi32, #tpu.memory_space<vmem>>
    %dma_wait3A_267 = arith.constant 0 : i32
    %dma_wait3A_268 = tpu.memref_slice %arg8[%dma_wait3A_267] : memref<10240xf32, #tpu.memory_space<vmem_shared>> -> memref<10240xf32, #tpu.memory_space<vmem_shared>>
    %dma_wait3A_269 = tpu.memref_slice %arg10[%dma_wait3A_263] : memref<5x!tpu.dma_semaphore, #tpu.memory_space<semaphore_mem>> -> memref<1x!tpu.dma_semaphore, #tpu.memory_space<semaphore_mem>>
    %dma_wait3A_270 = tpu.memref_squeeze %dma_wait3A_269 : memref<1x!tpu.dma_semaphore, #tpu.memory_space<semaphore_mem>> -> memref<!tpu.dma_semaphore, #tpu.memory_space<semaphore_mem>>
    tpu.wait_indirect_dma semaphore(%dma_wait3A_270 : memref<!tpu.dma_semaphore, #tpu.memory_space<semaphore_mem>>) src(%arg7 : memref<2000xf32, #tpu.memory_space<vmem>>) dst(%dma_wait3A_268 : memref<10240xf32, #tpu.memory_space<vmem_shared>>)
    %dma_wait3A_271 = arith.constant 3 : i32
    %dma_wait3A_272 = arith.constant 3 : i32
    %dma_wait3A_273 = arith.constant 0 : i32
    %dma_wait3A_274 = tpu.memref_slice %arg6[%dma_wait3A_271, %dma_wait3A_273] : memref<5x2000xi32, #tpu.memory_space<vmem>> -> memref<1x2000xi32, #tpu.memory_space<vmem>>
    %dma_wait3A_275 = tpu.memref_squeeze %dma_wait3A_274 : memref<1x2000xi32, #tpu.memory_space<vmem>> -> memref<2000xi32, #tpu.memory_space<vmem>>
    %dma_wait3A_276 = arith.constant 0 : i32
    %dma_wait3A_277 = tpu.memref_slice %arg8[%dma_wait3A_276] : memref<10240xf32, #tpu.memory_space<vmem_shared>> -> memref<10240xf32, #tpu.memory_space<vmem_shared>>
    %dma_wait3A_278 = tpu.memref_slice %arg10[%dma_wait3A_272] : memref<5x!tpu.dma_semaphore, #tpu.memory_space<semaphore_mem>> -> memref<1x!tpu.dma_semaphore, #tpu.memory_space<semaphore_mem>>
    %dma_wait3A_279 = tpu.memref_squeeze %dma_wait3A_278 : memref<1x!tpu.dma_semaphore, #tpu.memory_space<semaphore_mem>> -> memref<!tpu.dma_semaphore, #tpu.memory_space<semaphore_mem>>
    tpu.wait_indirect_dma semaphore(%dma_wait3A_279 : memref<!tpu.dma_semaphore, #tpu.memory_space<semaphore_mem>>) src(%arg7 : memref<2000xf32, #tpu.memory_space<vmem>>) dst(%dma_wait3A_277 : memref<10240xf32, #tpu.memory_space<vmem_shared>>)
    %dma_wait3A_280 = arith.constant 4 : i32
    %dma_wait3A_281 = arith.constant 4 : i32
    %dma_wait3A_282 = arith.constant 0 : i32
    %dma_wait3A_283 = tpu.memref_slice %arg6[%dma_wait3A_280, %dma_wait3A_282] : memref<5x2000xi32, #tpu.memory_space<vmem>> -> memref<1x2000xi32, #tpu.memory_space<vmem>>
    %dma_wait3A_284 = tpu.memref_squeeze %dma_wait3A_283 : memref<1x2000xi32, #tpu.memory_space<vmem>> -> memref<2000xi32, #tpu.memory_space<vmem>>
    %dma_wait3A_285 = arith.constant 0 : i32
    %dma_wait3A_286 = tpu.memref_slice %arg8[%dma_wait3A_285] : memref<10240xf32, #tpu.memory_space<vmem_shared>> -> memref<10240xf32, #tpu.memory_space<vmem_shared>>
    %dma_wait3A_287 = tpu.memref_slice %arg10[%dma_wait3A_281] : memref<5x!tpu.dma_semaphore, #tpu.memory_space<semaphore_mem>> -> memref<1x!tpu.dma_semaphore, #tpu.memory_space<semaphore_mem>>
    %dma_wait3A_288 = tpu.memref_squeeze %dma_wait3A_287 : memref<1x!tpu.dma_semaphore, #tpu.memory_space<semaphore_mem>> -> memref<!tpu.dma_semaphore, #tpu.memory_space<semaphore_mem>>
    tpu.wait_indirect_dma semaphore(%dma_wait3A_288 : memref<!tpu.dma_semaphore, #tpu.memory_space<semaphore_mem>>) src(%arg7 : memref<2000xf32, #tpu.memory_space<vmem>>) dst(%dma_wait3A_286 : memref<10240xf32, #tpu.memory_space<vmem_shared>>)
    %barrier3A_289 = arith.constant 0 : index
    tpu.barrier barrier_id(%barrier3A_289)
    %mul3A_290 = arith.constant 640 : i32
    %mul3A_291 = arith.muli %arg1, %mul3A_290 : i32
    %mul3A_292 = arith.constant 640 : i32
    %mul3A_293 = arith.muli %arg1, %mul3A_292 : i32
    "tpu.region"() ({
      %run_scoped3A = tpu.sem_alloc : memref<!tpu.dma_semaphore, #tpu.memory_space<semaphore_mem>>
      %dma_start3A_294 = tpu.memref_slice %arg5[%arg0, %mul3A_293] : memref<2x10240xf32, #tpu.memory_space<hbm>> -> memref<1x640xf32, #tpu.memory_space<hbm>>
      %dma_start3A_295 = tpu.memref_squeeze %dma_start3A_294 : memref<1x640xf32, #tpu.memory_space<hbm>> -> memref<640xf32, #tpu.memory_space<hbm>>
      %dma_start3A_296 = tpu.memref_slice %arg8[%mul3A_291] : memref<10240xf32, #tpu.memory_space<vmem_shared>> -> memref<640xf32, #tpu.memory_space<vmem_shared>>
      tpu.enqueue_dma source(%dma_start3A_296 : memref<640xf32, #tpu.memory_space<vmem_shared>>) target(%dma_start3A_295 : memref<640xf32, #tpu.memory_space<hbm>>) target_semaphore(%run_scoped3A : memref<!tpu.dma_semaphore, #tpu.memory_space<semaphore_mem>>)
      %dma_wait3A_297 = tpu.memref_slice %arg5[%arg0, %mul3A_293] : memref<2x10240xf32, #tpu.memory_space<hbm>> -> memref<1x640xf32, #tpu.memory_space<hbm>>
      %dma_wait3A_298 = tpu.memref_squeeze %dma_wait3A_297 : memref<1x640xf32, #tpu.memory_space<hbm>> -> memref<640xf32, #tpu.memory_space<hbm>>
      %dma_wait3A_299 = tpu.memref_slice %arg8[%mul3A_291] : memref<10240xf32, #tpu.memory_space<vmem_shared>> -> memref<640xf32, #tpu.memory_space<vmem_shared>>
      tpu.wait_dma2 semaphore(%run_scoped3A : memref<!tpu.dma_semaphore, #tpu.memory_space<semaphore_mem>>) src(%dma_wait3A_299 : memref<640xf32, #tpu.memory_space<vmem_shared>>) dst(%dma_wait3A_298 : memref<640xf32, #tpu.memory_space<hbm>>)
      tpu.yield
    }) : () -> ()
    return
  }
}

#map = affine_map<(d0, d1) -> (0, 0)>
#map1 = affine_map<(d0, d1) -> (0, 0, 0)>
module attributes {stable_mosaic.version = 14 : i64} {
  func.func @_scat_body(%arg0: i32, %arg1: i32, %arg2: memref<10240x8xf32, #tpu.memory_space<hbm>>, %arg3: memref<2x320000xi32, #tpu.memory_space<hbm>>, %arg4: memref<10240x8xf32, #tpu.memory_space<hbm>>, %arg5: memref<2x10240x8xf32, #tpu.memory_space<hbm>>, %arg6: memref<5x2000xi32, #tpu.memory_space<vmem>>, %arg7: memref<5x2000xi32, #tpu.memory_space<vmem>>, %arg8: memref<5x2000x8xf32, #tpu.memory_space<vmem>>, %arg9: memref<10240x8xf32, #tpu.memory_space<vmem_shared>>, %arg10: memref<3x!tpu.dma_semaphore, #tpu.memory_space<semaphore_mem>>, %arg11: memref<5x!tpu.dma_semaphore, #tpu.memory_space<semaphore_mem>>, %arg12: memref<5x!tpu.dma_semaphore, #tpu.memory_space<semaphore_mem>>) attributes {dimension_semantics = [#tpu.dimension_semantics<core_parallel>, #tpu.dimension_semantics<subcore_parallel>], iteration_bounds = array<i64: 2, 16>, scalar_prefetch = 0 : i64, scratch_operands = 7 : i64, tpu.core_type = #tpu.core_type<sc_vector_subcore>, window_params = [{transform_indices = #map}, {transform_indices = #map}, {transform_indices = #map}, {transform_indices = #map1}]} {
    %mul3A = arith.constant 2 : i32
    %mul3A_0 = arith.muli %arg1, %mul3A : i32
    %add3A = arith.addi %mul3A_0, %arg0 : i32
    %mul3A_1 = arith.constant 5 : i32
    %mul3A_2 = arith.muli %add3A, %mul3A_1 : i32
    %mul3A_3 = arith.constant 2000 : i32
    %mul3A_4 = arith.muli %mul3A_2, %mul3A_3 : i32
    %mul3A_5 = arith.constant 640 : i32
    %mul3A_6 = arith.muli %arg1, %mul3A_5 : i32
    %mul3A_7 = arith.constant 640 : i32
    %mul3A_8 = arith.muli %arg1, %mul3A_7 : i32
    %dma_start3A = arith.constant 0 : i32
    %dma_start3A_9 = tpu.memref_slice %arg10[%dma_start3A] : memref<3x!tpu.dma_semaphore, #tpu.memory_space<semaphore_mem>> -> memref<1x!tpu.dma_semaphore, #tpu.memory_space<semaphore_mem>>
    %dma_start3A_10 = tpu.memref_squeeze %dma_start3A_9 : memref<1x!tpu.dma_semaphore, #tpu.memory_space<semaphore_mem>> -> memref<!tpu.dma_semaphore, #tpu.memory_space<semaphore_mem>>
    %dma_start3A_11 = arith.constant 0 : i32
    %dma_start3A_12 = tpu.memref_slice %arg9[%mul3A_8, %dma_start3A_11] : memref<10240x8xf32, #tpu.memory_space<vmem_shared>> -> memref<640x8xf32, #tpu.memory_space<vmem_shared>>
    %dma_start3A_13 = arith.constant 0 : i32
    %dma_start3A_14 = tpu.memref_slice %arg4[%mul3A_6, %dma_start3A_13] : memref<10240x8xf32, #tpu.memory_space<hbm>> -> memref<640x8xf32, #tpu.memory_space<hbm>>
    tpu.enqueue_dma source(%dma_start3A_14 : memref<640x8xf32, #tpu.memory_space<hbm>>) target(%dma_start3A_12 : memref<640x8xf32, #tpu.memory_space<vmem_shared>>) target_semaphore(%dma_start3A_10 : memref<!tpu.dma_semaphore, #tpu.memory_space<semaphore_mem>>)
    %add3A_15 = arith.constant 0 : i32
    %add3A_16 = arith.addi %mul3A_4, %add3A_15 : i32
    %dma_start3A_17 = arith.constant 0 : i32
    %dma_start3A_18 = arith.constant 0 : i32
    %dma_start3A_19 = arith.constant 1 : i32
    %dma_start3A_20 = arith.constant 0 : i32
    %dma_start3A_21 = tpu.memref_slice %arg6[%dma_start3A_18, %dma_start3A_20] : memref<5x2000xi32, #tpu.memory_space<vmem>> -> memref<1x2000xi32, #tpu.memory_space<vmem>>
    %dma_start3A_22 = tpu.memref_squeeze %dma_start3A_21 : memref<1x2000xi32, #tpu.memory_space<vmem>> -> memref<2000xi32, #tpu.memory_space<vmem>>
    %dma_start3A_23 = tpu.memref_slice %arg3[%dma_start3A_17, %add3A_16] : memref<2x320000xi32, #tpu.memory_space<hbm>> -> memref<1x2000xi32, #tpu.memory_space<hbm>>
    %dma_start3A_24 = tpu.memref_squeeze %dma_start3A_23 : memref<1x2000xi32, #tpu.memory_space<hbm>> -> memref<2000xi32, #tpu.memory_space<hbm>>
    %dma_start3A_25 = tpu.memref_slice %arg10[%dma_start3A_19] : memref<3x!tpu.dma_semaphore, #tpu.memory_space<semaphore_mem>> -> memref<1x!tpu.dma_semaphore, #tpu.memory_space<semaphore_mem>>
    %dma_start3A_26 = tpu.memref_squeeze %dma_start3A_25 : memref<1x!tpu.dma_semaphore, #tpu.memory_space<semaphore_mem>> -> memref<!tpu.dma_semaphore, #tpu.memory_space<semaphore_mem>>
    %dma_start3A_27 = arith.constant 0 : i32
    %dma_start3A_28 = tpu.memref_slice %arg6[%dma_start3A_18, %dma_start3A_27] : memref<5x2000xi32, #tpu.memory_space<vmem>> -> memref<1x2000xi32, #tpu.memory_space<vmem>>
    %dma_start3A_29 = tpu.memref_squeeze %dma_start3A_28 : memref<1x2000xi32, #tpu.memory_space<vmem>> -> memref<2000xi32, #tpu.memory_space<vmem>>
    %dma_start3A_30 = tpu.memref_slice %arg3[%dma_start3A_17, %add3A_16] : memref<2x320000xi32, #tpu.memory_space<hbm>> -> memref<1x2000xi32, #tpu.memory_space<hbm>>
    %dma_start3A_31 = tpu.memref_squeeze %dma_start3A_30 : memref<1x2000xi32, #tpu.memory_space<hbm>> -> memref<2000xi32, #tpu.memory_space<hbm>>
    tpu.enqueue_dma source(%dma_start3A_31 : memref<2000xi32, #tpu.memory_space<hbm>>) target(%dma_start3A_29 : memref<2000xi32, #tpu.memory_space<vmem>>) target_semaphore(%dma_start3A_26 : memref<!tpu.dma_semaphore, #tpu.memory_space<semaphore_mem>>)
    %add3A_32 = arith.constant 2000 : i32
    %add3A_33 = arith.addi %mul3A_4, %add3A_32 : i32
    %dma_start3A_34 = arith.constant 0 : i32
    %dma_start3A_35 = arith.constant 1 : i32
    %dma_start3A_36 = arith.constant 1 : i32
    %dma_start3A_37 = arith.constant 0 : i32
    %dma_start3A_38 = tpu.memref_slice %arg6[%dma_start3A_35, %dma_start3A_37] : memref<5x2000xi32, #tpu.memory_space<vmem>> -> memref<1x2000xi32, #tpu.memory_space<vmem>>
    %dma_start3A_39 = tpu.memref_squeeze %dma_start3A_38 : memref<1x2000xi32, #tpu.memory_space<vmem>> -> memref<2000xi32, #tpu.memory_space<vmem>>
    %dma_start3A_40 = tpu.memref_slice %arg3[%dma_start3A_34, %add3A_33] : memref<2x320000xi32, #tpu.memory_space<hbm>> -> memref<1x2000xi32, #tpu.memory_space<hbm>>
    %dma_start3A_41 = tpu.memref_squeeze %dma_start3A_40 : memref<1x2000xi32, #tpu.memory_space<hbm>> -> memref<2000xi32, #tpu.memory_space<hbm>>
    %dma_start3A_42 = tpu.memref_slice %arg10[%dma_start3A_36] : memref<3x!tpu.dma_semaphore, #tpu.memory_space<semaphore_mem>> -> memref<1x!tpu.dma_semaphore, #tpu.memory_space<semaphore_mem>>
    %dma_start3A_43 = tpu.memref_squeeze %dma_start3A_42 : memref<1x!tpu.dma_semaphore, #tpu.memory_space<semaphore_mem>> -> memref<!tpu.dma_semaphore, #tpu.memory_space<semaphore_mem>>
    %dma_start3A_44 = arith.constant 0 : i32
    %dma_start3A_45 = tpu.memref_slice %arg6[%dma_start3A_35, %dma_start3A_44] : memref<5x2000xi32, #tpu.memory_space<vmem>> -> memref<1x2000xi32, #tpu.memory_space<vmem>>
    %dma_start3A_46 = tpu.memref_squeeze %dma_start3A_45 : memref<1x2000xi32, #tpu.memory_space<vmem>> -> memref<2000xi32, #tpu.memory_space<vmem>>
    %dma_start3A_47 = tpu.memref_slice %arg3[%dma_start3A_34, %add3A_33] : memref<2x320000xi32, #tpu.memory_space<hbm>> -> memref<1x2000xi32, #tpu.memory_space<hbm>>
    %dma_start3A_48 = tpu.memref_squeeze %dma_start3A_47 : memref<1x2000xi32, #tpu.memory_space<hbm>> -> memref<2000xi32, #tpu.memory_space<hbm>>
    tpu.enqueue_dma source(%dma_start3A_48 : memref<2000xi32, #tpu.memory_space<hbm>>) target(%dma_start3A_46 : memref<2000xi32, #tpu.memory_space<vmem>>) target_semaphore(%dma_start3A_43 : memref<!tpu.dma_semaphore, #tpu.memory_space<semaphore_mem>>)
    %add3A_49 = arith.constant 4000 : i32
    %add3A_50 = arith.addi %mul3A_4, %add3A_49 : i32
    %dma_start3A_51 = arith.constant 0 : i32
    %dma_start3A_52 = arith.constant 2 : i32
    %dma_start3A_53 = arith.constant 1 : i32
    %dma_start3A_54 = arith.constant 0 : i32
    %dma_start3A_55 = tpu.memref_slice %arg6[%dma_start3A_52, %dma_start3A_54] : memref<5x2000xi32, #tpu.memory_space<vmem>> -> memref<1x2000xi32, #tpu.memory_space<vmem>>
    %dma_start3A_56 = tpu.memref_squeeze %dma_start3A_55 : memref<1x2000xi32, #tpu.memory_space<vmem>> -> memref<2000xi32, #tpu.memory_space<vmem>>
    %dma_start3A_57 = tpu.memref_slice %arg3[%dma_start3A_51, %add3A_50] : memref<2x320000xi32, #tpu.memory_space<hbm>> -> memref<1x2000xi32, #tpu.memory_space<hbm>>
    %dma_start3A_58 = tpu.memref_squeeze %dma_start3A_57 : memref<1x2000xi32, #tpu.memory_space<hbm>> -> memref<2000xi32, #tpu.memory_space<hbm>>
    %dma_start3A_59 = tpu.memref_slice %arg10[%dma_start3A_53] : memref<3x!tpu.dma_semaphore, #tpu.memory_space<semaphore_mem>> -> memref<1x!tpu.dma_semaphore, #tpu.memory_space<semaphore_mem>>
    %dma_start3A_60 = tpu.memref_squeeze %dma_start3A_59 : memref<1x!tpu.dma_semaphore, #tpu.memory_space<semaphore_mem>> -> memref<!tpu.dma_semaphore, #tpu.memory_space<semaphore_mem>>
    %dma_start3A_61 = arith.constant 0 : i32
    %dma_start3A_62 = tpu.memref_slice %arg6[%dma_start3A_52, %dma_start3A_61] : memref<5x2000xi32, #tpu.memory_space<vmem>> -> memref<1x2000xi32, #tpu.memory_space<vmem>>
    %dma_start3A_63 = tpu.memref_squeeze %dma_start3A_62 : memref<1x2000xi32, #tpu.memory_space<vmem>> -> memref<2000xi32, #tpu.memory_space<vmem>>
    %dma_start3A_64 = tpu.memref_slice %arg3[%dma_start3A_51, %add3A_50] : memref<2x320000xi32, #tpu.memory_space<hbm>> -> memref<1x2000xi32, #tpu.memory_space<hbm>>
    %dma_start3A_65 = tpu.memref_squeeze %dma_start3A_64 : memref<1x2000xi32, #tpu.memory_space<hbm>> -> memref<2000xi32, #tpu.memory_space<hbm>>
    tpu.enqueue_dma source(%dma_start3A_65 : memref<2000xi32, #tpu.memory_space<hbm>>) target(%dma_start3A_63 : memref<2000xi32, #tpu.memory_space<vmem>>) target_semaphore(%dma_start3A_60 : memref<!tpu.dma_semaphore, #tpu.memory_space<semaphore_mem>>)
    %add3A_66 = arith.constant 6000 : i32
    %add3A_67 = arith.addi %mul3A_4, %add3A_66 : i32
    %dma_start3A_68 = arith.constant 0 : i32
    %dma_start3A_69 = arith.constant 3 : i32
    %dma_start3A_70 = arith.constant 1 : i32
    %dma_start3A_71 = arith.constant 0 : i32
    %dma_start3A_72 = tpu.memref_slice %arg6[%dma_start3A_69, %dma_start3A_71] : memref<5x2000xi32, #tpu.memory_space<vmem>> -> memref<1x2000xi32, #tpu.memory_space<vmem>>
    %dma_start3A_73 = tpu.memref_squeeze %dma_start3A_72 : memref<1x2000xi32, #tpu.memory_space<vmem>> -> memref<2000xi32, #tpu.memory_space<vmem>>
    %dma_start3A_74 = tpu.memref_slice %arg3[%dma_start3A_68, %add3A_67] : memref<2x320000xi32, #tpu.memory_space<hbm>> -> memref<1x2000xi32, #tpu.memory_space<hbm>>
    %dma_start3A_75 = tpu.memref_squeeze %dma_start3A_74 : memref<1x2000xi32, #tpu.memory_space<hbm>> -> memref<2000xi32, #tpu.memory_space<hbm>>
    %dma_start3A_76 = tpu.memref_slice %arg10[%dma_start3A_70] : memref<3x!tpu.dma_semaphore, #tpu.memory_space<semaphore_mem>> -> memref<1x!tpu.dma_semaphore, #tpu.memory_space<semaphore_mem>>
    %dma_start3A_77 = tpu.memref_squeeze %dma_start3A_76 : memref<1x!tpu.dma_semaphore, #tpu.memory_space<semaphore_mem>> -> memref<!tpu.dma_semaphore, #tpu.memory_space<semaphore_mem>>
    %dma_start3A_78 = arith.constant 0 : i32
    %dma_start3A_79 = tpu.memref_slice %arg6[%dma_start3A_69, %dma_start3A_78] : memref<5x2000xi32, #tpu.memory_space<vmem>> -> memref<1x2000xi32, #tpu.memory_space<vmem>>
    %dma_start3A_80 = tpu.memref_squeeze %dma_start3A_79 : memref<1x2000xi32, #tpu.memory_space<vmem>> -> memref<2000xi32, #tpu.memory_space<vmem>>
    %dma_start3A_81 = tpu.memref_slice %arg3[%dma_start3A_68, %add3A_67] : memref<2x320000xi32, #tpu.memory_space<hbm>> -> memref<1x2000xi32, #tpu.memory_space<hbm>>
    %dma_start3A_82 = tpu.memref_squeeze %dma_start3A_81 : memref<1x2000xi32, #tpu.memory_space<hbm>> -> memref<2000xi32, #tpu.memory_space<hbm>>
    tpu.enqueue_dma source(%dma_start3A_82 : memref<2000xi32, #tpu.memory_space<hbm>>) target(%dma_start3A_80 : memref<2000xi32, #tpu.memory_space<vmem>>) target_semaphore(%dma_start3A_77 : memref<!tpu.dma_semaphore, #tpu.memory_space<semaphore_mem>>)
    %add3A_83 = arith.constant 8000 : i32
    %add3A_84 = arith.addi %mul3A_4, %add3A_83 : i32
    %dma_start3A_85 = arith.constant 0 : i32
    %dma_start3A_86 = arith.constant 4 : i32
    %dma_start3A_87 = arith.constant 1 : i32
    %dma_start3A_88 = arith.constant 0 : i32
    %dma_start3A_89 = tpu.memref_slice %arg6[%dma_start3A_86, %dma_start3A_88] : memref<5x2000xi32, #tpu.memory_space<vmem>> -> memref<1x2000xi32, #tpu.memory_space<vmem>>
    %dma_start3A_90 = tpu.memref_squeeze %dma_start3A_89 : memref<1x2000xi32, #tpu.memory_space<vmem>> -> memref<2000xi32, #tpu.memory_space<vmem>>
    %dma_start3A_91 = tpu.memref_slice %arg3[%dma_start3A_85, %add3A_84] : memref<2x320000xi32, #tpu.memory_space<hbm>> -> memref<1x2000xi32, #tpu.memory_space<hbm>>
    %dma_start3A_92 = tpu.memref_squeeze %dma_start3A_91 : memref<1x2000xi32, #tpu.memory_space<hbm>> -> memref<2000xi32, #tpu.memory_space<hbm>>
    %dma_start3A_93 = tpu.memref_slice %arg10[%dma_start3A_87] : memref<3x!tpu.dma_semaphore, #tpu.memory_space<semaphore_mem>> -> memref<1x!tpu.dma_semaphore, #tpu.memory_space<semaphore_mem>>
    %dma_start3A_94 = tpu.memref_squeeze %dma_start3A_93 : memref<1x!tpu.dma_semaphore, #tpu.memory_space<semaphore_mem>> -> memref<!tpu.dma_semaphore, #tpu.memory_space<semaphore_mem>>
    %dma_start3A_95 = arith.constant 0 : i32
    %dma_start3A_96 = tpu.memref_slice %arg6[%dma_start3A_86, %dma_start3A_95] : memref<5x2000xi32, #tpu.memory_space<vmem>> -> memref<1x2000xi32, #tpu.memory_space<vmem>>
    %dma_start3A_97 = tpu.memref_squeeze %dma_start3A_96 : memref<1x2000xi32, #tpu.memory_space<vmem>> -> memref<2000xi32, #tpu.memory_space<vmem>>
    %dma_start3A_98 = tpu.memref_slice %arg3[%dma_start3A_85, %add3A_84] : memref<2x320000xi32, #tpu.memory_space<hbm>> -> memref<1x2000xi32, #tpu.memory_space<hbm>>
    %dma_start3A_99 = tpu.memref_squeeze %dma_start3A_98 : memref<1x2000xi32, #tpu.memory_space<hbm>> -> memref<2000xi32, #tpu.memory_space<hbm>>
    tpu.enqueue_dma source(%dma_start3A_99 : memref<2000xi32, #tpu.memory_space<hbm>>) target(%dma_start3A_97 : memref<2000xi32, #tpu.memory_space<vmem>>) target_semaphore(%dma_start3A_94 : memref<!tpu.dma_semaphore, #tpu.memory_space<semaphore_mem>>)
    %add3A_100 = arith.constant 0 : i32
    %add3A_101 = arith.addi %mul3A_4, %add3A_100 : i32
    %dma_start3A_102 = arith.constant 1 : i32
    %dma_start3A_103 = arith.constant 0 : i32
    %dma_start3A_104 = arith.constant 2 : i32
    %dma_start3A_105 = arith.constant 0 : i32
    %dma_start3A_106 = tpu.memref_slice %arg7[%dma_start3A_103, %dma_start3A_105] : memref<5x2000xi32, #tpu.memory_space<vmem>> -> memref<1x2000xi32, #tpu.memory_space<vmem>>
    %dma_start3A_107 = tpu.memref_squeeze %dma_start3A_106 : memref<1x2000xi32, #tpu.memory_space<vmem>> -> memref<2000xi32, #tpu.memory_space<vmem>>
    %dma_start3A_108 = tpu.memref_slice %arg3[%dma_start3A_102, %add3A_101] : memref<2x320000xi32, #tpu.memory_space<hbm>> -> memref<1x2000xi32, #tpu.memory_space<hbm>>
    %dma_start3A_109 = tpu.memref_squeeze %dma_start3A_108 : memref<1x2000xi32, #tpu.memory_space<hbm>> -> memref<2000xi32, #tpu.memory_space<hbm>>
    %dma_start3A_110 = tpu.memref_slice %arg10[%dma_start3A_104] : memref<3x!tpu.dma_semaphore, #tpu.memory_space<semaphore_mem>> -> memref<1x!tpu.dma_semaphore, #tpu.memory_space<semaphore_mem>>
    %dma_start3A_111 = tpu.memref_squeeze %dma_start3A_110 : memref<1x!tpu.dma_semaphore, #tpu.memory_space<semaphore_mem>> -> memref<!tpu.dma_semaphore, #tpu.memory_space<semaphore_mem>>
    %dma_start3A_112 = arith.constant 0 : i32
    %dma_start3A_113 = tpu.memref_slice %arg7[%dma_start3A_103, %dma_start3A_112] : memref<5x2000xi32, #tpu.memory_space<vmem>> -> memref<1x2000xi32, #tpu.memory_space<vmem>>
    %dma_start3A_114 = tpu.memref_squeeze %dma_start3A_113 : memref<1x2000xi32, #tpu.memory_space<vmem>> -> memref<2000xi32, #tpu.memory_space<vmem>>
    %dma_start3A_115 = tpu.memref_slice %arg3[%dma_start3A_102, %add3A_101] : memref<2x320000xi32, #tpu.memory_space<hbm>> -> memref<1x2000xi32, #tpu.memory_space<hbm>>
    %dma_start3A_116 = tpu.memref_squeeze %dma_start3A_115 : memref<1x2000xi32, #tpu.memory_space<hbm>> -> memref<2000xi32, #tpu.memory_space<hbm>>
    tpu.enqueue_dma source(%dma_start3A_116 : memref<2000xi32, #tpu.memory_space<hbm>>) target(%dma_start3A_114 : memref<2000xi32, #tpu.memory_space<vmem>>) target_semaphore(%dma_start3A_111 : memref<!tpu.dma_semaphore, #tpu.memory_space<semaphore_mem>>)
    %add3A_117 = arith.constant 2000 : i32
    %add3A_118 = arith.addi %mul3A_4, %add3A_117 : i32
    %dma_start3A_119 = arith.constant 1 : i32
    %dma_start3A_120 = arith.constant 1 : i32
    %dma_start3A_121 = arith.constant 2 : i32
    %dma_start3A_122 = arith.constant 0 : i32
    %dma_start3A_123 = tpu.memref_slice %arg7[%dma_start3A_120, %dma_start3A_122] : memref<5x2000xi32, #tpu.memory_space<vmem>> -> memref<1x2000xi32, #tpu.memory_space<vmem>>
    %dma_start3A_124 = tpu.memref_squeeze %dma_start3A_123 : memref<1x2000xi32, #tpu.memory_space<vmem>> -> memref<2000xi32, #tpu.memory_space<vmem>>
    %dma_start3A_125 = tpu.memref_slice %arg3[%dma_start3A_119, %add3A_118] : memref<2x320000xi32, #tpu.memory_space<hbm>> -> memref<1x2000xi32, #tpu.memory_space<hbm>>
    %dma_start3A_126 = tpu.memref_squeeze %dma_start3A_125 : memref<1x2000xi32, #tpu.memory_space<hbm>> -> memref<2000xi32, #tpu.memory_space<hbm>>
    %dma_start3A_127 = tpu.memref_slice %arg10[%dma_start3A_121] : memref<3x!tpu.dma_semaphore, #tpu.memory_space<semaphore_mem>> -> memref<1x!tpu.dma_semaphore, #tpu.memory_space<semaphore_mem>>
    %dma_start3A_128 = tpu.memref_squeeze %dma_start3A_127 : memref<1x!tpu.dma_semaphore, #tpu.memory_space<semaphore_mem>> -> memref<!tpu.dma_semaphore, #tpu.memory_space<semaphore_mem>>
    %dma_start3A_129 = arith.constant 0 : i32
    %dma_start3A_130 = tpu.memref_slice %arg7[%dma_start3A_120, %dma_start3A_129] : memref<5x2000xi32, #tpu.memory_space<vmem>> -> memref<1x2000xi32, #tpu.memory_space<vmem>>
    %dma_start3A_131 = tpu.memref_squeeze %dma_start3A_130 : memref<1x2000xi32, #tpu.memory_space<vmem>> -> memref<2000xi32, #tpu.memory_space<vmem>>
    %dma_start3A_132 = tpu.memref_slice %arg3[%dma_start3A_119, %add3A_118] : memref<2x320000xi32, #tpu.memory_space<hbm>> -> memref<1x2000xi32, #tpu.memory_space<hbm>>
    %dma_start3A_133 = tpu.memref_squeeze %dma_start3A_132 : memref<1x2000xi32, #tpu.memory_space<hbm>> -> memref<2000xi32, #tpu.memory_space<hbm>>
    tpu.enqueue_dma source(%dma_start3A_133 : memref<2000xi32, #tpu.memory_space<hbm>>) target(%dma_start3A_131 : memref<2000xi32, #tpu.memory_space<vmem>>) target_semaphore(%dma_start3A_128 : memref<!tpu.dma_semaphore, #tpu.memory_space<semaphore_mem>>)
    %add3A_134 = arith.constant 4000 : i32
    %add3A_135 = arith.addi %mul3A_4, %add3A_134 : i32
    %dma_start3A_136 = arith.constant 1 : i32
    %dma_start3A_137 = arith.constant 2 : i32
    %dma_start3A_138 = arith.constant 2 : i32
    %dma_start3A_139 = arith.constant 0 : i32
    %dma_start3A_140 = tpu.memref_slice %arg7[%dma_start3A_137, %dma_start3A_139] : memref<5x2000xi32, #tpu.memory_space<vmem>> -> memref<1x2000xi32, #tpu.memory_space<vmem>>
    %dma_start3A_141 = tpu.memref_squeeze %dma_start3A_140 : memref<1x2000xi32, #tpu.memory_space<vmem>> -> memref<2000xi32, #tpu.memory_space<vmem>>
    %dma_start3A_142 = tpu.memref_slice %arg3[%dma_start3A_136, %add3A_135] : memref<2x320000xi32, #tpu.memory_space<hbm>> -> memref<1x2000xi32, #tpu.memory_space<hbm>>
    %dma_start3A_143 = tpu.memref_squeeze %dma_start3A_142 : memref<1x2000xi32, #tpu.memory_space<hbm>> -> memref<2000xi32, #tpu.memory_space<hbm>>
    %dma_start3A_144 = tpu.memref_slice %arg10[%dma_start3A_138] : memref<3x!tpu.dma_semaphore, #tpu.memory_space<semaphore_mem>> -> memref<1x!tpu.dma_semaphore, #tpu.memory_space<semaphore_mem>>
    %dma_start3A_145 = tpu.memref_squeeze %dma_start3A_144 : memref<1x!tpu.dma_semaphore, #tpu.memory_space<semaphore_mem>> -> memref<!tpu.dma_semaphore, #tpu.memory_space<semaphore_mem>>
    %dma_start3A_146 = arith.constant 0 : i32
    %dma_start3A_147 = tpu.memref_slice %arg7[%dma_start3A_137, %dma_start3A_146] : memref<5x2000xi32, #tpu.memory_space<vmem>> -> memref<1x2000xi32, #tpu.memory_space<vmem>>
    %dma_start3A_148 = tpu.memref_squeeze %dma_start3A_147 : memref<1x2000xi32, #tpu.memory_space<vmem>> -> memref<2000xi32, #tpu.memory_space<vmem>>
    %dma_start3A_149 = tpu.memref_slice %arg3[%dma_start3A_136, %add3A_135] : memref<2x320000xi32, #tpu.memory_space<hbm>> -> memref<1x2000xi32, #tpu.memory_space<hbm>>
    %dma_start3A_150 = tpu.memref_squeeze %dma_start3A_149 : memref<1x2000xi32, #tpu.memory_space<hbm>> -> memref<2000xi32, #tpu.memory_space<hbm>>
    tpu.enqueue_dma source(%dma_start3A_150 : memref<2000xi32, #tpu.memory_space<hbm>>) target(%dma_start3A_148 : memref<2000xi32, #tpu.memory_space<vmem>>) target_semaphore(%dma_start3A_145 : memref<!tpu.dma_semaphore, #tpu.memory_space<semaphore_mem>>)
    %add3A_151 = arith.constant 6000 : i32
    %add3A_152 = arith.addi %mul3A_4, %add3A_151 : i32
    %dma_start3A_153 = arith.constant 1 : i32
    %dma_start3A_154 = arith.constant 3 : i32
    %dma_start3A_155 = arith.constant 2 : i32
    %dma_start3A_156 = arith.constant 0 : i32
    %dma_start3A_157 = tpu.memref_slice %arg7[%dma_start3A_154, %dma_start3A_156] : memref<5x2000xi32, #tpu.memory_space<vmem>> -> memref<1x2000xi32, #tpu.memory_space<vmem>>
    %dma_start3A_158 = tpu.memref_squeeze %dma_start3A_157 : memref<1x2000xi32, #tpu.memory_space<vmem>> -> memref<2000xi32, #tpu.memory_space<vmem>>
    %dma_start3A_159 = tpu.memref_slice %arg3[%dma_start3A_153, %add3A_152] : memref<2x320000xi32, #tpu.memory_space<hbm>> -> memref<1x2000xi32, #tpu.memory_space<hbm>>
    %dma_start3A_160 = tpu.memref_squeeze %dma_start3A_159 : memref<1x2000xi32, #tpu.memory_space<hbm>> -> memref<2000xi32, #tpu.memory_space<hbm>>
    %dma_start3A_161 = tpu.memref_slice %arg10[%dma_start3A_155] : memref<3x!tpu.dma_semaphore, #tpu.memory_space<semaphore_mem>> -> memref<1x!tpu.dma_semaphore, #tpu.memory_space<semaphore_mem>>
    %dma_start3A_162 = tpu.memref_squeeze %dma_start3A_161 : memref<1x!tpu.dma_semaphore, #tpu.memory_space<semaphore_mem>> -> memref<!tpu.dma_semaphore, #tpu.memory_space<semaphore_mem>>
    %dma_start3A_163 = arith.constant 0 : i32
    %dma_start3A_164 = tpu.memref_slice %arg7[%dma_start3A_154, %dma_start3A_163] : memref<5x2000xi32, #tpu.memory_space<vmem>> -> memref<1x2000xi32, #tpu.memory_space<vmem>>
    %dma_start3A_165 = tpu.memref_squeeze %dma_start3A_164 : memref<1x2000xi32, #tpu.memory_space<vmem>> -> memref<2000xi32, #tpu.memory_space<vmem>>
    %dma_start3A_166 = tpu.memref_slice %arg3[%dma_start3A_153, %add3A_152] : memref<2x320000xi32, #tpu.memory_space<hbm>> -> memref<1x2000xi32, #tpu.memory_space<hbm>>
    %dma_start3A_167 = tpu.memref_squeeze %dma_start3A_166 : memref<1x2000xi32, #tpu.memory_space<hbm>> -> memref<2000xi32, #tpu.memory_space<hbm>>
    tpu.enqueue_dma source(%dma_start3A_167 : memref<2000xi32, #tpu.memory_space<hbm>>) target(%dma_start3A_165 : memref<2000xi32, #tpu.memory_space<vmem>>) target_semaphore(%dma_start3A_162 : memref<!tpu.dma_semaphore, #tpu.memory_space<semaphore_mem>>)
    %add3A_168 = arith.constant 8000 : i32
    %add3A_169 = arith.addi %mul3A_4, %add3A_168 : i32
    %dma_start3A_170 = arith.constant 1 : i32
    %dma_start3A_171 = arith.constant 4 : i32
    %dma_start3A_172 = arith.constant 2 : i32
    %dma_start3A_173 = arith.constant 0 : i32
    %dma_start3A_174 = tpu.memref_slice %arg7[%dma_start3A_171, %dma_start3A_173] : memref<5x2000xi32, #tpu.memory_space<vmem>> -> memref<1x2000xi32, #tpu.memory_space<vmem>>
    %dma_start3A_175 = tpu.memref_squeeze %dma_start3A_174 : memref<1x2000xi32, #tpu.memory_space<vmem>> -> memref<2000xi32, #tpu.memory_space<vmem>>
    %dma_start3A_176 = tpu.memref_slice %arg3[%dma_start3A_170, %add3A_169] : memref<2x320000xi32, #tpu.memory_space<hbm>> -> memref<1x2000xi32, #tpu.memory_space<hbm>>
    %dma_start3A_177 = tpu.memref_squeeze %dma_start3A_176 : memref<1x2000xi32, #tpu.memory_space<hbm>> -> memref<2000xi32, #tpu.memory_space<hbm>>
    %dma_start3A_178 = tpu.memref_slice %arg10[%dma_start3A_172] : memref<3x!tpu.dma_semaphore, #tpu.memory_space<semaphore_mem>> -> memref<1x!tpu.dma_semaphore, #tpu.memory_space<semaphore_mem>>
    %dma_start3A_179 = tpu.memref_squeeze %dma_start3A_178 : memref<1x!tpu.dma_semaphore, #tpu.memory_space<semaphore_mem>> -> memref<!tpu.dma_semaphore, #tpu.memory_space<semaphore_mem>>
    %dma_start3A_180 = arith.constant 0 : i32
    %dma_start3A_181 = tpu.memref_slice %arg7[%dma_start3A_171, %dma_start3A_180] : memref<5x2000xi32, #tpu.memory_space<vmem>> -> memref<1x2000xi32, #tpu.memory_space<vmem>>
    %dma_start3A_182 = tpu.memref_squeeze %dma_start3A_181 : memref<1x2000xi32, #tpu.memory_space<vmem>> -> memref<2000xi32, #tpu.memory_space<vmem>>
    %dma_start3A_183 = tpu.memref_slice %arg3[%dma_start3A_170, %add3A_169] : memref<2x320000xi32, #tpu.memory_space<hbm>> -> memref<1x2000xi32, #tpu.memory_space<hbm>>
    %dma_start3A_184 = tpu.memref_squeeze %dma_start3A_183 : memref<1x2000xi32, #tpu.memory_space<hbm>> -> memref<2000xi32, #tpu.memory_space<hbm>>
    tpu.enqueue_dma source(%dma_start3A_184 : memref<2000xi32, #tpu.memory_space<hbm>>) target(%dma_start3A_182 : memref<2000xi32, #tpu.memory_space<vmem>>) target_semaphore(%dma_start3A_179 : memref<!tpu.dma_semaphore, #tpu.memory_space<semaphore_mem>>)
    %dma_wait3A = arith.constant 0 : i32
    %dma_wait3A_185 = arith.constant 0 : i32
    %dma_wait3A_186 = arith.constant 1 : i32
    %dma_wait3A_187 = arith.constant 0 : i32
    %dma_wait3A_188 = tpu.memref_slice %arg6[%dma_wait3A_185, %dma_wait3A_187] : memref<5x2000xi32, #tpu.memory_space<vmem>> -> memref<1x2000xi32, #tpu.memory_space<vmem>>
    %dma_wait3A_189 = tpu.memref_squeeze %dma_wait3A_188 : memref<1x2000xi32, #tpu.memory_space<vmem>> -> memref<2000xi32, #tpu.memory_space<vmem>>
    %dma_wait3A_190 = tpu.memref_slice %arg3[%dma_wait3A, %add3A_16] : memref<2x320000xi32, #tpu.memory_space<hbm>> -> memref<1x2000xi32, #tpu.memory_space<hbm>>
    %dma_wait3A_191 = tpu.memref_squeeze %dma_wait3A_190 : memref<1x2000xi32, #tpu.memory_space<hbm>> -> memref<2000xi32, #tpu.memory_space<hbm>>
    %dma_wait3A_192 = tpu.memref_slice %arg10[%dma_wait3A_186] : memref<3x!tpu.dma_semaphore, #tpu.memory_space<semaphore_mem>> -> memref<1x!tpu.dma_semaphore, #tpu.memory_space<semaphore_mem>>
    %dma_wait3A_193 = tpu.memref_squeeze %dma_wait3A_192 : memref<1x!tpu.dma_semaphore, #tpu.memory_space<semaphore_mem>> -> memref<!tpu.dma_semaphore, #tpu.memory_space<semaphore_mem>>
    %dma_wait3A_194 = arith.constant 0 : i32
    %dma_wait3A_195 = tpu.memref_slice %arg6[%dma_wait3A_185, %dma_wait3A_194] : memref<5x2000xi32, #tpu.memory_space<vmem>> -> memref<1x2000xi32, #tpu.memory_space<vmem>>
    %dma_wait3A_196 = tpu.memref_squeeze %dma_wait3A_195 : memref<1x2000xi32, #tpu.memory_space<vmem>> -> memref<2000xi32, #tpu.memory_space<vmem>>
    %dma_wait3A_197 = tpu.memref_slice %arg3[%dma_wait3A, %add3A_16] : memref<2x320000xi32, #tpu.memory_space<hbm>> -> memref<1x2000xi32, #tpu.memory_space<hbm>>
    %dma_wait3A_198 = tpu.memref_squeeze %dma_wait3A_197 : memref<1x2000xi32, #tpu.memory_space<hbm>> -> memref<2000xi32, #tpu.memory_space<hbm>>
    tpu.wait_dma2 semaphore(%dma_wait3A_193 : memref<!tpu.dma_semaphore, #tpu.memory_space<semaphore_mem>>) src(%dma_wait3A_198 : memref<2000xi32, #tpu.memory_space<hbm>>) dst(%dma_wait3A_196 : memref<2000xi32, #tpu.memory_space<vmem>>)
    %dma_wait3A_199 = arith.constant 0 : i32
    %dma_wait3A_200 = arith.constant 1 : i32
    %dma_wait3A_201 = arith.constant 1 : i32
    %dma_wait3A_202 = arith.constant 0 : i32
    %dma_wait3A_203 = tpu.memref_slice %arg6[%dma_wait3A_200, %dma_wait3A_202] : memref<5x2000xi32, #tpu.memory_space<vmem>> -> memref<1x2000xi32, #tpu.memory_space<vmem>>
    %dma_wait3A_204 = tpu.memref_squeeze %dma_wait3A_203 : memref<1x2000xi32, #tpu.memory_space<vmem>> -> memref<2000xi32, #tpu.memory_space<vmem>>
    %dma_wait3A_205 = tpu.memref_slice %arg3[%dma_wait3A_199, %add3A_33] : memref<2x320000xi32, #tpu.memory_space<hbm>> -> memref<1x2000xi32, #tpu.memory_space<hbm>>
    %dma_wait3A_206 = tpu.memref_squeeze %dma_wait3A_205 : memref<1x2000xi32, #tpu.memory_space<hbm>> -> memref<2000xi32, #tpu.memory_space<hbm>>
    %dma_wait3A_207 = tpu.memref_slice %arg10[%dma_wait3A_201] : memref<3x!tpu.dma_semaphore, #tpu.memory_space<semaphore_mem>> -> memref<1x!tpu.dma_semaphore, #tpu.memory_space<semaphore_mem>>
    %dma_wait3A_208 = tpu.memref_squeeze %dma_wait3A_207 : memref<1x!tpu.dma_semaphore, #tpu.memory_space<semaphore_mem>> -> memref<!tpu.dma_semaphore, #tpu.memory_space<semaphore_mem>>
    %dma_wait3A_209 = arith.constant 0 : i32
    %dma_wait3A_210 = tpu.memref_slice %arg6[%dma_wait3A_200, %dma_wait3A_209] : memref<5x2000xi32, #tpu.memory_space<vmem>> -> memref<1x2000xi32, #tpu.memory_space<vmem>>
    %dma_wait3A_211 = tpu.memref_squeeze %dma_wait3A_210 : memref<1x2000xi32, #tpu.memory_space<vmem>> -> memref<2000xi32, #tpu.memory_space<vmem>>
    %dma_wait3A_212 = tpu.memref_slice %arg3[%dma_wait3A_199, %add3A_33] : memref<2x320000xi32, #tpu.memory_space<hbm>> -> memref<1x2000xi32, #tpu.memory_space<hbm>>
    %dma_wait3A_213 = tpu.memref_squeeze %dma_wait3A_212 : memref<1x2000xi32, #tpu.memory_space<hbm>> -> memref<2000xi32, #tpu.memory_space<hbm>>
    tpu.wait_dma2 semaphore(%dma_wait3A_208 : memref<!tpu.dma_semaphore, #tpu.memory_space<semaphore_mem>>) src(%dma_wait3A_213 : memref<2000xi32, #tpu.memory_space<hbm>>) dst(%dma_wait3A_211 : memref<2000xi32, #tpu.memory_space<vmem>>)
    %dma_wait3A_214 = arith.constant 0 : i32
    %dma_wait3A_215 = arith.constant 2 : i32
    %dma_wait3A_216 = arith.constant 1 : i32
    %dma_wait3A_217 = arith.constant 0 : i32
    %dma_wait3A_218 = tpu.memref_slice %arg6[%dma_wait3A_215, %dma_wait3A_217] : memref<5x2000xi32, #tpu.memory_space<vmem>> -> memref<1x2000xi32, #tpu.memory_space<vmem>>
    %dma_wait3A_219 = tpu.memref_squeeze %dma_wait3A_218 : memref<1x2000xi32, #tpu.memory_space<vmem>> -> memref<2000xi32, #tpu.memory_space<vmem>>
    %dma_wait3A_220 = tpu.memref_slice %arg3[%dma_wait3A_214, %add3A_50] : memref<2x320000xi32, #tpu.memory_space<hbm>> -> memref<1x2000xi32, #tpu.memory_space<hbm>>
    %dma_wait3A_221 = tpu.memref_squeeze %dma_wait3A_220 : memref<1x2000xi32, #tpu.memory_space<hbm>> -> memref<2000xi32, #tpu.memory_space<hbm>>
    %dma_wait3A_222 = tpu.memref_slice %arg10[%dma_wait3A_216] : memref<3x!tpu.dma_semaphore, #tpu.memory_space<semaphore_mem>> -> memref<1x!tpu.dma_semaphore, #tpu.memory_space<semaphore_mem>>
    %dma_wait3A_223 = tpu.memref_squeeze %dma_wait3A_222 : memref<1x!tpu.dma_semaphore, #tpu.memory_space<semaphore_mem>> -> memref<!tpu.dma_semaphore, #tpu.memory_space<semaphore_mem>>
    %dma_wait3A_224 = arith.constant 0 : i32
    %dma_wait3A_225 = tpu.memref_slice %arg6[%dma_wait3A_215, %dma_wait3A_224] : memref<5x2000xi32, #tpu.memory_space<vmem>> -> memref<1x2000xi32, #tpu.memory_space<vmem>>
    %dma_wait3A_226 = tpu.memref_squeeze %dma_wait3A_225 : memref<1x2000xi32, #tpu.memory_space<vmem>> -> memref<2000xi32, #tpu.memory_space<vmem>>
    %dma_wait3A_227 = tpu.memref_slice %arg3[%dma_wait3A_214, %add3A_50] : memref<2x320000xi32, #tpu.memory_space<hbm>> -> memref<1x2000xi32, #tpu.memory_space<hbm>>
    %dma_wait3A_228 = tpu.memref_squeeze %dma_wait3A_227 : memref<1x2000xi32, #tpu.memory_space<hbm>> -> memref<2000xi32, #tpu.memory_space<hbm>>
    tpu.wait_dma2 semaphore(%dma_wait3A_223 : memref<!tpu.dma_semaphore, #tpu.memory_space<semaphore_mem>>) src(%dma_wait3A_228 : memref<2000xi32, #tpu.memory_space<hbm>>) dst(%dma_wait3A_226 : memref<2000xi32, #tpu.memory_space<vmem>>)
    %dma_wait3A_229 = arith.constant 0 : i32
    %dma_wait3A_230 = arith.constant 3 : i32
    %dma_wait3A_231 = arith.constant 1 : i32
    %dma_wait3A_232 = arith.constant 0 : i32
    %dma_wait3A_233 = tpu.memref_slice %arg6[%dma_wait3A_230, %dma_wait3A_232] : memref<5x2000xi32, #tpu.memory_space<vmem>> -> memref<1x2000xi32, #tpu.memory_space<vmem>>
    %dma_wait3A_234 = tpu.memref_squeeze %dma_wait3A_233 : memref<1x2000xi32, #tpu.memory_space<vmem>> -> memref<2000xi32, #tpu.memory_space<vmem>>
    %dma_wait3A_235 = tpu.memref_slice %arg3[%dma_wait3A_229, %add3A_67] : memref<2x320000xi32, #tpu.memory_space<hbm>> -> memref<1x2000xi32, #tpu.memory_space<hbm>>
    %dma_wait3A_236 = tpu.memref_squeeze %dma_wait3A_235 : memref<1x2000xi32, #tpu.memory_space<hbm>> -> memref<2000xi32, #tpu.memory_space<hbm>>
    %dma_wait3A_237 = tpu.memref_slice %arg10[%dma_wait3A_231] : memref<3x!tpu.dma_semaphore, #tpu.memory_space<semaphore_mem>> -> memref<1x!tpu.dma_semaphore, #tpu.memory_space<semaphore_mem>>
    %dma_wait3A_238 = tpu.memref_squeeze %dma_wait3A_237 : memref<1x!tpu.dma_semaphore, #tpu.memory_space<semaphore_mem>> -> memref<!tpu.dma_semaphore, #tpu.memory_space<semaphore_mem>>
    %dma_wait3A_239 = arith.constant 0 : i32
    %dma_wait3A_240 = tpu.memref_slice %arg6[%dma_wait3A_230, %dma_wait3A_239] : memref<5x2000xi32, #tpu.memory_space<vmem>> -> memref<1x2000xi32, #tpu.memory_space<vmem>>
    %dma_wait3A_241 = tpu.memref_squeeze %dma_wait3A_240 : memref<1x2000xi32, #tpu.memory_space<vmem>> -> memref<2000xi32, #tpu.memory_space<vmem>>
    %dma_wait3A_242 = tpu.memref_slice %arg3[%dma_wait3A_229, %add3A_67] : memref<2x320000xi32, #tpu.memory_space<hbm>> -> memref<1x2000xi32, #tpu.memory_space<hbm>>
    %dma_wait3A_243 = tpu.memref_squeeze %dma_wait3A_242 : memref<1x2000xi32, #tpu.memory_space<hbm>> -> memref<2000xi32, #tpu.memory_space<hbm>>
    tpu.wait_dma2 semaphore(%dma_wait3A_238 : memref<!tpu.dma_semaphore, #tpu.memory_space<semaphore_mem>>) src(%dma_wait3A_243 : memref<2000xi32, #tpu.memory_space<hbm>>) dst(%dma_wait3A_241 : memref<2000xi32, #tpu.memory_space<vmem>>)
    %dma_wait3A_244 = arith.constant 0 : i32
    %dma_wait3A_245 = arith.constant 4 : i32
    %dma_wait3A_246 = arith.constant 1 : i32
    %dma_wait3A_247 = arith.constant 0 : i32
    %dma_wait3A_248 = tpu.memref_slice %arg6[%dma_wait3A_245, %dma_wait3A_247] : memref<5x2000xi32, #tpu.memory_space<vmem>> -> memref<1x2000xi32, #tpu.memory_space<vmem>>
    %dma_wait3A_249 = tpu.memref_squeeze %dma_wait3A_248 : memref<1x2000xi32, #tpu.memory_space<vmem>> -> memref<2000xi32, #tpu.memory_space<vmem>>
    %dma_wait3A_250 = tpu.memref_slice %arg3[%dma_wait3A_244, %add3A_84] : memref<2x320000xi32, #tpu.memory_space<hbm>> -> memref<1x2000xi32, #tpu.memory_space<hbm>>
    %dma_wait3A_251 = tpu.memref_squeeze %dma_wait3A_250 : memref<1x2000xi32, #tpu.memory_space<hbm>> -> memref<2000xi32, #tpu.memory_space<hbm>>
    %dma_wait3A_252 = tpu.memref_slice %arg10[%dma_wait3A_246] : memref<3x!tpu.dma_semaphore, #tpu.memory_space<semaphore_mem>> -> memref<1x!tpu.dma_semaphore, #tpu.memory_space<semaphore_mem>>
    %dma_wait3A_253 = tpu.memref_squeeze %dma_wait3A_252 : memref<1x!tpu.dma_semaphore, #tpu.memory_space<semaphore_mem>> -> memref<!tpu.dma_semaphore, #tpu.memory_space<semaphore_mem>>
    %dma_wait3A_254 = arith.constant 0 : i32
    %dma_wait3A_255 = tpu.memref_slice %arg6[%dma_wait3A_245, %dma_wait3A_254] : memref<5x2000xi32, #tpu.memory_space<vmem>> -> memref<1x2000xi32, #tpu.memory_space<vmem>>
    %dma_wait3A_256 = tpu.memref_squeeze %dma_wait3A_255 : memref<1x2000xi32, #tpu.memory_space<vmem>> -> memref<2000xi32, #tpu.memory_space<vmem>>
    %dma_wait3A_257 = tpu.memref_slice %arg3[%dma_wait3A_244, %add3A_84] : memref<2x320000xi32, #tpu.memory_space<hbm>> -> memref<1x2000xi32, #tpu.memory_space<hbm>>
    %dma_wait3A_258 = tpu.memref_squeeze %dma_wait3A_257 : memref<1x2000xi32, #tpu.memory_space<hbm>> -> memref<2000xi32, #tpu.memory_space<hbm>>
    tpu.wait_dma2 semaphore(%dma_wait3A_253 : memref<!tpu.dma_semaphore, #tpu.memory_space<semaphore_mem>>) src(%dma_wait3A_258 : memref<2000xi32, #tpu.memory_space<hbm>>) dst(%dma_wait3A_256 : memref<2000xi32, #tpu.memory_space<vmem>>)
    %dma_start3A_259 = arith.constant 0 : i32
    %dma_start3A_260 = arith.constant 0 : i32
    %dma_start3A_261 = arith.constant 0 : i32
    %dma_start3A_262 = arith.constant 0 : i32
    %dma_start3A_263 = arith.constant 0 : i32
    %dma_start3A_264 = tpu.memref_slice %arg8[%dma_start3A_260, %dma_start3A_262, %dma_start3A_263] : memref<5x2000x8xf32, #tpu.memory_space<vmem>> -> memref<1x2000x8xf32, #tpu.memory_space<vmem>>
    %dma_start3A_265 = tpu.memref_squeeze %dma_start3A_264 : memref<1x2000x8xf32, #tpu.memory_space<vmem>> -> memref<2000x8xf32, #tpu.memory_space<vmem>>
    %dma_start3A_266 = arith.constant 0 : i32
    %dma_start3A_267 = tpu.memref_slice %arg6[%dma_start3A_259, %dma_start3A_266] : memref<5x2000xi32, #tpu.memory_space<vmem>> -> memref<1x2000xi32, #tpu.memory_space<vmem>>
    %dma_start3A_268 = tpu.memref_squeeze %dma_start3A_267 : memref<1x2000xi32, #tpu.memory_space<vmem>> -> memref<2000xi32, #tpu.memory_space<vmem>>
    %dma_start3A_269 = arith.constant 0 : i32
    %dma_start3A_270 = arith.constant 0 : i32
    %dma_start3A_271 = tpu.memref_slice %arg2[%dma_start3A_269, %dma_start3A_270] : memref<10240x8xf32, #tpu.memory_space<hbm>> -> memref<10240x8xf32, #tpu.memory_space<hbm>>
    %dma_start3A_272 = tpu.memref_slice %arg11[%dma_start3A_261] : memref<5x!tpu.dma_semaphore, #tpu.memory_space<semaphore_mem>> -> memref<1x!tpu.dma_semaphore, #tpu.memory_space<semaphore_mem>>
    %dma_start3A_273 = tpu.memref_squeeze %dma_start3A_272 : memref<1x!tpu.dma_semaphore, #tpu.memory_space<semaphore_mem>> -> memref<!tpu.dma_semaphore, #tpu.memory_space<semaphore_mem>>
    tpu.enqueue_indirect_dma source(%dma_start3A_271 : memref<10240x8xf32, #tpu.memory_space<hbm>>) target(%dma_start3A_265 : memref<2000x8xf32, #tpu.memory_space<vmem>>) offsets(%dma_start3A_268 : memref<2000xi32, #tpu.memory_space<vmem>>) semaphore(%dma_start3A_273 : memref<!tpu.dma_semaphore, #tpu.memory_space<semaphore_mem>>)
    %dma_start3A_274 = arith.constant 1 : i32
    %dma_start3A_275 = arith.constant 1 : i32
    %dma_start3A_276 = arith.constant 1 : i32
    %dma_start3A_277 = arith.constant 0 : i32
    %dma_start3A_278 = arith.constant 0 : i32
    %dma_start3A_279 = tpu.memref_slice %arg8[%dma_start3A_275, %dma_start3A_277, %dma_start3A_278] : memref<5x2000x8xf32, #tpu.memory_space<vmem>> -> memref<1x2000x8xf32, #tpu.memory_space<vmem>>
    %dma_start3A_280 = tpu.memref_squeeze %dma_start3A_279 : memref<1x2000x8xf32, #tpu.memory_space<vmem>> -> memref<2000x8xf32, #tpu.memory_space<vmem>>
    %dma_start3A_281 = arith.constant 0 : i32
    %dma_start3A_282 = tpu.memref_slice %arg6[%dma_start3A_274, %dma_start3A_281] : memref<5x2000xi32, #tpu.memory_space<vmem>> -> memref<1x2000xi32, #tpu.memory_space<vmem>>
    %dma_start3A_283 = tpu.memref_squeeze %dma_start3A_282 : memref<1x2000xi32, #tpu.memory_space<vmem>> -> memref<2000xi32, #tpu.memory_space<vmem>>
    %dma_start3A_284 = arith.constant 0 : i32
    %dma_start3A_285 = arith.constant 0 : i32
    %dma_start3A_286 = tpu.memref_slice %arg2[%dma_start3A_284, %dma_start3A_285] : memref<10240x8xf32, #tpu.memory_space<hbm>> -> memref<10240x8xf32, #tpu.memory_space<hbm>>
    %dma_start3A_287 = tpu.memref_slice %arg11[%dma_start3A_276] : memref<5x!tpu.dma_semaphore, #tpu.memory_space<semaphore_mem>> -> memref<1x!tpu.dma_semaphore, #tpu.memory_space<semaphore_mem>>
    %dma_start3A_288 = tpu.memref_squeeze %dma_start3A_287 : memref<1x!tpu.dma_semaphore, #tpu.memory_space<semaphore_mem>> -> memref<!tpu.dma_semaphore, #tpu.memory_space<semaphore_mem>>
    tpu.enqueue_indirect_dma source(%dma_start3A_286 : memref<10240x8xf32, #tpu.memory_space<hbm>>) target(%dma_start3A_280 : memref<2000x8xf32, #tpu.memory_space<vmem>>) offsets(%dma_start3A_283 : memref<2000xi32, #tpu.memory_space<vmem>>) semaphore(%dma_start3A_288 : memref<!tpu.dma_semaphore, #tpu.memory_space<semaphore_mem>>)
    %dma_start3A_289 = arith.constant 2 : i32
    %dma_start3A_290 = arith.constant 2 : i32
    %dma_start3A_291 = arith.constant 2 : i32
    %dma_start3A_292 = arith.constant 0 : i32
    %dma_start3A_293 = arith.constant 0 : i32
    %dma_start3A_294 = tpu.memref_slice %arg8[%dma_start3A_290, %dma_start3A_292, %dma_start3A_293] : memref<5x2000x8xf32, #tpu.memory_space<vmem>> -> memref<1x2000x8xf32, #tpu.memory_space<vmem>>
    %dma_start3A_295 = tpu.memref_squeeze %dma_start3A_294 : memref<1x2000x8xf32, #tpu.memory_space<vmem>> -> memref<2000x8xf32, #tpu.memory_space<vmem>>
    %dma_start3A_296 = arith.constant 0 : i32
    %dma_start3A_297 = tpu.memref_slice %arg6[%dma_start3A_289, %dma_start3A_296] : memref<5x2000xi32, #tpu.memory_space<vmem>> -> memref<1x2000xi32, #tpu.memory_space<vmem>>
    %dma_start3A_298 = tpu.memref_squeeze %dma_start3A_297 : memref<1x2000xi32, #tpu.memory_space<vmem>> -> memref<2000xi32, #tpu.memory_space<vmem>>
    %dma_start3A_299 = arith.constant 0 : i32
    %dma_start3A_300 = arith.constant 0 : i32
    %dma_start3A_301 = tpu.memref_slice %arg2[%dma_start3A_299, %dma_start3A_300] : memref<10240x8xf32, #tpu.memory_space<hbm>> -> memref<10240x8xf32, #tpu.memory_space<hbm>>
    %dma_start3A_302 = tpu.memref_slice %arg11[%dma_start3A_291] : memref<5x!tpu.dma_semaphore, #tpu.memory_space<semaphore_mem>> -> memref<1x!tpu.dma_semaphore, #tpu.memory_space<semaphore_mem>>
    %dma_start3A_303 = tpu.memref_squeeze %dma_start3A_302 : memref<1x!tpu.dma_semaphore, #tpu.memory_space<semaphore_mem>> -> memref<!tpu.dma_semaphore, #tpu.memory_space<semaphore_mem>>
    tpu.enqueue_indirect_dma source(%dma_start3A_301 : memref<10240x8xf32, #tpu.memory_space<hbm>>) target(%dma_start3A_295 : memref<2000x8xf32, #tpu.memory_space<vmem>>) offsets(%dma_start3A_298 : memref<2000xi32, #tpu.memory_space<vmem>>) semaphore(%dma_start3A_303 : memref<!tpu.dma_semaphore, #tpu.memory_space<semaphore_mem>>)
    %dma_start3A_304 = arith.constant 3 : i32
    %dma_start3A_305 = arith.constant 3 : i32
    %dma_start3A_306 = arith.constant 3 : i32
    %dma_start3A_307 = arith.constant 0 : i32
    %dma_start3A_308 = arith.constant 0 : i32
    %dma_start3A_309 = tpu.memref_slice %arg8[%dma_start3A_305, %dma_start3A_307, %dma_start3A_308] : memref<5x2000x8xf32, #tpu.memory_space<vmem>> -> memref<1x2000x8xf32, #tpu.memory_space<vmem>>
    %dma_start3A_310 = tpu.memref_squeeze %dma_start3A_309 : memref<1x2000x8xf32, #tpu.memory_space<vmem>> -> memref<2000x8xf32, #tpu.memory_space<vmem>>
    %dma_start3A_311 = arith.constant 0 : i32
    %dma_start3A_312 = tpu.memref_slice %arg6[%dma_start3A_304, %dma_start3A_311] : memref<5x2000xi32, #tpu.memory_space<vmem>> -> memref<1x2000xi32, #tpu.memory_space<vmem>>
    %dma_start3A_313 = tpu.memref_squeeze %dma_start3A_312 : memref<1x2000xi32, #tpu.memory_space<vmem>> -> memref<2000xi32, #tpu.memory_space<vmem>>
    %dma_start3A_314 = arith.constant 0 : i32
    %dma_start3A_315 = arith.constant 0 : i32
    %dma_start3A_316 = tpu.memref_slice %arg2[%dma_start3A_314, %dma_start3A_315] : memref<10240x8xf32, #tpu.memory_space<hbm>> -> memref<10240x8xf32, #tpu.memory_space<hbm>>
    %dma_start3A_317 = tpu.memref_slice %arg11[%dma_start3A_306] : memref<5x!tpu.dma_semaphore, #tpu.memory_space<semaphore_mem>> -> memref<1x!tpu.dma_semaphore, #tpu.memory_space<semaphore_mem>>
    %dma_start3A_318 = tpu.memref_squeeze %dma_start3A_317 : memref<1x!tpu.dma_semaphore, #tpu.memory_space<semaphore_mem>> -> memref<!tpu.dma_semaphore, #tpu.memory_space<semaphore_mem>>
    tpu.enqueue_indirect_dma source(%dma_start3A_316 : memref<10240x8xf32, #tpu.memory_space<hbm>>) target(%dma_start3A_310 : memref<2000x8xf32, #tpu.memory_space<vmem>>) offsets(%dma_start3A_313 : memref<2000xi32, #tpu.memory_space<vmem>>) semaphore(%dma_start3A_318 : memref<!tpu.dma_semaphore, #tpu.memory_space<semaphore_mem>>)
    %dma_start3A_319 = arith.constant 4 : i32
    %dma_start3A_320 = arith.constant 4 : i32
    %dma_start3A_321 = arith.constant 4 : i32
    %dma_start3A_322 = arith.constant 0 : i32
    %dma_start3A_323 = arith.constant 0 : i32
    %dma_start3A_324 = tpu.memref_slice %arg8[%dma_start3A_320, %dma_start3A_322, %dma_start3A_323] : memref<5x2000x8xf32, #tpu.memory_space<vmem>> -> memref<1x2000x8xf32, #tpu.memory_space<vmem>>
    %dma_start3A_325 = tpu.memref_squeeze %dma_start3A_324 : memref<1x2000x8xf32, #tpu.memory_space<vmem>> -> memref<2000x8xf32, #tpu.memory_space<vmem>>
    %dma_start3A_326 = arith.constant 0 : i32
    %dma_start3A_327 = tpu.memref_slice %arg6[%dma_start3A_319, %dma_start3A_326] : memref<5x2000xi32, #tpu.memory_space<vmem>> -> memref<1x2000xi32, #tpu.memory_space<vmem>>
    %dma_start3A_328 = tpu.memref_squeeze %dma_start3A_327 : memref<1x2000xi32, #tpu.memory_space<vmem>> -> memref<2000xi32, #tpu.memory_space<vmem>>
    %dma_start3A_329 = arith.constant 0 : i32
    %dma_start3A_330 = arith.constant 0 : i32
    %dma_start3A_331 = tpu.memref_slice %arg2[%dma_start3A_329, %dma_start3A_330] : memref<10240x8xf32, #tpu.memory_space<hbm>> -> memref<10240x8xf32, #tpu.memory_space<hbm>>
    %dma_start3A_332 = tpu.memref_slice %arg11[%dma_start3A_321] : memref<5x!tpu.dma_semaphore, #tpu.memory_space<semaphore_mem>> -> memref<1x!tpu.dma_semaphore, #tpu.memory_space<semaphore_mem>>
    %dma_start3A_333 = tpu.memref_squeeze %dma_start3A_332 : memref<1x!tpu.dma_semaphore, #tpu.memory_space<semaphore_mem>> -> memref<!tpu.dma_semaphore, #tpu.memory_space<semaphore_mem>>
    tpu.enqueue_indirect_dma source(%dma_start3A_331 : memref<10240x8xf32, #tpu.memory_space<hbm>>) target(%dma_start3A_325 : memref<2000x8xf32, #tpu.memory_space<vmem>>) offsets(%dma_start3A_328 : memref<2000xi32, #tpu.memory_space<vmem>>) semaphore(%dma_start3A_333 : memref<!tpu.dma_semaphore, #tpu.memory_space<semaphore_mem>>)
    %dma_wait3A_334 = arith.constant 0 : i32
    %dma_wait3A_335 = tpu.memref_slice %arg10[%dma_wait3A_334] : memref<3x!tpu.dma_semaphore, #tpu.memory_space<semaphore_mem>> -> memref<1x!tpu.dma_semaphore, #tpu.memory_space<semaphore_mem>>
    %dma_wait3A_336 = tpu.memref_squeeze %dma_wait3A_335 : memref<1x!tpu.dma_semaphore, #tpu.memory_space<semaphore_mem>> -> memref<!tpu.dma_semaphore, #tpu.memory_space<semaphore_mem>>
    %dma_wait3A_337 = arith.constant 0 : i32
    %dma_wait3A_338 = tpu.memref_slice %arg9[%mul3A_8, %dma_wait3A_337] : memref<10240x8xf32, #tpu.memory_space<vmem_shared>> -> memref<640x8xf32, #tpu.memory_space<vmem_shared>>
    %dma_wait3A_339 = arith.constant 0 : i32
    %dma_wait3A_340 = tpu.memref_slice %arg4[%mul3A_6, %dma_wait3A_339] : memref<10240x8xf32, #tpu.memory_space<hbm>> -> memref<640x8xf32, #tpu.memory_space<hbm>>
    tpu.wait_dma2 semaphore(%dma_wait3A_336 : memref<!tpu.dma_semaphore, #tpu.memory_space<semaphore_mem>>) src(%dma_wait3A_340 : memref<640x8xf32, #tpu.memory_space<hbm>>) dst(%dma_wait3A_338 : memref<640x8xf32, #tpu.memory_space<vmem_shared>>)
    %dma_wait3A_341 = arith.constant 1 : i32
    %dma_wait3A_342 = arith.constant 0 : i32
    %dma_wait3A_343 = arith.constant 2 : i32
    %dma_wait3A_344 = arith.constant 0 : i32
    %dma_wait3A_345 = tpu.memref_slice %arg7[%dma_wait3A_342, %dma_wait3A_344] : memref<5x2000xi32, #tpu.memory_space<vmem>> -> memref<1x2000xi32, #tpu.memory_space<vmem>>
    %dma_wait3A_346 = tpu.memref_squeeze %dma_wait3A_345 : memref<1x2000xi32, #tpu.memory_space<vmem>> -> memref<2000xi32, #tpu.memory_space<vmem>>
    %dma_wait3A_347 = tpu.memref_slice %arg3[%dma_wait3A_341, %add3A_101] : memref<2x320000xi32, #tpu.memory_space<hbm>> -> memref<1x2000xi32, #tpu.memory_space<hbm>>
    %dma_wait3A_348 = tpu.memref_squeeze %dma_wait3A_347 : memref<1x2000xi32, #tpu.memory_space<hbm>> -> memref<2000xi32, #tpu.memory_space<hbm>>
    %dma_wait3A_349 = tpu.memref_slice %arg10[%dma_wait3A_343] : memref<3x!tpu.dma_semaphore, #tpu.memory_space<semaphore_mem>> -> memref<1x!tpu.dma_semaphore, #tpu.memory_space<semaphore_mem>>
    %dma_wait3A_350 = tpu.memref_squeeze %dma_wait3A_349 : memref<1x!tpu.dma_semaphore, #tpu.memory_space<semaphore_mem>> -> memref<!tpu.dma_semaphore, #tpu.memory_space<semaphore_mem>>
    %dma_wait3A_351 = arith.constant 0 : i32
    %dma_wait3A_352 = tpu.memref_slice %arg7[%dma_wait3A_342, %dma_wait3A_351] : memref<5x2000xi32, #tpu.memory_space<vmem>> -> memref<1x2000xi32, #tpu.memory_space<vmem>>
    %dma_wait3A_353 = tpu.memref_squeeze %dma_wait3A_352 : memref<1x2000xi32, #tpu.memory_space<vmem>> -> memref<2000xi32, #tpu.memory_space<vmem>>
    %dma_wait3A_354 = tpu.memref_slice %arg3[%dma_wait3A_341, %add3A_101] : memref<2x320000xi32, #tpu.memory_space<hbm>> -> memref<1x2000xi32, #tpu.memory_space<hbm>>
    %dma_wait3A_355 = tpu.memref_squeeze %dma_wait3A_354 : memref<1x2000xi32, #tpu.memory_space<hbm>> -> memref<2000xi32, #tpu.memory_space<hbm>>
    tpu.wait_dma2 semaphore(%dma_wait3A_350 : memref<!tpu.dma_semaphore, #tpu.memory_space<semaphore_mem>>) src(%dma_wait3A_355 : memref<2000xi32, #tpu.memory_space<hbm>>) dst(%dma_wait3A_353 : memref<2000xi32, #tpu.memory_space<vmem>>)
    %dma_wait3A_356 = arith.constant 1 : i32
    %dma_wait3A_357 = arith.constant 1 : i32
    %dma_wait3A_358 = arith.constant 2 : i32
    %dma_wait3A_359 = arith.constant 0 : i32
    %dma_wait3A_360 = tpu.memref_slice %arg7[%dma_wait3A_357, %dma_wait3A_359] : memref<5x2000xi32, #tpu.memory_space<vmem>> -> memref<1x2000xi32, #tpu.memory_space<vmem>>
    %dma_wait3A_361 = tpu.memref_squeeze %dma_wait3A_360 : memref<1x2000xi32, #tpu.memory_space<vmem>> -> memref<2000xi32, #tpu.memory_space<vmem>>
    %dma_wait3A_362 = tpu.memref_slice %arg3[%dma_wait3A_356, %add3A_118] : memref<2x320000xi32, #tpu.memory_space<hbm>> -> memref<1x2000xi32, #tpu.memory_space<hbm>>
    %dma_wait3A_363 = tpu.memref_squeeze %dma_wait3A_362 : memref<1x2000xi32, #tpu.memory_space<hbm>> -> memref<2000xi32, #tpu.memory_space<hbm>>
    %dma_wait3A_364 = tpu.memref_slice %arg10[%dma_wait3A_358] : memref<3x!tpu.dma_semaphore, #tpu.memory_space<semaphore_mem>> -> memref<1x!tpu.dma_semaphore, #tpu.memory_space<semaphore_mem>>
    %dma_wait3A_365 = tpu.memref_squeeze %dma_wait3A_364 : memref<1x!tpu.dma_semaphore, #tpu.memory_space<semaphore_mem>> -> memref<!tpu.dma_semaphore, #tpu.memory_space<semaphore_mem>>
    %dma_wait3A_366 = arith.constant 0 : i32
    %dma_wait3A_367 = tpu.memref_slice %arg7[%dma_wait3A_357, %dma_wait3A_366] : memref<5x2000xi32, #tpu.memory_space<vmem>> -> memref<1x2000xi32, #tpu.memory_space<vmem>>
    %dma_wait3A_368 = tpu.memref_squeeze %dma_wait3A_367 : memref<1x2000xi32, #tpu.memory_space<vmem>> -> memref<2000xi32, #tpu.memory_space<vmem>>
    %dma_wait3A_369 = tpu.memref_slice %arg3[%dma_wait3A_356, %add3A_118] : memref<2x320000xi32, #tpu.memory_space<hbm>> -> memref<1x2000xi32, #tpu.memory_space<hbm>>
    %dma_wait3A_370 = tpu.memref_squeeze %dma_wait3A_369 : memref<1x2000xi32, #tpu.memory_space<hbm>> -> memref<2000xi32, #tpu.memory_space<hbm>>
    tpu.wait_dma2 semaphore(%dma_wait3A_365 : memref<!tpu.dma_semaphore, #tpu.memory_space<semaphore_mem>>) src(%dma_wait3A_370 : memref<2000xi32, #tpu.memory_space<hbm>>) dst(%dma_wait3A_368 : memref<2000xi32, #tpu.memory_space<vmem>>)
    %dma_wait3A_371 = arith.constant 1 : i32
    %dma_wait3A_372 = arith.constant 2 : i32
    %dma_wait3A_373 = arith.constant 2 : i32
    %dma_wait3A_374 = arith.constant 0 : i32
    %dma_wait3A_375 = tpu.memref_slice %arg7[%dma_wait3A_372, %dma_wait3A_374] : memref<5x2000xi32, #tpu.memory_space<vmem>> -> memref<1x2000xi32, #tpu.memory_space<vmem>>
    %dma_wait3A_376 = tpu.memref_squeeze %dma_wait3A_375 : memref<1x2000xi32, #tpu.memory_space<vmem>> -> memref<2000xi32, #tpu.memory_space<vmem>>
    %dma_wait3A_377 = tpu.memref_slice %arg3[%dma_wait3A_371, %add3A_135] : memref<2x320000xi32, #tpu.memory_space<hbm>> -> memref<1x2000xi32, #tpu.memory_space<hbm>>
    %dma_wait3A_378 = tpu.memref_squeeze %dma_wait3A_377 : memref<1x2000xi32, #tpu.memory_space<hbm>> -> memref<2000xi32, #tpu.memory_space<hbm>>
    %dma_wait3A_379 = tpu.memref_slice %arg10[%dma_wait3A_373] : memref<3x!tpu.dma_semaphore, #tpu.memory_space<semaphore_mem>> -> memref<1x!tpu.dma_semaphore, #tpu.memory_space<semaphore_mem>>
    %dma_wait3A_380 = tpu.memref_squeeze %dma_wait3A_379 : memref<1x!tpu.dma_semaphore, #tpu.memory_space<semaphore_mem>> -> memref<!tpu.dma_semaphore, #tpu.memory_space<semaphore_mem>>
    %dma_wait3A_381 = arith.constant 0 : i32
    %dma_wait3A_382 = tpu.memref_slice %arg7[%dma_wait3A_372, %dma_wait3A_381] : memref<5x2000xi32, #tpu.memory_space<vmem>> -> memref<1x2000xi32, #tpu.memory_space<vmem>>
    %dma_wait3A_383 = tpu.memref_squeeze %dma_wait3A_382 : memref<1x2000xi32, #tpu.memory_space<vmem>> -> memref<2000xi32, #tpu.memory_space<vmem>>
    %dma_wait3A_384 = tpu.memref_slice %arg3[%dma_wait3A_371, %add3A_135] : memref<2x320000xi32, #tpu.memory_space<hbm>> -> memref<1x2000xi32, #tpu.memory_space<hbm>>
    %dma_wait3A_385 = tpu.memref_squeeze %dma_wait3A_384 : memref<1x2000xi32, #tpu.memory_space<hbm>> -> memref<2000xi32, #tpu.memory_space<hbm>>
    tpu.wait_dma2 semaphore(%dma_wait3A_380 : memref<!tpu.dma_semaphore, #tpu.memory_space<semaphore_mem>>) src(%dma_wait3A_385 : memref<2000xi32, #tpu.memory_space<hbm>>) dst(%dma_wait3A_383 : memref<2000xi32, #tpu.memory_space<vmem>>)
    %dma_wait3A_386 = arith.constant 1 : i32
    %dma_wait3A_387 = arith.constant 3 : i32
    %dma_wait3A_388 = arith.constant 2 : i32
    %dma_wait3A_389 = arith.constant 0 : i32
    %dma_wait3A_390 = tpu.memref_slice %arg7[%dma_wait3A_387, %dma_wait3A_389] : memref<5x2000xi32, #tpu.memory_space<vmem>> -> memref<1x2000xi32, #tpu.memory_space<vmem>>
    %dma_wait3A_391 = tpu.memref_squeeze %dma_wait3A_390 : memref<1x2000xi32, #tpu.memory_space<vmem>> -> memref<2000xi32, #tpu.memory_space<vmem>>
    %dma_wait3A_392 = tpu.memref_slice %arg3[%dma_wait3A_386, %add3A_152] : memref<2x320000xi32, #tpu.memory_space<hbm>> -> memref<1x2000xi32, #tpu.memory_space<hbm>>
    %dma_wait3A_393 = tpu.memref_squeeze %dma_wait3A_392 : memref<1x2000xi32, #tpu.memory_space<hbm>> -> memref<2000xi32, #tpu.memory_space<hbm>>
    %dma_wait3A_394 = tpu.memref_slice %arg10[%dma_wait3A_388] : memref<3x!tpu.dma_semaphore, #tpu.memory_space<semaphore_mem>> -> memref<1x!tpu.dma_semaphore, #tpu.memory_space<semaphore_mem>>
    %dma_wait3A_395 = tpu.memref_squeeze %dma_wait3A_394 : memref<1x!tpu.dma_semaphore, #tpu.memory_space<semaphore_mem>> -> memref<!tpu.dma_semaphore, #tpu.memory_space<semaphore_mem>>
    %dma_wait3A_396 = arith.constant 0 : i32
    %dma_wait3A_397 = tpu.memref_slice %arg7[%dma_wait3A_387, %dma_wait3A_396] : memref<5x2000xi32, #tpu.memory_space<vmem>> -> memref<1x2000xi32, #tpu.memory_space<vmem>>
    %dma_wait3A_398 = tpu.memref_squeeze %dma_wait3A_397 : memref<1x2000xi32, #tpu.memory_space<vmem>> -> memref<2000xi32, #tpu.memory_space<vmem>>
    %dma_wait3A_399 = tpu.memref_slice %arg3[%dma_wait3A_386, %add3A_152] : memref<2x320000xi32, #tpu.memory_space<hbm>> -> memref<1x2000xi32, #tpu.memory_space<hbm>>
    %dma_wait3A_400 = tpu.memref_squeeze %dma_wait3A_399 : memref<1x2000xi32, #tpu.memory_space<hbm>> -> memref<2000xi32, #tpu.memory_space<hbm>>
    tpu.wait_dma2 semaphore(%dma_wait3A_395 : memref<!tpu.dma_semaphore, #tpu.memory_space<semaphore_mem>>) src(%dma_wait3A_400 : memref<2000xi32, #tpu.memory_space<hbm>>) dst(%dma_wait3A_398 : memref<2000xi32, #tpu.memory_space<vmem>>)
    %dma_wait3A_401 = arith.constant 1 : i32
    %dma_wait3A_402 = arith.constant 4 : i32
    %dma_wait3A_403 = arith.constant 2 : i32
    %dma_wait3A_404 = arith.constant 0 : i32
    %dma_wait3A_405 = tpu.memref_slice %arg7[%dma_wait3A_402, %dma_wait3A_404] : memref<5x2000xi32, #tpu.memory_space<vmem>> -> memref<1x2000xi32, #tpu.memory_space<vmem>>
    %dma_wait3A_406 = tpu.memref_squeeze %dma_wait3A_405 : memref<1x2000xi32, #tpu.memory_space<vmem>> -> memref<2000xi32, #tpu.memory_space<vmem>>
    %dma_wait3A_407 = tpu.memref_slice %arg3[%dma_wait3A_401, %add3A_169] : memref<2x320000xi32, #tpu.memory_space<hbm>> -> memref<1x2000xi32, #tpu.memory_space<hbm>>
    %dma_wait3A_408 = tpu.memref_squeeze %dma_wait3A_407 : memref<1x2000xi32, #tpu.memory_space<hbm>> -> memref<2000xi32, #tpu.memory_space<hbm>>
    %dma_wait3A_409 = tpu.memref_slice %arg10[%dma_wait3A_403] : memref<3x!tpu.dma_semaphore, #tpu.memory_space<semaphore_mem>> -> memref<1x!tpu.dma_semaphore, #tpu.memory_space<semaphore_mem>>
    %dma_wait3A_410 = tpu.memref_squeeze %dma_wait3A_409 : memref<1x!tpu.dma_semaphore, #tpu.memory_space<semaphore_mem>> -> memref<!tpu.dma_semaphore, #tpu.memory_space<semaphore_mem>>
    %dma_wait3A_411 = arith.constant 0 : i32
    %dma_wait3A_412 = tpu.memref_slice %arg7[%dma_wait3A_402, %dma_wait3A_411] : memref<5x2000xi32, #tpu.memory_space<vmem>> -> memref<1x2000xi32, #tpu.memory_space<vmem>>
    %dma_wait3A_413 = tpu.memref_squeeze %dma_wait3A_412 : memref<1x2000xi32, #tpu.memory_space<vmem>> -> memref<2000xi32, #tpu.memory_space<vmem>>
    %dma_wait3A_414 = tpu.memref_slice %arg3[%dma_wait3A_401, %add3A_169] : memref<2x320000xi32, #tpu.memory_space<hbm>> -> memref<1x2000xi32, #tpu.memory_space<hbm>>
    %dma_wait3A_415 = tpu.memref_squeeze %dma_wait3A_414 : memref<1x2000xi32, #tpu.memory_space<hbm>> -> memref<2000xi32, #tpu.memory_space<hbm>>
    tpu.wait_dma2 semaphore(%dma_wait3A_410 : memref<!tpu.dma_semaphore, #tpu.memory_space<semaphore_mem>>) src(%dma_wait3A_415 : memref<2000xi32, #tpu.memory_space<hbm>>) dst(%dma_wait3A_413 : memref<2000xi32, #tpu.memory_space<vmem>>)
    %barrier3A = arith.constant 0 : index
    tpu.barrier barrier_id(%barrier3A)
    %dma_wait3A_416 = arith.constant 0 : i32
    %dma_wait3A_417 = arith.constant 0 : i32
    %dma_wait3A_418 = arith.constant 0 : i32
    %dma_wait3A_419 = arith.constant 0 : i32
    %dma_wait3A_420 = arith.constant 0 : i32
    %dma_wait3A_421 = tpu.memref_slice %arg8[%dma_wait3A_417, %dma_wait3A_419, %dma_wait3A_420] : memref<5x2000x8xf32, #tpu.memory_space<vmem>> -> memref<1x2000x8xf32, #tpu.memory_space<vmem>>
    %dma_wait3A_422 = tpu.memref_squeeze %dma_wait3A_421 : memref<1x2000x8xf32, #tpu.memory_space<vmem>> -> memref<2000x8xf32, #tpu.memory_space<vmem>>
    %dma_wait3A_423 = arith.constant 0 : i32
    %dma_wait3A_424 = tpu.memref_slice %arg6[%dma_wait3A_416, %dma_wait3A_423] : memref<5x2000xi32, #tpu.memory_space<vmem>> -> memref<1x2000xi32, #tpu.memory_space<vmem>>
    %dma_wait3A_425 = tpu.memref_squeeze %dma_wait3A_424 : memref<1x2000xi32, #tpu.memory_space<vmem>> -> memref<2000xi32, #tpu.memory_space<vmem>>
    %dma_wait3A_426 = arith.constant 0 : i32
    %dma_wait3A_427 = arith.constant 0 : i32
    %dma_wait3A_428 = tpu.memref_slice %arg2[%dma_wait3A_426, %dma_wait3A_427] : memref<10240x8xf32, #tpu.memory_space<hbm>> -> memref<10240x8xf32, #tpu.memory_space<hbm>>
    %dma_wait3A_429 = tpu.memref_slice %arg11[%dma_wait3A_418] : memref<5x!tpu.dma_semaphore, #tpu.memory_space<semaphore_mem>> -> memref<1x!tpu.dma_semaphore, #tpu.memory_space<semaphore_mem>>
    %dma_wait3A_430 = tpu.memref_squeeze %dma_wait3A_429 : memref<1x!tpu.dma_semaphore, #tpu.memory_space<semaphore_mem>> -> memref<!tpu.dma_semaphore, #tpu.memory_space<semaphore_mem>>
    tpu.wait_indirect_dma semaphore(%dma_wait3A_430 : memref<!tpu.dma_semaphore, #tpu.memory_space<semaphore_mem>>) src(%dma_wait3A_428 : memref<10240x8xf32, #tpu.memory_space<hbm>>) dst(%dma_wait3A_422 : memref<2000x8xf32, #tpu.memory_space<vmem>>)
    %dma_start3A_431 = arith.constant 0 : i32
    %dma_start3A_432 = arith.constant 0 : i32
    %dma_start3A_433 = arith.constant 0 : i32
    %dma_start3A_434 = arith.constant 0 : i32
    %dma_start3A_435 = arith.constant 0 : i32
    %dma_start3A_436 = tpu.memref_slice %arg8[%dma_start3A_431, %dma_start3A_434, %dma_start3A_435] : memref<5x2000x8xf32, #tpu.memory_space<vmem>> -> memref<1x2000x8xf32, #tpu.memory_space<vmem>>
    %dma_start3A_437 = tpu.memref_squeeze %dma_start3A_436 : memref<1x2000x8xf32, #tpu.memory_space<vmem>> -> memref<2000x8xf32, #tpu.memory_space<vmem>>
    %dma_start3A_438 = arith.constant 0 : i32
    %dma_start3A_439 = tpu.memref_slice %arg7[%dma_start3A_432, %dma_start3A_438] : memref<5x2000xi32, #tpu.memory_space<vmem>> -> memref<1x2000xi32, #tpu.memory_space<vmem>>
    %dma_start3A_440 = tpu.memref_squeeze %dma_start3A_439 : memref<1x2000xi32, #tpu.memory_space<vmem>> -> memref<2000xi32, #tpu.memory_space<vmem>>
    %dma_start3A_441 = arith.constant 0 : i32
    %dma_start3A_442 = arith.constant 0 : i32
    %dma_start3A_443 = tpu.memref_slice %arg9[%dma_start3A_441, %dma_start3A_442] : memref<10240x8xf32, #tpu.memory_space<vmem_shared>> -> memref<10240x8xf32, #tpu.memory_space<vmem_shared>>
    %dma_start3A_444 = tpu.memref_slice %arg12[%dma_start3A_433] : memref<5x!tpu.dma_semaphore, #tpu.memory_space<semaphore_mem>> -> memref<1x!tpu.dma_semaphore, #tpu.memory_space<semaphore_mem>>
    %dma_start3A_445 = tpu.memref_squeeze %dma_start3A_444 : memref<1x!tpu.dma_semaphore, #tpu.memory_space<semaphore_mem>> -> memref<!tpu.dma_semaphore, #tpu.memory_space<semaphore_mem>>
    tpu.enqueue_indirect_dma source(%dma_start3A_437 : memref<2000x8xf32, #tpu.memory_space<vmem>>) target(%dma_start3A_443 : memref<10240x8xf32, #tpu.memory_space<vmem_shared>>) offsets(%dma_start3A_440 : memref<2000xi32, #tpu.memory_space<vmem>>) semaphore(%dma_start3A_445 : memref<!tpu.dma_semaphore, #tpu.memory_space<semaphore_mem>>) {add = true}
    %dma_wait3A_446 = arith.constant 1 : i32
    %dma_wait3A_447 = arith.constant 1 : i32
    %dma_wait3A_448 = arith.constant 1 : i32
    %dma_wait3A_449 = arith.constant 0 : i32
    %dma_wait3A_450 = arith.constant 0 : i32
    %dma_wait3A_451 = tpu.memref_slice %arg8[%dma_wait3A_447, %dma_wait3A_449, %dma_wait3A_450] : memref<5x2000x8xf32, #tpu.memory_space<vmem>> -> memref<1x2000x8xf32, #tpu.memory_space<vmem>>
    %dma_wait3A_452 = tpu.memref_squeeze %dma_wait3A_451 : memref<1x2000x8xf32, #tpu.memory_space<vmem>> -> memref<2000x8xf32, #tpu.memory_space<vmem>>
    %dma_wait3A_453 = arith.constant 0 : i32
    %dma_wait3A_454 = tpu.memref_slice %arg6[%dma_wait3A_446, %dma_wait3A_453] : memref<5x2000xi32, #tpu.memory_space<vmem>> -> memref<1x2000xi32, #tpu.memory_space<vmem>>
    %dma_wait3A_455 = tpu.memref_squeeze %dma_wait3A_454 : memref<1x2000xi32, #tpu.memory_space<vmem>> -> memref<2000xi32, #tpu.memory_space<vmem>>
    %dma_wait3A_456 = arith.constant 0 : i32
    %dma_wait3A_457 = arith.constant 0 : i32
    %dma_wait3A_458 = tpu.memref_slice %arg2[%dma_wait3A_456, %dma_wait3A_457] : memref<10240x8xf32, #tpu.memory_space<hbm>> -> memref<10240x8xf32, #tpu.memory_space<hbm>>
    %dma_wait3A_459 = tpu.memref_slice %arg11[%dma_wait3A_448] : memref<5x!tpu.dma_semaphore, #tpu.memory_space<semaphore_mem>> -> memref<1x!tpu.dma_semaphore, #tpu.memory_space<semaphore_mem>>
    %dma_wait3A_460 = tpu.memref_squeeze %dma_wait3A_459 : memref<1x!tpu.dma_semaphore, #tpu.memory_space<semaphore_mem>> -> memref<!tpu.dma_semaphore, #tpu.memory_space<semaphore_mem>>
    tpu.wait_indirect_dma semaphore(%dma_wait3A_460 : memref<!tpu.dma_semaphore, #tpu.memory_space<semaphore_mem>>) src(%dma_wait3A_458 : memref<10240x8xf32, #tpu.memory_space<hbm>>) dst(%dma_wait3A_452 : memref<2000x8xf32, #tpu.memory_space<vmem>>)
    %dma_start3A_461 = arith.constant 1 : i32
    %dma_start3A_462 = arith.constant 1 : i32
    %dma_start3A_463 = arith.constant 1 : i32
    %dma_start3A_464 = arith.constant 0 : i32
    %dma_start3A_465 = arith.constant 0 : i32
    %dma_start3A_466 = tpu.memref_slice %arg8[%dma_start3A_461, %dma_start3A_464, %dma_start3A_465] : memref<5x2000x8xf32, #tpu.memory_space<vmem>> -> memref<1x2000x8xf32, #tpu.memory_space<vmem>>
    %dma_start3A_467 = tpu.memref_squeeze %dma_start3A_466 : memref<1x2000x8xf32, #tpu.memory_space<vmem>> -> memref<2000x8xf32, #tpu.memory_space<vmem>>
    %dma_start3A_468 = arith.constant 0 : i32
    %dma_start3A_469 = tpu.memref_slice %arg7[%dma_start3A_462, %dma_start3A_468] : memref<5x2000xi32, #tpu.memory_space<vmem>> -> memref<1x2000xi32, #tpu.memory_space<vmem>>
    %dma_start3A_470 = tpu.memref_squeeze %dma_start3A_469 : memref<1x2000xi32, #tpu.memory_space<vmem>> -> memref<2000xi32, #tpu.memory_space<vmem>>
    %dma_start3A_471 = arith.constant 0 : i32
    %dma_start3A_472 = arith.constant 0 : i32
    %dma_start3A_473 = tpu.memref_slice %arg9[%dma_start3A_471, %dma_start3A_472] : memref<10240x8xf32, #tpu.memory_space<vmem_shared>> -> memref<10240x8xf32, #tpu.memory_space<vmem_shared>>
    %dma_start3A_474 = tpu.memref_slice %arg12[%dma_start3A_463] : memref<5x!tpu.dma_semaphore, #tpu.memory_space<semaphore_mem>> -> memref<1x!tpu.dma_semaphore, #tpu.memory_space<semaphore_mem>>
    %dma_start3A_475 = tpu.memref_squeeze %dma_start3A_474 : memref<1x!tpu.dma_semaphore, #tpu.memory_space<semaphore_mem>> -> memref<!tpu.dma_semaphore, #tpu.memory_space<semaphore_mem>>
    tpu.enqueue_indirect_dma source(%dma_start3A_467 : memref<2000x8xf32, #tpu.memory_space<vmem>>) target(%dma_start3A_473 : memref<10240x8xf32, #tpu.memory_space<vmem_shared>>) offsets(%dma_start3A_470 : memref<2000xi32, #tpu.memory_space<vmem>>) semaphore(%dma_start3A_475 : memref<!tpu.dma_semaphore, #tpu.memory_space<semaphore_mem>>) {add = true}
    %dma_wait3A_476 = arith.constant 2 : i32
    %dma_wait3A_477 = arith.constant 2 : i32
    %dma_wait3A_478 = arith.constant 2 : i32
    %dma_wait3A_479 = arith.constant 0 : i32
    %dma_wait3A_480 = arith.constant 0 : i32
    %dma_wait3A_481 = tpu.memref_slice %arg8[%dma_wait3A_477, %dma_wait3A_479, %dma_wait3A_480] : memref<5x2000x8xf32, #tpu.memory_space<vmem>> -> memref<1x2000x8xf32, #tpu.memory_space<vmem>>
    %dma_wait3A_482 = tpu.memref_squeeze %dma_wait3A_481 : memref<1x2000x8xf32, #tpu.memory_space<vmem>> -> memref<2000x8xf32, #tpu.memory_space<vmem>>
    %dma_wait3A_483 = arith.constant 0 : i32
    %dma_wait3A_484 = tpu.memref_slice %arg6[%dma_wait3A_476, %dma_wait3A_483] : memref<5x2000xi32, #tpu.memory_space<vmem>> -> memref<1x2000xi32, #tpu.memory_space<vmem>>
    %dma_wait3A_485 = tpu.memref_squeeze %dma_wait3A_484 : memref<1x2000xi32, #tpu.memory_space<vmem>> -> memref<2000xi32, #tpu.memory_space<vmem>>
    %dma_wait3A_486 = arith.constant 0 : i32
    %dma_wait3A_487 = arith.constant 0 : i32
    %dma_wait3A_488 = tpu.memref_slice %arg2[%dma_wait3A_486, %dma_wait3A_487] : memref<10240x8xf32, #tpu.memory_space<hbm>> -> memref<10240x8xf32, #tpu.memory_space<hbm>>
    %dma_wait3A_489 = tpu.memref_slice %arg11[%dma_wait3A_478] : memref<5x!tpu.dma_semaphore, #tpu.memory_space<semaphore_mem>> -> memref<1x!tpu.dma_semaphore, #tpu.memory_space<semaphore_mem>>
    %dma_wait3A_490 = tpu.memref_squeeze %dma_wait3A_489 : memref<1x!tpu.dma_semaphore, #tpu.memory_space<semaphore_mem>> -> memref<!tpu.dma_semaphore, #tpu.memory_space<semaphore_mem>>
    tpu.wait_indirect_dma semaphore(%dma_wait3A_490 : memref<!tpu.dma_semaphore, #tpu.memory_space<semaphore_mem>>) src(%dma_wait3A_488 : memref<10240x8xf32, #tpu.memory_space<hbm>>) dst(%dma_wait3A_482 : memref<2000x8xf32, #tpu.memory_space<vmem>>)
    %dma_start3A_491 = arith.constant 2 : i32
    %dma_start3A_492 = arith.constant 2 : i32
    %dma_start3A_493 = arith.constant 2 : i32
    %dma_start3A_494 = arith.constant 0 : i32
    %dma_start3A_495 = arith.constant 0 : i32
    %dma_start3A_496 = tpu.memref_slice %arg8[%dma_start3A_491, %dma_start3A_494, %dma_start3A_495] : memref<5x2000x8xf32, #tpu.memory_space<vmem>> -> memref<1x2000x8xf32, #tpu.memory_space<vmem>>
    %dma_start3A_497 = tpu.memref_squeeze %dma_start3A_496 : memref<1x2000x8xf32, #tpu.memory_space<vmem>> -> memref<2000x8xf32, #tpu.memory_space<vmem>>
    %dma_start3A_498 = arith.constant 0 : i32
    %dma_start3A_499 = tpu.memref_slice %arg7[%dma_start3A_492, %dma_start3A_498] : memref<5x2000xi32, #tpu.memory_space<vmem>> -> memref<1x2000xi32, #tpu.memory_space<vmem>>
    %dma_start3A_500 = tpu.memref_squeeze %dma_start3A_499 : memref<1x2000xi32, #tpu.memory_space<vmem>> -> memref<2000xi32, #tpu.memory_space<vmem>>
    %dma_start3A_501 = arith.constant 0 : i32
    %dma_start3A_502 = arith.constant 0 : i32
    %dma_start3A_503 = tpu.memref_slice %arg9[%dma_start3A_501, %dma_start3A_502] : memref<10240x8xf32, #tpu.memory_space<vmem_shared>> -> memref<10240x8xf32, #tpu.memory_space<vmem_shared>>
    %dma_start3A_504 = tpu.memref_slice %arg12[%dma_start3A_493] : memref<5x!tpu.dma_semaphore, #tpu.memory_space<semaphore_mem>> -> memref<1x!tpu.dma_semaphore, #tpu.memory_space<semaphore_mem>>
    %dma_start3A_505 = tpu.memref_squeeze %dma_start3A_504 : memref<1x!tpu.dma_semaphore, #tpu.memory_space<semaphore_mem>> -> memref<!tpu.dma_semaphore, #tpu.memory_space<semaphore_mem>>
    tpu.enqueue_indirect_dma source(%dma_start3A_497 : memref<2000x8xf32, #tpu.memory_space<vmem>>) target(%dma_start3A_503 : memref<10240x8xf32, #tpu.memory_space<vmem_shared>>) offsets(%dma_start3A_500 : memref<2000xi32, #tpu.memory_space<vmem>>) semaphore(%dma_start3A_505 : memref<!tpu.dma_semaphore, #tpu.memory_space<semaphore_mem>>) {add = true}
    %dma_wait3A_506 = arith.constant 3 : i32
    %dma_wait3A_507 = arith.constant 3 : i32
    %dma_wait3A_508 = arith.constant 3 : i32
    %dma_wait3A_509 = arith.constant 0 : i32
    %dma_wait3A_510 = arith.constant 0 : i32
    %dma_wait3A_511 = tpu.memref_slice %arg8[%dma_wait3A_507, %dma_wait3A_509, %dma_wait3A_510] : memref<5x2000x8xf32, #tpu.memory_space<vmem>> -> memref<1x2000x8xf32, #tpu.memory_space<vmem>>
    %dma_wait3A_512 = tpu.memref_squeeze %dma_wait3A_511 : memref<1x2000x8xf32, #tpu.memory_space<vmem>> -> memref<2000x8xf32, #tpu.memory_space<vmem>>
    %dma_wait3A_513 = arith.constant 0 : i32
    %dma_wait3A_514 = tpu.memref_slice %arg6[%dma_wait3A_506, %dma_wait3A_513] : memref<5x2000xi32, #tpu.memory_space<vmem>> -> memref<1x2000xi32, #tpu.memory_space<vmem>>
    %dma_wait3A_515 = tpu.memref_squeeze %dma_wait3A_514 : memref<1x2000xi32, #tpu.memory_space<vmem>> -> memref<2000xi32, #tpu.memory_space<vmem>>
    %dma_wait3A_516 = arith.constant 0 : i32
    %dma_wait3A_517 = arith.constant 0 : i32
    %dma_wait3A_518 = tpu.memref_slice %arg2[%dma_wait3A_516, %dma_wait3A_517] : memref<10240x8xf32, #tpu.memory_space<hbm>> -> memref<10240x8xf32, #tpu.memory_space<hbm>>
    %dma_wait3A_519 = tpu.memref_slice %arg11[%dma_wait3A_508] : memref<5x!tpu.dma_semaphore, #tpu.memory_space<semaphore_mem>> -> memref<1x!tpu.dma_semaphore, #tpu.memory_space<semaphore_mem>>
    %dma_wait3A_520 = tpu.memref_squeeze %dma_wait3A_519 : memref<1x!tpu.dma_semaphore, #tpu.memory_space<semaphore_mem>> -> memref<!tpu.dma_semaphore, #tpu.memory_space<semaphore_mem>>
    tpu.wait_indirect_dma semaphore(%dma_wait3A_520 : memref<!tpu.dma_semaphore, #tpu.memory_space<semaphore_mem>>) src(%dma_wait3A_518 : memref<10240x8xf32, #tpu.memory_space<hbm>>) dst(%dma_wait3A_512 : memref<2000x8xf32, #tpu.memory_space<vmem>>)
    %dma_start3A_521 = arith.constant 3 : i32
    %dma_start3A_522 = arith.constant 3 : i32
    %dma_start3A_523 = arith.constant 3 : i32
    %dma_start3A_524 = arith.constant 0 : i32
    %dma_start3A_525 = arith.constant 0 : i32
    %dma_start3A_526 = tpu.memref_slice %arg8[%dma_start3A_521, %dma_start3A_524, %dma_start3A_525] : memref<5x2000x8xf32, #tpu.memory_space<vmem>> -> memref<1x2000x8xf32, #tpu.memory_space<vmem>>
    %dma_start3A_527 = tpu.memref_squeeze %dma_start3A_526 : memref<1x2000x8xf32, #tpu.memory_space<vmem>> -> memref<2000x8xf32, #tpu.memory_space<vmem>>
    %dma_start3A_528 = arith.constant 0 : i32
    %dma_start3A_529 = tpu.memref_slice %arg7[%dma_start3A_522, %dma_start3A_528] : memref<5x2000xi32, #tpu.memory_space<vmem>> -> memref<1x2000xi32, #tpu.memory_space<vmem>>
    %dma_start3A_530 = tpu.memref_squeeze %dma_start3A_529 : memref<1x2000xi32, #tpu.memory_space<vmem>> -> memref<2000xi32, #tpu.memory_space<vmem>>
    %dma_start3A_531 = arith.constant 0 : i32
    %dma_start3A_532 = arith.constant 0 : i32
    %dma_start3A_533 = tpu.memref_slice %arg9[%dma_start3A_531, %dma_start3A_532] : memref<10240x8xf32, #tpu.memory_space<vmem_shared>> -> memref<10240x8xf32, #tpu.memory_space<vmem_shared>>
    %dma_start3A_534 = tpu.memref_slice %arg12[%dma_start3A_523] : memref<5x!tpu.dma_semaphore, #tpu.memory_space<semaphore_mem>> -> memref<1x!tpu.dma_semaphore, #tpu.memory_space<semaphore_mem>>
    %dma_start3A_535 = tpu.memref_squeeze %dma_start3A_534 : memref<1x!tpu.dma_semaphore, #tpu.memory_space<semaphore_mem>> -> memref<!tpu.dma_semaphore, #tpu.memory_space<semaphore_mem>>
    tpu.enqueue_indirect_dma source(%dma_start3A_527 : memref<2000x8xf32, #tpu.memory_space<vmem>>) target(%dma_start3A_533 : memref<10240x8xf32, #tpu.memory_space<vmem_shared>>) offsets(%dma_start3A_530 : memref<2000xi32, #tpu.memory_space<vmem>>) semaphore(%dma_start3A_535 : memref<!tpu.dma_semaphore, #tpu.memory_space<semaphore_mem>>) {add = true}
    %dma_wait3A_536 = arith.constant 4 : i32
    %dma_wait3A_537 = arith.constant 4 : i32
    %dma_wait3A_538 = arith.constant 4 : i32
    %dma_wait3A_539 = arith.constant 0 : i32
    %dma_wait3A_540 = arith.constant 0 : i32
    %dma_wait3A_541 = tpu.memref_slice %arg8[%dma_wait3A_537, %dma_wait3A_539, %dma_wait3A_540] : memref<5x2000x8xf32, #tpu.memory_space<vmem>> -> memref<1x2000x8xf32, #tpu.memory_space<vmem>>
    %dma_wait3A_542 = tpu.memref_squeeze %dma_wait3A_541 : memref<1x2000x8xf32, #tpu.memory_space<vmem>> -> memref<2000x8xf32, #tpu.memory_space<vmem>>
    %dma_wait3A_543 = arith.constant 0 : i32
    %dma_wait3A_544 = tpu.memref_slice %arg6[%dma_wait3A_536, %dma_wait3A_543] : memref<5x2000xi32, #tpu.memory_space<vmem>> -> memref<1x2000xi32, #tpu.memory_space<vmem>>
    %dma_wait3A_545 = tpu.memref_squeeze %dma_wait3A_544 : memref<1x2000xi32, #tpu.memory_space<vmem>> -> memref<2000xi32, #tpu.memory_space<vmem>>
    %dma_wait3A_546 = arith.constant 0 : i32
    %dma_wait3A_547 = arith.constant 0 : i32
    %dma_wait3A_548 = tpu.memref_slice %arg2[%dma_wait3A_546, %dma_wait3A_547] : memref<10240x8xf32, #tpu.memory_space<hbm>> -> memref<10240x8xf32, #tpu.memory_space<hbm>>
    %dma_wait3A_549 = tpu.memref_slice %arg11[%dma_wait3A_538] : memref<5x!tpu.dma_semaphore, #tpu.memory_space<semaphore_mem>> -> memref<1x!tpu.dma_semaphore, #tpu.memory_space<semaphore_mem>>
    %dma_wait3A_550 = tpu.memref_squeeze %dma_wait3A_549 : memref<1x!tpu.dma_semaphore, #tpu.memory_space<semaphore_mem>> -> memref<!tpu.dma_semaphore, #tpu.memory_space<semaphore_mem>>
    tpu.wait_indirect_dma semaphore(%dma_wait3A_550 : memref<!tpu.dma_semaphore, #tpu.memory_space<semaphore_mem>>) src(%dma_wait3A_548 : memref<10240x8xf32, #tpu.memory_space<hbm>>) dst(%dma_wait3A_542 : memref<2000x8xf32, #tpu.memory_space<vmem>>)
    %dma_start3A_551 = arith.constant 4 : i32
    %dma_start3A_552 = arith.constant 4 : i32
    %dma_start3A_553 = arith.constant 4 : i32
    %dma_start3A_554 = arith.constant 0 : i32
    %dma_start3A_555 = arith.constant 0 : i32
    %dma_start3A_556 = tpu.memref_slice %arg8[%dma_start3A_551, %dma_start3A_554, %dma_start3A_555] : memref<5x2000x8xf32, #tpu.memory_space<vmem>> -> memref<1x2000x8xf32, #tpu.memory_space<vmem>>
    %dma_start3A_557 = tpu.memref_squeeze %dma_start3A_556 : memref<1x2000x8xf32, #tpu.memory_space<vmem>> -> memref<2000x8xf32, #tpu.memory_space<vmem>>
    %dma_start3A_558 = arith.constant 0 : i32
    %dma_start3A_559 = tpu.memref_slice %arg7[%dma_start3A_552, %dma_start3A_558] : memref<5x2000xi32, #tpu.memory_space<vmem>> -> memref<1x2000xi32, #tpu.memory_space<vmem>>
    %dma_start3A_560 = tpu.memref_squeeze %dma_start3A_559 : memref<1x2000xi32, #tpu.memory_space<vmem>> -> memref<2000xi32, #tpu.memory_space<vmem>>
    %dma_start3A_561 = arith.constant 0 : i32
    %dma_start3A_562 = arith.constant 0 : i32
    %dma_start3A_563 = tpu.memref_slice %arg9[%dma_start3A_561, %dma_start3A_562] : memref<10240x8xf32, #tpu.memory_space<vmem_shared>> -> memref<10240x8xf32, #tpu.memory_space<vmem_shared>>
    %dma_start3A_564 = tpu.memref_slice %arg12[%dma_start3A_553] : memref<5x!tpu.dma_semaphore, #tpu.memory_space<semaphore_mem>> -> memref<1x!tpu.dma_semaphore, #tpu.memory_space<semaphore_mem>>
    %dma_start3A_565 = tpu.memref_squeeze %dma_start3A_564 : memref<1x!tpu.dma_semaphore, #tpu.memory_space<semaphore_mem>> -> memref<!tpu.dma_semaphore, #tpu.memory_space<semaphore_mem>>
    tpu.enqueue_indirect_dma source(%dma_start3A_557 : memref<2000x8xf32, #tpu.memory_space<vmem>>) target(%dma_start3A_563 : memref<10240x8xf32, #tpu.memory_space<vmem_shared>>) offsets(%dma_start3A_560 : memref<2000xi32, #tpu.memory_space<vmem>>) semaphore(%dma_start3A_565 : memref<!tpu.dma_semaphore, #tpu.memory_space<semaphore_mem>>) {add = true}
    %dma_wait3A_566 = arith.constant 0 : i32
    %dma_wait3A_567 = arith.constant 0 : i32
    %dma_wait3A_568 = arith.constant 0 : i32
    %dma_wait3A_569 = arith.constant 0 : i32
    %dma_wait3A_570 = arith.constant 0 : i32
    %dma_wait3A_571 = tpu.memref_slice %arg8[%dma_wait3A_566, %dma_wait3A_569, %dma_wait3A_570] : memref<5x2000x8xf32, #tpu.memory_space<vmem>> -> memref<1x2000x8xf32, #tpu.memory_space<vmem>>
    %dma_wait3A_572 = tpu.memref_squeeze %dma_wait3A_571 : memref<1x2000x8xf32, #tpu.memory_space<vmem>> -> memref<2000x8xf32, #tpu.memory_space<vmem>>
    %dma_wait3A_573 = arith.constant 0 : i32
    %dma_wait3A_574 = tpu.memref_slice %arg7[%dma_wait3A_567, %dma_wait3A_573] : memref<5x2000xi32, #tpu.memory_space<vmem>> -> memref<1x2000xi32, #tpu.memory_space<vmem>>
    %dma_wait3A_575 = tpu.memref_squeeze %dma_wait3A_574 : memref<1x2000xi32, #tpu.memory_space<vmem>> -> memref<2000xi32, #tpu.memory_space<vmem>>
    %dma_wait3A_576 = arith.constant 0 : i32
    %dma_wait3A_577 = arith.constant 0 : i32
    %dma_wait3A_578 = tpu.memref_slice %arg9[%dma_wait3A_576, %dma_wait3A_577] : memref<10240x8xf32, #tpu.memory_space<vmem_shared>> -> memref<10240x8xf32, #tpu.memory_space<vmem_shared>>
    %dma_wait3A_579 = tpu.memref_slice %arg12[%dma_wait3A_568] : memref<5x!tpu.dma_semaphore, #tpu.memory_space<semaphore_mem>> -> memref<1x!tpu.dma_semaphore, #tpu.memory_space<semaphore_mem>>
    %dma_wait3A_580 = tpu.memref_squeeze %dma_wait3A_579 : memref<1x!tpu.dma_semaphore, #tpu.memory_space<semaphore_mem>> -> memref<!tpu.dma_semaphore, #tpu.memory_space<semaphore_mem>>
    tpu.wait_indirect_dma semaphore(%dma_wait3A_580 : memref<!tpu.dma_semaphore, #tpu.memory_space<semaphore_mem>>) src(%dma_wait3A_572 : memref<2000x8xf32, #tpu.memory_space<vmem>>) dst(%dma_wait3A_578 : memref<10240x8xf32, #tpu.memory_space<vmem_shared>>)
    %dma_wait3A_581 = arith.constant 1 : i32
    %dma_wait3A_582 = arith.constant 1 : i32
    %dma_wait3A_583 = arith.constant 1 : i32
    %dma_wait3A_584 = arith.constant 0 : i32
    %dma_wait3A_585 = arith.constant 0 : i32
    %dma_wait3A_586 = tpu.memref_slice %arg8[%dma_wait3A_581, %dma_wait3A_584, %dma_wait3A_585] : memref<5x2000x8xf32, #tpu.memory_space<vmem>> -> memref<1x2000x8xf32, #tpu.memory_space<vmem>>
    %dma_wait3A_587 = tpu.memref_squeeze %dma_wait3A_586 : memref<1x2000x8xf32, #tpu.memory_space<vmem>> -> memref<2000x8xf32, #tpu.memory_space<vmem>>
    %dma_wait3A_588 = arith.constant 0 : i32
    %dma_wait3A_589 = tpu.memref_slice %arg7[%dma_wait3A_582, %dma_wait3A_588] : memref<5x2000xi32, #tpu.memory_space<vmem>> -> memref<1x2000xi32, #tpu.memory_space<vmem>>
    %dma_wait3A_590 = tpu.memref_squeeze %dma_wait3A_589 : memref<1x2000xi32, #tpu.memory_space<vmem>> -> memref<2000xi32, #tpu.memory_space<vmem>>
    %dma_wait3A_591 = arith.constant 0 : i32
    %dma_wait3A_592 = arith.constant 0 : i32
    %dma_wait3A_593 = tpu.memref_slice %arg9[%dma_wait3A_591, %dma_wait3A_592] : memref<10240x8xf32, #tpu.memory_space<vmem_shared>> -> memref<10240x8xf32, #tpu.memory_space<vmem_shared>>
    %dma_wait3A_594 = tpu.memref_slice %arg12[%dma_wait3A_583] : memref<5x!tpu.dma_semaphore, #tpu.memory_space<semaphore_mem>> -> memref<1x!tpu.dma_semaphore, #tpu.memory_space<semaphore_mem>>
    %dma_wait3A_595 = tpu.memref_squeeze %dma_wait3A_594 : memref<1x!tpu.dma_semaphore, #tpu.memory_space<semaphore_mem>> -> memref<!tpu.dma_semaphore, #tpu.memory_space<semaphore_mem>>
    tpu.wait_indirect_dma semaphore(%dma_wait3A_595 : memref<!tpu.dma_semaphore, #tpu.memory_space<semaphore_mem>>) src(%dma_wait3A_587 : memref<2000x8xf32, #tpu.memory_space<vmem>>) dst(%dma_wait3A_593 : memref<10240x8xf32, #tpu.memory_space<vmem_shared>>)
    %dma_wait3A_596 = arith.constant 2 : i32
    %dma_wait3A_597 = arith.constant 2 : i32
    %dma_wait3A_598 = arith.constant 2 : i32
    %dma_wait3A_599 = arith.constant 0 : i32
    %dma_wait3A_600 = arith.constant 0 : i32
    %dma_wait3A_601 = tpu.memref_slice %arg8[%dma_wait3A_596, %dma_wait3A_599, %dma_wait3A_600] : memref<5x2000x8xf32, #tpu.memory_space<vmem>> -> memref<1x2000x8xf32, #tpu.memory_space<vmem>>
    %dma_wait3A_602 = tpu.memref_squeeze %dma_wait3A_601 : memref<1x2000x8xf32, #tpu.memory_space<vmem>> -> memref<2000x8xf32, #tpu.memory_space<vmem>>
    %dma_wait3A_603 = arith.constant 0 : i32
    %dma_wait3A_604 = tpu.memref_slice %arg7[%dma_wait3A_597, %dma_wait3A_603] : memref<5x2000xi32, #tpu.memory_space<vmem>> -> memref<1x2000xi32, #tpu.memory_space<vmem>>
    %dma_wait3A_605 = tpu.memref_squeeze %dma_wait3A_604 : memref<1x2000xi32, #tpu.memory_space<vmem>> -> memref<2000xi32, #tpu.memory_space<vmem>>
    %dma_wait3A_606 = arith.constant 0 : i32
    %dma_wait3A_607 = arith.constant 0 : i32
    %dma_wait3A_608 = tpu.memref_slice %arg9[%dma_wait3A_606, %dma_wait3A_607] : memref<10240x8xf32, #tpu.memory_space<vmem_shared>> -> memref<10240x8xf32, #tpu.memory_space<vmem_shared>>
    %dma_wait3A_609 = tpu.memref_slice %arg12[%dma_wait3A_598] : memref<5x!tpu.dma_semaphore, #tpu.memory_space<semaphore_mem>> -> memref<1x!tpu.dma_semaphore, #tpu.memory_space<semaphore_mem>>
    %dma_wait3A_610 = tpu.memref_squeeze %dma_wait3A_609 : memref<1x!tpu.dma_semaphore, #tpu.memory_space<semaphore_mem>> -> memref<!tpu.dma_semaphore, #tpu.memory_space<semaphore_mem>>
    tpu.wait_indirect_dma semaphore(%dma_wait3A_610 : memref<!tpu.dma_semaphore, #tpu.memory_space<semaphore_mem>>) src(%dma_wait3A_602 : memref<2000x8xf32, #tpu.memory_space<vmem>>) dst(%dma_wait3A_608 : memref<10240x8xf32, #tpu.memory_space<vmem_shared>>)
    %dma_wait3A_611 = arith.constant 3 : i32
    %dma_wait3A_612 = arith.constant 3 : i32
    %dma_wait3A_613 = arith.constant 3 : i32
    %dma_wait3A_614 = arith.constant 0 : i32
    %dma_wait3A_615 = arith.constant 0 : i32
    %dma_wait3A_616 = tpu.memref_slice %arg8[%dma_wait3A_611, %dma_wait3A_614, %dma_wait3A_615] : memref<5x2000x8xf32, #tpu.memory_space<vmem>> -> memref<1x2000x8xf32, #tpu.memory_space<vmem>>
    %dma_wait3A_617 = tpu.memref_squeeze %dma_wait3A_616 : memref<1x2000x8xf32, #tpu.memory_space<vmem>> -> memref<2000x8xf32, #tpu.memory_space<vmem>>
    %dma_wait3A_618 = arith.constant 0 : i32
    %dma_wait3A_619 = tpu.memref_slice %arg7[%dma_wait3A_612, %dma_wait3A_618] : memref<5x2000xi32, #tpu.memory_space<vmem>> -> memref<1x2000xi32, #tpu.memory_space<vmem>>
    %dma_wait3A_620 = tpu.memref_squeeze %dma_wait3A_619 : memref<1x2000xi32, #tpu.memory_space<vmem>> -> memref<2000xi32, #tpu.memory_space<vmem>>
    %dma_wait3A_621 = arith.constant 0 : i32
    %dma_wait3A_622 = arith.constant 0 : i32
    %dma_wait3A_623 = tpu.memref_slice %arg9[%dma_wait3A_621, %dma_wait3A_622] : memref<10240x8xf32, #tpu.memory_space<vmem_shared>> -> memref<10240x8xf32, #tpu.memory_space<vmem_shared>>
    %dma_wait3A_624 = tpu.memref_slice %arg12[%dma_wait3A_613] : memref<5x!tpu.dma_semaphore, #tpu.memory_space<semaphore_mem>> -> memref<1x!tpu.dma_semaphore, #tpu.memory_space<semaphore_mem>>
    %dma_wait3A_625 = tpu.memref_squeeze %dma_wait3A_624 : memref<1x!tpu.dma_semaphore, #tpu.memory_space<semaphore_mem>> -> memref<!tpu.dma_semaphore, #tpu.memory_space<semaphore_mem>>
    tpu.wait_indirect_dma semaphore(%dma_wait3A_625 : memref<!tpu.dma_semaphore, #tpu.memory_space<semaphore_mem>>) src(%dma_wait3A_617 : memref<2000x8xf32, #tpu.memory_space<vmem>>) dst(%dma_wait3A_623 : memref<10240x8xf32, #tpu.memory_space<vmem_shared>>)
    %dma_wait3A_626 = arith.constant 4 : i32
    %dma_wait3A_627 = arith.constant 4 : i32
    %dma_wait3A_628 = arith.constant 4 : i32
    %dma_wait3A_629 = arith.constant 0 : i32
    %dma_wait3A_630 = arith.constant 0 : i32
    %dma_wait3A_631 = tpu.memref_slice %arg8[%dma_wait3A_626, %dma_wait3A_629, %dma_wait3A_630] : memref<5x2000x8xf32, #tpu.memory_space<vmem>> -> memref<1x2000x8xf32, #tpu.memory_space<vmem>>
    %dma_wait3A_632 = tpu.memref_squeeze %dma_wait3A_631 : memref<1x2000x8xf32, #tpu.memory_space<vmem>> -> memref<2000x8xf32, #tpu.memory_space<vmem>>
    %dma_wait3A_633 = arith.constant 0 : i32
    %dma_wait3A_634 = tpu.memref_slice %arg7[%dma_wait3A_627, %dma_wait3A_633] : memref<5x2000xi32, #tpu.memory_space<vmem>> -> memref<1x2000xi32, #tpu.memory_space<vmem>>
    %dma_wait3A_635 = tpu.memref_squeeze %dma_wait3A_634 : memref<1x2000xi32, #tpu.memory_space<vmem>> -> memref<2000xi32, #tpu.memory_space<vmem>>
    %dma_wait3A_636 = arith.constant 0 : i32
    %dma_wait3A_637 = arith.constant 0 : i32
    %dma_wait3A_638 = tpu.memref_slice %arg9[%dma_wait3A_636, %dma_wait3A_637] : memref<10240x8xf32, #tpu.memory_space<vmem_shared>> -> memref<10240x8xf32, #tpu.memory_space<vmem_shared>>
    %dma_wait3A_639 = tpu.memref_slice %arg12[%dma_wait3A_628] : memref<5x!tpu.dma_semaphore, #tpu.memory_space<semaphore_mem>> -> memref<1x!tpu.dma_semaphore, #tpu.memory_space<semaphore_mem>>
    %dma_wait3A_640 = tpu.memref_squeeze %dma_wait3A_639 : memref<1x!tpu.dma_semaphore, #tpu.memory_space<semaphore_mem>> -> memref<!tpu.dma_semaphore, #tpu.memory_space<semaphore_mem>>
    tpu.wait_indirect_dma semaphore(%dma_wait3A_640 : memref<!tpu.dma_semaphore, #tpu.memory_space<semaphore_mem>>) src(%dma_wait3A_632 : memref<2000x8xf32, #tpu.memory_space<vmem>>) dst(%dma_wait3A_638 : memref<10240x8xf32, #tpu.memory_space<vmem_shared>>)
    %barrier3A_641 = arith.constant 0 : index
    tpu.barrier barrier_id(%barrier3A_641)
    %mul3A_642 = arith.constant 640 : i32
    %mul3A_643 = arith.muli %arg1, %mul3A_642 : i32
    %mul3A_644 = arith.constant 640 : i32
    %mul3A_645 = arith.muli %arg1, %mul3A_644 : i32
    "tpu.region"() ({
      %run_scoped3A = tpu.sem_alloc : memref<!tpu.dma_semaphore, #tpu.memory_space<semaphore_mem>>
      %dma_start3A_646 = arith.constant 0 : i32
      %dma_start3A_647 = tpu.memref_slice %arg5[%arg0, %mul3A_645, %dma_start3A_646] : memref<2x10240x8xf32, #tpu.memory_space<hbm>> -> memref<1x640x8xf32, #tpu.memory_space<hbm>>
      %dma_start3A_648 = tpu.memref_squeeze %dma_start3A_647 : memref<1x640x8xf32, #tpu.memory_space<hbm>> -> memref<640x8xf32, #tpu.memory_space<hbm>>
      %dma_start3A_649 = arith.constant 0 : i32
      %dma_start3A_650 = tpu.memref_slice %arg9[%mul3A_643, %dma_start3A_649] : memref<10240x8xf32, #tpu.memory_space<vmem_shared>> -> memref<640x8xf32, #tpu.memory_space<vmem_shared>>
      tpu.enqueue_dma source(%dma_start3A_650 : memref<640x8xf32, #tpu.memory_space<vmem_shared>>) target(%dma_start3A_648 : memref<640x8xf32, #tpu.memory_space<hbm>>) target_semaphore(%run_scoped3A : memref<!tpu.dma_semaphore, #tpu.memory_space<semaphore_mem>>)
      %dma_wait3A_651 = arith.constant 0 : i32
      %dma_wait3A_652 = tpu.memref_slice %arg5[%arg0, %mul3A_645, %dma_wait3A_651] : memref<2x10240x8xf32, #tpu.memory_space<hbm>> -> memref<1x640x8xf32, #tpu.memory_space<hbm>>
      %dma_wait3A_653 = tpu.memref_squeeze %dma_wait3A_652 : memref<1x640x8xf32, #tpu.memory_space<hbm>> -> memref<640x8xf32, #tpu.memory_space<hbm>>
      %dma_wait3A_654 = arith.constant 0 : i32
      %dma_wait3A_655 = tpu.memref_slice %arg9[%mul3A_643, %dma_wait3A_654] : memref<10240x8xf32, #tpu.memory_space<vmem_shared>> -> memref<640x8xf32, #tpu.memory_space<vmem_shared>>
      tpu.wait_dma2 semaphore(%run_scoped3A : memref<!tpu.dma_semaphore, #tpu.memory_space<semaphore_mem>>) src(%dma_wait3A_655 : memref<640x8xf32, #tpu.memory_space<vmem_shared>>) dst(%dma_wait3A_653 : memref<640x8xf32, #tpu.memory_space<hbm>>)
      tpu.yield
    }) : () -> ()
    return
  }
}

#map = affine_map<(d0, d1) -> (0, 0)>
#map1 = affine_map<(d0, d1) -> (0, 0, 0)>
module attributes {stable_mosaic.version = 14 : i64} {
  func.func @_scat_body(%arg0: i32, %arg1: i32, %arg2: memref<10240x8xf32, #tpu.memory_space<hbm>>, %arg3: memref<2x320000xi32, #tpu.memory_space<hbm>>, %arg4: memref<10240x8xf32, #tpu.memory_space<hbm>>, %arg5: memref<2x10240x8xf32, #tpu.memory_space<hbm>>, %arg6: memref<5x2000xi32, #tpu.memory_space<vmem>>, %arg7: memref<5x2000xi32, #tpu.memory_space<vmem>>, %arg8: memref<5x2000x8xf32, #tpu.memory_space<vmem>>, %arg9: memref<10240x8xf32, #tpu.memory_space<vmem_shared>>, %arg10: memref<3x!tpu.dma_semaphore, #tpu.memory_space<semaphore_mem>>, %arg11: memref<5x!tpu.dma_semaphore, #tpu.memory_space<semaphore_mem>>, %arg12: memref<5x!tpu.dma_semaphore, #tpu.memory_space<semaphore_mem>>) attributes {dimension_semantics = [#tpu.dimension_semantics<core_parallel>, #tpu.dimension_semantics<subcore_parallel>], iteration_bounds = array<i64: 2, 16>, scalar_prefetch = 0 : i64, scratch_operands = 7 : i64, tpu.core_type = #tpu.core_type<sc_vector_subcore>, window_params = [{transform_indices = #map}, {transform_indices = #map}, {transform_indices = #map}, {transform_indices = #map1}]} {
    %mul3A = arith.constant 2 : i32
    %mul3A_0 = arith.muli %arg1, %mul3A : i32
    %add3A = arith.addi %mul3A_0, %arg0 : i32
    %mul3A_1 = arith.constant 5 : i32
    %mul3A_2 = arith.muli %add3A, %mul3A_1 : i32
    %mul3A_3 = arith.constant 2000 : i32
    %mul3A_4 = arith.muli %mul3A_2, %mul3A_3 : i32
    %mul3A_5 = arith.constant 640 : i32
    %mul3A_6 = arith.muli %arg1, %mul3A_5 : i32
    %mul3A_7 = arith.constant 640 : i32
    %mul3A_8 = arith.muli %arg1, %mul3A_7 : i32
    %dma_start3A = arith.constant 0 : i32
    %dma_start3A_9 = tpu.memref_slice %arg10[%dma_start3A] : memref<3x!tpu.dma_semaphore, #tpu.memory_space<semaphore_mem>> -> memref<1x!tpu.dma_semaphore, #tpu.memory_space<semaphore_mem>>
    %dma_start3A_10 = tpu.memref_squeeze %dma_start3A_9 : memref<1x!tpu.dma_semaphore, #tpu.memory_space<semaphore_mem>> -> memref<!tpu.dma_semaphore, #tpu.memory_space<semaphore_mem>>
    %dma_start3A_11 = arith.constant 0 : i32
    %dma_start3A_12 = tpu.memref_slice %arg9[%mul3A_8, %dma_start3A_11] : memref<10240x8xf32, #tpu.memory_space<vmem_shared>> -> memref<640x8xf32, #tpu.memory_space<vmem_shared>>
    %dma_start3A_13 = arith.constant 0 : i32
    %dma_start3A_14 = tpu.memref_slice %arg4[%mul3A_6, %dma_start3A_13] : memref<10240x8xf32, #tpu.memory_space<hbm>> -> memref<640x8xf32, #tpu.memory_space<hbm>>
    tpu.enqueue_dma source(%dma_start3A_14 : memref<640x8xf32, #tpu.memory_space<hbm>>) target(%dma_start3A_12 : memref<640x8xf32, #tpu.memory_space<vmem_shared>>) target_semaphore(%dma_start3A_10 : memref<!tpu.dma_semaphore, #tpu.memory_space<semaphore_mem>>)
    %add3A_15 = arith.constant 0 : i32
    %add3A_16 = arith.addi %mul3A_4, %add3A_15 : i32
    %dma_start3A_17 = arith.constant 0 : i32
    %dma_start3A_18 = arith.constant 0 : i32
    %dma_start3A_19 = arith.constant 1 : i32
    %dma_start3A_20 = arith.constant 0 : i32
    %dma_start3A_21 = tpu.memref_slice %arg6[%dma_start3A_18, %dma_start3A_20] : memref<5x2000xi32, #tpu.memory_space<vmem>> -> memref<1x2000xi32, #tpu.memory_space<vmem>>
    %dma_start3A_22 = tpu.memref_squeeze %dma_start3A_21 : memref<1x2000xi32, #tpu.memory_space<vmem>> -> memref<2000xi32, #tpu.memory_space<vmem>>
    %dma_start3A_23 = tpu.memref_slice %arg3[%dma_start3A_17, %add3A_16] : memref<2x320000xi32, #tpu.memory_space<hbm>> -> memref<1x2000xi32, #tpu.memory_space<hbm>>
    %dma_start3A_24 = tpu.memref_squeeze %dma_start3A_23 : memref<1x2000xi32, #tpu.memory_space<hbm>> -> memref<2000xi32, #tpu.memory_space<hbm>>
    %dma_start3A_25 = tpu.memref_slice %arg10[%dma_start3A_19] : memref<3x!tpu.dma_semaphore, #tpu.memory_space<semaphore_mem>> -> memref<1x!tpu.dma_semaphore, #tpu.memory_space<semaphore_mem>>
    %dma_start3A_26 = tpu.memref_squeeze %dma_start3A_25 : memref<1x!tpu.dma_semaphore, #tpu.memory_space<semaphore_mem>> -> memref<!tpu.dma_semaphore, #tpu.memory_space<semaphore_mem>>
    %dma_start3A_27 = arith.constant 0 : i32
    %dma_start3A_28 = tpu.memref_slice %arg6[%dma_start3A_18, %dma_start3A_27] : memref<5x2000xi32, #tpu.memory_space<vmem>> -> memref<1x2000xi32, #tpu.memory_space<vmem>>
    %dma_start3A_29 = tpu.memref_squeeze %dma_start3A_28 : memref<1x2000xi32, #tpu.memory_space<vmem>> -> memref<2000xi32, #tpu.memory_space<vmem>>
    %dma_start3A_30 = tpu.memref_slice %arg3[%dma_start3A_17, %add3A_16] : memref<2x320000xi32, #tpu.memory_space<hbm>> -> memref<1x2000xi32, #tpu.memory_space<hbm>>
    %dma_start3A_31 = tpu.memref_squeeze %dma_start3A_30 : memref<1x2000xi32, #tpu.memory_space<hbm>> -> memref<2000xi32, #tpu.memory_space<hbm>>
    tpu.enqueue_dma source(%dma_start3A_31 : memref<2000xi32, #tpu.memory_space<hbm>>) target(%dma_start3A_29 : memref<2000xi32, #tpu.memory_space<vmem>>) target_semaphore(%dma_start3A_26 : memref<!tpu.dma_semaphore, #tpu.memory_space<semaphore_mem>>)
    %add3A_32 = arith.constant 2000 : i32
    %add3A_33 = arith.addi %mul3A_4, %add3A_32 : i32
    %dma_start3A_34 = arith.constant 0 : i32
    %dma_start3A_35 = arith.constant 1 : i32
    %dma_start3A_36 = arith.constant 1 : i32
    %dma_start3A_37 = arith.constant 0 : i32
    %dma_start3A_38 = tpu.memref_slice %arg6[%dma_start3A_35, %dma_start3A_37] : memref<5x2000xi32, #tpu.memory_space<vmem>> -> memref<1x2000xi32, #tpu.memory_space<vmem>>
    %dma_start3A_39 = tpu.memref_squeeze %dma_start3A_38 : memref<1x2000xi32, #tpu.memory_space<vmem>> -> memref<2000xi32, #tpu.memory_space<vmem>>
    %dma_start3A_40 = tpu.memref_slice %arg3[%dma_start3A_34, %add3A_33] : memref<2x320000xi32, #tpu.memory_space<hbm>> -> memref<1x2000xi32, #tpu.memory_space<hbm>>
    %dma_start3A_41 = tpu.memref_squeeze %dma_start3A_40 : memref<1x2000xi32, #tpu.memory_space<hbm>> -> memref<2000xi32, #tpu.memory_space<hbm>>
    %dma_start3A_42 = tpu.memref_slice %arg10[%dma_start3A_36] : memref<3x!tpu.dma_semaphore, #tpu.memory_space<semaphore_mem>> -> memref<1x!tpu.dma_semaphore, #tpu.memory_space<semaphore_mem>>
    %dma_start3A_43 = tpu.memref_squeeze %dma_start3A_42 : memref<1x!tpu.dma_semaphore, #tpu.memory_space<semaphore_mem>> -> memref<!tpu.dma_semaphore, #tpu.memory_space<semaphore_mem>>
    %dma_start3A_44 = arith.constant 0 : i32
    %dma_start3A_45 = tpu.memref_slice %arg6[%dma_start3A_35, %dma_start3A_44] : memref<5x2000xi32, #tpu.memory_space<vmem>> -> memref<1x2000xi32, #tpu.memory_space<vmem>>
    %dma_start3A_46 = tpu.memref_squeeze %dma_start3A_45 : memref<1x2000xi32, #tpu.memory_space<vmem>> -> memref<2000xi32, #tpu.memory_space<vmem>>
    %dma_start3A_47 = tpu.memref_slice %arg3[%dma_start3A_34, %add3A_33] : memref<2x320000xi32, #tpu.memory_space<hbm>> -> memref<1x2000xi32, #tpu.memory_space<hbm>>
    %dma_start3A_48 = tpu.memref_squeeze %dma_start3A_47 : memref<1x2000xi32, #tpu.memory_space<hbm>> -> memref<2000xi32, #tpu.memory_space<hbm>>
    tpu.enqueue_dma source(%dma_start3A_48 : memref<2000xi32, #tpu.memory_space<hbm>>) target(%dma_start3A_46 : memref<2000xi32, #tpu.memory_space<vmem>>) target_semaphore(%dma_start3A_43 : memref<!tpu.dma_semaphore, #tpu.memory_space<semaphore_mem>>)
    %add3A_49 = arith.constant 4000 : i32
    %add3A_50 = arith.addi %mul3A_4, %add3A_49 : i32
    %dma_start3A_51 = arith.constant 0 : i32
    %dma_start3A_52 = arith.constant 2 : i32
    %dma_start3A_53 = arith.constant 1 : i32
    %dma_start3A_54 = arith.constant 0 : i32
    %dma_start3A_55 = tpu.memref_slice %arg6[%dma_start3A_52, %dma_start3A_54] : memref<5x2000xi32, #tpu.memory_space<vmem>> -> memref<1x2000xi32, #tpu.memory_space<vmem>>
    %dma_start3A_56 = tpu.memref_squeeze %dma_start3A_55 : memref<1x2000xi32, #tpu.memory_space<vmem>> -> memref<2000xi32, #tpu.memory_space<vmem>>
    %dma_start3A_57 = tpu.memref_slice %arg3[%dma_start3A_51, %add3A_50] : memref<2x320000xi32, #tpu.memory_space<hbm>> -> memref<1x2000xi32, #tpu.memory_space<hbm>>
    %dma_start3A_58 = tpu.memref_squeeze %dma_start3A_57 : memref<1x2000xi32, #tpu.memory_space<hbm>> -> memref<2000xi32, #tpu.memory_space<hbm>>
    %dma_start3A_59 = tpu.memref_slice %arg10[%dma_start3A_53] : memref<3x!tpu.dma_semaphore, #tpu.memory_space<semaphore_mem>> -> memref<1x!tpu.dma_semaphore, #tpu.memory_space<semaphore_mem>>
    %dma_start3A_60 = tpu.memref_squeeze %dma_start3A_59 : memref<1x!tpu.dma_semaphore, #tpu.memory_space<semaphore_mem>> -> memref<!tpu.dma_semaphore, #tpu.memory_space<semaphore_mem>>
    %dma_start3A_61 = arith.constant 0 : i32
    %dma_start3A_62 = tpu.memref_slice %arg6[%dma_start3A_52, %dma_start3A_61] : memref<5x2000xi32, #tpu.memory_space<vmem>> -> memref<1x2000xi32, #tpu.memory_space<vmem>>
    %dma_start3A_63 = tpu.memref_squeeze %dma_start3A_62 : memref<1x2000xi32, #tpu.memory_space<vmem>> -> memref<2000xi32, #tpu.memory_space<vmem>>
    %dma_start3A_64 = tpu.memref_slice %arg3[%dma_start3A_51, %add3A_50] : memref<2x320000xi32, #tpu.memory_space<hbm>> -> memref<1x2000xi32, #tpu.memory_space<hbm>>
    %dma_start3A_65 = tpu.memref_squeeze %dma_start3A_64 : memref<1x2000xi32, #tpu.memory_space<hbm>> -> memref<2000xi32, #tpu.memory_space<hbm>>
    tpu.enqueue_dma source(%dma_start3A_65 : memref<2000xi32, #tpu.memory_space<hbm>>) target(%dma_start3A_63 : memref<2000xi32, #tpu.memory_space<vmem>>) target_semaphore(%dma_start3A_60 : memref<!tpu.dma_semaphore, #tpu.memory_space<semaphore_mem>>)
    %add3A_66 = arith.constant 6000 : i32
    %add3A_67 = arith.addi %mul3A_4, %add3A_66 : i32
    %dma_start3A_68 = arith.constant 0 : i32
    %dma_start3A_69 = arith.constant 3 : i32
    %dma_start3A_70 = arith.constant 1 : i32
    %dma_start3A_71 = arith.constant 0 : i32
    %dma_start3A_72 = tpu.memref_slice %arg6[%dma_start3A_69, %dma_start3A_71] : memref<5x2000xi32, #tpu.memory_space<vmem>> -> memref<1x2000xi32, #tpu.memory_space<vmem>>
    %dma_start3A_73 = tpu.memref_squeeze %dma_start3A_72 : memref<1x2000xi32, #tpu.memory_space<vmem>> -> memref<2000xi32, #tpu.memory_space<vmem>>
    %dma_start3A_74 = tpu.memref_slice %arg3[%dma_start3A_68, %add3A_67] : memref<2x320000xi32, #tpu.memory_space<hbm>> -> memref<1x2000xi32, #tpu.memory_space<hbm>>
    %dma_start3A_75 = tpu.memref_squeeze %dma_start3A_74 : memref<1x2000xi32, #tpu.memory_space<hbm>> -> memref<2000xi32, #tpu.memory_space<hbm>>
    %dma_start3A_76 = tpu.memref_slice %arg10[%dma_start3A_70] : memref<3x!tpu.dma_semaphore, #tpu.memory_space<semaphore_mem>> -> memref<1x!tpu.dma_semaphore, #tpu.memory_space<semaphore_mem>>
    %dma_start3A_77 = tpu.memref_squeeze %dma_start3A_76 : memref<1x!tpu.dma_semaphore, #tpu.memory_space<semaphore_mem>> -> memref<!tpu.dma_semaphore, #tpu.memory_space<semaphore_mem>>
    %dma_start3A_78 = arith.constant 0 : i32
    %dma_start3A_79 = tpu.memref_slice %arg6[%dma_start3A_69, %dma_start3A_78] : memref<5x2000xi32, #tpu.memory_space<vmem>> -> memref<1x2000xi32, #tpu.memory_space<vmem>>
    %dma_start3A_80 = tpu.memref_squeeze %dma_start3A_79 : memref<1x2000xi32, #tpu.memory_space<vmem>> -> memref<2000xi32, #tpu.memory_space<vmem>>
    %dma_start3A_81 = tpu.memref_slice %arg3[%dma_start3A_68, %add3A_67] : memref<2x320000xi32, #tpu.memory_space<hbm>> -> memref<1x2000xi32, #tpu.memory_space<hbm>>
    %dma_start3A_82 = tpu.memref_squeeze %dma_start3A_81 : memref<1x2000xi32, #tpu.memory_space<hbm>> -> memref<2000xi32, #tpu.memory_space<hbm>>
    tpu.enqueue_dma source(%dma_start3A_82 : memref<2000xi32, #tpu.memory_space<hbm>>) target(%dma_start3A_80 : memref<2000xi32, #tpu.memory_space<vmem>>) target_semaphore(%dma_start3A_77 : memref<!tpu.dma_semaphore, #tpu.memory_space<semaphore_mem>>)
    %add3A_83 = arith.constant 8000 : i32
    %add3A_84 = arith.addi %mul3A_4, %add3A_83 : i32
    %dma_start3A_85 = arith.constant 0 : i32
    %dma_start3A_86 = arith.constant 4 : i32
    %dma_start3A_87 = arith.constant 1 : i32
    %dma_start3A_88 = arith.constant 0 : i32
    %dma_start3A_89 = tpu.memref_slice %arg6[%dma_start3A_86, %dma_start3A_88] : memref<5x2000xi32, #tpu.memory_space<vmem>> -> memref<1x2000xi32, #tpu.memory_space<vmem>>
    %dma_start3A_90 = tpu.memref_squeeze %dma_start3A_89 : memref<1x2000xi32, #tpu.memory_space<vmem>> -> memref<2000xi32, #tpu.memory_space<vmem>>
    %dma_start3A_91 = tpu.memref_slice %arg3[%dma_start3A_85, %add3A_84] : memref<2x320000xi32, #tpu.memory_space<hbm>> -> memref<1x2000xi32, #tpu.memory_space<hbm>>
    %dma_start3A_92 = tpu.memref_squeeze %dma_start3A_91 : memref<1x2000xi32, #tpu.memory_space<hbm>> -> memref<2000xi32, #tpu.memory_space<hbm>>
    %dma_start3A_93 = tpu.memref_slice %arg10[%dma_start3A_87] : memref<3x!tpu.dma_semaphore, #tpu.memory_space<semaphore_mem>> -> memref<1x!tpu.dma_semaphore, #tpu.memory_space<semaphore_mem>>
    %dma_start3A_94 = tpu.memref_squeeze %dma_start3A_93 : memref<1x!tpu.dma_semaphore, #tpu.memory_space<semaphore_mem>> -> memref<!tpu.dma_semaphore, #tpu.memory_space<semaphore_mem>>
    %dma_start3A_95 = arith.constant 0 : i32
    %dma_start3A_96 = tpu.memref_slice %arg6[%dma_start3A_86, %dma_start3A_95] : memref<5x2000xi32, #tpu.memory_space<vmem>> -> memref<1x2000xi32, #tpu.memory_space<vmem>>
    %dma_start3A_97 = tpu.memref_squeeze %dma_start3A_96 : memref<1x2000xi32, #tpu.memory_space<vmem>> -> memref<2000xi32, #tpu.memory_space<vmem>>
    %dma_start3A_98 = tpu.memref_slice %arg3[%dma_start3A_85, %add3A_84] : memref<2x320000xi32, #tpu.memory_space<hbm>> -> memref<1x2000xi32, #tpu.memory_space<hbm>>
    %dma_start3A_99 = tpu.memref_squeeze %dma_start3A_98 : memref<1x2000xi32, #tpu.memory_space<hbm>> -> memref<2000xi32, #tpu.memory_space<hbm>>
    tpu.enqueue_dma source(%dma_start3A_99 : memref<2000xi32, #tpu.memory_space<hbm>>) target(%dma_start3A_97 : memref<2000xi32, #tpu.memory_space<vmem>>) target_semaphore(%dma_start3A_94 : memref<!tpu.dma_semaphore, #tpu.memory_space<semaphore_mem>>)
    %add3A_100 = arith.constant 0 : i32
    %add3A_101 = arith.addi %mul3A_4, %add3A_100 : i32
    %dma_start3A_102 = arith.constant 1 : i32
    %dma_start3A_103 = arith.constant 0 : i32
    %dma_start3A_104 = arith.constant 2 : i32
    %dma_start3A_105 = arith.constant 0 : i32
    %dma_start3A_106 = tpu.memref_slice %arg7[%dma_start3A_103, %dma_start3A_105] : memref<5x2000xi32, #tpu.memory_space<vmem>> -> memref<1x2000xi32, #tpu.memory_space<vmem>>
    %dma_start3A_107 = tpu.memref_squeeze %dma_start3A_106 : memref<1x2000xi32, #tpu.memory_space<vmem>> -> memref<2000xi32, #tpu.memory_space<vmem>>
    %dma_start3A_108 = tpu.memref_slice %arg3[%dma_start3A_102, %add3A_101] : memref<2x320000xi32, #tpu.memory_space<hbm>> -> memref<1x2000xi32, #tpu.memory_space<hbm>>
    %dma_start3A_109 = tpu.memref_squeeze %dma_start3A_108 : memref<1x2000xi32, #tpu.memory_space<hbm>> -> memref<2000xi32, #tpu.memory_space<hbm>>
    %dma_start3A_110 = tpu.memref_slice %arg10[%dma_start3A_104] : memref<3x!tpu.dma_semaphore, #tpu.memory_space<semaphore_mem>> -> memref<1x!tpu.dma_semaphore, #tpu.memory_space<semaphore_mem>>
    %dma_start3A_111 = tpu.memref_squeeze %dma_start3A_110 : memref<1x!tpu.dma_semaphore, #tpu.memory_space<semaphore_mem>> -> memref<!tpu.dma_semaphore, #tpu.memory_space<semaphore_mem>>
    %dma_start3A_112 = arith.constant 0 : i32
    %dma_start3A_113 = tpu.memref_slice %arg7[%dma_start3A_103, %dma_start3A_112] : memref<5x2000xi32, #tpu.memory_space<vmem>> -> memref<1x2000xi32, #tpu.memory_space<vmem>>
    %dma_start3A_114 = tpu.memref_squeeze %dma_start3A_113 : memref<1x2000xi32, #tpu.memory_space<vmem>> -> memref<2000xi32, #tpu.memory_space<vmem>>
    %dma_start3A_115 = tpu.memref_slice %arg3[%dma_start3A_102, %add3A_101] : memref<2x320000xi32, #tpu.memory_space<hbm>> -> memref<1x2000xi32, #tpu.memory_space<hbm>>
    %dma_start3A_116 = tpu.memref_squeeze %dma_start3A_115 : memref<1x2000xi32, #tpu.memory_space<hbm>> -> memref<2000xi32, #tpu.memory_space<hbm>>
    tpu.enqueue_dma source(%dma_start3A_116 : memref<2000xi32, #tpu.memory_space<hbm>>) target(%dma_start3A_114 : memref<2000xi32, #tpu.memory_space<vmem>>) target_semaphore(%dma_start3A_111 : memref<!tpu.dma_semaphore, #tpu.memory_space<semaphore_mem>>)
    %add3A_117 = arith.constant 2000 : i32
    %add3A_118 = arith.addi %mul3A_4, %add3A_117 : i32
    %dma_start3A_119 = arith.constant 1 : i32
    %dma_start3A_120 = arith.constant 1 : i32
    %dma_start3A_121 = arith.constant 2 : i32
    %dma_start3A_122 = arith.constant 0 : i32
    %dma_start3A_123 = tpu.memref_slice %arg7[%dma_start3A_120, %dma_start3A_122] : memref<5x2000xi32, #tpu.memory_space<vmem>> -> memref<1x2000xi32, #tpu.memory_space<vmem>>
    %dma_start3A_124 = tpu.memref_squeeze %dma_start3A_123 : memref<1x2000xi32, #tpu.memory_space<vmem>> -> memref<2000xi32, #tpu.memory_space<vmem>>
    %dma_start3A_125 = tpu.memref_slice %arg3[%dma_start3A_119, %add3A_118] : memref<2x320000xi32, #tpu.memory_space<hbm>> -> memref<1x2000xi32, #tpu.memory_space<hbm>>
    %dma_start3A_126 = tpu.memref_squeeze %dma_start3A_125 : memref<1x2000xi32, #tpu.memory_space<hbm>> -> memref<2000xi32, #tpu.memory_space<hbm>>
    %dma_start3A_127 = tpu.memref_slice %arg10[%dma_start3A_121] : memref<3x!tpu.dma_semaphore, #tpu.memory_space<semaphore_mem>> -> memref<1x!tpu.dma_semaphore, #tpu.memory_space<semaphore_mem>>
    %dma_start3A_128 = tpu.memref_squeeze %dma_start3A_127 : memref<1x!tpu.dma_semaphore, #tpu.memory_space<semaphore_mem>> -> memref<!tpu.dma_semaphore, #tpu.memory_space<semaphore_mem>>
    %dma_start3A_129 = arith.constant 0 : i32
    %dma_start3A_130 = tpu.memref_slice %arg7[%dma_start3A_120, %dma_start3A_129] : memref<5x2000xi32, #tpu.memory_space<vmem>> -> memref<1x2000xi32, #tpu.memory_space<vmem>>
    %dma_start3A_131 = tpu.memref_squeeze %dma_start3A_130 : memref<1x2000xi32, #tpu.memory_space<vmem>> -> memref<2000xi32, #tpu.memory_space<vmem>>
    %dma_start3A_132 = tpu.memref_slice %arg3[%dma_start3A_119, %add3A_118] : memref<2x320000xi32, #tpu.memory_space<hbm>> -> memref<1x2000xi32, #tpu.memory_space<hbm>>
    %dma_start3A_133 = tpu.memref_squeeze %dma_start3A_132 : memref<1x2000xi32, #tpu.memory_space<hbm>> -> memref<2000xi32, #tpu.memory_space<hbm>>
    tpu.enqueue_dma source(%dma_start3A_133 : memref<2000xi32, #tpu.memory_space<hbm>>) target(%dma_start3A_131 : memref<2000xi32, #tpu.memory_space<vmem>>) target_semaphore(%dma_start3A_128 : memref<!tpu.dma_semaphore, #tpu.memory_space<semaphore_mem>>)
    %add3A_134 = arith.constant 4000 : i32
    %add3A_135 = arith.addi %mul3A_4, %add3A_134 : i32
    %dma_start3A_136 = arith.constant 1 : i32
    %dma_start3A_137 = arith.constant 2 : i32
    %dma_start3A_138 = arith.constant 2 : i32
    %dma_start3A_139 = arith.constant 0 : i32
    %dma_start3A_140 = tpu.memref_slice %arg7[%dma_start3A_137, %dma_start3A_139] : memref<5x2000xi32, #tpu.memory_space<vmem>> -> memref<1x2000xi32, #tpu.memory_space<vmem>>
    %dma_start3A_141 = tpu.memref_squeeze %dma_start3A_140 : memref<1x2000xi32, #tpu.memory_space<vmem>> -> memref<2000xi32, #tpu.memory_space<vmem>>
    %dma_start3A_142 = tpu.memref_slice %arg3[%dma_start3A_136, %add3A_135] : memref<2x320000xi32, #tpu.memory_space<hbm>> -> memref<1x2000xi32, #tpu.memory_space<hbm>>
    %dma_start3A_143 = tpu.memref_squeeze %dma_start3A_142 : memref<1x2000xi32, #tpu.memory_space<hbm>> -> memref<2000xi32, #tpu.memory_space<hbm>>
    %dma_start3A_144 = tpu.memref_slice %arg10[%dma_start3A_138] : memref<3x!tpu.dma_semaphore, #tpu.memory_space<semaphore_mem>> -> memref<1x!tpu.dma_semaphore, #tpu.memory_space<semaphore_mem>>
    %dma_start3A_145 = tpu.memref_squeeze %dma_start3A_144 : memref<1x!tpu.dma_semaphore, #tpu.memory_space<semaphore_mem>> -> memref<!tpu.dma_semaphore, #tpu.memory_space<semaphore_mem>>
    %dma_start3A_146 = arith.constant 0 : i32
    %dma_start3A_147 = tpu.memref_slice %arg7[%dma_start3A_137, %dma_start3A_146] : memref<5x2000xi32, #tpu.memory_space<vmem>> -> memref<1x2000xi32, #tpu.memory_space<vmem>>
    %dma_start3A_148 = tpu.memref_squeeze %dma_start3A_147 : memref<1x2000xi32, #tpu.memory_space<vmem>> -> memref<2000xi32, #tpu.memory_space<vmem>>
    %dma_start3A_149 = tpu.memref_slice %arg3[%dma_start3A_136, %add3A_135] : memref<2x320000xi32, #tpu.memory_space<hbm>> -> memref<1x2000xi32, #tpu.memory_space<hbm>>
    %dma_start3A_150 = tpu.memref_squeeze %dma_start3A_149 : memref<1x2000xi32, #tpu.memory_space<hbm>> -> memref<2000xi32, #tpu.memory_space<hbm>>
    tpu.enqueue_dma source(%dma_start3A_150 : memref<2000xi32, #tpu.memory_space<hbm>>) target(%dma_start3A_148 : memref<2000xi32, #tpu.memory_space<vmem>>) target_semaphore(%dma_start3A_145 : memref<!tpu.dma_semaphore, #tpu.memory_space<semaphore_mem>>)
    %add3A_151 = arith.constant 6000 : i32
    %add3A_152 = arith.addi %mul3A_4, %add3A_151 : i32
    %dma_start3A_153 = arith.constant 1 : i32
    %dma_start3A_154 = arith.constant 3 : i32
    %dma_start3A_155 = arith.constant 2 : i32
    %dma_start3A_156 = arith.constant 0 : i32
    %dma_start3A_157 = tpu.memref_slice %arg7[%dma_start3A_154, %dma_start3A_156] : memref<5x2000xi32, #tpu.memory_space<vmem>> -> memref<1x2000xi32, #tpu.memory_space<vmem>>
    %dma_start3A_158 = tpu.memref_squeeze %dma_start3A_157 : memref<1x2000xi32, #tpu.memory_space<vmem>> -> memref<2000xi32, #tpu.memory_space<vmem>>
    %dma_start3A_159 = tpu.memref_slice %arg3[%dma_start3A_153, %add3A_152] : memref<2x320000xi32, #tpu.memory_space<hbm>> -> memref<1x2000xi32, #tpu.memory_space<hbm>>
    %dma_start3A_160 = tpu.memref_squeeze %dma_start3A_159 : memref<1x2000xi32, #tpu.memory_space<hbm>> -> memref<2000xi32, #tpu.memory_space<hbm>>
    %dma_start3A_161 = tpu.memref_slice %arg10[%dma_start3A_155] : memref<3x!tpu.dma_semaphore, #tpu.memory_space<semaphore_mem>> -> memref<1x!tpu.dma_semaphore, #tpu.memory_space<semaphore_mem>>
    %dma_start3A_162 = tpu.memref_squeeze %dma_start3A_161 : memref<1x!tpu.dma_semaphore, #tpu.memory_space<semaphore_mem>> -> memref<!tpu.dma_semaphore, #tpu.memory_space<semaphore_mem>>
    %dma_start3A_163 = arith.constant 0 : i32
    %dma_start3A_164 = tpu.memref_slice %arg7[%dma_start3A_154, %dma_start3A_163] : memref<5x2000xi32, #tpu.memory_space<vmem>> -> memref<1x2000xi32, #tpu.memory_space<vmem>>
    %dma_start3A_165 = tpu.memref_squeeze %dma_start3A_164 : memref<1x2000xi32, #tpu.memory_space<vmem>> -> memref<2000xi32, #tpu.memory_space<vmem>>
    %dma_start3A_166 = tpu.memref_slice %arg3[%dma_start3A_153, %add3A_152] : memref<2x320000xi32, #tpu.memory_space<hbm>> -> memref<1x2000xi32, #tpu.memory_space<hbm>>
    %dma_start3A_167 = tpu.memref_squeeze %dma_start3A_166 : memref<1x2000xi32, #tpu.memory_space<hbm>> -> memref<2000xi32, #tpu.memory_space<hbm>>
    tpu.enqueue_dma source(%dma_start3A_167 : memref<2000xi32, #tpu.memory_space<hbm>>) target(%dma_start3A_165 : memref<2000xi32, #tpu.memory_space<vmem>>) target_semaphore(%dma_start3A_162 : memref<!tpu.dma_semaphore, #tpu.memory_space<semaphore_mem>>)
    %add3A_168 = arith.constant 8000 : i32
    %add3A_169 = arith.addi %mul3A_4, %add3A_168 : i32
    %dma_start3A_170 = arith.constant 1 : i32
    %dma_start3A_171 = arith.constant 4 : i32
    %dma_start3A_172 = arith.constant 2 : i32
    %dma_start3A_173 = arith.constant 0 : i32
    %dma_start3A_174 = tpu.memref_slice %arg7[%dma_start3A_171, %dma_start3A_173] : memref<5x2000xi32, #tpu.memory_space<vmem>> -> memref<1x2000xi32, #tpu.memory_space<vmem>>
    %dma_start3A_175 = tpu.memref_squeeze %dma_start3A_174 : memref<1x2000xi32, #tpu.memory_space<vmem>> -> memref<2000xi32, #tpu.memory_space<vmem>>
    %dma_start3A_176 = tpu.memref_slice %arg3[%dma_start3A_170, %add3A_169] : memref<2x320000xi32, #tpu.memory_space<hbm>> -> memref<1x2000xi32, #tpu.memory_space<hbm>>
    %dma_start3A_177 = tpu.memref_squeeze %dma_start3A_176 : memref<1x2000xi32, #tpu.memory_space<hbm>> -> memref<2000xi32, #tpu.memory_space<hbm>>
    %dma_start3A_178 = tpu.memref_slice %arg10[%dma_start3A_172] : memref<3x!tpu.dma_semaphore, #tpu.memory_space<semaphore_mem>> -> memref<1x!tpu.dma_semaphore, #tpu.memory_space<semaphore_mem>>
    %dma_start3A_179 = tpu.memref_squeeze %dma_start3A_178 : memref<1x!tpu.dma_semaphore, #tpu.memory_space<semaphore_mem>> -> memref<!tpu.dma_semaphore, #tpu.memory_space<semaphore_mem>>
    %dma_start3A_180 = arith.constant 0 : i32
    %dma_start3A_181 = tpu.memref_slice %arg7[%dma_start3A_171, %dma_start3A_180] : memref<5x2000xi32, #tpu.memory_space<vmem>> -> memref<1x2000xi32, #tpu.memory_space<vmem>>
    %dma_start3A_182 = tpu.memref_squeeze %dma_start3A_181 : memref<1x2000xi32, #tpu.memory_space<vmem>> -> memref<2000xi32, #tpu.memory_space<vmem>>
    %dma_start3A_183 = tpu.memref_slice %arg3[%dma_start3A_170, %add3A_169] : memref<2x320000xi32, #tpu.memory_space<hbm>> -> memref<1x2000xi32, #tpu.memory_space<hbm>>
    %dma_start3A_184 = tpu.memref_squeeze %dma_start3A_183 : memref<1x2000xi32, #tpu.memory_space<hbm>> -> memref<2000xi32, #tpu.memory_space<hbm>>
    tpu.enqueue_dma source(%dma_start3A_184 : memref<2000xi32, #tpu.memory_space<hbm>>) target(%dma_start3A_182 : memref<2000xi32, #tpu.memory_space<vmem>>) target_semaphore(%dma_start3A_179 : memref<!tpu.dma_semaphore, #tpu.memory_space<semaphore_mem>>)
    %dma_wait3A = arith.constant 0 : i32
    %dma_wait3A_185 = arith.constant 0 : i32
    %dma_wait3A_186 = arith.constant 1 : i32
    %dma_wait3A_187 = arith.constant 0 : i32
    %dma_wait3A_188 = tpu.memref_slice %arg6[%dma_wait3A_185, %dma_wait3A_187] : memref<5x2000xi32, #tpu.memory_space<vmem>> -> memref<1x2000xi32, #tpu.memory_space<vmem>>
    %dma_wait3A_189 = tpu.memref_squeeze %dma_wait3A_188 : memref<1x2000xi32, #tpu.memory_space<vmem>> -> memref<2000xi32, #tpu.memory_space<vmem>>
    %dma_wait3A_190 = tpu.memref_slice %arg3[%dma_wait3A, %add3A_16] : memref<2x320000xi32, #tpu.memory_space<hbm>> -> memref<1x2000xi32, #tpu.memory_space<hbm>>
    %dma_wait3A_191 = tpu.memref_squeeze %dma_wait3A_190 : memref<1x2000xi32, #tpu.memory_space<hbm>> -> memref<2000xi32, #tpu.memory_space<hbm>>
    %dma_wait3A_192 = tpu.memref_slice %arg10[%dma_wait3A_186] : memref<3x!tpu.dma_semaphore, #tpu.memory_space<semaphore_mem>> -> memref<1x!tpu.dma_semaphore, #tpu.memory_space<semaphore_mem>>
    %dma_wait3A_193 = tpu.memref_squeeze %dma_wait3A_192 : memref<1x!tpu.dma_semaphore, #tpu.memory_space<semaphore_mem>> -> memref<!tpu.dma_semaphore, #tpu.memory_space<semaphore_mem>>
    %dma_wait3A_194 = arith.constant 0 : i32
    %dma_wait3A_195 = tpu.memref_slice %arg6[%dma_wait3A_185, %dma_wait3A_194] : memref<5x2000xi32, #tpu.memory_space<vmem>> -> memref<1x2000xi32, #tpu.memory_space<vmem>>
    %dma_wait3A_196 = tpu.memref_squeeze %dma_wait3A_195 : memref<1x2000xi32, #tpu.memory_space<vmem>> -> memref<2000xi32, #tpu.memory_space<vmem>>
    %dma_wait3A_197 = tpu.memref_slice %arg3[%dma_wait3A, %add3A_16] : memref<2x320000xi32, #tpu.memory_space<hbm>> -> memref<1x2000xi32, #tpu.memory_space<hbm>>
    %dma_wait3A_198 = tpu.memref_squeeze %dma_wait3A_197 : memref<1x2000xi32, #tpu.memory_space<hbm>> -> memref<2000xi32, #tpu.memory_space<hbm>>
    tpu.wait_dma2 semaphore(%dma_wait3A_193 : memref<!tpu.dma_semaphore, #tpu.memory_space<semaphore_mem>>) src(%dma_wait3A_198 : memref<2000xi32, #tpu.memory_space<hbm>>) dst(%dma_wait3A_196 : memref<2000xi32, #tpu.memory_space<vmem>>)
    %dma_wait3A_199 = arith.constant 0 : i32
    %dma_wait3A_200 = arith.constant 1 : i32
    %dma_wait3A_201 = arith.constant 1 : i32
    %dma_wait3A_202 = arith.constant 0 : i32
    %dma_wait3A_203 = tpu.memref_slice %arg6[%dma_wait3A_200, %dma_wait3A_202] : memref<5x2000xi32, #tpu.memory_space<vmem>> -> memref<1x2000xi32, #tpu.memory_space<vmem>>
    %dma_wait3A_204 = tpu.memref_squeeze %dma_wait3A_203 : memref<1x2000xi32, #tpu.memory_space<vmem>> -> memref<2000xi32, #tpu.memory_space<vmem>>
    %dma_wait3A_205 = tpu.memref_slice %arg3[%dma_wait3A_199, %add3A_33] : memref<2x320000xi32, #tpu.memory_space<hbm>> -> memref<1x2000xi32, #tpu.memory_space<hbm>>
    %dma_wait3A_206 = tpu.memref_squeeze %dma_wait3A_205 : memref<1x2000xi32, #tpu.memory_space<hbm>> -> memref<2000xi32, #tpu.memory_space<hbm>>
    %dma_wait3A_207 = tpu.memref_slice %arg10[%dma_wait3A_201] : memref<3x!tpu.dma_semaphore, #tpu.memory_space<semaphore_mem>> -> memref<1x!tpu.dma_semaphore, #tpu.memory_space<semaphore_mem>>
    %dma_wait3A_208 = tpu.memref_squeeze %dma_wait3A_207 : memref<1x!tpu.dma_semaphore, #tpu.memory_space<semaphore_mem>> -> memref<!tpu.dma_semaphore, #tpu.memory_space<semaphore_mem>>
    %dma_wait3A_209 = arith.constant 0 : i32
    %dma_wait3A_210 = tpu.memref_slice %arg6[%dma_wait3A_200, %dma_wait3A_209] : memref<5x2000xi32, #tpu.memory_space<vmem>> -> memref<1x2000xi32, #tpu.memory_space<vmem>>
    %dma_wait3A_211 = tpu.memref_squeeze %dma_wait3A_210 : memref<1x2000xi32, #tpu.memory_space<vmem>> -> memref<2000xi32, #tpu.memory_space<vmem>>
    %dma_wait3A_212 = tpu.memref_slice %arg3[%dma_wait3A_199, %add3A_33] : memref<2x320000xi32, #tpu.memory_space<hbm>> -> memref<1x2000xi32, #tpu.memory_space<hbm>>
    %dma_wait3A_213 = tpu.memref_squeeze %dma_wait3A_212 : memref<1x2000xi32, #tpu.memory_space<hbm>> -> memref<2000xi32, #tpu.memory_space<hbm>>
    tpu.wait_dma2 semaphore(%dma_wait3A_208 : memref<!tpu.dma_semaphore, #tpu.memory_space<semaphore_mem>>) src(%dma_wait3A_213 : memref<2000xi32, #tpu.memory_space<hbm>>) dst(%dma_wait3A_211 : memref<2000xi32, #tpu.memory_space<vmem>>)
    %dma_wait3A_214 = arith.constant 0 : i32
    %dma_wait3A_215 = arith.constant 2 : i32
    %dma_wait3A_216 = arith.constant 1 : i32
    %dma_wait3A_217 = arith.constant 0 : i32
    %dma_wait3A_218 = tpu.memref_slice %arg6[%dma_wait3A_215, %dma_wait3A_217] : memref<5x2000xi32, #tpu.memory_space<vmem>> -> memref<1x2000xi32, #tpu.memory_space<vmem>>
    %dma_wait3A_219 = tpu.memref_squeeze %dma_wait3A_218 : memref<1x2000xi32, #tpu.memory_space<vmem>> -> memref<2000xi32, #tpu.memory_space<vmem>>
    %dma_wait3A_220 = tpu.memref_slice %arg3[%dma_wait3A_214, %add3A_50] : memref<2x320000xi32, #tpu.memory_space<hbm>> -> memref<1x2000xi32, #tpu.memory_space<hbm>>
    %dma_wait3A_221 = tpu.memref_squeeze %dma_wait3A_220 : memref<1x2000xi32, #tpu.memory_space<hbm>> -> memref<2000xi32, #tpu.memory_space<hbm>>
    %dma_wait3A_222 = tpu.memref_slice %arg10[%dma_wait3A_216] : memref<3x!tpu.dma_semaphore, #tpu.memory_space<semaphore_mem>> -> memref<1x!tpu.dma_semaphore, #tpu.memory_space<semaphore_mem>>
    %dma_wait3A_223 = tpu.memref_squeeze %dma_wait3A_222 : memref<1x!tpu.dma_semaphore, #tpu.memory_space<semaphore_mem>> -> memref<!tpu.dma_semaphore, #tpu.memory_space<semaphore_mem>>
    %dma_wait3A_224 = arith.constant 0 : i32
    %dma_wait3A_225 = tpu.memref_slice %arg6[%dma_wait3A_215, %dma_wait3A_224] : memref<5x2000xi32, #tpu.memory_space<vmem>> -> memref<1x2000xi32, #tpu.memory_space<vmem>>
    %dma_wait3A_226 = tpu.memref_squeeze %dma_wait3A_225 : memref<1x2000xi32, #tpu.memory_space<vmem>> -> memref<2000xi32, #tpu.memory_space<vmem>>
    %dma_wait3A_227 = tpu.memref_slice %arg3[%dma_wait3A_214, %add3A_50] : memref<2x320000xi32, #tpu.memory_space<hbm>> -> memref<1x2000xi32, #tpu.memory_space<hbm>>
    %dma_wait3A_228 = tpu.memref_squeeze %dma_wait3A_227 : memref<1x2000xi32, #tpu.memory_space<hbm>> -> memref<2000xi32, #tpu.memory_space<hbm>>
    tpu.wait_dma2 semaphore(%dma_wait3A_223 : memref<!tpu.dma_semaphore, #tpu.memory_space<semaphore_mem>>) src(%dma_wait3A_228 : memref<2000xi32, #tpu.memory_space<hbm>>) dst(%dma_wait3A_226 : memref<2000xi32, #tpu.memory_space<vmem>>)
    %dma_wait3A_229 = arith.constant 0 : i32
    %dma_wait3A_230 = arith.constant 3 : i32
    %dma_wait3A_231 = arith.constant 1 : i32
    %dma_wait3A_232 = arith.constant 0 : i32
    %dma_wait3A_233 = tpu.memref_slice %arg6[%dma_wait3A_230, %dma_wait3A_232] : memref<5x2000xi32, #tpu.memory_space<vmem>> -> memref<1x2000xi32, #tpu.memory_space<vmem>>
    %dma_wait3A_234 = tpu.memref_squeeze %dma_wait3A_233 : memref<1x2000xi32, #tpu.memory_space<vmem>> -> memref<2000xi32, #tpu.memory_space<vmem>>
    %dma_wait3A_235 = tpu.memref_slice %arg3[%dma_wait3A_229, %add3A_67] : memref<2x320000xi32, #tpu.memory_space<hbm>> -> memref<1x2000xi32, #tpu.memory_space<hbm>>
    %dma_wait3A_236 = tpu.memref_squeeze %dma_wait3A_235 : memref<1x2000xi32, #tpu.memory_space<hbm>> -> memref<2000xi32, #tpu.memory_space<hbm>>
    %dma_wait3A_237 = tpu.memref_slice %arg10[%dma_wait3A_231] : memref<3x!tpu.dma_semaphore, #tpu.memory_space<semaphore_mem>> -> memref<1x!tpu.dma_semaphore, #tpu.memory_space<semaphore_mem>>
    %dma_wait3A_238 = tpu.memref_squeeze %dma_wait3A_237 : memref<1x!tpu.dma_semaphore, #tpu.memory_space<semaphore_mem>> -> memref<!tpu.dma_semaphore, #tpu.memory_space<semaphore_mem>>
    %dma_wait3A_239 = arith.constant 0 : i32
    %dma_wait3A_240 = tpu.memref_slice %arg6[%dma_wait3A_230, %dma_wait3A_239] : memref<5x2000xi32, #tpu.memory_space<vmem>> -> memref<1x2000xi32, #tpu.memory_space<vmem>>
    %dma_wait3A_241 = tpu.memref_squeeze %dma_wait3A_240 : memref<1x2000xi32, #tpu.memory_space<vmem>> -> memref<2000xi32, #tpu.memory_space<vmem>>
    %dma_wait3A_242 = tpu.memref_slice %arg3[%dma_wait3A_229, %add3A_67] : memref<2x320000xi32, #tpu.memory_space<hbm>> -> memref<1x2000xi32, #tpu.memory_space<hbm>>
    %dma_wait3A_243 = tpu.memref_squeeze %dma_wait3A_242 : memref<1x2000xi32, #tpu.memory_space<hbm>> -> memref<2000xi32, #tpu.memory_space<hbm>>
    tpu.wait_dma2 semaphore(%dma_wait3A_238 : memref<!tpu.dma_semaphore, #tpu.memory_space<semaphore_mem>>) src(%dma_wait3A_243 : memref<2000xi32, #tpu.memory_space<hbm>>) dst(%dma_wait3A_241 : memref<2000xi32, #tpu.memory_space<vmem>>)
    %dma_wait3A_244 = arith.constant 0 : i32
    %dma_wait3A_245 = arith.constant 4 : i32
    %dma_wait3A_246 = arith.constant 1 : i32
    %dma_wait3A_247 = arith.constant 0 : i32
    %dma_wait3A_248 = tpu.memref_slice %arg6[%dma_wait3A_245, %dma_wait3A_247] : memref<5x2000xi32, #tpu.memory_space<vmem>> -> memref<1x2000xi32, #tpu.memory_space<vmem>>
    %dma_wait3A_249 = tpu.memref_squeeze %dma_wait3A_248 : memref<1x2000xi32, #tpu.memory_space<vmem>> -> memref<2000xi32, #tpu.memory_space<vmem>>
    %dma_wait3A_250 = tpu.memref_slice %arg3[%dma_wait3A_244, %add3A_84] : memref<2x320000xi32, #tpu.memory_space<hbm>> -> memref<1x2000xi32, #tpu.memory_space<hbm>>
    %dma_wait3A_251 = tpu.memref_squeeze %dma_wait3A_250 : memref<1x2000xi32, #tpu.memory_space<hbm>> -> memref<2000xi32, #tpu.memory_space<hbm>>
    %dma_wait3A_252 = tpu.memref_slice %arg10[%dma_wait3A_246] : memref<3x!tpu.dma_semaphore, #tpu.memory_space<semaphore_mem>> -> memref<1x!tpu.dma_semaphore, #tpu.memory_space<semaphore_mem>>
    %dma_wait3A_253 = tpu.memref_squeeze %dma_wait3A_252 : memref<1x!tpu.dma_semaphore, #tpu.memory_space<semaphore_mem>> -> memref<!tpu.dma_semaphore, #tpu.memory_space<semaphore_mem>>
    %dma_wait3A_254 = arith.constant 0 : i32
    %dma_wait3A_255 = tpu.memref_slice %arg6[%dma_wait3A_245, %dma_wait3A_254] : memref<5x2000xi32, #tpu.memory_space<vmem>> -> memref<1x2000xi32, #tpu.memory_space<vmem>>
    %dma_wait3A_256 = tpu.memref_squeeze %dma_wait3A_255 : memref<1x2000xi32, #tpu.memory_space<vmem>> -> memref<2000xi32, #tpu.memory_space<vmem>>
    %dma_wait3A_257 = tpu.memref_slice %arg3[%dma_wait3A_244, %add3A_84] : memref<2x320000xi32, #tpu.memory_space<hbm>> -> memref<1x2000xi32, #tpu.memory_space<hbm>>
    %dma_wait3A_258 = tpu.memref_squeeze %dma_wait3A_257 : memref<1x2000xi32, #tpu.memory_space<hbm>> -> memref<2000xi32, #tpu.memory_space<hbm>>
    tpu.wait_dma2 semaphore(%dma_wait3A_253 : memref<!tpu.dma_semaphore, #tpu.memory_space<semaphore_mem>>) src(%dma_wait3A_258 : memref<2000xi32, #tpu.memory_space<hbm>>) dst(%dma_wait3A_256 : memref<2000xi32, #tpu.memory_space<vmem>>)
    %dma_start3A_259 = arith.constant 0 : i32
    %dma_start3A_260 = arith.constant 0 : i32
    %dma_start3A_261 = arith.constant 0 : i32
    %dma_start3A_262 = arith.constant 0 : i32
    %dma_start3A_263 = arith.constant 0 : i32
    %dma_start3A_264 = tpu.memref_slice %arg8[%dma_start3A_260, %dma_start3A_262, %dma_start3A_263] : memref<5x2000x8xf32, #tpu.memory_space<vmem>> -> memref<1x2000x8xf32, #tpu.memory_space<vmem>>
    %dma_start3A_265 = tpu.memref_squeeze %dma_start3A_264 : memref<1x2000x8xf32, #tpu.memory_space<vmem>> -> memref<2000x8xf32, #tpu.memory_space<vmem>>
    %dma_start3A_266 = arith.constant 0 : i32
    %dma_start3A_267 = tpu.memref_slice %arg6[%dma_start3A_259, %dma_start3A_266] : memref<5x2000xi32, #tpu.memory_space<vmem>> -> memref<1x2000xi32, #tpu.memory_space<vmem>>
    %dma_start3A_268 = tpu.memref_squeeze %dma_start3A_267 : memref<1x2000xi32, #tpu.memory_space<vmem>> -> memref<2000xi32, #tpu.memory_space<vmem>>
    %dma_start3A_269 = arith.constant 0 : i32
    %dma_start3A_270 = arith.constant 0 : i32
    %dma_start3A_271 = tpu.memref_slice %arg2[%dma_start3A_269, %dma_start3A_270] : memref<10240x8xf32, #tpu.memory_space<hbm>> -> memref<10240x8xf32, #tpu.memory_space<hbm>>
    %dma_start3A_272 = tpu.memref_slice %arg11[%dma_start3A_261] : memref<5x!tpu.dma_semaphore, #tpu.memory_space<semaphore_mem>> -> memref<1x!tpu.dma_semaphore, #tpu.memory_space<semaphore_mem>>
    %dma_start3A_273 = tpu.memref_squeeze %dma_start3A_272 : memref<1x!tpu.dma_semaphore, #tpu.memory_space<semaphore_mem>> -> memref<!tpu.dma_semaphore, #tpu.memory_space<semaphore_mem>>
    tpu.enqueue_indirect_dma source(%dma_start3A_271 : memref<10240x8xf32, #tpu.memory_space<hbm>>) target(%dma_start3A_265 : memref<2000x8xf32, #tpu.memory_space<vmem>>) offsets(%dma_start3A_268 : memref<2000xi32, #tpu.memory_space<vmem>>) semaphore(%dma_start3A_273 : memref<!tpu.dma_semaphore, #tpu.memory_space<semaphore_mem>>)
    %dma_start3A_274 = arith.constant 1 : i32
    %dma_start3A_275 = arith.constant 1 : i32
    %dma_start3A_276 = arith.constant 1 : i32
    %dma_start3A_277 = arith.constant 0 : i32
    %dma_start3A_278 = arith.constant 0 : i32
    %dma_start3A_279 = tpu.memref_slice %arg8[%dma_start3A_275, %dma_start3A_277, %dma_start3A_278] : memref<5x2000x8xf32, #tpu.memory_space<vmem>> -> memref<1x2000x8xf32, #tpu.memory_space<vmem>>
    %dma_start3A_280 = tpu.memref_squeeze %dma_start3A_279 : memref<1x2000x8xf32, #tpu.memory_space<vmem>> -> memref<2000x8xf32, #tpu.memory_space<vmem>>
    %dma_start3A_281 = arith.constant 0 : i32
    %dma_start3A_282 = tpu.memref_slice %arg6[%dma_start3A_274, %dma_start3A_281] : memref<5x2000xi32, #tpu.memory_space<vmem>> -> memref<1x2000xi32, #tpu.memory_space<vmem>>
    %dma_start3A_283 = tpu.memref_squeeze %dma_start3A_282 : memref<1x2000xi32, #tpu.memory_space<vmem>> -> memref<2000xi32, #tpu.memory_space<vmem>>
    %dma_start3A_284 = arith.constant 0 : i32
    %dma_start3A_285 = arith.constant 0 : i32
    %dma_start3A_286 = tpu.memref_slice %arg2[%dma_start3A_284, %dma_start3A_285] : memref<10240x8xf32, #tpu.memory_space<hbm>> -> memref<10240x8xf32, #tpu.memory_space<hbm>>
    %dma_start3A_287 = tpu.memref_slice %arg11[%dma_start3A_276] : memref<5x!tpu.dma_semaphore, #tpu.memory_space<semaphore_mem>> -> memref<1x!tpu.dma_semaphore, #tpu.memory_space<semaphore_mem>>
    %dma_start3A_288 = tpu.memref_squeeze %dma_start3A_287 : memref<1x!tpu.dma_semaphore, #tpu.memory_space<semaphore_mem>> -> memref<!tpu.dma_semaphore, #tpu.memory_space<semaphore_mem>>
    tpu.enqueue_indirect_dma source(%dma_start3A_286 : memref<10240x8xf32, #tpu.memory_space<hbm>>) target(%dma_start3A_280 : memref<2000x8xf32, #tpu.memory_space<vmem>>) offsets(%dma_start3A_283 : memref<2000xi32, #tpu.memory_space<vmem>>) semaphore(%dma_start3A_288 : memref<!tpu.dma_semaphore, #tpu.memory_space<semaphore_mem>>)
    %dma_start3A_289 = arith.constant 2 : i32
    %dma_start3A_290 = arith.constant 2 : i32
    %dma_start3A_291 = arith.constant 2 : i32
    %dma_start3A_292 = arith.constant 0 : i32
    %dma_start3A_293 = arith.constant 0 : i32
    %dma_start3A_294 = tpu.memref_slice %arg8[%dma_start3A_290, %dma_start3A_292, %dma_start3A_293] : memref<5x2000x8xf32, #tpu.memory_space<vmem>> -> memref<1x2000x8xf32, #tpu.memory_space<vmem>>
    %dma_start3A_295 = tpu.memref_squeeze %dma_start3A_294 : memref<1x2000x8xf32, #tpu.memory_space<vmem>> -> memref<2000x8xf32, #tpu.memory_space<vmem>>
    %dma_start3A_296 = arith.constant 0 : i32
    %dma_start3A_297 = tpu.memref_slice %arg6[%dma_start3A_289, %dma_start3A_296] : memref<5x2000xi32, #tpu.memory_space<vmem>> -> memref<1x2000xi32, #tpu.memory_space<vmem>>
    %dma_start3A_298 = tpu.memref_squeeze %dma_start3A_297 : memref<1x2000xi32, #tpu.memory_space<vmem>> -> memref<2000xi32, #tpu.memory_space<vmem>>
    %dma_start3A_299 = arith.constant 0 : i32
    %dma_start3A_300 = arith.constant 0 : i32
    %dma_start3A_301 = tpu.memref_slice %arg2[%dma_start3A_299, %dma_start3A_300] : memref<10240x8xf32, #tpu.memory_space<hbm>> -> memref<10240x8xf32, #tpu.memory_space<hbm>>
    %dma_start3A_302 = tpu.memref_slice %arg11[%dma_start3A_291] : memref<5x!tpu.dma_semaphore, #tpu.memory_space<semaphore_mem>> -> memref<1x!tpu.dma_semaphore, #tpu.memory_space<semaphore_mem>>
    %dma_start3A_303 = tpu.memref_squeeze %dma_start3A_302 : memref<1x!tpu.dma_semaphore, #tpu.memory_space<semaphore_mem>> -> memref<!tpu.dma_semaphore, #tpu.memory_space<semaphore_mem>>
    tpu.enqueue_indirect_dma source(%dma_start3A_301 : memref<10240x8xf32, #tpu.memory_space<hbm>>) target(%dma_start3A_295 : memref<2000x8xf32, #tpu.memory_space<vmem>>) offsets(%dma_start3A_298 : memref<2000xi32, #tpu.memory_space<vmem>>) semaphore(%dma_start3A_303 : memref<!tpu.dma_semaphore, #tpu.memory_space<semaphore_mem>>)
    %dma_start3A_304 = arith.constant 3 : i32
    %dma_start3A_305 = arith.constant 3 : i32
    %dma_start3A_306 = arith.constant 3 : i32
    %dma_start3A_307 = arith.constant 0 : i32
    %dma_start3A_308 = arith.constant 0 : i32
    %dma_start3A_309 = tpu.memref_slice %arg8[%dma_start3A_305, %dma_start3A_307, %dma_start3A_308] : memref<5x2000x8xf32, #tpu.memory_space<vmem>> -> memref<1x2000x8xf32, #tpu.memory_space<vmem>>
    %dma_start3A_310 = tpu.memref_squeeze %dma_start3A_309 : memref<1x2000x8xf32, #tpu.memory_space<vmem>> -> memref<2000x8xf32, #tpu.memory_space<vmem>>
    %dma_start3A_311 = arith.constant 0 : i32
    %dma_start3A_312 = tpu.memref_slice %arg6[%dma_start3A_304, %dma_start3A_311] : memref<5x2000xi32, #tpu.memory_space<vmem>> -> memref<1x2000xi32, #tpu.memory_space<vmem>>
    %dma_start3A_313 = tpu.memref_squeeze %dma_start3A_312 : memref<1x2000xi32, #tpu.memory_space<vmem>> -> memref<2000xi32, #tpu.memory_space<vmem>>
    %dma_start3A_314 = arith.constant 0 : i32
    %dma_start3A_315 = arith.constant 0 : i32
    %dma_start3A_316 = tpu.memref_slice %arg2[%dma_start3A_314, %dma_start3A_315] : memref<10240x8xf32, #tpu.memory_space<hbm>> -> memref<10240x8xf32, #tpu.memory_space<hbm>>
    %dma_start3A_317 = tpu.memref_slice %arg11[%dma_start3A_306] : memref<5x!tpu.dma_semaphore, #tpu.memory_space<semaphore_mem>> -> memref<1x!tpu.dma_semaphore, #tpu.memory_space<semaphore_mem>>
    %dma_start3A_318 = tpu.memref_squeeze %dma_start3A_317 : memref<1x!tpu.dma_semaphore, #tpu.memory_space<semaphore_mem>> -> memref<!tpu.dma_semaphore, #tpu.memory_space<semaphore_mem>>
    tpu.enqueue_indirect_dma source(%dma_start3A_316 : memref<10240x8xf32, #tpu.memory_space<hbm>>) target(%dma_start3A_310 : memref<2000x8xf32, #tpu.memory_space<vmem>>) offsets(%dma_start3A_313 : memref<2000xi32, #tpu.memory_space<vmem>>) semaphore(%dma_start3A_318 : memref<!tpu.dma_semaphore, #tpu.memory_space<semaphore_mem>>)
    %dma_start3A_319 = arith.constant 4 : i32
    %dma_start3A_320 = arith.constant 4 : i32
    %dma_start3A_321 = arith.constant 4 : i32
    %dma_start3A_322 = arith.constant 0 : i32
    %dma_start3A_323 = arith.constant 0 : i32
    %dma_start3A_324 = tpu.memref_slice %arg8[%dma_start3A_320, %dma_start3A_322, %dma_start3A_323] : memref<5x2000x8xf32, #tpu.memory_space<vmem>> -> memref<1x2000x8xf32, #tpu.memory_space<vmem>>
    %dma_start3A_325 = tpu.memref_squeeze %dma_start3A_324 : memref<1x2000x8xf32, #tpu.memory_space<vmem>> -> memref<2000x8xf32, #tpu.memory_space<vmem>>
    %dma_start3A_326 = arith.constant 0 : i32
    %dma_start3A_327 = tpu.memref_slice %arg6[%dma_start3A_319, %dma_start3A_326] : memref<5x2000xi32, #tpu.memory_space<vmem>> -> memref<1x2000xi32, #tpu.memory_space<vmem>>
    %dma_start3A_328 = tpu.memref_squeeze %dma_start3A_327 : memref<1x2000xi32, #tpu.memory_space<vmem>> -> memref<2000xi32, #tpu.memory_space<vmem>>
    %dma_start3A_329 = arith.constant 0 : i32
    %dma_start3A_330 = arith.constant 0 : i32
    %dma_start3A_331 = tpu.memref_slice %arg2[%dma_start3A_329, %dma_start3A_330] : memref<10240x8xf32, #tpu.memory_space<hbm>> -> memref<10240x8xf32, #tpu.memory_space<hbm>>
    %dma_start3A_332 = tpu.memref_slice %arg11[%dma_start3A_321] : memref<5x!tpu.dma_semaphore, #tpu.memory_space<semaphore_mem>> -> memref<1x!tpu.dma_semaphore, #tpu.memory_space<semaphore_mem>>
    %dma_start3A_333 = tpu.memref_squeeze %dma_start3A_332 : memref<1x!tpu.dma_semaphore, #tpu.memory_space<semaphore_mem>> -> memref<!tpu.dma_semaphore, #tpu.memory_space<semaphore_mem>>
    tpu.enqueue_indirect_dma source(%dma_start3A_331 : memref<10240x8xf32, #tpu.memory_space<hbm>>) target(%dma_start3A_325 : memref<2000x8xf32, #tpu.memory_space<vmem>>) offsets(%dma_start3A_328 : memref<2000xi32, #tpu.memory_space<vmem>>) semaphore(%dma_start3A_333 : memref<!tpu.dma_semaphore, #tpu.memory_space<semaphore_mem>>)
    %dma_wait3A_334 = arith.constant 0 : i32
    %dma_wait3A_335 = tpu.memref_slice %arg10[%dma_wait3A_334] : memref<3x!tpu.dma_semaphore, #tpu.memory_space<semaphore_mem>> -> memref<1x!tpu.dma_semaphore, #tpu.memory_space<semaphore_mem>>
    %dma_wait3A_336 = tpu.memref_squeeze %dma_wait3A_335 : memref<1x!tpu.dma_semaphore, #tpu.memory_space<semaphore_mem>> -> memref<!tpu.dma_semaphore, #tpu.memory_space<semaphore_mem>>
    %dma_wait3A_337 = arith.constant 0 : i32
    %dma_wait3A_338 = tpu.memref_slice %arg9[%mul3A_8, %dma_wait3A_337] : memref<10240x8xf32, #tpu.memory_space<vmem_shared>> -> memref<640x8xf32, #tpu.memory_space<vmem_shared>>
    %dma_wait3A_339 = arith.constant 0 : i32
    %dma_wait3A_340 = tpu.memref_slice %arg4[%mul3A_6, %dma_wait3A_339] : memref<10240x8xf32, #tpu.memory_space<hbm>> -> memref<640x8xf32, #tpu.memory_space<hbm>>
    tpu.wait_dma2 semaphore(%dma_wait3A_336 : memref<!tpu.dma_semaphore, #tpu.memory_space<semaphore_mem>>) src(%dma_wait3A_340 : memref<640x8xf32, #tpu.memory_space<hbm>>) dst(%dma_wait3A_338 : memref<640x8xf32, #tpu.memory_space<vmem_shared>>)
    %dma_wait3A_341 = arith.constant 1 : i32
    %dma_wait3A_342 = arith.constant 0 : i32
    %dma_wait3A_343 = arith.constant 2 : i32
    %dma_wait3A_344 = arith.constant 0 : i32
    %dma_wait3A_345 = tpu.memref_slice %arg7[%dma_wait3A_342, %dma_wait3A_344] : memref<5x2000xi32, #tpu.memory_space<vmem>> -> memref<1x2000xi32, #tpu.memory_space<vmem>>
    %dma_wait3A_346 = tpu.memref_squeeze %dma_wait3A_345 : memref<1x2000xi32, #tpu.memory_space<vmem>> -> memref<2000xi32, #tpu.memory_space<vmem>>
    %dma_wait3A_347 = tpu.memref_slice %arg3[%dma_wait3A_341, %add3A_101] : memref<2x320000xi32, #tpu.memory_space<hbm>> -> memref<1x2000xi32, #tpu.memory_space<hbm>>
    %dma_wait3A_348 = tpu.memref_squeeze %dma_wait3A_347 : memref<1x2000xi32, #tpu.memory_space<hbm>> -> memref<2000xi32, #tpu.memory_space<hbm>>
    %dma_wait3A_349 = tpu.memref_slice %arg10[%dma_wait3A_343] : memref<3x!tpu.dma_semaphore, #tpu.memory_space<semaphore_mem>> -> memref<1x!tpu.dma_semaphore, #tpu.memory_space<semaphore_mem>>
    %dma_wait3A_350 = tpu.memref_squeeze %dma_wait3A_349 : memref<1x!tpu.dma_semaphore, #tpu.memory_space<semaphore_mem>> -> memref<!tpu.dma_semaphore, #tpu.memory_space<semaphore_mem>>
    %dma_wait3A_351 = arith.constant 0 : i32
    %dma_wait3A_352 = tpu.memref_slice %arg7[%dma_wait3A_342, %dma_wait3A_351] : memref<5x2000xi32, #tpu.memory_space<vmem>> -> memref<1x2000xi32, #tpu.memory_space<vmem>>
    %dma_wait3A_353 = tpu.memref_squeeze %dma_wait3A_352 : memref<1x2000xi32, #tpu.memory_space<vmem>> -> memref<2000xi32, #tpu.memory_space<vmem>>
    %dma_wait3A_354 = tpu.memref_slice %arg3[%dma_wait3A_341, %add3A_101] : memref<2x320000xi32, #tpu.memory_space<hbm>> -> memref<1x2000xi32, #tpu.memory_space<hbm>>
    %dma_wait3A_355 = tpu.memref_squeeze %dma_wait3A_354 : memref<1x2000xi32, #tpu.memory_space<hbm>> -> memref<2000xi32, #tpu.memory_space<hbm>>
    tpu.wait_dma2 semaphore(%dma_wait3A_350 : memref<!tpu.dma_semaphore, #tpu.memory_space<semaphore_mem>>) src(%dma_wait3A_355 : memref<2000xi32, #tpu.memory_space<hbm>>) dst(%dma_wait3A_353 : memref<2000xi32, #tpu.memory_space<vmem>>)
    %dma_wait3A_356 = arith.constant 1 : i32
    %dma_wait3A_357 = arith.constant 1 : i32
    %dma_wait3A_358 = arith.constant 2 : i32
    %dma_wait3A_359 = arith.constant 0 : i32
    %dma_wait3A_360 = tpu.memref_slice %arg7[%dma_wait3A_357, %dma_wait3A_359] : memref<5x2000xi32, #tpu.memory_space<vmem>> -> memref<1x2000xi32, #tpu.memory_space<vmem>>
    %dma_wait3A_361 = tpu.memref_squeeze %dma_wait3A_360 : memref<1x2000xi32, #tpu.memory_space<vmem>> -> memref<2000xi32, #tpu.memory_space<vmem>>
    %dma_wait3A_362 = tpu.memref_slice %arg3[%dma_wait3A_356, %add3A_118] : memref<2x320000xi32, #tpu.memory_space<hbm>> -> memref<1x2000xi32, #tpu.memory_space<hbm>>
    %dma_wait3A_363 = tpu.memref_squeeze %dma_wait3A_362 : memref<1x2000xi32, #tpu.memory_space<hbm>> -> memref<2000xi32, #tpu.memory_space<hbm>>
    %dma_wait3A_364 = tpu.memref_slice %arg10[%dma_wait3A_358] : memref<3x!tpu.dma_semaphore, #tpu.memory_space<semaphore_mem>> -> memref<1x!tpu.dma_semaphore, #tpu.memory_space<semaphore_mem>>
    %dma_wait3A_365 = tpu.memref_squeeze %dma_wait3A_364 : memref<1x!tpu.dma_semaphore, #tpu.memory_space<semaphore_mem>> -> memref<!tpu.dma_semaphore, #tpu.memory_space<semaphore_mem>>
    %dma_wait3A_366 = arith.constant 0 : i32
    %dma_wait3A_367 = tpu.memref_slice %arg7[%dma_wait3A_357, %dma_wait3A_366] : memref<5x2000xi32, #tpu.memory_space<vmem>> -> memref<1x2000xi32, #tpu.memory_space<vmem>>
    %dma_wait3A_368 = tpu.memref_squeeze %dma_wait3A_367 : memref<1x2000xi32, #tpu.memory_space<vmem>> -> memref<2000xi32, #tpu.memory_space<vmem>>
    %dma_wait3A_369 = tpu.memref_slice %arg3[%dma_wait3A_356, %add3A_118] : memref<2x320000xi32, #tpu.memory_space<hbm>> -> memref<1x2000xi32, #tpu.memory_space<hbm>>
    %dma_wait3A_370 = tpu.memref_squeeze %dma_wait3A_369 : memref<1x2000xi32, #tpu.memory_space<hbm>> -> memref<2000xi32, #tpu.memory_space<hbm>>
    tpu.wait_dma2 semaphore(%dma_wait3A_365 : memref<!tpu.dma_semaphore, #tpu.memory_space<semaphore_mem>>) src(%dma_wait3A_370 : memref<2000xi32, #tpu.memory_space<hbm>>) dst(%dma_wait3A_368 : memref<2000xi32, #tpu.memory_space<vmem>>)
    %dma_wait3A_371 = arith.constant 1 : i32
    %dma_wait3A_372 = arith.constant 2 : i32
    %dma_wait3A_373 = arith.constant 2 : i32
    %dma_wait3A_374 = arith.constant 0 : i32
    %dma_wait3A_375 = tpu.memref_slice %arg7[%dma_wait3A_372, %dma_wait3A_374] : memref<5x2000xi32, #tpu.memory_space<vmem>> -> memref<1x2000xi32, #tpu.memory_space<vmem>>
    %dma_wait3A_376 = tpu.memref_squeeze %dma_wait3A_375 : memref<1x2000xi32, #tpu.memory_space<vmem>> -> memref<2000xi32, #tpu.memory_space<vmem>>
    %dma_wait3A_377 = tpu.memref_slice %arg3[%dma_wait3A_371, %add3A_135] : memref<2x320000xi32, #tpu.memory_space<hbm>> -> memref<1x2000xi32, #tpu.memory_space<hbm>>
    %dma_wait3A_378 = tpu.memref_squeeze %dma_wait3A_377 : memref<1x2000xi32, #tpu.memory_space<hbm>> -> memref<2000xi32, #tpu.memory_space<hbm>>
    %dma_wait3A_379 = tpu.memref_slice %arg10[%dma_wait3A_373] : memref<3x!tpu.dma_semaphore, #tpu.memory_space<semaphore_mem>> -> memref<1x!tpu.dma_semaphore, #tpu.memory_space<semaphore_mem>>
    %dma_wait3A_380 = tpu.memref_squeeze %dma_wait3A_379 : memref<1x!tpu.dma_semaphore, #tpu.memory_space<semaphore_mem>> -> memref<!tpu.dma_semaphore, #tpu.memory_space<semaphore_mem>>
    %dma_wait3A_381 = arith.constant 0 : i32
    %dma_wait3A_382 = tpu.memref_slice %arg7[%dma_wait3A_372, %dma_wait3A_381] : memref<5x2000xi32, #tpu.memory_space<vmem>> -> memref<1x2000xi32, #tpu.memory_space<vmem>>
    %dma_wait3A_383 = tpu.memref_squeeze %dma_wait3A_382 : memref<1x2000xi32, #tpu.memory_space<vmem>> -> memref<2000xi32, #tpu.memory_space<vmem>>
    %dma_wait3A_384 = tpu.memref_slice %arg3[%dma_wait3A_371, %add3A_135] : memref<2x320000xi32, #tpu.memory_space<hbm>> -> memref<1x2000xi32, #tpu.memory_space<hbm>>
    %dma_wait3A_385 = tpu.memref_squeeze %dma_wait3A_384 : memref<1x2000xi32, #tpu.memory_space<hbm>> -> memref<2000xi32, #tpu.memory_space<hbm>>
    tpu.wait_dma2 semaphore(%dma_wait3A_380 : memref<!tpu.dma_semaphore, #tpu.memory_space<semaphore_mem>>) src(%dma_wait3A_385 : memref<2000xi32, #tpu.memory_space<hbm>>) dst(%dma_wait3A_383 : memref<2000xi32, #tpu.memory_space<vmem>>)
    %dma_wait3A_386 = arith.constant 1 : i32
    %dma_wait3A_387 = arith.constant 3 : i32
    %dma_wait3A_388 = arith.constant 2 : i32
    %dma_wait3A_389 = arith.constant 0 : i32
    %dma_wait3A_390 = tpu.memref_slice %arg7[%dma_wait3A_387, %dma_wait3A_389] : memref<5x2000xi32, #tpu.memory_space<vmem>> -> memref<1x2000xi32, #tpu.memory_space<vmem>>
    %dma_wait3A_391 = tpu.memref_squeeze %dma_wait3A_390 : memref<1x2000xi32, #tpu.memory_space<vmem>> -> memref<2000xi32, #tpu.memory_space<vmem>>
    %dma_wait3A_392 = tpu.memref_slice %arg3[%dma_wait3A_386, %add3A_152] : memref<2x320000xi32, #tpu.memory_space<hbm>> -> memref<1x2000xi32, #tpu.memory_space<hbm>>
    %dma_wait3A_393 = tpu.memref_squeeze %dma_wait3A_392 : memref<1x2000xi32, #tpu.memory_space<hbm>> -> memref<2000xi32, #tpu.memory_space<hbm>>
    %dma_wait3A_394 = tpu.memref_slice %arg10[%dma_wait3A_388] : memref<3x!tpu.dma_semaphore, #tpu.memory_space<semaphore_mem>> -> memref<1x!tpu.dma_semaphore, #tpu.memory_space<semaphore_mem>>
    %dma_wait3A_395 = tpu.memref_squeeze %dma_wait3A_394 : memref<1x!tpu.dma_semaphore, #tpu.memory_space<semaphore_mem>> -> memref<!tpu.dma_semaphore, #tpu.memory_space<semaphore_mem>>
    %dma_wait3A_396 = arith.constant 0 : i32
    %dma_wait3A_397 = tpu.memref_slice %arg7[%dma_wait3A_387, %dma_wait3A_396] : memref<5x2000xi32, #tpu.memory_space<vmem>> -> memref<1x2000xi32, #tpu.memory_space<vmem>>
    %dma_wait3A_398 = tpu.memref_squeeze %dma_wait3A_397 : memref<1x2000xi32, #tpu.memory_space<vmem>> -> memref<2000xi32, #tpu.memory_space<vmem>>
    %dma_wait3A_399 = tpu.memref_slice %arg3[%dma_wait3A_386, %add3A_152] : memref<2x320000xi32, #tpu.memory_space<hbm>> -> memref<1x2000xi32, #tpu.memory_space<hbm>>
    %dma_wait3A_400 = tpu.memref_squeeze %dma_wait3A_399 : memref<1x2000xi32, #tpu.memory_space<hbm>> -> memref<2000xi32, #tpu.memory_space<hbm>>
    tpu.wait_dma2 semaphore(%dma_wait3A_395 : memref<!tpu.dma_semaphore, #tpu.memory_space<semaphore_mem>>) src(%dma_wait3A_400 : memref<2000xi32, #tpu.memory_space<hbm>>) dst(%dma_wait3A_398 : memref<2000xi32, #tpu.memory_space<vmem>>)
    %dma_wait3A_401 = arith.constant 1 : i32
    %dma_wait3A_402 = arith.constant 4 : i32
    %dma_wait3A_403 = arith.constant 2 : i32
    %dma_wait3A_404 = arith.constant 0 : i32
    %dma_wait3A_405 = tpu.memref_slice %arg7[%dma_wait3A_402, %dma_wait3A_404] : memref<5x2000xi32, #tpu.memory_space<vmem>> -> memref<1x2000xi32, #tpu.memory_space<vmem>>
    %dma_wait3A_406 = tpu.memref_squeeze %dma_wait3A_405 : memref<1x2000xi32, #tpu.memory_space<vmem>> -> memref<2000xi32, #tpu.memory_space<vmem>>
    %dma_wait3A_407 = tpu.memref_slice %arg3[%dma_wait3A_401, %add3A_169] : memref<2x320000xi32, #tpu.memory_space<hbm>> -> memref<1x2000xi32, #tpu.memory_space<hbm>>
    %dma_wait3A_408 = tpu.memref_squeeze %dma_wait3A_407 : memref<1x2000xi32, #tpu.memory_space<hbm>> -> memref<2000xi32, #tpu.memory_space<hbm>>
    %dma_wait3A_409 = tpu.memref_slice %arg10[%dma_wait3A_403] : memref<3x!tpu.dma_semaphore, #tpu.memory_space<semaphore_mem>> -> memref<1x!tpu.dma_semaphore, #tpu.memory_space<semaphore_mem>>
    %dma_wait3A_410 = tpu.memref_squeeze %dma_wait3A_409 : memref<1x!tpu.dma_semaphore, #tpu.memory_space<semaphore_mem>> -> memref<!tpu.dma_semaphore, #tpu.memory_space<semaphore_mem>>
    %dma_wait3A_411 = arith.constant 0 : i32
    %dma_wait3A_412 = tpu.memref_slice %arg7[%dma_wait3A_402, %dma_wait3A_411] : memref<5x2000xi32, #tpu.memory_space<vmem>> -> memref<1x2000xi32, #tpu.memory_space<vmem>>
    %dma_wait3A_413 = tpu.memref_squeeze %dma_wait3A_412 : memref<1x2000xi32, #tpu.memory_space<vmem>> -> memref<2000xi32, #tpu.memory_space<vmem>>
    %dma_wait3A_414 = tpu.memref_slice %arg3[%dma_wait3A_401, %add3A_169] : memref<2x320000xi32, #tpu.memory_space<hbm>> -> memref<1x2000xi32, #tpu.memory_space<hbm>>
    %dma_wait3A_415 = tpu.memref_squeeze %dma_wait3A_414 : memref<1x2000xi32, #tpu.memory_space<hbm>> -> memref<2000xi32, #tpu.memory_space<hbm>>
    tpu.wait_dma2 semaphore(%dma_wait3A_410 : memref<!tpu.dma_semaphore, #tpu.memory_space<semaphore_mem>>) src(%dma_wait3A_415 : memref<2000xi32, #tpu.memory_space<hbm>>) dst(%dma_wait3A_413 : memref<2000xi32, #tpu.memory_space<vmem>>)
    %barrier3A = arith.constant 0 : index
    tpu.barrier barrier_id(%barrier3A)
    %dma_wait3A_416 = arith.constant 0 : i32
    %dma_wait3A_417 = arith.constant 0 : i32
    %dma_wait3A_418 = arith.constant 0 : i32
    %dma_wait3A_419 = arith.constant 0 : i32
    %dma_wait3A_420 = arith.constant 0 : i32
    %dma_wait3A_421 = tpu.memref_slice %arg8[%dma_wait3A_417, %dma_wait3A_419, %dma_wait3A_420] : memref<5x2000x8xf32, #tpu.memory_space<vmem>> -> memref<1x2000x8xf32, #tpu.memory_space<vmem>>
    %dma_wait3A_422 = tpu.memref_squeeze %dma_wait3A_421 : memref<1x2000x8xf32, #tpu.memory_space<vmem>> -> memref<2000x8xf32, #tpu.memory_space<vmem>>
    %dma_wait3A_423 = arith.constant 0 : i32
    %dma_wait3A_424 = tpu.memref_slice %arg6[%dma_wait3A_416, %dma_wait3A_423] : memref<5x2000xi32, #tpu.memory_space<vmem>> -> memref<1x2000xi32, #tpu.memory_space<vmem>>
    %dma_wait3A_425 = tpu.memref_squeeze %dma_wait3A_424 : memref<1x2000xi32, #tpu.memory_space<vmem>> -> memref<2000xi32, #tpu.memory_space<vmem>>
    %dma_wait3A_426 = arith.constant 0 : i32
    %dma_wait3A_427 = arith.constant 0 : i32
    %dma_wait3A_428 = tpu.memref_slice %arg2[%dma_wait3A_426, %dma_wait3A_427] : memref<10240x8xf32, #tpu.memory_space<hbm>> -> memref<10240x8xf32, #tpu.memory_space<hbm>>
    %dma_wait3A_429 = tpu.memref_slice %arg11[%dma_wait3A_418] : memref<5x!tpu.dma_semaphore, #tpu.memory_space<semaphore_mem>> -> memref<1x!tpu.dma_semaphore, #tpu.memory_space<semaphore_mem>>
    %dma_wait3A_430 = tpu.memref_squeeze %dma_wait3A_429 : memref<1x!tpu.dma_semaphore, #tpu.memory_space<semaphore_mem>> -> memref<!tpu.dma_semaphore, #tpu.memory_space<semaphore_mem>>
    tpu.wait_indirect_dma semaphore(%dma_wait3A_430 : memref<!tpu.dma_semaphore, #tpu.memory_space<semaphore_mem>>) src(%dma_wait3A_428 : memref<10240x8xf32, #tpu.memory_space<hbm>>) dst(%dma_wait3A_422 : memref<2000x8xf32, #tpu.memory_space<vmem>>)
    %dma_start3A_431 = arith.constant 0 : i32
    %dma_start3A_432 = arith.constant 0 : i32
    %dma_start3A_433 = arith.constant 0 : i32
    %dma_start3A_434 = arith.constant 0 : i32
    %dma_start3A_435 = arith.constant 0 : i32
    %dma_start3A_436 = tpu.memref_slice %arg8[%dma_start3A_431, %dma_start3A_434, %dma_start3A_435] : memref<5x2000x8xf32, #tpu.memory_space<vmem>> -> memref<1x2000x8xf32, #tpu.memory_space<vmem>>
    %dma_start3A_437 = tpu.memref_squeeze %dma_start3A_436 : memref<1x2000x8xf32, #tpu.memory_space<vmem>> -> memref<2000x8xf32, #tpu.memory_space<vmem>>
    %dma_start3A_438 = arith.constant 0 : i32
    %dma_start3A_439 = tpu.memref_slice %arg7[%dma_start3A_432, %dma_start3A_438] : memref<5x2000xi32, #tpu.memory_space<vmem>> -> memref<1x2000xi32, #tpu.memory_space<vmem>>
    %dma_start3A_440 = tpu.memref_squeeze %dma_start3A_439 : memref<1x2000xi32, #tpu.memory_space<vmem>> -> memref<2000xi32, #tpu.memory_space<vmem>>
    %dma_start3A_441 = arith.constant 0 : i32
    %dma_start3A_442 = arith.constant 0 : i32
    %dma_start3A_443 = tpu.memref_slice %arg9[%dma_start3A_441, %dma_start3A_442] : memref<10240x8xf32, #tpu.memory_space<vmem_shared>> -> memref<10240x8xf32, #tpu.memory_space<vmem_shared>>
    %dma_start3A_444 = tpu.memref_slice %arg12[%dma_start3A_433] : memref<5x!tpu.dma_semaphore, #tpu.memory_space<semaphore_mem>> -> memref<1x!tpu.dma_semaphore, #tpu.memory_space<semaphore_mem>>
    %dma_start3A_445 = tpu.memref_squeeze %dma_start3A_444 : memref<1x!tpu.dma_semaphore, #tpu.memory_space<semaphore_mem>> -> memref<!tpu.dma_semaphore, #tpu.memory_space<semaphore_mem>>
    tpu.enqueue_indirect_dma source(%dma_start3A_437 : memref<2000x8xf32, #tpu.memory_space<vmem>>) target(%dma_start3A_443 : memref<10240x8xf32, #tpu.memory_space<vmem_shared>>) offsets(%dma_start3A_440 : memref<2000xi32, #tpu.memory_space<vmem>>) semaphore(%dma_start3A_445 : memref<!tpu.dma_semaphore, #tpu.memory_space<semaphore_mem>>) {add = true}
    %dma_wait3A_446 = arith.constant 1 : i32
    %dma_wait3A_447 = arith.constant 1 : i32
    %dma_wait3A_448 = arith.constant 1 : i32
    %dma_wait3A_449 = arith.constant 0 : i32
    %dma_wait3A_450 = arith.constant 0 : i32
    %dma_wait3A_451 = tpu.memref_slice %arg8[%dma_wait3A_447, %dma_wait3A_449, %dma_wait3A_450] : memref<5x2000x8xf32, #tpu.memory_space<vmem>> -> memref<1x2000x8xf32, #tpu.memory_space<vmem>>
    %dma_wait3A_452 = tpu.memref_squeeze %dma_wait3A_451 : memref<1x2000x8xf32, #tpu.memory_space<vmem>> -> memref<2000x8xf32, #tpu.memory_space<vmem>>
    %dma_wait3A_453 = arith.constant 0 : i32
    %dma_wait3A_454 = tpu.memref_slice %arg6[%dma_wait3A_446, %dma_wait3A_453] : memref<5x2000xi32, #tpu.memory_space<vmem>> -> memref<1x2000xi32, #tpu.memory_space<vmem>>
    %dma_wait3A_455 = tpu.memref_squeeze %dma_wait3A_454 : memref<1x2000xi32, #tpu.memory_space<vmem>> -> memref<2000xi32, #tpu.memory_space<vmem>>
    %dma_wait3A_456 = arith.constant 0 : i32
    %dma_wait3A_457 = arith.constant 0 : i32
    %dma_wait3A_458 = tpu.memref_slice %arg2[%dma_wait3A_456, %dma_wait3A_457] : memref<10240x8xf32, #tpu.memory_space<hbm>> -> memref<10240x8xf32, #tpu.memory_space<hbm>>
    %dma_wait3A_459 = tpu.memref_slice %arg11[%dma_wait3A_448] : memref<5x!tpu.dma_semaphore, #tpu.memory_space<semaphore_mem>> -> memref<1x!tpu.dma_semaphore, #tpu.memory_space<semaphore_mem>>
    %dma_wait3A_460 = tpu.memref_squeeze %dma_wait3A_459 : memref<1x!tpu.dma_semaphore, #tpu.memory_space<semaphore_mem>> -> memref<!tpu.dma_semaphore, #tpu.memory_space<semaphore_mem>>
    tpu.wait_indirect_dma semaphore(%dma_wait3A_460 : memref<!tpu.dma_semaphore, #tpu.memory_space<semaphore_mem>>) src(%dma_wait3A_458 : memref<10240x8xf32, #tpu.memory_space<hbm>>) dst(%dma_wait3A_452 : memref<2000x8xf32, #tpu.memory_space<vmem>>)
    %dma_start3A_461 = arith.constant 1 : i32
    %dma_start3A_462 = arith.constant 1 : i32
    %dma_start3A_463 = arith.constant 1 : i32
    %dma_start3A_464 = arith.constant 0 : i32
    %dma_start3A_465 = arith.constant 0 : i32
    %dma_start3A_466 = tpu.memref_slice %arg8[%dma_start3A_461, %dma_start3A_464, %dma_start3A_465] : memref<5x2000x8xf32, #tpu.memory_space<vmem>> -> memref<1x2000x8xf32, #tpu.memory_space<vmem>>
    %dma_start3A_467 = tpu.memref_squeeze %dma_start3A_466 : memref<1x2000x8xf32, #tpu.memory_space<vmem>> -> memref<2000x8xf32, #tpu.memory_space<vmem>>
    %dma_start3A_468 = arith.constant 0 : i32
    %dma_start3A_469 = tpu.memref_slice %arg7[%dma_start3A_462, %dma_start3A_468] : memref<5x2000xi32, #tpu.memory_space<vmem>> -> memref<1x2000xi32, #tpu.memory_space<vmem>>
    %dma_start3A_470 = tpu.memref_squeeze %dma_start3A_469 : memref<1x2000xi32, #tpu.memory_space<vmem>> -> memref<2000xi32, #tpu.memory_space<vmem>>
    %dma_start3A_471 = arith.constant 0 : i32
    %dma_start3A_472 = arith.constant 0 : i32
    %dma_start3A_473 = tpu.memref_slice %arg9[%dma_start3A_471, %dma_start3A_472] : memref<10240x8xf32, #tpu.memory_space<vmem_shared>> -> memref<10240x8xf32, #tpu.memory_space<vmem_shared>>
    %dma_start3A_474 = tpu.memref_slice %arg12[%dma_start3A_463] : memref<5x!tpu.dma_semaphore, #tpu.memory_space<semaphore_mem>> -> memref<1x!tpu.dma_semaphore, #tpu.memory_space<semaphore_mem>>
    %dma_start3A_475 = tpu.memref_squeeze %dma_start3A_474 : memref<1x!tpu.dma_semaphore, #tpu.memory_space<semaphore_mem>> -> memref<!tpu.dma_semaphore, #tpu.memory_space<semaphore_mem>>
    tpu.enqueue_indirect_dma source(%dma_start3A_467 : memref<2000x8xf32, #tpu.memory_space<vmem>>) target(%dma_start3A_473 : memref<10240x8xf32, #tpu.memory_space<vmem_shared>>) offsets(%dma_start3A_470 : memref<2000xi32, #tpu.memory_space<vmem>>) semaphore(%dma_start3A_475 : memref<!tpu.dma_semaphore, #tpu.memory_space<semaphore_mem>>) {add = true}
    %dma_wait3A_476 = arith.constant 2 : i32
    %dma_wait3A_477 = arith.constant 2 : i32
    %dma_wait3A_478 = arith.constant 2 : i32
    %dma_wait3A_479 = arith.constant 0 : i32
    %dma_wait3A_480 = arith.constant 0 : i32
    %dma_wait3A_481 = tpu.memref_slice %arg8[%dma_wait3A_477, %dma_wait3A_479, %dma_wait3A_480] : memref<5x2000x8xf32, #tpu.memory_space<vmem>> -> memref<1x2000x8xf32, #tpu.memory_space<vmem>>
    %dma_wait3A_482 = tpu.memref_squeeze %dma_wait3A_481 : memref<1x2000x8xf32, #tpu.memory_space<vmem>> -> memref<2000x8xf32, #tpu.memory_space<vmem>>
    %dma_wait3A_483 = arith.constant 0 : i32
    %dma_wait3A_484 = tpu.memref_slice %arg6[%dma_wait3A_476, %dma_wait3A_483] : memref<5x2000xi32, #tpu.memory_space<vmem>> -> memref<1x2000xi32, #tpu.memory_space<vmem>>
    %dma_wait3A_485 = tpu.memref_squeeze %dma_wait3A_484 : memref<1x2000xi32, #tpu.memory_space<vmem>> -> memref<2000xi32, #tpu.memory_space<vmem>>
    %dma_wait3A_486 = arith.constant 0 : i32
    %dma_wait3A_487 = arith.constant 0 : i32
    %dma_wait3A_488 = tpu.memref_slice %arg2[%dma_wait3A_486, %dma_wait3A_487] : memref<10240x8xf32, #tpu.memory_space<hbm>> -> memref<10240x8xf32, #tpu.memory_space<hbm>>
    %dma_wait3A_489 = tpu.memref_slice %arg11[%dma_wait3A_478] : memref<5x!tpu.dma_semaphore, #tpu.memory_space<semaphore_mem>> -> memref<1x!tpu.dma_semaphore, #tpu.memory_space<semaphore_mem>>
    %dma_wait3A_490 = tpu.memref_squeeze %dma_wait3A_489 : memref<1x!tpu.dma_semaphore, #tpu.memory_space<semaphore_mem>> -> memref<!tpu.dma_semaphore, #tpu.memory_space<semaphore_mem>>
    tpu.wait_indirect_dma semaphore(%dma_wait3A_490 : memref<!tpu.dma_semaphore, #tpu.memory_space<semaphore_mem>>) src(%dma_wait3A_488 : memref<10240x8xf32, #tpu.memory_space<hbm>>) dst(%dma_wait3A_482 : memref<2000x8xf32, #tpu.memory_space<vmem>>)
    %dma_start3A_491 = arith.constant 2 : i32
    %dma_start3A_492 = arith.constant 2 : i32
    %dma_start3A_493 = arith.constant 2 : i32
    %dma_start3A_494 = arith.constant 0 : i32
    %dma_start3A_495 = arith.constant 0 : i32
    %dma_start3A_496 = tpu.memref_slice %arg8[%dma_start3A_491, %dma_start3A_494, %dma_start3A_495] : memref<5x2000x8xf32, #tpu.memory_space<vmem>> -> memref<1x2000x8xf32, #tpu.memory_space<vmem>>
    %dma_start3A_497 = tpu.memref_squeeze %dma_start3A_496 : memref<1x2000x8xf32, #tpu.memory_space<vmem>> -> memref<2000x8xf32, #tpu.memory_space<vmem>>
    %dma_start3A_498 = arith.constant 0 : i32
    %dma_start3A_499 = tpu.memref_slice %arg7[%dma_start3A_492, %dma_start3A_498] : memref<5x2000xi32, #tpu.memory_space<vmem>> -> memref<1x2000xi32, #tpu.memory_space<vmem>>
    %dma_start3A_500 = tpu.memref_squeeze %dma_start3A_499 : memref<1x2000xi32, #tpu.memory_space<vmem>> -> memref<2000xi32, #tpu.memory_space<vmem>>
    %dma_start3A_501 = arith.constant 0 : i32
    %dma_start3A_502 = arith.constant 0 : i32
    %dma_start3A_503 = tpu.memref_slice %arg9[%dma_start3A_501, %dma_start3A_502] : memref<10240x8xf32, #tpu.memory_space<vmem_shared>> -> memref<10240x8xf32, #tpu.memory_space<vmem_shared>>
    %dma_start3A_504 = tpu.memref_slice %arg12[%dma_start3A_493] : memref<5x!tpu.dma_semaphore, #tpu.memory_space<semaphore_mem>> -> memref<1x!tpu.dma_semaphore, #tpu.memory_space<semaphore_mem>>
    %dma_start3A_505 = tpu.memref_squeeze %dma_start3A_504 : memref<1x!tpu.dma_semaphore, #tpu.memory_space<semaphore_mem>> -> memref<!tpu.dma_semaphore, #tpu.memory_space<semaphore_mem>>
    tpu.enqueue_indirect_dma source(%dma_start3A_497 : memref<2000x8xf32, #tpu.memory_space<vmem>>) target(%dma_start3A_503 : memref<10240x8xf32, #tpu.memory_space<vmem_shared>>) offsets(%dma_start3A_500 : memref<2000xi32, #tpu.memory_space<vmem>>) semaphore(%dma_start3A_505 : memref<!tpu.dma_semaphore, #tpu.memory_space<semaphore_mem>>) {add = true}
    %dma_wait3A_506 = arith.constant 3 : i32
    %dma_wait3A_507 = arith.constant 3 : i32
    %dma_wait3A_508 = arith.constant 3 : i32
    %dma_wait3A_509 = arith.constant 0 : i32
    %dma_wait3A_510 = arith.constant 0 : i32
    %dma_wait3A_511 = tpu.memref_slice %arg8[%dma_wait3A_507, %dma_wait3A_509, %dma_wait3A_510] : memref<5x2000x8xf32, #tpu.memory_space<vmem>> -> memref<1x2000x8xf32, #tpu.memory_space<vmem>>
    %dma_wait3A_512 = tpu.memref_squeeze %dma_wait3A_511 : memref<1x2000x8xf32, #tpu.memory_space<vmem>> -> memref<2000x8xf32, #tpu.memory_space<vmem>>
    %dma_wait3A_513 = arith.constant 0 : i32
    %dma_wait3A_514 = tpu.memref_slice %arg6[%dma_wait3A_506, %dma_wait3A_513] : memref<5x2000xi32, #tpu.memory_space<vmem>> -> memref<1x2000xi32, #tpu.memory_space<vmem>>
    %dma_wait3A_515 = tpu.memref_squeeze %dma_wait3A_514 : memref<1x2000xi32, #tpu.memory_space<vmem>> -> memref<2000xi32, #tpu.memory_space<vmem>>
    %dma_wait3A_516 = arith.constant 0 : i32
    %dma_wait3A_517 = arith.constant 0 : i32
    %dma_wait3A_518 = tpu.memref_slice %arg2[%dma_wait3A_516, %dma_wait3A_517] : memref<10240x8xf32, #tpu.memory_space<hbm>> -> memref<10240x8xf32, #tpu.memory_space<hbm>>
    %dma_wait3A_519 = tpu.memref_slice %arg11[%dma_wait3A_508] : memref<5x!tpu.dma_semaphore, #tpu.memory_space<semaphore_mem>> -> memref<1x!tpu.dma_semaphore, #tpu.memory_space<semaphore_mem>>
    %dma_wait3A_520 = tpu.memref_squeeze %dma_wait3A_519 : memref<1x!tpu.dma_semaphore, #tpu.memory_space<semaphore_mem>> -> memref<!tpu.dma_semaphore, #tpu.memory_space<semaphore_mem>>
    tpu.wait_indirect_dma semaphore(%dma_wait3A_520 : memref<!tpu.dma_semaphore, #tpu.memory_space<semaphore_mem>>) src(%dma_wait3A_518 : memref<10240x8xf32, #tpu.memory_space<hbm>>) dst(%dma_wait3A_512 : memref<2000x8xf32, #tpu.memory_space<vmem>>)
    %dma_start3A_521 = arith.constant 3 : i32
    %dma_start3A_522 = arith.constant 3 : i32
    %dma_start3A_523 = arith.constant 3 : i32
    %dma_start3A_524 = arith.constant 0 : i32
    %dma_start3A_525 = arith.constant 0 : i32
    %dma_start3A_526 = tpu.memref_slice %arg8[%dma_start3A_521, %dma_start3A_524, %dma_start3A_525] : memref<5x2000x8xf32, #tpu.memory_space<vmem>> -> memref<1x2000x8xf32, #tpu.memory_space<vmem>>
    %dma_start3A_527 = tpu.memref_squeeze %dma_start3A_526 : memref<1x2000x8xf32, #tpu.memory_space<vmem>> -> memref<2000x8xf32, #tpu.memory_space<vmem>>
    %dma_start3A_528 = arith.constant 0 : i32
    %dma_start3A_529 = tpu.memref_slice %arg7[%dma_start3A_522, %dma_start3A_528] : memref<5x2000xi32, #tpu.memory_space<vmem>> -> memref<1x2000xi32, #tpu.memory_space<vmem>>
    %dma_start3A_530 = tpu.memref_squeeze %dma_start3A_529 : memref<1x2000xi32, #tpu.memory_space<vmem>> -> memref<2000xi32, #tpu.memory_space<vmem>>
    %dma_start3A_531 = arith.constant 0 : i32
    %dma_start3A_532 = arith.constant 0 : i32
    %dma_start3A_533 = tpu.memref_slice %arg9[%dma_start3A_531, %dma_start3A_532] : memref<10240x8xf32, #tpu.memory_space<vmem_shared>> -> memref<10240x8xf32, #tpu.memory_space<vmem_shared>>
    %dma_start3A_534 = tpu.memref_slice %arg12[%dma_start3A_523] : memref<5x!tpu.dma_semaphore, #tpu.memory_space<semaphore_mem>> -> memref<1x!tpu.dma_semaphore, #tpu.memory_space<semaphore_mem>>
    %dma_start3A_535 = tpu.memref_squeeze %dma_start3A_534 : memref<1x!tpu.dma_semaphore, #tpu.memory_space<semaphore_mem>> -> memref<!tpu.dma_semaphore, #tpu.memory_space<semaphore_mem>>
    tpu.enqueue_indirect_dma source(%dma_start3A_527 : memref<2000x8xf32, #tpu.memory_space<vmem>>) target(%dma_start3A_533 : memref<10240x8xf32, #tpu.memory_space<vmem_shared>>) offsets(%dma_start3A_530 : memref<2000xi32, #tpu.memory_space<vmem>>) semaphore(%dma_start3A_535 : memref<!tpu.dma_semaphore, #tpu.memory_space<semaphore_mem>>) {add = true}
    %dma_wait3A_536 = arith.constant 4 : i32
    %dma_wait3A_537 = arith.constant 4 : i32
    %dma_wait3A_538 = arith.constant 4 : i32
    %dma_wait3A_539 = arith.constant 0 : i32
    %dma_wait3A_540 = arith.constant 0 : i32
    %dma_wait3A_541 = tpu.memref_slice %arg8[%dma_wait3A_537, %dma_wait3A_539, %dma_wait3A_540] : memref<5x2000x8xf32, #tpu.memory_space<vmem>> -> memref<1x2000x8xf32, #tpu.memory_space<vmem>>
    %dma_wait3A_542 = tpu.memref_squeeze %dma_wait3A_541 : memref<1x2000x8xf32, #tpu.memory_space<vmem>> -> memref<2000x8xf32, #tpu.memory_space<vmem>>
    %dma_wait3A_543 = arith.constant 0 : i32
    %dma_wait3A_544 = tpu.memref_slice %arg6[%dma_wait3A_536, %dma_wait3A_543] : memref<5x2000xi32, #tpu.memory_space<vmem>> -> memref<1x2000xi32, #tpu.memory_space<vmem>>
    %dma_wait3A_545 = tpu.memref_squeeze %dma_wait3A_544 : memref<1x2000xi32, #tpu.memory_space<vmem>> -> memref<2000xi32, #tpu.memory_space<vmem>>
    %dma_wait3A_546 = arith.constant 0 : i32
    %dma_wait3A_547 = arith.constant 0 : i32
    %dma_wait3A_548 = tpu.memref_slice %arg2[%dma_wait3A_546, %dma_wait3A_547] : memref<10240x8xf32, #tpu.memory_space<hbm>> -> memref<10240x8xf32, #tpu.memory_space<hbm>>
    %dma_wait3A_549 = tpu.memref_slice %arg11[%dma_wait3A_538] : memref<5x!tpu.dma_semaphore, #tpu.memory_space<semaphore_mem>> -> memref<1x!tpu.dma_semaphore, #tpu.memory_space<semaphore_mem>>
    %dma_wait3A_550 = tpu.memref_squeeze %dma_wait3A_549 : memref<1x!tpu.dma_semaphore, #tpu.memory_space<semaphore_mem>> -> memref<!tpu.dma_semaphore, #tpu.memory_space<semaphore_mem>>
    tpu.wait_indirect_dma semaphore(%dma_wait3A_550 : memref<!tpu.dma_semaphore, #tpu.memory_space<semaphore_mem>>) src(%dma_wait3A_548 : memref<10240x8xf32, #tpu.memory_space<hbm>>) dst(%dma_wait3A_542 : memref<2000x8xf32, #tpu.memory_space<vmem>>)
    %dma_start3A_551 = arith.constant 4 : i32
    %dma_start3A_552 = arith.constant 4 : i32
    %dma_start3A_553 = arith.constant 4 : i32
    %dma_start3A_554 = arith.constant 0 : i32
    %dma_start3A_555 = arith.constant 0 : i32
    %dma_start3A_556 = tpu.memref_slice %arg8[%dma_start3A_551, %dma_start3A_554, %dma_start3A_555] : memref<5x2000x8xf32, #tpu.memory_space<vmem>> -> memref<1x2000x8xf32, #tpu.memory_space<vmem>>
    %dma_start3A_557 = tpu.memref_squeeze %dma_start3A_556 : memref<1x2000x8xf32, #tpu.memory_space<vmem>> -> memref<2000x8xf32, #tpu.memory_space<vmem>>
    %dma_start3A_558 = arith.constant 0 : i32
    %dma_start3A_559 = tpu.memref_slice %arg7[%dma_start3A_552, %dma_start3A_558] : memref<5x2000xi32, #tpu.memory_space<vmem>> -> memref<1x2000xi32, #tpu.memory_space<vmem>>
    %dma_start3A_560 = tpu.memref_squeeze %dma_start3A_559 : memref<1x2000xi32, #tpu.memory_space<vmem>> -> memref<2000xi32, #tpu.memory_space<vmem>>
    %dma_start3A_561 = arith.constant 0 : i32
    %dma_start3A_562 = arith.constant 0 : i32
    %dma_start3A_563 = tpu.memref_slice %arg9[%dma_start3A_561, %dma_start3A_562] : memref<10240x8xf32, #tpu.memory_space<vmem_shared>> -> memref<10240x8xf32, #tpu.memory_space<vmem_shared>>
    %dma_start3A_564 = tpu.memref_slice %arg12[%dma_start3A_553] : memref<5x!tpu.dma_semaphore, #tpu.memory_space<semaphore_mem>> -> memref<1x!tpu.dma_semaphore, #tpu.memory_space<semaphore_mem>>
    %dma_start3A_565 = tpu.memref_squeeze %dma_start3A_564 : memref<1x!tpu.dma_semaphore, #tpu.memory_space<semaphore_mem>> -> memref<!tpu.dma_semaphore, #tpu.memory_space<semaphore_mem>>
    tpu.enqueue_indirect_dma source(%dma_start3A_557 : memref<2000x8xf32, #tpu.memory_space<vmem>>) target(%dma_start3A_563 : memref<10240x8xf32, #tpu.memory_space<vmem_shared>>) offsets(%dma_start3A_560 : memref<2000xi32, #tpu.memory_space<vmem>>) semaphore(%dma_start3A_565 : memref<!tpu.dma_semaphore, #tpu.memory_space<semaphore_mem>>) {add = true}
    %dma_wait3A_566 = arith.constant 0 : i32
    %dma_wait3A_567 = arith.constant 0 : i32
    %dma_wait3A_568 = arith.constant 0 : i32
    %dma_wait3A_569 = arith.constant 0 : i32
    %dma_wait3A_570 = arith.constant 0 : i32
    %dma_wait3A_571 = tpu.memref_slice %arg8[%dma_wait3A_566, %dma_wait3A_569, %dma_wait3A_570] : memref<5x2000x8xf32, #tpu.memory_space<vmem>> -> memref<1x2000x8xf32, #tpu.memory_space<vmem>>
    %dma_wait3A_572 = tpu.memref_squeeze %dma_wait3A_571 : memref<1x2000x8xf32, #tpu.memory_space<vmem>> -> memref<2000x8xf32, #tpu.memory_space<vmem>>
    %dma_wait3A_573 = arith.constant 0 : i32
    %dma_wait3A_574 = tpu.memref_slice %arg7[%dma_wait3A_567, %dma_wait3A_573] : memref<5x2000xi32, #tpu.memory_space<vmem>> -> memref<1x2000xi32, #tpu.memory_space<vmem>>
    %dma_wait3A_575 = tpu.memref_squeeze %dma_wait3A_574 : memref<1x2000xi32, #tpu.memory_space<vmem>> -> memref<2000xi32, #tpu.memory_space<vmem>>
    %dma_wait3A_576 = arith.constant 0 : i32
    %dma_wait3A_577 = arith.constant 0 : i32
    %dma_wait3A_578 = tpu.memref_slice %arg9[%dma_wait3A_576, %dma_wait3A_577] : memref<10240x8xf32, #tpu.memory_space<vmem_shared>> -> memref<10240x8xf32, #tpu.memory_space<vmem_shared>>
    %dma_wait3A_579 = tpu.memref_slice %arg12[%dma_wait3A_568] : memref<5x!tpu.dma_semaphore, #tpu.memory_space<semaphore_mem>> -> memref<1x!tpu.dma_semaphore, #tpu.memory_space<semaphore_mem>>
    %dma_wait3A_580 = tpu.memref_squeeze %dma_wait3A_579 : memref<1x!tpu.dma_semaphore, #tpu.memory_space<semaphore_mem>> -> memref<!tpu.dma_semaphore, #tpu.memory_space<semaphore_mem>>
    tpu.wait_indirect_dma semaphore(%dma_wait3A_580 : memref<!tpu.dma_semaphore, #tpu.memory_space<semaphore_mem>>) src(%dma_wait3A_572 : memref<2000x8xf32, #tpu.memory_space<vmem>>) dst(%dma_wait3A_578 : memref<10240x8xf32, #tpu.memory_space<vmem_shared>>)
    %dma_wait3A_581 = arith.constant 1 : i32
    %dma_wait3A_582 = arith.constant 1 : i32
    %dma_wait3A_583 = arith.constant 1 : i32
    %dma_wait3A_584 = arith.constant 0 : i32
    %dma_wait3A_585 = arith.constant 0 : i32
    %dma_wait3A_586 = tpu.memref_slice %arg8[%dma_wait3A_581, %dma_wait3A_584, %dma_wait3A_585] : memref<5x2000x8xf32, #tpu.memory_space<vmem>> -> memref<1x2000x8xf32, #tpu.memory_space<vmem>>
    %dma_wait3A_587 = tpu.memref_squeeze %dma_wait3A_586 : memref<1x2000x8xf32, #tpu.memory_space<vmem>> -> memref<2000x8xf32, #tpu.memory_space<vmem>>
    %dma_wait3A_588 = arith.constant 0 : i32
    %dma_wait3A_589 = tpu.memref_slice %arg7[%dma_wait3A_582, %dma_wait3A_588] : memref<5x2000xi32, #tpu.memory_space<vmem>> -> memref<1x2000xi32, #tpu.memory_space<vmem>>
    %dma_wait3A_590 = tpu.memref_squeeze %dma_wait3A_589 : memref<1x2000xi32, #tpu.memory_space<vmem>> -> memref<2000xi32, #tpu.memory_space<vmem>>
    %dma_wait3A_591 = arith.constant 0 : i32
    %dma_wait3A_592 = arith.constant 0 : i32
    %dma_wait3A_593 = tpu.memref_slice %arg9[%dma_wait3A_591, %dma_wait3A_592] : memref<10240x8xf32, #tpu.memory_space<vmem_shared>> -> memref<10240x8xf32, #tpu.memory_space<vmem_shared>>
    %dma_wait3A_594 = tpu.memref_slice %arg12[%dma_wait3A_583] : memref<5x!tpu.dma_semaphore, #tpu.memory_space<semaphore_mem>> -> memref<1x!tpu.dma_semaphore, #tpu.memory_space<semaphore_mem>>
    %dma_wait3A_595 = tpu.memref_squeeze %dma_wait3A_594 : memref<1x!tpu.dma_semaphore, #tpu.memory_space<semaphore_mem>> -> memref<!tpu.dma_semaphore, #tpu.memory_space<semaphore_mem>>
    tpu.wait_indirect_dma semaphore(%dma_wait3A_595 : memref<!tpu.dma_semaphore, #tpu.memory_space<semaphore_mem>>) src(%dma_wait3A_587 : memref<2000x8xf32, #tpu.memory_space<vmem>>) dst(%dma_wait3A_593 : memref<10240x8xf32, #tpu.memory_space<vmem_shared>>)
    %dma_wait3A_596 = arith.constant 2 : i32
    %dma_wait3A_597 = arith.constant 2 : i32
    %dma_wait3A_598 = arith.constant 2 : i32
    %dma_wait3A_599 = arith.constant 0 : i32
    %dma_wait3A_600 = arith.constant 0 : i32
    %dma_wait3A_601 = tpu.memref_slice %arg8[%dma_wait3A_596, %dma_wait3A_599, %dma_wait3A_600] : memref<5x2000x8xf32, #tpu.memory_space<vmem>> -> memref<1x2000x8xf32, #tpu.memory_space<vmem>>
    %dma_wait3A_602 = tpu.memref_squeeze %dma_wait3A_601 : memref<1x2000x8xf32, #tpu.memory_space<vmem>> -> memref<2000x8xf32, #tpu.memory_space<vmem>>
    %dma_wait3A_603 = arith.constant 0 : i32
    %dma_wait3A_604 = tpu.memref_slice %arg7[%dma_wait3A_597, %dma_wait3A_603] : memref<5x2000xi32, #tpu.memory_space<vmem>> -> memref<1x2000xi32, #tpu.memory_space<vmem>>
    %dma_wait3A_605 = tpu.memref_squeeze %dma_wait3A_604 : memref<1x2000xi32, #tpu.memory_space<vmem>> -> memref<2000xi32, #tpu.memory_space<vmem>>
    %dma_wait3A_606 = arith.constant 0 : i32
    %dma_wait3A_607 = arith.constant 0 : i32
    %dma_wait3A_608 = tpu.memref_slice %arg9[%dma_wait3A_606, %dma_wait3A_607] : memref<10240x8xf32, #tpu.memory_space<vmem_shared>> -> memref<10240x8xf32, #tpu.memory_space<vmem_shared>>
    %dma_wait3A_609 = tpu.memref_slice %arg12[%dma_wait3A_598] : memref<5x!tpu.dma_semaphore, #tpu.memory_space<semaphore_mem>> -> memref<1x!tpu.dma_semaphore, #tpu.memory_space<semaphore_mem>>
    %dma_wait3A_610 = tpu.memref_squeeze %dma_wait3A_609 : memref<1x!tpu.dma_semaphore, #tpu.memory_space<semaphore_mem>> -> memref<!tpu.dma_semaphore, #tpu.memory_space<semaphore_mem>>
    tpu.wait_indirect_dma semaphore(%dma_wait3A_610 : memref<!tpu.dma_semaphore, #tpu.memory_space<semaphore_mem>>) src(%dma_wait3A_602 : memref<2000x8xf32, #tpu.memory_space<vmem>>) dst(%dma_wait3A_608 : memref<10240x8xf32, #tpu.memory_space<vmem_shared>>)
    %dma_wait3A_611 = arith.constant 3 : i32
    %dma_wait3A_612 = arith.constant 3 : i32
    %dma_wait3A_613 = arith.constant 3 : i32
    %dma_wait3A_614 = arith.constant 0 : i32
    %dma_wait3A_615 = arith.constant 0 : i32
    %dma_wait3A_616 = tpu.memref_slice %arg8[%dma_wait3A_611, %dma_wait3A_614, %dma_wait3A_615] : memref<5x2000x8xf32, #tpu.memory_space<vmem>> -> memref<1x2000x8xf32, #tpu.memory_space<vmem>>
    %dma_wait3A_617 = tpu.memref_squeeze %dma_wait3A_616 : memref<1x2000x8xf32, #tpu.memory_space<vmem>> -> memref<2000x8xf32, #tpu.memory_space<vmem>>
    %dma_wait3A_618 = arith.constant 0 : i32
    %dma_wait3A_619 = tpu.memref_slice %arg7[%dma_wait3A_612, %dma_wait3A_618] : memref<5x2000xi32, #tpu.memory_space<vmem>> -> memref<1x2000xi32, #tpu.memory_space<vmem>>
    %dma_wait3A_620 = tpu.memref_squeeze %dma_wait3A_619 : memref<1x2000xi32, #tpu.memory_space<vmem>> -> memref<2000xi32, #tpu.memory_space<vmem>>
    %dma_wait3A_621 = arith.constant 0 : i32
    %dma_wait3A_622 = arith.constant 0 : i32
    %dma_wait3A_623 = tpu.memref_slice %arg9[%dma_wait3A_621, %dma_wait3A_622] : memref<10240x8xf32, #tpu.memory_space<vmem_shared>> -> memref<10240x8xf32, #tpu.memory_space<vmem_shared>>
    %dma_wait3A_624 = tpu.memref_slice %arg12[%dma_wait3A_613] : memref<5x!tpu.dma_semaphore, #tpu.memory_space<semaphore_mem>> -> memref<1x!tpu.dma_semaphore, #tpu.memory_space<semaphore_mem>>
    %dma_wait3A_625 = tpu.memref_squeeze %dma_wait3A_624 : memref<1x!tpu.dma_semaphore, #tpu.memory_space<semaphore_mem>> -> memref<!tpu.dma_semaphore, #tpu.memory_space<semaphore_mem>>
    tpu.wait_indirect_dma semaphore(%dma_wait3A_625 : memref<!tpu.dma_semaphore, #tpu.memory_space<semaphore_mem>>) src(%dma_wait3A_617 : memref<2000x8xf32, #tpu.memory_space<vmem>>) dst(%dma_wait3A_623 : memref<10240x8xf32, #tpu.memory_space<vmem_shared>>)
    %dma_wait3A_626 = arith.constant 4 : i32
    %dma_wait3A_627 = arith.constant 4 : i32
    %dma_wait3A_628 = arith.constant 4 : i32
    %dma_wait3A_629 = arith.constant 0 : i32
    %dma_wait3A_630 = arith.constant 0 : i32
    %dma_wait3A_631 = tpu.memref_slice %arg8[%dma_wait3A_626, %dma_wait3A_629, %dma_wait3A_630] : memref<5x2000x8xf32, #tpu.memory_space<vmem>> -> memref<1x2000x8xf32, #tpu.memory_space<vmem>>
    %dma_wait3A_632 = tpu.memref_squeeze %dma_wait3A_631 : memref<1x2000x8xf32, #tpu.memory_space<vmem>> -> memref<2000x8xf32, #tpu.memory_space<vmem>>
    %dma_wait3A_633 = arith.constant 0 : i32
    %dma_wait3A_634 = tpu.memref_slice %arg7[%dma_wait3A_627, %dma_wait3A_633] : memref<5x2000xi32, #tpu.memory_space<vmem>> -> memref<1x2000xi32, #tpu.memory_space<vmem>>
    %dma_wait3A_635 = tpu.memref_squeeze %dma_wait3A_634 : memref<1x2000xi32, #tpu.memory_space<vmem>> -> memref<2000xi32, #tpu.memory_space<vmem>>
    %dma_wait3A_636 = arith.constant 0 : i32
    %dma_wait3A_637 = arith.constant 0 : i32
    %dma_wait3A_638 = tpu.memref_slice %arg9[%dma_wait3A_636, %dma_wait3A_637] : memref<10240x8xf32, #tpu.memory_space<vmem_shared>> -> memref<10240x8xf32, #tpu.memory_space<vmem_shared>>
    %dma_wait3A_639 = tpu.memref_slice %arg12[%dma_wait3A_628] : memref<5x!tpu.dma_semaphore, #tpu.memory_space<semaphore_mem>> -> memref<1x!tpu.dma_semaphore, #tpu.memory_space<semaphore_mem>>
    %dma_wait3A_640 = tpu.memref_squeeze %dma_wait3A_639 : memref<1x!tpu.dma_semaphore, #tpu.memory_space<semaphore_mem>> -> memref<!tpu.dma_semaphore, #tpu.memory_space<semaphore_mem>>
    tpu.wait_indirect_dma semaphore(%dma_wait3A_640 : memref<!tpu.dma_semaphore, #tpu.memory_space<semaphore_mem>>) src(%dma_wait3A_632 : memref<2000x8xf32, #tpu.memory_space<vmem>>) dst(%dma_wait3A_638 : memref<10240x8xf32, #tpu.memory_space<vmem_shared>>)
    %barrier3A_641 = arith.constant 0 : index
    tpu.barrier barrier_id(%barrier3A_641)
    %mul3A_642 = arith.constant 640 : i32
    %mul3A_643 = arith.muli %arg1, %mul3A_642 : i32
    %mul3A_644 = arith.constant 640 : i32
    %mul3A_645 = arith.muli %arg1, %mul3A_644 : i32
    "tpu.region"() ({
      %run_scoped3A = tpu.sem_alloc : memref<!tpu.dma_semaphore, #tpu.memory_space<semaphore_mem>>
      %dma_start3A_646 = arith.constant 0 : i32
      %dma_start3A_647 = tpu.memref_slice %arg5[%arg0, %mul3A_645, %dma_start3A_646] : memref<2x10240x8xf32, #tpu.memory_space<hbm>> -> memref<1x640x8xf32, #tpu.memory_space<hbm>>
      %dma_start3A_648 = tpu.memref_squeeze %dma_start3A_647 : memref<1x640x8xf32, #tpu.memory_space<hbm>> -> memref<640x8xf32, #tpu.memory_space<hbm>>
      %dma_start3A_649 = arith.constant 0 : i32
      %dma_start3A_650 = tpu.memref_slice %arg9[%mul3A_643, %dma_start3A_649] : memref<10240x8xf32, #tpu.memory_space<vmem_shared>> -> memref<640x8xf32, #tpu.memory_space<vmem_shared>>
      tpu.enqueue_dma source(%dma_start3A_650 : memref<640x8xf32, #tpu.memory_space<vmem_shared>>) target(%dma_start3A_648 : memref<640x8xf32, #tpu.memory_space<hbm>>) target_semaphore(%run_scoped3A : memref<!tpu.dma_semaphore, #tpu.memory_space<semaphore_mem>>)
      %dma_wait3A_651 = arith.constant 0 : i32
      %dma_wait3A_652 = tpu.memref_slice %arg5[%arg0, %mul3A_645, %dma_wait3A_651] : memref<2x10240x8xf32, #tpu.memory_space<hbm>> -> memref<1x640x8xf32, #tpu.memory_space<hbm>>
      %dma_wait3A_653 = tpu.memref_squeeze %dma_wait3A_652 : memref<1x640x8xf32, #tpu.memory_space<hbm>> -> memref<640x8xf32, #tpu.memory_space<hbm>>
      %dma_wait3A_654 = arith.constant 0 : i32
      %dma_wait3A_655 = tpu.memref_slice %arg9[%mul3A_643, %dma_wait3A_654] : memref<10240x8xf32, #tpu.memory_space<vmem_shared>> -> memref<640x8xf32, #tpu.memory_space<vmem_shared>>
      tpu.wait_dma2 semaphore(%run_scoped3A : memref<!tpu.dma_semaphore, #tpu.memory_space<semaphore_mem>>) src(%dma_wait3A_655 : memref<640x8xf32, #tpu.memory_space<vmem_shared>>) dst(%dma_wait3A_653 : memref<640x8xf32, #tpu.memory_space<hbm>>)
      tpu.yield
    }) : () -> ()
    return
  }
}

#map = affine_map<(d0, d1) -> (0, 0)>
#map1 = affine_map<(d0, d1) -> (0, 0, 0)>
module attributes {stable_mosaic.version = 14 : i64} {
  func.func @_scat_body(%arg0: i32, %arg1: i32, %arg2: memref<10240x8xf32, #tpu.memory_space<hbm>>, %arg3: memref<2x320000xi32, #tpu.memory_space<hbm>>, %arg4: memref<10240x8xf32, #tpu.memory_space<hbm>>, %arg5: memref<2x10240x8xf32, #tpu.memory_space<hbm>>, %arg6: memref<5x2000xi32, #tpu.memory_space<vmem>>, %arg7: memref<5x2000xi32, #tpu.memory_space<vmem>>, %arg8: memref<5x2000x8xf32, #tpu.memory_space<vmem>>, %arg9: memref<10240x8xf32, #tpu.memory_space<vmem_shared>>, %arg10: memref<3x!tpu.dma_semaphore, #tpu.memory_space<semaphore_mem>>, %arg11: memref<5x!tpu.dma_semaphore, #tpu.memory_space<semaphore_mem>>, %arg12: memref<5x!tpu.dma_semaphore, #tpu.memory_space<semaphore_mem>>) attributes {dimension_semantics = [#tpu.dimension_semantics<core_parallel>, #tpu.dimension_semantics<subcore_parallel>], iteration_bounds = array<i64: 2, 16>, scalar_prefetch = 0 : i64, scratch_operands = 7 : i64, tpu.core_type = #tpu.core_type<sc_vector_subcore>, window_params = [{transform_indices = #map}, {transform_indices = #map}, {transform_indices = #map}, {transform_indices = #map1}]} {
    %mul3A = arith.constant 2 : i32
    %mul3A_0 = arith.muli %arg1, %mul3A : i32
    %add3A = arith.addi %mul3A_0, %arg0 : i32
    %mul3A_1 = arith.constant 5 : i32
    %mul3A_2 = arith.muli %add3A, %mul3A_1 : i32
    %mul3A_3 = arith.constant 2000 : i32
    %mul3A_4 = arith.muli %mul3A_2, %mul3A_3 : i32
    %mul3A_5 = arith.constant 640 : i32
    %mul3A_6 = arith.muli %arg1, %mul3A_5 : i32
    %mul3A_7 = arith.constant 640 : i32
    %mul3A_8 = arith.muli %arg1, %mul3A_7 : i32
    %dma_start3A = arith.constant 0 : i32
    %dma_start3A_9 = tpu.memref_slice %arg10[%dma_start3A] : memref<3x!tpu.dma_semaphore, #tpu.memory_space<semaphore_mem>> -> memref<1x!tpu.dma_semaphore, #tpu.memory_space<semaphore_mem>>
    %dma_start3A_10 = tpu.memref_squeeze %dma_start3A_9 : memref<1x!tpu.dma_semaphore, #tpu.memory_space<semaphore_mem>> -> memref<!tpu.dma_semaphore, #tpu.memory_space<semaphore_mem>>
    %dma_start3A_11 = arith.constant 0 : i32
    %dma_start3A_12 = tpu.memref_slice %arg9[%mul3A_8, %dma_start3A_11] : memref<10240x8xf32, #tpu.memory_space<vmem_shared>> -> memref<640x8xf32, #tpu.memory_space<vmem_shared>>
    %dma_start3A_13 = arith.constant 0 : i32
    %dma_start3A_14 = tpu.memref_slice %arg4[%mul3A_6, %dma_start3A_13] : memref<10240x8xf32, #tpu.memory_space<hbm>> -> memref<640x8xf32, #tpu.memory_space<hbm>>
    tpu.enqueue_dma source(%dma_start3A_14 : memref<640x8xf32, #tpu.memory_space<hbm>>) target(%dma_start3A_12 : memref<640x8xf32, #tpu.memory_space<vmem_shared>>) target_semaphore(%dma_start3A_10 : memref<!tpu.dma_semaphore, #tpu.memory_space<semaphore_mem>>)
    %add3A_15 = arith.constant 0 : i32
    %add3A_16 = arith.addi %mul3A_4, %add3A_15 : i32
    %dma_start3A_17 = arith.constant 0 : i32
    %dma_start3A_18 = arith.constant 0 : i32
    %dma_start3A_19 = arith.constant 1 : i32
    %dma_start3A_20 = arith.constant 0 : i32
    %dma_start3A_21 = tpu.memref_slice %arg6[%dma_start3A_18, %dma_start3A_20] : memref<5x2000xi32, #tpu.memory_space<vmem>> -> memref<1x2000xi32, #tpu.memory_space<vmem>>
    %dma_start3A_22 = tpu.memref_squeeze %dma_start3A_21 : memref<1x2000xi32, #tpu.memory_space<vmem>> -> memref<2000xi32, #tpu.memory_space<vmem>>
    %dma_start3A_23 = tpu.memref_slice %arg3[%dma_start3A_17, %add3A_16] : memref<2x320000xi32, #tpu.memory_space<hbm>> -> memref<1x2000xi32, #tpu.memory_space<hbm>>
    %dma_start3A_24 = tpu.memref_squeeze %dma_start3A_23 : memref<1x2000xi32, #tpu.memory_space<hbm>> -> memref<2000xi32, #tpu.memory_space<hbm>>
    %dma_start3A_25 = tpu.memref_slice %arg10[%dma_start3A_19] : memref<3x!tpu.dma_semaphore, #tpu.memory_space<semaphore_mem>> -> memref<1x!tpu.dma_semaphore, #tpu.memory_space<semaphore_mem>>
    %dma_start3A_26 = tpu.memref_squeeze %dma_start3A_25 : memref<1x!tpu.dma_semaphore, #tpu.memory_space<semaphore_mem>> -> memref<!tpu.dma_semaphore, #tpu.memory_space<semaphore_mem>>
    %dma_start3A_27 = arith.constant 0 : i32
    %dma_start3A_28 = tpu.memref_slice %arg6[%dma_start3A_18, %dma_start3A_27] : memref<5x2000xi32, #tpu.memory_space<vmem>> -> memref<1x2000xi32, #tpu.memory_space<vmem>>
    %dma_start3A_29 = tpu.memref_squeeze %dma_start3A_28 : memref<1x2000xi32, #tpu.memory_space<vmem>> -> memref<2000xi32, #tpu.memory_space<vmem>>
    %dma_start3A_30 = tpu.memref_slice %arg3[%dma_start3A_17, %add3A_16] : memref<2x320000xi32, #tpu.memory_space<hbm>> -> memref<1x2000xi32, #tpu.memory_space<hbm>>
    %dma_start3A_31 = tpu.memref_squeeze %dma_start3A_30 : memref<1x2000xi32, #tpu.memory_space<hbm>> -> memref<2000xi32, #tpu.memory_space<hbm>>
    tpu.enqueue_dma source(%dma_start3A_31 : memref<2000xi32, #tpu.memory_space<hbm>>) target(%dma_start3A_29 : memref<2000xi32, #tpu.memory_space<vmem>>) target_semaphore(%dma_start3A_26 : memref<!tpu.dma_semaphore, #tpu.memory_space<semaphore_mem>>)
    %add3A_32 = arith.constant 2000 : i32
    %add3A_33 = arith.addi %mul3A_4, %add3A_32 : i32
    %dma_start3A_34 = arith.constant 0 : i32
    %dma_start3A_35 = arith.constant 1 : i32
    %dma_start3A_36 = arith.constant 1 : i32
    %dma_start3A_37 = arith.constant 0 : i32
    %dma_start3A_38 = tpu.memref_slice %arg6[%dma_start3A_35, %dma_start3A_37] : memref<5x2000xi32, #tpu.memory_space<vmem>> -> memref<1x2000xi32, #tpu.memory_space<vmem>>
    %dma_start3A_39 = tpu.memref_squeeze %dma_start3A_38 : memref<1x2000xi32, #tpu.memory_space<vmem>> -> memref<2000xi32, #tpu.memory_space<vmem>>
    %dma_start3A_40 = tpu.memref_slice %arg3[%dma_start3A_34, %add3A_33] : memref<2x320000xi32, #tpu.memory_space<hbm>> -> memref<1x2000xi32, #tpu.memory_space<hbm>>
    %dma_start3A_41 = tpu.memref_squeeze %dma_start3A_40 : memref<1x2000xi32, #tpu.memory_space<hbm>> -> memref<2000xi32, #tpu.memory_space<hbm>>
    %dma_start3A_42 = tpu.memref_slice %arg10[%dma_start3A_36] : memref<3x!tpu.dma_semaphore, #tpu.memory_space<semaphore_mem>> -> memref<1x!tpu.dma_semaphore, #tpu.memory_space<semaphore_mem>>
    %dma_start3A_43 = tpu.memref_squeeze %dma_start3A_42 : memref<1x!tpu.dma_semaphore, #tpu.memory_space<semaphore_mem>> -> memref<!tpu.dma_semaphore, #tpu.memory_space<semaphore_mem>>
    %dma_start3A_44 = arith.constant 0 : i32
    %dma_start3A_45 = tpu.memref_slice %arg6[%dma_start3A_35, %dma_start3A_44] : memref<5x2000xi32, #tpu.memory_space<vmem>> -> memref<1x2000xi32, #tpu.memory_space<vmem>>
    %dma_start3A_46 = tpu.memref_squeeze %dma_start3A_45 : memref<1x2000xi32, #tpu.memory_space<vmem>> -> memref<2000xi32, #tpu.memory_space<vmem>>
    %dma_start3A_47 = tpu.memref_slice %arg3[%dma_start3A_34, %add3A_33] : memref<2x320000xi32, #tpu.memory_space<hbm>> -> memref<1x2000xi32, #tpu.memory_space<hbm>>
    %dma_start3A_48 = tpu.memref_squeeze %dma_start3A_47 : memref<1x2000xi32, #tpu.memory_space<hbm>> -> memref<2000xi32, #tpu.memory_space<hbm>>
    tpu.enqueue_dma source(%dma_start3A_48 : memref<2000xi32, #tpu.memory_space<hbm>>) target(%dma_start3A_46 : memref<2000xi32, #tpu.memory_space<vmem>>) target_semaphore(%dma_start3A_43 : memref<!tpu.dma_semaphore, #tpu.memory_space<semaphore_mem>>)
    %add3A_49 = arith.constant 4000 : i32
    %add3A_50 = arith.addi %mul3A_4, %add3A_49 : i32
    %dma_start3A_51 = arith.constant 0 : i32
    %dma_start3A_52 = arith.constant 2 : i32
    %dma_start3A_53 = arith.constant 1 : i32
    %dma_start3A_54 = arith.constant 0 : i32
    %dma_start3A_55 = tpu.memref_slice %arg6[%dma_start3A_52, %dma_start3A_54] : memref<5x2000xi32, #tpu.memory_space<vmem>> -> memref<1x2000xi32, #tpu.memory_space<vmem>>
    %dma_start3A_56 = tpu.memref_squeeze %dma_start3A_55 : memref<1x2000xi32, #tpu.memory_space<vmem>> -> memref<2000xi32, #tpu.memory_space<vmem>>
    %dma_start3A_57 = tpu.memref_slice %arg3[%dma_start3A_51, %add3A_50] : memref<2x320000xi32, #tpu.memory_space<hbm>> -> memref<1x2000xi32, #tpu.memory_space<hbm>>
    %dma_start3A_58 = tpu.memref_squeeze %dma_start3A_57 : memref<1x2000xi32, #tpu.memory_space<hbm>> -> memref<2000xi32, #tpu.memory_space<hbm>>
    %dma_start3A_59 = tpu.memref_slice %arg10[%dma_start3A_53] : memref<3x!tpu.dma_semaphore, #tpu.memory_space<semaphore_mem>> -> memref<1x!tpu.dma_semaphore, #tpu.memory_space<semaphore_mem>>
    %dma_start3A_60 = tpu.memref_squeeze %dma_start3A_59 : memref<1x!tpu.dma_semaphore, #tpu.memory_space<semaphore_mem>> -> memref<!tpu.dma_semaphore, #tpu.memory_space<semaphore_mem>>
    %dma_start3A_61 = arith.constant 0 : i32
    %dma_start3A_62 = tpu.memref_slice %arg6[%dma_start3A_52, %dma_start3A_61] : memref<5x2000xi32, #tpu.memory_space<vmem>> -> memref<1x2000xi32, #tpu.memory_space<vmem>>
    %dma_start3A_63 = tpu.memref_squeeze %dma_start3A_62 : memref<1x2000xi32, #tpu.memory_space<vmem>> -> memref<2000xi32, #tpu.memory_space<vmem>>
    %dma_start3A_64 = tpu.memref_slice %arg3[%dma_start3A_51, %add3A_50] : memref<2x320000xi32, #tpu.memory_space<hbm>> -> memref<1x2000xi32, #tpu.memory_space<hbm>>
    %dma_start3A_65 = tpu.memref_squeeze %dma_start3A_64 : memref<1x2000xi32, #tpu.memory_space<hbm>> -> memref<2000xi32, #tpu.memory_space<hbm>>
    tpu.enqueue_dma source(%dma_start3A_65 : memref<2000xi32, #tpu.memory_space<hbm>>) target(%dma_start3A_63 : memref<2000xi32, #tpu.memory_space<vmem>>) target_semaphore(%dma_start3A_60 : memref<!tpu.dma_semaphore, #tpu.memory_space<semaphore_mem>>)
    %add3A_66 = arith.constant 6000 : i32
    %add3A_67 = arith.addi %mul3A_4, %add3A_66 : i32
    %dma_start3A_68 = arith.constant 0 : i32
    %dma_start3A_69 = arith.constant 3 : i32
    %dma_start3A_70 = arith.constant 1 : i32
    %dma_start3A_71 = arith.constant 0 : i32
    %dma_start3A_72 = tpu.memref_slice %arg6[%dma_start3A_69, %dma_start3A_71] : memref<5x2000xi32, #tpu.memory_space<vmem>> -> memref<1x2000xi32, #tpu.memory_space<vmem>>
    %dma_start3A_73 = tpu.memref_squeeze %dma_start3A_72 : memref<1x2000xi32, #tpu.memory_space<vmem>> -> memref<2000xi32, #tpu.memory_space<vmem>>
    %dma_start3A_74 = tpu.memref_slice %arg3[%dma_start3A_68, %add3A_67] : memref<2x320000xi32, #tpu.memory_space<hbm>> -> memref<1x2000xi32, #tpu.memory_space<hbm>>
    %dma_start3A_75 = tpu.memref_squeeze %dma_start3A_74 : memref<1x2000xi32, #tpu.memory_space<hbm>> -> memref<2000xi32, #tpu.memory_space<hbm>>
    %dma_start3A_76 = tpu.memref_slice %arg10[%dma_start3A_70] : memref<3x!tpu.dma_semaphore, #tpu.memory_space<semaphore_mem>> -> memref<1x!tpu.dma_semaphore, #tpu.memory_space<semaphore_mem>>
    %dma_start3A_77 = tpu.memref_squeeze %dma_start3A_76 : memref<1x!tpu.dma_semaphore, #tpu.memory_space<semaphore_mem>> -> memref<!tpu.dma_semaphore, #tpu.memory_space<semaphore_mem>>
    %dma_start3A_78 = arith.constant 0 : i32
    %dma_start3A_79 = tpu.memref_slice %arg6[%dma_start3A_69, %dma_start3A_78] : memref<5x2000xi32, #tpu.memory_space<vmem>> -> memref<1x2000xi32, #tpu.memory_space<vmem>>
    %dma_start3A_80 = tpu.memref_squeeze %dma_start3A_79 : memref<1x2000xi32, #tpu.memory_space<vmem>> -> memref<2000xi32, #tpu.memory_space<vmem>>
    %dma_start3A_81 = tpu.memref_slice %arg3[%dma_start3A_68, %add3A_67] : memref<2x320000xi32, #tpu.memory_space<hbm>> -> memref<1x2000xi32, #tpu.memory_space<hbm>>
    %dma_start3A_82 = tpu.memref_squeeze %dma_start3A_81 : memref<1x2000xi32, #tpu.memory_space<hbm>> -> memref<2000xi32, #tpu.memory_space<hbm>>
    tpu.enqueue_dma source(%dma_start3A_82 : memref<2000xi32, #tpu.memory_space<hbm>>) target(%dma_start3A_80 : memref<2000xi32, #tpu.memory_space<vmem>>) target_semaphore(%dma_start3A_77 : memref<!tpu.dma_semaphore, #tpu.memory_space<semaphore_mem>>)
    %add3A_83 = arith.constant 8000 : i32
    %add3A_84 = arith.addi %mul3A_4, %add3A_83 : i32
    %dma_start3A_85 = arith.constant 0 : i32
    %dma_start3A_86 = arith.constant 4 : i32
    %dma_start3A_87 = arith.constant 1 : i32
    %dma_start3A_88 = arith.constant 0 : i32
    %dma_start3A_89 = tpu.memref_slice %arg6[%dma_start3A_86, %dma_start3A_88] : memref<5x2000xi32, #tpu.memory_space<vmem>> -> memref<1x2000xi32, #tpu.memory_space<vmem>>
    %dma_start3A_90 = tpu.memref_squeeze %dma_start3A_89 : memref<1x2000xi32, #tpu.memory_space<vmem>> -> memref<2000xi32, #tpu.memory_space<vmem>>
    %dma_start3A_91 = tpu.memref_slice %arg3[%dma_start3A_85, %add3A_84] : memref<2x320000xi32, #tpu.memory_space<hbm>> -> memref<1x2000xi32, #tpu.memory_space<hbm>>
    %dma_start3A_92 = tpu.memref_squeeze %dma_start3A_91 : memref<1x2000xi32, #tpu.memory_space<hbm>> -> memref<2000xi32, #tpu.memory_space<hbm>>
    %dma_start3A_93 = tpu.memref_slice %arg10[%dma_start3A_87] : memref<3x!tpu.dma_semaphore, #tpu.memory_space<semaphore_mem>> -> memref<1x!tpu.dma_semaphore, #tpu.memory_space<semaphore_mem>>
    %dma_start3A_94 = tpu.memref_squeeze %dma_start3A_93 : memref<1x!tpu.dma_semaphore, #tpu.memory_space<semaphore_mem>> -> memref<!tpu.dma_semaphore, #tpu.memory_space<semaphore_mem>>
    %dma_start3A_95 = arith.constant 0 : i32
    %dma_start3A_96 = tpu.memref_slice %arg6[%dma_start3A_86, %dma_start3A_95] : memref<5x2000xi32, #tpu.memory_space<vmem>> -> memref<1x2000xi32, #tpu.memory_space<vmem>>
    %dma_start3A_97 = tpu.memref_squeeze %dma_start3A_96 : memref<1x2000xi32, #tpu.memory_space<vmem>> -> memref<2000xi32, #tpu.memory_space<vmem>>
    %dma_start3A_98 = tpu.memref_slice %arg3[%dma_start3A_85, %add3A_84] : memref<2x320000xi32, #tpu.memory_space<hbm>> -> memref<1x2000xi32, #tpu.memory_space<hbm>>
    %dma_start3A_99 = tpu.memref_squeeze %dma_start3A_98 : memref<1x2000xi32, #tpu.memory_space<hbm>> -> memref<2000xi32, #tpu.memory_space<hbm>>
    tpu.enqueue_dma source(%dma_start3A_99 : memref<2000xi32, #tpu.memory_space<hbm>>) target(%dma_start3A_97 : memref<2000xi32, #tpu.memory_space<vmem>>) target_semaphore(%dma_start3A_94 : memref<!tpu.dma_semaphore, #tpu.memory_space<semaphore_mem>>)
    %add3A_100 = arith.constant 0 : i32
    %add3A_101 = arith.addi %mul3A_4, %add3A_100 : i32
    %dma_start3A_102 = arith.constant 1 : i32
    %dma_start3A_103 = arith.constant 0 : i32
    %dma_start3A_104 = arith.constant 2 : i32
    %dma_start3A_105 = arith.constant 0 : i32
    %dma_start3A_106 = tpu.memref_slice %arg7[%dma_start3A_103, %dma_start3A_105] : memref<5x2000xi32, #tpu.memory_space<vmem>> -> memref<1x2000xi32, #tpu.memory_space<vmem>>
    %dma_start3A_107 = tpu.memref_squeeze %dma_start3A_106 : memref<1x2000xi32, #tpu.memory_space<vmem>> -> memref<2000xi32, #tpu.memory_space<vmem>>
    %dma_start3A_108 = tpu.memref_slice %arg3[%dma_start3A_102, %add3A_101] : memref<2x320000xi32, #tpu.memory_space<hbm>> -> memref<1x2000xi32, #tpu.memory_space<hbm>>
    %dma_start3A_109 = tpu.memref_squeeze %dma_start3A_108 : memref<1x2000xi32, #tpu.memory_space<hbm>> -> memref<2000xi32, #tpu.memory_space<hbm>>
    %dma_start3A_110 = tpu.memref_slice %arg10[%dma_start3A_104] : memref<3x!tpu.dma_semaphore, #tpu.memory_space<semaphore_mem>> -> memref<1x!tpu.dma_semaphore, #tpu.memory_space<semaphore_mem>>
    %dma_start3A_111 = tpu.memref_squeeze %dma_start3A_110 : memref<1x!tpu.dma_semaphore, #tpu.memory_space<semaphore_mem>> -> memref<!tpu.dma_semaphore, #tpu.memory_space<semaphore_mem>>
    %dma_start3A_112 = arith.constant 0 : i32
    %dma_start3A_113 = tpu.memref_slice %arg7[%dma_start3A_103, %dma_start3A_112] : memref<5x2000xi32, #tpu.memory_space<vmem>> -> memref<1x2000xi32, #tpu.memory_space<vmem>>
    %dma_start3A_114 = tpu.memref_squeeze %dma_start3A_113 : memref<1x2000xi32, #tpu.memory_space<vmem>> -> memref<2000xi32, #tpu.memory_space<vmem>>
    %dma_start3A_115 = tpu.memref_slice %arg3[%dma_start3A_102, %add3A_101] : memref<2x320000xi32, #tpu.memory_space<hbm>> -> memref<1x2000xi32, #tpu.memory_space<hbm>>
    %dma_start3A_116 = tpu.memref_squeeze %dma_start3A_115 : memref<1x2000xi32, #tpu.memory_space<hbm>> -> memref<2000xi32, #tpu.memory_space<hbm>>
    tpu.enqueue_dma source(%dma_start3A_116 : memref<2000xi32, #tpu.memory_space<hbm>>) target(%dma_start3A_114 : memref<2000xi32, #tpu.memory_space<vmem>>) target_semaphore(%dma_start3A_111 : memref<!tpu.dma_semaphore, #tpu.memory_space<semaphore_mem>>)
    %add3A_117 = arith.constant 2000 : i32
    %add3A_118 = arith.addi %mul3A_4, %add3A_117 : i32
    %dma_start3A_119 = arith.constant 1 : i32
    %dma_start3A_120 = arith.constant 1 : i32
    %dma_start3A_121 = arith.constant 2 : i32
    %dma_start3A_122 = arith.constant 0 : i32
    %dma_start3A_123 = tpu.memref_slice %arg7[%dma_start3A_120, %dma_start3A_122] : memref<5x2000xi32, #tpu.memory_space<vmem>> -> memref<1x2000xi32, #tpu.memory_space<vmem>>
    %dma_start3A_124 = tpu.memref_squeeze %dma_start3A_123 : memref<1x2000xi32, #tpu.memory_space<vmem>> -> memref<2000xi32, #tpu.memory_space<vmem>>
    %dma_start3A_125 = tpu.memref_slice %arg3[%dma_start3A_119, %add3A_118] : memref<2x320000xi32, #tpu.memory_space<hbm>> -> memref<1x2000xi32, #tpu.memory_space<hbm>>
    %dma_start3A_126 = tpu.memref_squeeze %dma_start3A_125 : memref<1x2000xi32, #tpu.memory_space<hbm>> -> memref<2000xi32, #tpu.memory_space<hbm>>
    %dma_start3A_127 = tpu.memref_slice %arg10[%dma_start3A_121] : memref<3x!tpu.dma_semaphore, #tpu.memory_space<semaphore_mem>> -> memref<1x!tpu.dma_semaphore, #tpu.memory_space<semaphore_mem>>
    %dma_start3A_128 = tpu.memref_squeeze %dma_start3A_127 : memref<1x!tpu.dma_semaphore, #tpu.memory_space<semaphore_mem>> -> memref<!tpu.dma_semaphore, #tpu.memory_space<semaphore_mem>>
    %dma_start3A_129 = arith.constant 0 : i32
    %dma_start3A_130 = tpu.memref_slice %arg7[%dma_start3A_120, %dma_start3A_129] : memref<5x2000xi32, #tpu.memory_space<vmem>> -> memref<1x2000xi32, #tpu.memory_space<vmem>>
    %dma_start3A_131 = tpu.memref_squeeze %dma_start3A_130 : memref<1x2000xi32, #tpu.memory_space<vmem>> -> memref<2000xi32, #tpu.memory_space<vmem>>
    %dma_start3A_132 = tpu.memref_slice %arg3[%dma_start3A_119, %add3A_118] : memref<2x320000xi32, #tpu.memory_space<hbm>> -> memref<1x2000xi32, #tpu.memory_space<hbm>>
    %dma_start3A_133 = tpu.memref_squeeze %dma_start3A_132 : memref<1x2000xi32, #tpu.memory_space<hbm>> -> memref<2000xi32, #tpu.memory_space<hbm>>
    tpu.enqueue_dma source(%dma_start3A_133 : memref<2000xi32, #tpu.memory_space<hbm>>) target(%dma_start3A_131 : memref<2000xi32, #tpu.memory_space<vmem>>) target_semaphore(%dma_start3A_128 : memref<!tpu.dma_semaphore, #tpu.memory_space<semaphore_mem>>)
    %add3A_134 = arith.constant 4000 : i32
    %add3A_135 = arith.addi %mul3A_4, %add3A_134 : i32
    %dma_start3A_136 = arith.constant 1 : i32
    %dma_start3A_137 = arith.constant 2 : i32
    %dma_start3A_138 = arith.constant 2 : i32
    %dma_start3A_139 = arith.constant 0 : i32
    %dma_start3A_140 = tpu.memref_slice %arg7[%dma_start3A_137, %dma_start3A_139] : memref<5x2000xi32, #tpu.memory_space<vmem>> -> memref<1x2000xi32, #tpu.memory_space<vmem>>
    %dma_start3A_141 = tpu.memref_squeeze %dma_start3A_140 : memref<1x2000xi32, #tpu.memory_space<vmem>> -> memref<2000xi32, #tpu.memory_space<vmem>>
    %dma_start3A_142 = tpu.memref_slice %arg3[%dma_start3A_136, %add3A_135] : memref<2x320000xi32, #tpu.memory_space<hbm>> -> memref<1x2000xi32, #tpu.memory_space<hbm>>
    %dma_start3A_143 = tpu.memref_squeeze %dma_start3A_142 : memref<1x2000xi32, #tpu.memory_space<hbm>> -> memref<2000xi32, #tpu.memory_space<hbm>>
    %dma_start3A_144 = tpu.memref_slice %arg10[%dma_start3A_138] : memref<3x!tpu.dma_semaphore, #tpu.memory_space<semaphore_mem>> -> memref<1x!tpu.dma_semaphore, #tpu.memory_space<semaphore_mem>>
    %dma_start3A_145 = tpu.memref_squeeze %dma_start3A_144 : memref<1x!tpu.dma_semaphore, #tpu.memory_space<semaphore_mem>> -> memref<!tpu.dma_semaphore, #tpu.memory_space<semaphore_mem>>
    %dma_start3A_146 = arith.constant 0 : i32
    %dma_start3A_147 = tpu.memref_slice %arg7[%dma_start3A_137, %dma_start3A_146] : memref<5x2000xi32, #tpu.memory_space<vmem>> -> memref<1x2000xi32, #tpu.memory_space<vmem>>
    %dma_start3A_148 = tpu.memref_squeeze %dma_start3A_147 : memref<1x2000xi32, #tpu.memory_space<vmem>> -> memref<2000xi32, #tpu.memory_space<vmem>>
    %dma_start3A_149 = tpu.memref_slice %arg3[%dma_start3A_136, %add3A_135] : memref<2x320000xi32, #tpu.memory_space<hbm>> -> memref<1x2000xi32, #tpu.memory_space<hbm>>
    %dma_start3A_150 = tpu.memref_squeeze %dma_start3A_149 : memref<1x2000xi32, #tpu.memory_space<hbm>> -> memref<2000xi32, #tpu.memory_space<hbm>>
    tpu.enqueue_dma source(%dma_start3A_150 : memref<2000xi32, #tpu.memory_space<hbm>>) target(%dma_start3A_148 : memref<2000xi32, #tpu.memory_space<vmem>>) target_semaphore(%dma_start3A_145 : memref<!tpu.dma_semaphore, #tpu.memory_space<semaphore_mem>>)
    %add3A_151 = arith.constant 6000 : i32
    %add3A_152 = arith.addi %mul3A_4, %add3A_151 : i32
    %dma_start3A_153 = arith.constant 1 : i32
    %dma_start3A_154 = arith.constant 3 : i32
    %dma_start3A_155 = arith.constant 2 : i32
    %dma_start3A_156 = arith.constant 0 : i32
    %dma_start3A_157 = tpu.memref_slice %arg7[%dma_start3A_154, %dma_start3A_156] : memref<5x2000xi32, #tpu.memory_space<vmem>> -> memref<1x2000xi32, #tpu.memory_space<vmem>>
    %dma_start3A_158 = tpu.memref_squeeze %dma_start3A_157 : memref<1x2000xi32, #tpu.memory_space<vmem>> -> memref<2000xi32, #tpu.memory_space<vmem>>
    %dma_start3A_159 = tpu.memref_slice %arg3[%dma_start3A_153, %add3A_152] : memref<2x320000xi32, #tpu.memory_space<hbm>> -> memref<1x2000xi32, #tpu.memory_space<hbm>>
    %dma_start3A_160 = tpu.memref_squeeze %dma_start3A_159 : memref<1x2000xi32, #tpu.memory_space<hbm>> -> memref<2000xi32, #tpu.memory_space<hbm>>
    %dma_start3A_161 = tpu.memref_slice %arg10[%dma_start3A_155] : memref<3x!tpu.dma_semaphore, #tpu.memory_space<semaphore_mem>> -> memref<1x!tpu.dma_semaphore, #tpu.memory_space<semaphore_mem>>
    %dma_start3A_162 = tpu.memref_squeeze %dma_start3A_161 : memref<1x!tpu.dma_semaphore, #tpu.memory_space<semaphore_mem>> -> memref<!tpu.dma_semaphore, #tpu.memory_space<semaphore_mem>>
    %dma_start3A_163 = arith.constant 0 : i32
    %dma_start3A_164 = tpu.memref_slice %arg7[%dma_start3A_154, %dma_start3A_163] : memref<5x2000xi32, #tpu.memory_space<vmem>> -> memref<1x2000xi32, #tpu.memory_space<vmem>>
    %dma_start3A_165 = tpu.memref_squeeze %dma_start3A_164 : memref<1x2000xi32, #tpu.memory_space<vmem>> -> memref<2000xi32, #tpu.memory_space<vmem>>
    %dma_start3A_166 = tpu.memref_slice %arg3[%dma_start3A_153, %add3A_152] : memref<2x320000xi32, #tpu.memory_space<hbm>> -> memref<1x2000xi32, #tpu.memory_space<hbm>>
    %dma_start3A_167 = tpu.memref_squeeze %dma_start3A_166 : memref<1x2000xi32, #tpu.memory_space<hbm>> -> memref<2000xi32, #tpu.memory_space<hbm>>
    tpu.enqueue_dma source(%dma_start3A_167 : memref<2000xi32, #tpu.memory_space<hbm>>) target(%dma_start3A_165 : memref<2000xi32, #tpu.memory_space<vmem>>) target_semaphore(%dma_start3A_162 : memref<!tpu.dma_semaphore, #tpu.memory_space<semaphore_mem>>)
    %add3A_168 = arith.constant 8000 : i32
    %add3A_169 = arith.addi %mul3A_4, %add3A_168 : i32
    %dma_start3A_170 = arith.constant 1 : i32
    %dma_start3A_171 = arith.constant 4 : i32
    %dma_start3A_172 = arith.constant 2 : i32
    %dma_start3A_173 = arith.constant 0 : i32
    %dma_start3A_174 = tpu.memref_slice %arg7[%dma_start3A_171, %dma_start3A_173] : memref<5x2000xi32, #tpu.memory_space<vmem>> -> memref<1x2000xi32, #tpu.memory_space<vmem>>
    %dma_start3A_175 = tpu.memref_squeeze %dma_start3A_174 : memref<1x2000xi32, #tpu.memory_space<vmem>> -> memref<2000xi32, #tpu.memory_space<vmem>>
    %dma_start3A_176 = tpu.memref_slice %arg3[%dma_start3A_170, %add3A_169] : memref<2x320000xi32, #tpu.memory_space<hbm>> -> memref<1x2000xi32, #tpu.memory_space<hbm>>
    %dma_start3A_177 = tpu.memref_squeeze %dma_start3A_176 : memref<1x2000xi32, #tpu.memory_space<hbm>> -> memref<2000xi32, #tpu.memory_space<hbm>>
    %dma_start3A_178 = tpu.memref_slice %arg10[%dma_start3A_172] : memref<3x!tpu.dma_semaphore, #tpu.memory_space<semaphore_mem>> -> memref<1x!tpu.dma_semaphore, #tpu.memory_space<semaphore_mem>>
    %dma_start3A_179 = tpu.memref_squeeze %dma_start3A_178 : memref<1x!tpu.dma_semaphore, #tpu.memory_space<semaphore_mem>> -> memref<!tpu.dma_semaphore, #tpu.memory_space<semaphore_mem>>
    %dma_start3A_180 = arith.constant 0 : i32
    %dma_start3A_181 = tpu.memref_slice %arg7[%dma_start3A_171, %dma_start3A_180] : memref<5x2000xi32, #tpu.memory_space<vmem>> -> memref<1x2000xi32, #tpu.memory_space<vmem>>
    %dma_start3A_182 = tpu.memref_squeeze %dma_start3A_181 : memref<1x2000xi32, #tpu.memory_space<vmem>> -> memref<2000xi32, #tpu.memory_space<vmem>>
    %dma_start3A_183 = tpu.memref_slice %arg3[%dma_start3A_170, %add3A_169] : memref<2x320000xi32, #tpu.memory_space<hbm>> -> memref<1x2000xi32, #tpu.memory_space<hbm>>
    %dma_start3A_184 = tpu.memref_squeeze %dma_start3A_183 : memref<1x2000xi32, #tpu.memory_space<hbm>> -> memref<2000xi32, #tpu.memory_space<hbm>>
    tpu.enqueue_dma source(%dma_start3A_184 : memref<2000xi32, #tpu.memory_space<hbm>>) target(%dma_start3A_182 : memref<2000xi32, #tpu.memory_space<vmem>>) target_semaphore(%dma_start3A_179 : memref<!tpu.dma_semaphore, #tpu.memory_space<semaphore_mem>>)
    %dma_wait3A = arith.constant 0 : i32
    %dma_wait3A_185 = arith.constant 0 : i32
    %dma_wait3A_186 = arith.constant 1 : i32
    %dma_wait3A_187 = arith.constant 0 : i32
    %dma_wait3A_188 = tpu.memref_slice %arg6[%dma_wait3A_185, %dma_wait3A_187] : memref<5x2000xi32, #tpu.memory_space<vmem>> -> memref<1x2000xi32, #tpu.memory_space<vmem>>
    %dma_wait3A_189 = tpu.memref_squeeze %dma_wait3A_188 : memref<1x2000xi32, #tpu.memory_space<vmem>> -> memref<2000xi32, #tpu.memory_space<vmem>>
    %dma_wait3A_190 = tpu.memref_slice %arg3[%dma_wait3A, %add3A_16] : memref<2x320000xi32, #tpu.memory_space<hbm>> -> memref<1x2000xi32, #tpu.memory_space<hbm>>
    %dma_wait3A_191 = tpu.memref_squeeze %dma_wait3A_190 : memref<1x2000xi32, #tpu.memory_space<hbm>> -> memref<2000xi32, #tpu.memory_space<hbm>>
    %dma_wait3A_192 = tpu.memref_slice %arg10[%dma_wait3A_186] : memref<3x!tpu.dma_semaphore, #tpu.memory_space<semaphore_mem>> -> memref<1x!tpu.dma_semaphore, #tpu.memory_space<semaphore_mem>>
    %dma_wait3A_193 = tpu.memref_squeeze %dma_wait3A_192 : memref<1x!tpu.dma_semaphore, #tpu.memory_space<semaphore_mem>> -> memref<!tpu.dma_semaphore, #tpu.memory_space<semaphore_mem>>
    %dma_wait3A_194 = arith.constant 0 : i32
    %dma_wait3A_195 = tpu.memref_slice %arg6[%dma_wait3A_185, %dma_wait3A_194] : memref<5x2000xi32, #tpu.memory_space<vmem>> -> memref<1x2000xi32, #tpu.memory_space<vmem>>
    %dma_wait3A_196 = tpu.memref_squeeze %dma_wait3A_195 : memref<1x2000xi32, #tpu.memory_space<vmem>> -> memref<2000xi32, #tpu.memory_space<vmem>>
    %dma_wait3A_197 = tpu.memref_slice %arg3[%dma_wait3A, %add3A_16] : memref<2x320000xi32, #tpu.memory_space<hbm>> -> memref<1x2000xi32, #tpu.memory_space<hbm>>
    %dma_wait3A_198 = tpu.memref_squeeze %dma_wait3A_197 : memref<1x2000xi32, #tpu.memory_space<hbm>> -> memref<2000xi32, #tpu.memory_space<hbm>>
    tpu.wait_dma2 semaphore(%dma_wait3A_193 : memref<!tpu.dma_semaphore, #tpu.memory_space<semaphore_mem>>) src(%dma_wait3A_198 : memref<2000xi32, #tpu.memory_space<hbm>>) dst(%dma_wait3A_196 : memref<2000xi32, #tpu.memory_space<vmem>>)
    %dma_wait3A_199 = arith.constant 0 : i32
    %dma_wait3A_200 = arith.constant 1 : i32
    %dma_wait3A_201 = arith.constant 1 : i32
    %dma_wait3A_202 = arith.constant 0 : i32
    %dma_wait3A_203 = tpu.memref_slice %arg6[%dma_wait3A_200, %dma_wait3A_202] : memref<5x2000xi32, #tpu.memory_space<vmem>> -> memref<1x2000xi32, #tpu.memory_space<vmem>>
    %dma_wait3A_204 = tpu.memref_squeeze %dma_wait3A_203 : memref<1x2000xi32, #tpu.memory_space<vmem>> -> memref<2000xi32, #tpu.memory_space<vmem>>
    %dma_wait3A_205 = tpu.memref_slice %arg3[%dma_wait3A_199, %add3A_33] : memref<2x320000xi32, #tpu.memory_space<hbm>> -> memref<1x2000xi32, #tpu.memory_space<hbm>>
    %dma_wait3A_206 = tpu.memref_squeeze %dma_wait3A_205 : memref<1x2000xi32, #tpu.memory_space<hbm>> -> memref<2000xi32, #tpu.memory_space<hbm>>
    %dma_wait3A_207 = tpu.memref_slice %arg10[%dma_wait3A_201] : memref<3x!tpu.dma_semaphore, #tpu.memory_space<semaphore_mem>> -> memref<1x!tpu.dma_semaphore, #tpu.memory_space<semaphore_mem>>
    %dma_wait3A_208 = tpu.memref_squeeze %dma_wait3A_207 : memref<1x!tpu.dma_semaphore, #tpu.memory_space<semaphore_mem>> -> memref<!tpu.dma_semaphore, #tpu.memory_space<semaphore_mem>>
    %dma_wait3A_209 = arith.constant 0 : i32
    %dma_wait3A_210 = tpu.memref_slice %arg6[%dma_wait3A_200, %dma_wait3A_209] : memref<5x2000xi32, #tpu.memory_space<vmem>> -> memref<1x2000xi32, #tpu.memory_space<vmem>>
    %dma_wait3A_211 = tpu.memref_squeeze %dma_wait3A_210 : memref<1x2000xi32, #tpu.memory_space<vmem>> -> memref<2000xi32, #tpu.memory_space<vmem>>
    %dma_wait3A_212 = tpu.memref_slice %arg3[%dma_wait3A_199, %add3A_33] : memref<2x320000xi32, #tpu.memory_space<hbm>> -> memref<1x2000xi32, #tpu.memory_space<hbm>>
    %dma_wait3A_213 = tpu.memref_squeeze %dma_wait3A_212 : memref<1x2000xi32, #tpu.memory_space<hbm>> -> memref<2000xi32, #tpu.memory_space<hbm>>
    tpu.wait_dma2 semaphore(%dma_wait3A_208 : memref<!tpu.dma_semaphore, #tpu.memory_space<semaphore_mem>>) src(%dma_wait3A_213 : memref<2000xi32, #tpu.memory_space<hbm>>) dst(%dma_wait3A_211 : memref<2000xi32, #tpu.memory_space<vmem>>)
    %dma_wait3A_214 = arith.constant 0 : i32
    %dma_wait3A_215 = arith.constant 2 : i32
    %dma_wait3A_216 = arith.constant 1 : i32
    %dma_wait3A_217 = arith.constant 0 : i32
    %dma_wait3A_218 = tpu.memref_slice %arg6[%dma_wait3A_215, %dma_wait3A_217] : memref<5x2000xi32, #tpu.memory_space<vmem>> -> memref<1x2000xi32, #tpu.memory_space<vmem>>
    %dma_wait3A_219 = tpu.memref_squeeze %dma_wait3A_218 : memref<1x2000xi32, #tpu.memory_space<vmem>> -> memref<2000xi32, #tpu.memory_space<vmem>>
    %dma_wait3A_220 = tpu.memref_slice %arg3[%dma_wait3A_214, %add3A_50] : memref<2x320000xi32, #tpu.memory_space<hbm>> -> memref<1x2000xi32, #tpu.memory_space<hbm>>
    %dma_wait3A_221 = tpu.memref_squeeze %dma_wait3A_220 : memref<1x2000xi32, #tpu.memory_space<hbm>> -> memref<2000xi32, #tpu.memory_space<hbm>>
    %dma_wait3A_222 = tpu.memref_slice %arg10[%dma_wait3A_216] : memref<3x!tpu.dma_semaphore, #tpu.memory_space<semaphore_mem>> -> memref<1x!tpu.dma_semaphore, #tpu.memory_space<semaphore_mem>>
    %dma_wait3A_223 = tpu.memref_squeeze %dma_wait3A_222 : memref<1x!tpu.dma_semaphore, #tpu.memory_space<semaphore_mem>> -> memref<!tpu.dma_semaphore, #tpu.memory_space<semaphore_mem>>
    %dma_wait3A_224 = arith.constant 0 : i32
    %dma_wait3A_225 = tpu.memref_slice %arg6[%dma_wait3A_215, %dma_wait3A_224] : memref<5x2000xi32, #tpu.memory_space<vmem>> -> memref<1x2000xi32, #tpu.memory_space<vmem>>
    %dma_wait3A_226 = tpu.memref_squeeze %dma_wait3A_225 : memref<1x2000xi32, #tpu.memory_space<vmem>> -> memref<2000xi32, #tpu.memory_space<vmem>>
    %dma_wait3A_227 = tpu.memref_slice %arg3[%dma_wait3A_214, %add3A_50] : memref<2x320000xi32, #tpu.memory_space<hbm>> -> memref<1x2000xi32, #tpu.memory_space<hbm>>
    %dma_wait3A_228 = tpu.memref_squeeze %dma_wait3A_227 : memref<1x2000xi32, #tpu.memory_space<hbm>> -> memref<2000xi32, #tpu.memory_space<hbm>>
    tpu.wait_dma2 semaphore(%dma_wait3A_223 : memref<!tpu.dma_semaphore, #tpu.memory_space<semaphore_mem>>) src(%dma_wait3A_228 : memref<2000xi32, #tpu.memory_space<hbm>>) dst(%dma_wait3A_226 : memref<2000xi32, #tpu.memory_space<vmem>>)
    %dma_wait3A_229 = arith.constant 0 : i32
    %dma_wait3A_230 = arith.constant 3 : i32
    %dma_wait3A_231 = arith.constant 1 : i32
    %dma_wait3A_232 = arith.constant 0 : i32
    %dma_wait3A_233 = tpu.memref_slice %arg6[%dma_wait3A_230, %dma_wait3A_232] : memref<5x2000xi32, #tpu.memory_space<vmem>> -> memref<1x2000xi32, #tpu.memory_space<vmem>>
    %dma_wait3A_234 = tpu.memref_squeeze %dma_wait3A_233 : memref<1x2000xi32, #tpu.memory_space<vmem>> -> memref<2000xi32, #tpu.memory_space<vmem>>
    %dma_wait3A_235 = tpu.memref_slice %arg3[%dma_wait3A_229, %add3A_67] : memref<2x320000xi32, #tpu.memory_space<hbm>> -> memref<1x2000xi32, #tpu.memory_space<hbm>>
    %dma_wait3A_236 = tpu.memref_squeeze %dma_wait3A_235 : memref<1x2000xi32, #tpu.memory_space<hbm>> -> memref<2000xi32, #tpu.memory_space<hbm>>
    %dma_wait3A_237 = tpu.memref_slice %arg10[%dma_wait3A_231] : memref<3x!tpu.dma_semaphore, #tpu.memory_space<semaphore_mem>> -> memref<1x!tpu.dma_semaphore, #tpu.memory_space<semaphore_mem>>
    %dma_wait3A_238 = tpu.memref_squeeze %dma_wait3A_237 : memref<1x!tpu.dma_semaphore, #tpu.memory_space<semaphore_mem>> -> memref<!tpu.dma_semaphore, #tpu.memory_space<semaphore_mem>>
    %dma_wait3A_239 = arith.constant 0 : i32
    %dma_wait3A_240 = tpu.memref_slice %arg6[%dma_wait3A_230, %dma_wait3A_239] : memref<5x2000xi32, #tpu.memory_space<vmem>> -> memref<1x2000xi32, #tpu.memory_space<vmem>>
    %dma_wait3A_241 = tpu.memref_squeeze %dma_wait3A_240 : memref<1x2000xi32, #tpu.memory_space<vmem>> -> memref<2000xi32, #tpu.memory_space<vmem>>
    %dma_wait3A_242 = tpu.memref_slice %arg3[%dma_wait3A_229, %add3A_67] : memref<2x320000xi32, #tpu.memory_space<hbm>> -> memref<1x2000xi32, #tpu.memory_space<hbm>>
    %dma_wait3A_243 = tpu.memref_squeeze %dma_wait3A_242 : memref<1x2000xi32, #tpu.memory_space<hbm>> -> memref<2000xi32, #tpu.memory_space<hbm>>
    tpu.wait_dma2 semaphore(%dma_wait3A_238 : memref<!tpu.dma_semaphore, #tpu.memory_space<semaphore_mem>>) src(%dma_wait3A_243 : memref<2000xi32, #tpu.memory_space<hbm>>) dst(%dma_wait3A_241 : memref<2000xi32, #tpu.memory_space<vmem>>)
    %dma_wait3A_244 = arith.constant 0 : i32
    %dma_wait3A_245 = arith.constant 4 : i32
    %dma_wait3A_246 = arith.constant 1 : i32
    %dma_wait3A_247 = arith.constant 0 : i32
    %dma_wait3A_248 = tpu.memref_slice %arg6[%dma_wait3A_245, %dma_wait3A_247] : memref<5x2000xi32, #tpu.memory_space<vmem>> -> memref<1x2000xi32, #tpu.memory_space<vmem>>
    %dma_wait3A_249 = tpu.memref_squeeze %dma_wait3A_248 : memref<1x2000xi32, #tpu.memory_space<vmem>> -> memref<2000xi32, #tpu.memory_space<vmem>>
    %dma_wait3A_250 = tpu.memref_slice %arg3[%dma_wait3A_244, %add3A_84] : memref<2x320000xi32, #tpu.memory_space<hbm>> -> memref<1x2000xi32, #tpu.memory_space<hbm>>
    %dma_wait3A_251 = tpu.memref_squeeze %dma_wait3A_250 : memref<1x2000xi32, #tpu.memory_space<hbm>> -> memref<2000xi32, #tpu.memory_space<hbm>>
    %dma_wait3A_252 = tpu.memref_slice %arg10[%dma_wait3A_246] : memref<3x!tpu.dma_semaphore, #tpu.memory_space<semaphore_mem>> -> memref<1x!tpu.dma_semaphore, #tpu.memory_space<semaphore_mem>>
    %dma_wait3A_253 = tpu.memref_squeeze %dma_wait3A_252 : memref<1x!tpu.dma_semaphore, #tpu.memory_space<semaphore_mem>> -> memref<!tpu.dma_semaphore, #tpu.memory_space<semaphore_mem>>
    %dma_wait3A_254 = arith.constant 0 : i32
    %dma_wait3A_255 = tpu.memref_slice %arg6[%dma_wait3A_245, %dma_wait3A_254] : memref<5x2000xi32, #tpu.memory_space<vmem>> -> memref<1x2000xi32, #tpu.memory_space<vmem>>
    %dma_wait3A_256 = tpu.memref_squeeze %dma_wait3A_255 : memref<1x2000xi32, #tpu.memory_space<vmem>> -> memref<2000xi32, #tpu.memory_space<vmem>>
    %dma_wait3A_257 = tpu.memref_slice %arg3[%dma_wait3A_244, %add3A_84] : memref<2x320000xi32, #tpu.memory_space<hbm>> -> memref<1x2000xi32, #tpu.memory_space<hbm>>
    %dma_wait3A_258 = tpu.memref_squeeze %dma_wait3A_257 : memref<1x2000xi32, #tpu.memory_space<hbm>> -> memref<2000xi32, #tpu.memory_space<hbm>>
    tpu.wait_dma2 semaphore(%dma_wait3A_253 : memref<!tpu.dma_semaphore, #tpu.memory_space<semaphore_mem>>) src(%dma_wait3A_258 : memref<2000xi32, #tpu.memory_space<hbm>>) dst(%dma_wait3A_256 : memref<2000xi32, #tpu.memory_space<vmem>>)
    %dma_start3A_259 = arith.constant 0 : i32
    %dma_start3A_260 = arith.constant 0 : i32
    %dma_start3A_261 = arith.constant 0 : i32
    %dma_start3A_262 = arith.constant 0 : i32
    %dma_start3A_263 = arith.constant 0 : i32
    %dma_start3A_264 = tpu.memref_slice %arg8[%dma_start3A_260, %dma_start3A_262, %dma_start3A_263] : memref<5x2000x8xf32, #tpu.memory_space<vmem>> -> memref<1x2000x8xf32, #tpu.memory_space<vmem>>
    %dma_start3A_265 = tpu.memref_squeeze %dma_start3A_264 : memref<1x2000x8xf32, #tpu.memory_space<vmem>> -> memref<2000x8xf32, #tpu.memory_space<vmem>>
    %dma_start3A_266 = arith.constant 0 : i32
    %dma_start3A_267 = tpu.memref_slice %arg6[%dma_start3A_259, %dma_start3A_266] : memref<5x2000xi32, #tpu.memory_space<vmem>> -> memref<1x2000xi32, #tpu.memory_space<vmem>>
    %dma_start3A_268 = tpu.memref_squeeze %dma_start3A_267 : memref<1x2000xi32, #tpu.memory_space<vmem>> -> memref<2000xi32, #tpu.memory_space<vmem>>
    %dma_start3A_269 = arith.constant 0 : i32
    %dma_start3A_270 = arith.constant 0 : i32
    %dma_start3A_271 = tpu.memref_slice %arg2[%dma_start3A_269, %dma_start3A_270] : memref<10240x8xf32, #tpu.memory_space<hbm>> -> memref<10240x8xf32, #tpu.memory_space<hbm>>
    %dma_start3A_272 = tpu.memref_slice %arg11[%dma_start3A_261] : memref<5x!tpu.dma_semaphore, #tpu.memory_space<semaphore_mem>> -> memref<1x!tpu.dma_semaphore, #tpu.memory_space<semaphore_mem>>
    %dma_start3A_273 = tpu.memref_squeeze %dma_start3A_272 : memref<1x!tpu.dma_semaphore, #tpu.memory_space<semaphore_mem>> -> memref<!tpu.dma_semaphore, #tpu.memory_space<semaphore_mem>>
    tpu.enqueue_indirect_dma source(%dma_start3A_271 : memref<10240x8xf32, #tpu.memory_space<hbm>>) target(%dma_start3A_265 : memref<2000x8xf32, #tpu.memory_space<vmem>>) offsets(%dma_start3A_268 : memref<2000xi32, #tpu.memory_space<vmem>>) semaphore(%dma_start3A_273 : memref<!tpu.dma_semaphore, #tpu.memory_space<semaphore_mem>>)
    %dma_start3A_274 = arith.constant 1 : i32
    %dma_start3A_275 = arith.constant 1 : i32
    %dma_start3A_276 = arith.constant 1 : i32
    %dma_start3A_277 = arith.constant 0 : i32
    %dma_start3A_278 = arith.constant 0 : i32
    %dma_start3A_279 = tpu.memref_slice %arg8[%dma_start3A_275, %dma_start3A_277, %dma_start3A_278] : memref<5x2000x8xf32, #tpu.memory_space<vmem>> -> memref<1x2000x8xf32, #tpu.memory_space<vmem>>
    %dma_start3A_280 = tpu.memref_squeeze %dma_start3A_279 : memref<1x2000x8xf32, #tpu.memory_space<vmem>> -> memref<2000x8xf32, #tpu.memory_space<vmem>>
    %dma_start3A_281 = arith.constant 0 : i32
    %dma_start3A_282 = tpu.memref_slice %arg6[%dma_start3A_274, %dma_start3A_281] : memref<5x2000xi32, #tpu.memory_space<vmem>> -> memref<1x2000xi32, #tpu.memory_space<vmem>>
    %dma_start3A_283 = tpu.memref_squeeze %dma_start3A_282 : memref<1x2000xi32, #tpu.memory_space<vmem>> -> memref<2000xi32, #tpu.memory_space<vmem>>
    %dma_start3A_284 = arith.constant 0 : i32
    %dma_start3A_285 = arith.constant 0 : i32
    %dma_start3A_286 = tpu.memref_slice %arg2[%dma_start3A_284, %dma_start3A_285] : memref<10240x8xf32, #tpu.memory_space<hbm>> -> memref<10240x8xf32, #tpu.memory_space<hbm>>
    %dma_start3A_287 = tpu.memref_slice %arg11[%dma_start3A_276] : memref<5x!tpu.dma_semaphore, #tpu.memory_space<semaphore_mem>> -> memref<1x!tpu.dma_semaphore, #tpu.memory_space<semaphore_mem>>
    %dma_start3A_288 = tpu.memref_squeeze %dma_start3A_287 : memref<1x!tpu.dma_semaphore, #tpu.memory_space<semaphore_mem>> -> memref<!tpu.dma_semaphore, #tpu.memory_space<semaphore_mem>>
    tpu.enqueue_indirect_dma source(%dma_start3A_286 : memref<10240x8xf32, #tpu.memory_space<hbm>>) target(%dma_start3A_280 : memref<2000x8xf32, #tpu.memory_space<vmem>>) offsets(%dma_start3A_283 : memref<2000xi32, #tpu.memory_space<vmem>>) semaphore(%dma_start3A_288 : memref<!tpu.dma_semaphore, #tpu.memory_space<semaphore_mem>>)
    %dma_start3A_289 = arith.constant 2 : i32
    %dma_start3A_290 = arith.constant 2 : i32
    %dma_start3A_291 = arith.constant 2 : i32
    %dma_start3A_292 = arith.constant 0 : i32
    %dma_start3A_293 = arith.constant 0 : i32
    %dma_start3A_294 = tpu.memref_slice %arg8[%dma_start3A_290, %dma_start3A_292, %dma_start3A_293] : memref<5x2000x8xf32, #tpu.memory_space<vmem>> -> memref<1x2000x8xf32, #tpu.memory_space<vmem>>
    %dma_start3A_295 = tpu.memref_squeeze %dma_start3A_294 : memref<1x2000x8xf32, #tpu.memory_space<vmem>> -> memref<2000x8xf32, #tpu.memory_space<vmem>>
    %dma_start3A_296 = arith.constant 0 : i32
    %dma_start3A_297 = tpu.memref_slice %arg6[%dma_start3A_289, %dma_start3A_296] : memref<5x2000xi32, #tpu.memory_space<vmem>> -> memref<1x2000xi32, #tpu.memory_space<vmem>>
    %dma_start3A_298 = tpu.memref_squeeze %dma_start3A_297 : memref<1x2000xi32, #tpu.memory_space<vmem>> -> memref<2000xi32, #tpu.memory_space<vmem>>
    %dma_start3A_299 = arith.constant 0 : i32
    %dma_start3A_300 = arith.constant 0 : i32
    %dma_start3A_301 = tpu.memref_slice %arg2[%dma_start3A_299, %dma_start3A_300] : memref<10240x8xf32, #tpu.memory_space<hbm>> -> memref<10240x8xf32, #tpu.memory_space<hbm>>
    %dma_start3A_302 = tpu.memref_slice %arg11[%dma_start3A_291] : memref<5x!tpu.dma_semaphore, #tpu.memory_space<semaphore_mem>> -> memref<1x!tpu.dma_semaphore, #tpu.memory_space<semaphore_mem>>
    %dma_start3A_303 = tpu.memref_squeeze %dma_start3A_302 : memref<1x!tpu.dma_semaphore, #tpu.memory_space<semaphore_mem>> -> memref<!tpu.dma_semaphore, #tpu.memory_space<semaphore_mem>>
    tpu.enqueue_indirect_dma source(%dma_start3A_301 : memref<10240x8xf32, #tpu.memory_space<hbm>>) target(%dma_start3A_295 : memref<2000x8xf32, #tpu.memory_space<vmem>>) offsets(%dma_start3A_298 : memref<2000xi32, #tpu.memory_space<vmem>>) semaphore(%dma_start3A_303 : memref<!tpu.dma_semaphore, #tpu.memory_space<semaphore_mem>>)
    %dma_start3A_304 = arith.constant 3 : i32
    %dma_start3A_305 = arith.constant 3 : i32
    %dma_start3A_306 = arith.constant 3 : i32
    %dma_start3A_307 = arith.constant 0 : i32
    %dma_start3A_308 = arith.constant 0 : i32
    %dma_start3A_309 = tpu.memref_slice %arg8[%dma_start3A_305, %dma_start3A_307, %dma_start3A_308] : memref<5x2000x8xf32, #tpu.memory_space<vmem>> -> memref<1x2000x8xf32, #tpu.memory_space<vmem>>
    %dma_start3A_310 = tpu.memref_squeeze %dma_start3A_309 : memref<1x2000x8xf32, #tpu.memory_space<vmem>> -> memref<2000x8xf32, #tpu.memory_space<vmem>>
    %dma_start3A_311 = arith.constant 0 : i32
    %dma_start3A_312 = tpu.memref_slice %arg6[%dma_start3A_304, %dma_start3A_311] : memref<5x2000xi32, #tpu.memory_space<vmem>> -> memref<1x2000xi32, #tpu.memory_space<vmem>>
    %dma_start3A_313 = tpu.memref_squeeze %dma_start3A_312 : memref<1x2000xi32, #tpu.memory_space<vmem>> -> memref<2000xi32, #tpu.memory_space<vmem>>
    %dma_start3A_314 = arith.constant 0 : i32
    %dma_start3A_315 = arith.constant 0 : i32
    %dma_start3A_316 = tpu.memref_slice %arg2[%dma_start3A_314, %dma_start3A_315] : memref<10240x8xf32, #tpu.memory_space<hbm>> -> memref<10240x8xf32, #tpu.memory_space<hbm>>
    %dma_start3A_317 = tpu.memref_slice %arg11[%dma_start3A_306] : memref<5x!tpu.dma_semaphore, #tpu.memory_space<semaphore_mem>> -> memref<1x!tpu.dma_semaphore, #tpu.memory_space<semaphore_mem>>
    %dma_start3A_318 = tpu.memref_squeeze %dma_start3A_317 : memref<1x!tpu.dma_semaphore, #tpu.memory_space<semaphore_mem>> -> memref<!tpu.dma_semaphore, #tpu.memory_space<semaphore_mem>>
    tpu.enqueue_indirect_dma source(%dma_start3A_316 : memref<10240x8xf32, #tpu.memory_space<hbm>>) target(%dma_start3A_310 : memref<2000x8xf32, #tpu.memory_space<vmem>>) offsets(%dma_start3A_313 : memref<2000xi32, #tpu.memory_space<vmem>>) semaphore(%dma_start3A_318 : memref<!tpu.dma_semaphore, #tpu.memory_space<semaphore_mem>>)
    %dma_start3A_319 = arith.constant 4 : i32
    %dma_start3A_320 = arith.constant 4 : i32
    %dma_start3A_321 = arith.constant 4 : i32
    %dma_start3A_322 = arith.constant 0 : i32
    %dma_start3A_323 = arith.constant 0 : i32
    %dma_start3A_324 = tpu.memref_slice %arg8[%dma_start3A_320, %dma_start3A_322, %dma_start3A_323] : memref<5x2000x8xf32, #tpu.memory_space<vmem>> -> memref<1x2000x8xf32, #tpu.memory_space<vmem>>
    %dma_start3A_325 = tpu.memref_squeeze %dma_start3A_324 : memref<1x2000x8xf32, #tpu.memory_space<vmem>> -> memref<2000x8xf32, #tpu.memory_space<vmem>>
    %dma_start3A_326 = arith.constant 0 : i32
    %dma_start3A_327 = tpu.memref_slice %arg6[%dma_start3A_319, %dma_start3A_326] : memref<5x2000xi32, #tpu.memory_space<vmem>> -> memref<1x2000xi32, #tpu.memory_space<vmem>>
    %dma_start3A_328 = tpu.memref_squeeze %dma_start3A_327 : memref<1x2000xi32, #tpu.memory_space<vmem>> -> memref<2000xi32, #tpu.memory_space<vmem>>
    %dma_start3A_329 = arith.constant 0 : i32
    %dma_start3A_330 = arith.constant 0 : i32
    %dma_start3A_331 = tpu.memref_slice %arg2[%dma_start3A_329, %dma_start3A_330] : memref<10240x8xf32, #tpu.memory_space<hbm>> -> memref<10240x8xf32, #tpu.memory_space<hbm>>
    %dma_start3A_332 = tpu.memref_slice %arg11[%dma_start3A_321] : memref<5x!tpu.dma_semaphore, #tpu.memory_space<semaphore_mem>> -> memref<1x!tpu.dma_semaphore, #tpu.memory_space<semaphore_mem>>
    %dma_start3A_333 = tpu.memref_squeeze %dma_start3A_332 : memref<1x!tpu.dma_semaphore, #tpu.memory_space<semaphore_mem>> -> memref<!tpu.dma_semaphore, #tpu.memory_space<semaphore_mem>>
    tpu.enqueue_indirect_dma source(%dma_start3A_331 : memref<10240x8xf32, #tpu.memory_space<hbm>>) target(%dma_start3A_325 : memref<2000x8xf32, #tpu.memory_space<vmem>>) offsets(%dma_start3A_328 : memref<2000xi32, #tpu.memory_space<vmem>>) semaphore(%dma_start3A_333 : memref<!tpu.dma_semaphore, #tpu.memory_space<semaphore_mem>>)
    %dma_wait3A_334 = arith.constant 0 : i32
    %dma_wait3A_335 = tpu.memref_slice %arg10[%dma_wait3A_334] : memref<3x!tpu.dma_semaphore, #tpu.memory_space<semaphore_mem>> -> memref<1x!tpu.dma_semaphore, #tpu.memory_space<semaphore_mem>>
    %dma_wait3A_336 = tpu.memref_squeeze %dma_wait3A_335 : memref<1x!tpu.dma_semaphore, #tpu.memory_space<semaphore_mem>> -> memref<!tpu.dma_semaphore, #tpu.memory_space<semaphore_mem>>
    %dma_wait3A_337 = arith.constant 0 : i32
    %dma_wait3A_338 = tpu.memref_slice %arg9[%mul3A_8, %dma_wait3A_337] : memref<10240x8xf32, #tpu.memory_space<vmem_shared>> -> memref<640x8xf32, #tpu.memory_space<vmem_shared>>
    %dma_wait3A_339 = arith.constant 0 : i32
    %dma_wait3A_340 = tpu.memref_slice %arg4[%mul3A_6, %dma_wait3A_339] : memref<10240x8xf32, #tpu.memory_space<hbm>> -> memref<640x8xf32, #tpu.memory_space<hbm>>
    tpu.wait_dma2 semaphore(%dma_wait3A_336 : memref<!tpu.dma_semaphore, #tpu.memory_space<semaphore_mem>>) src(%dma_wait3A_340 : memref<640x8xf32, #tpu.memory_space<hbm>>) dst(%dma_wait3A_338 : memref<640x8xf32, #tpu.memory_space<vmem_shared>>)
    %dma_wait3A_341 = arith.constant 1 : i32
    %dma_wait3A_342 = arith.constant 0 : i32
    %dma_wait3A_343 = arith.constant 2 : i32
    %dma_wait3A_344 = arith.constant 0 : i32
    %dma_wait3A_345 = tpu.memref_slice %arg7[%dma_wait3A_342, %dma_wait3A_344] : memref<5x2000xi32, #tpu.memory_space<vmem>> -> memref<1x2000xi32, #tpu.memory_space<vmem>>
    %dma_wait3A_346 = tpu.memref_squeeze %dma_wait3A_345 : memref<1x2000xi32, #tpu.memory_space<vmem>> -> memref<2000xi32, #tpu.memory_space<vmem>>
    %dma_wait3A_347 = tpu.memref_slice %arg3[%dma_wait3A_341, %add3A_101] : memref<2x320000xi32, #tpu.memory_space<hbm>> -> memref<1x2000xi32, #tpu.memory_space<hbm>>
    %dma_wait3A_348 = tpu.memref_squeeze %dma_wait3A_347 : memref<1x2000xi32, #tpu.memory_space<hbm>> -> memref<2000xi32, #tpu.memory_space<hbm>>
    %dma_wait3A_349 = tpu.memref_slice %arg10[%dma_wait3A_343] : memref<3x!tpu.dma_semaphore, #tpu.memory_space<semaphore_mem>> -> memref<1x!tpu.dma_semaphore, #tpu.memory_space<semaphore_mem>>
    %dma_wait3A_350 = tpu.memref_squeeze %dma_wait3A_349 : memref<1x!tpu.dma_semaphore, #tpu.memory_space<semaphore_mem>> -> memref<!tpu.dma_semaphore, #tpu.memory_space<semaphore_mem>>
    %dma_wait3A_351 = arith.constant 0 : i32
    %dma_wait3A_352 = tpu.memref_slice %arg7[%dma_wait3A_342, %dma_wait3A_351] : memref<5x2000xi32, #tpu.memory_space<vmem>> -> memref<1x2000xi32, #tpu.memory_space<vmem>>
    %dma_wait3A_353 = tpu.memref_squeeze %dma_wait3A_352 : memref<1x2000xi32, #tpu.memory_space<vmem>> -> memref<2000xi32, #tpu.memory_space<vmem>>
    %dma_wait3A_354 = tpu.memref_slice %arg3[%dma_wait3A_341, %add3A_101] : memref<2x320000xi32, #tpu.memory_space<hbm>> -> memref<1x2000xi32, #tpu.memory_space<hbm>>
    %dma_wait3A_355 = tpu.memref_squeeze %dma_wait3A_354 : memref<1x2000xi32, #tpu.memory_space<hbm>> -> memref<2000xi32, #tpu.memory_space<hbm>>
    tpu.wait_dma2 semaphore(%dma_wait3A_350 : memref<!tpu.dma_semaphore, #tpu.memory_space<semaphore_mem>>) src(%dma_wait3A_355 : memref<2000xi32, #tpu.memory_space<hbm>>) dst(%dma_wait3A_353 : memref<2000xi32, #tpu.memory_space<vmem>>)
    %dma_wait3A_356 = arith.constant 1 : i32
    %dma_wait3A_357 = arith.constant 1 : i32
    %dma_wait3A_358 = arith.constant 2 : i32
    %dma_wait3A_359 = arith.constant 0 : i32
    %dma_wait3A_360 = tpu.memref_slice %arg7[%dma_wait3A_357, %dma_wait3A_359] : memref<5x2000xi32, #tpu.memory_space<vmem>> -> memref<1x2000xi32, #tpu.memory_space<vmem>>
    %dma_wait3A_361 = tpu.memref_squeeze %dma_wait3A_360 : memref<1x2000xi32, #tpu.memory_space<vmem>> -> memref<2000xi32, #tpu.memory_space<vmem>>
    %dma_wait3A_362 = tpu.memref_slice %arg3[%dma_wait3A_356, %add3A_118] : memref<2x320000xi32, #tpu.memory_space<hbm>> -> memref<1x2000xi32, #tpu.memory_space<hbm>>
    %dma_wait3A_363 = tpu.memref_squeeze %dma_wait3A_362 : memref<1x2000xi32, #tpu.memory_space<hbm>> -> memref<2000xi32, #tpu.memory_space<hbm>>
    %dma_wait3A_364 = tpu.memref_slice %arg10[%dma_wait3A_358] : memref<3x!tpu.dma_semaphore, #tpu.memory_space<semaphore_mem>> -> memref<1x!tpu.dma_semaphore, #tpu.memory_space<semaphore_mem>>
    %dma_wait3A_365 = tpu.memref_squeeze %dma_wait3A_364 : memref<1x!tpu.dma_semaphore, #tpu.memory_space<semaphore_mem>> -> memref<!tpu.dma_semaphore, #tpu.memory_space<semaphore_mem>>
    %dma_wait3A_366 = arith.constant 0 : i32
    %dma_wait3A_367 = tpu.memref_slice %arg7[%dma_wait3A_357, %dma_wait3A_366] : memref<5x2000xi32, #tpu.memory_space<vmem>> -> memref<1x2000xi32, #tpu.memory_space<vmem>>
    %dma_wait3A_368 = tpu.memref_squeeze %dma_wait3A_367 : memref<1x2000xi32, #tpu.memory_space<vmem>> -> memref<2000xi32, #tpu.memory_space<vmem>>
    %dma_wait3A_369 = tpu.memref_slice %arg3[%dma_wait3A_356, %add3A_118] : memref<2x320000xi32, #tpu.memory_space<hbm>> -> memref<1x2000xi32, #tpu.memory_space<hbm>>
    %dma_wait3A_370 = tpu.memref_squeeze %dma_wait3A_369 : memref<1x2000xi32, #tpu.memory_space<hbm>> -> memref<2000xi32, #tpu.memory_space<hbm>>
    tpu.wait_dma2 semaphore(%dma_wait3A_365 : memref<!tpu.dma_semaphore, #tpu.memory_space<semaphore_mem>>) src(%dma_wait3A_370 : memref<2000xi32, #tpu.memory_space<hbm>>) dst(%dma_wait3A_368 : memref<2000xi32, #tpu.memory_space<vmem>>)
    %dma_wait3A_371 = arith.constant 1 : i32
    %dma_wait3A_372 = arith.constant 2 : i32
    %dma_wait3A_373 = arith.constant 2 : i32
    %dma_wait3A_374 = arith.constant 0 : i32
    %dma_wait3A_375 = tpu.memref_slice %arg7[%dma_wait3A_372, %dma_wait3A_374] : memref<5x2000xi32, #tpu.memory_space<vmem>> -> memref<1x2000xi32, #tpu.memory_space<vmem>>
    %dma_wait3A_376 = tpu.memref_squeeze %dma_wait3A_375 : memref<1x2000xi32, #tpu.memory_space<vmem>> -> memref<2000xi32, #tpu.memory_space<vmem>>
    %dma_wait3A_377 = tpu.memref_slice %arg3[%dma_wait3A_371, %add3A_135] : memref<2x320000xi32, #tpu.memory_space<hbm>> -> memref<1x2000xi32, #tpu.memory_space<hbm>>
    %dma_wait3A_378 = tpu.memref_squeeze %dma_wait3A_377 : memref<1x2000xi32, #tpu.memory_space<hbm>> -> memref<2000xi32, #tpu.memory_space<hbm>>
    %dma_wait3A_379 = tpu.memref_slice %arg10[%dma_wait3A_373] : memref<3x!tpu.dma_semaphore, #tpu.memory_space<semaphore_mem>> -> memref<1x!tpu.dma_semaphore, #tpu.memory_space<semaphore_mem>>
    %dma_wait3A_380 = tpu.memref_squeeze %dma_wait3A_379 : memref<1x!tpu.dma_semaphore, #tpu.memory_space<semaphore_mem>> -> memref<!tpu.dma_semaphore, #tpu.memory_space<semaphore_mem>>
    %dma_wait3A_381 = arith.constant 0 : i32
    %dma_wait3A_382 = tpu.memref_slice %arg7[%dma_wait3A_372, %dma_wait3A_381] : memref<5x2000xi32, #tpu.memory_space<vmem>> -> memref<1x2000xi32, #tpu.memory_space<vmem>>
    %dma_wait3A_383 = tpu.memref_squeeze %dma_wait3A_382 : memref<1x2000xi32, #tpu.memory_space<vmem>> -> memref<2000xi32, #tpu.memory_space<vmem>>
    %dma_wait3A_384 = tpu.memref_slice %arg3[%dma_wait3A_371, %add3A_135] : memref<2x320000xi32, #tpu.memory_space<hbm>> -> memref<1x2000xi32, #tpu.memory_space<hbm>>
    %dma_wait3A_385 = tpu.memref_squeeze %dma_wait3A_384 : memref<1x2000xi32, #tpu.memory_space<hbm>> -> memref<2000xi32, #tpu.memory_space<hbm>>
    tpu.wait_dma2 semaphore(%dma_wait3A_380 : memref<!tpu.dma_semaphore, #tpu.memory_space<semaphore_mem>>) src(%dma_wait3A_385 : memref<2000xi32, #tpu.memory_space<hbm>>) dst(%dma_wait3A_383 : memref<2000xi32, #tpu.memory_space<vmem>>)
    %dma_wait3A_386 = arith.constant 1 : i32
    %dma_wait3A_387 = arith.constant 3 : i32
    %dma_wait3A_388 = arith.constant 2 : i32
    %dma_wait3A_389 = arith.constant 0 : i32
    %dma_wait3A_390 = tpu.memref_slice %arg7[%dma_wait3A_387, %dma_wait3A_389] : memref<5x2000xi32, #tpu.memory_space<vmem>> -> memref<1x2000xi32, #tpu.memory_space<vmem>>
    %dma_wait3A_391 = tpu.memref_squeeze %dma_wait3A_390 : memref<1x2000xi32, #tpu.memory_space<vmem>> -> memref<2000xi32, #tpu.memory_space<vmem>>
    %dma_wait3A_392 = tpu.memref_slice %arg3[%dma_wait3A_386, %add3A_152] : memref<2x320000xi32, #tpu.memory_space<hbm>> -> memref<1x2000xi32, #tpu.memory_space<hbm>>
    %dma_wait3A_393 = tpu.memref_squeeze %dma_wait3A_392 : memref<1x2000xi32, #tpu.memory_space<hbm>> -> memref<2000xi32, #tpu.memory_space<hbm>>
    %dma_wait3A_394 = tpu.memref_slice %arg10[%dma_wait3A_388] : memref<3x!tpu.dma_semaphore, #tpu.memory_space<semaphore_mem>> -> memref<1x!tpu.dma_semaphore, #tpu.memory_space<semaphore_mem>>
    %dma_wait3A_395 = tpu.memref_squeeze %dma_wait3A_394 : memref<1x!tpu.dma_semaphore, #tpu.memory_space<semaphore_mem>> -> memref<!tpu.dma_semaphore, #tpu.memory_space<semaphore_mem>>
    %dma_wait3A_396 = arith.constant 0 : i32
    %dma_wait3A_397 = tpu.memref_slice %arg7[%dma_wait3A_387, %dma_wait3A_396] : memref<5x2000xi32, #tpu.memory_space<vmem>> -> memref<1x2000xi32, #tpu.memory_space<vmem>>
    %dma_wait3A_398 = tpu.memref_squeeze %dma_wait3A_397 : memref<1x2000xi32, #tpu.memory_space<vmem>> -> memref<2000xi32, #tpu.memory_space<vmem>>
    %dma_wait3A_399 = tpu.memref_slice %arg3[%dma_wait3A_386, %add3A_152] : memref<2x320000xi32, #tpu.memory_space<hbm>> -> memref<1x2000xi32, #tpu.memory_space<hbm>>
    %dma_wait3A_400 = tpu.memref_squeeze %dma_wait3A_399 : memref<1x2000xi32, #tpu.memory_space<hbm>> -> memref<2000xi32, #tpu.memory_space<hbm>>
    tpu.wait_dma2 semaphore(%dma_wait3A_395 : memref<!tpu.dma_semaphore, #tpu.memory_space<semaphore_mem>>) src(%dma_wait3A_400 : memref<2000xi32, #tpu.memory_space<hbm>>) dst(%dma_wait3A_398 : memref<2000xi32, #tpu.memory_space<vmem>>)
    %dma_wait3A_401 = arith.constant 1 : i32
    %dma_wait3A_402 = arith.constant 4 : i32
    %dma_wait3A_403 = arith.constant 2 : i32
    %dma_wait3A_404 = arith.constant 0 : i32
    %dma_wait3A_405 = tpu.memref_slice %arg7[%dma_wait3A_402, %dma_wait3A_404] : memref<5x2000xi32, #tpu.memory_space<vmem>> -> memref<1x2000xi32, #tpu.memory_space<vmem>>
    %dma_wait3A_406 = tpu.memref_squeeze %dma_wait3A_405 : memref<1x2000xi32, #tpu.memory_space<vmem>> -> memref<2000xi32, #tpu.memory_space<vmem>>
    %dma_wait3A_407 = tpu.memref_slice %arg3[%dma_wait3A_401, %add3A_169] : memref<2x320000xi32, #tpu.memory_space<hbm>> -> memref<1x2000xi32, #tpu.memory_space<hbm>>
    %dma_wait3A_408 = tpu.memref_squeeze %dma_wait3A_407 : memref<1x2000xi32, #tpu.memory_space<hbm>> -> memref<2000xi32, #tpu.memory_space<hbm>>
    %dma_wait3A_409 = tpu.memref_slice %arg10[%dma_wait3A_403] : memref<3x!tpu.dma_semaphore, #tpu.memory_space<semaphore_mem>> -> memref<1x!tpu.dma_semaphore, #tpu.memory_space<semaphore_mem>>
    %dma_wait3A_410 = tpu.memref_squeeze %dma_wait3A_409 : memref<1x!tpu.dma_semaphore, #tpu.memory_space<semaphore_mem>> -> memref<!tpu.dma_semaphore, #tpu.memory_space<semaphore_mem>>
    %dma_wait3A_411 = arith.constant 0 : i32
    %dma_wait3A_412 = tpu.memref_slice %arg7[%dma_wait3A_402, %dma_wait3A_411] : memref<5x2000xi32, #tpu.memory_space<vmem>> -> memref<1x2000xi32, #tpu.memory_space<vmem>>
    %dma_wait3A_413 = tpu.memref_squeeze %dma_wait3A_412 : memref<1x2000xi32, #tpu.memory_space<vmem>> -> memref<2000xi32, #tpu.memory_space<vmem>>
    %dma_wait3A_414 = tpu.memref_slice %arg3[%dma_wait3A_401, %add3A_169] : memref<2x320000xi32, #tpu.memory_space<hbm>> -> memref<1x2000xi32, #tpu.memory_space<hbm>>
    %dma_wait3A_415 = tpu.memref_squeeze %dma_wait3A_414 : memref<1x2000xi32, #tpu.memory_space<hbm>> -> memref<2000xi32, #tpu.memory_space<hbm>>
    tpu.wait_dma2 semaphore(%dma_wait3A_410 : memref<!tpu.dma_semaphore, #tpu.memory_space<semaphore_mem>>) src(%dma_wait3A_415 : memref<2000xi32, #tpu.memory_space<hbm>>) dst(%dma_wait3A_413 : memref<2000xi32, #tpu.memory_space<vmem>>)
    %barrier3A = arith.constant 0 : index
    tpu.barrier barrier_id(%barrier3A)
    %dma_wait3A_416 = arith.constant 0 : i32
    %dma_wait3A_417 = arith.constant 0 : i32
    %dma_wait3A_418 = arith.constant 0 : i32
    %dma_wait3A_419 = arith.constant 0 : i32
    %dma_wait3A_420 = arith.constant 0 : i32
    %dma_wait3A_421 = tpu.memref_slice %arg8[%dma_wait3A_417, %dma_wait3A_419, %dma_wait3A_420] : memref<5x2000x8xf32, #tpu.memory_space<vmem>> -> memref<1x2000x8xf32, #tpu.memory_space<vmem>>
    %dma_wait3A_422 = tpu.memref_squeeze %dma_wait3A_421 : memref<1x2000x8xf32, #tpu.memory_space<vmem>> -> memref<2000x8xf32, #tpu.memory_space<vmem>>
    %dma_wait3A_423 = arith.constant 0 : i32
    %dma_wait3A_424 = tpu.memref_slice %arg6[%dma_wait3A_416, %dma_wait3A_423] : memref<5x2000xi32, #tpu.memory_space<vmem>> -> memref<1x2000xi32, #tpu.memory_space<vmem>>
    %dma_wait3A_425 = tpu.memref_squeeze %dma_wait3A_424 : memref<1x2000xi32, #tpu.memory_space<vmem>> -> memref<2000xi32, #tpu.memory_space<vmem>>
    %dma_wait3A_426 = arith.constant 0 : i32
    %dma_wait3A_427 = arith.constant 0 : i32
    %dma_wait3A_428 = tpu.memref_slice %arg2[%dma_wait3A_426, %dma_wait3A_427] : memref<10240x8xf32, #tpu.memory_space<hbm>> -> memref<10240x8xf32, #tpu.memory_space<hbm>>
    %dma_wait3A_429 = tpu.memref_slice %arg11[%dma_wait3A_418] : memref<5x!tpu.dma_semaphore, #tpu.memory_space<semaphore_mem>> -> memref<1x!tpu.dma_semaphore, #tpu.memory_space<semaphore_mem>>
    %dma_wait3A_430 = tpu.memref_squeeze %dma_wait3A_429 : memref<1x!tpu.dma_semaphore, #tpu.memory_space<semaphore_mem>> -> memref<!tpu.dma_semaphore, #tpu.memory_space<semaphore_mem>>
    tpu.wait_indirect_dma semaphore(%dma_wait3A_430 : memref<!tpu.dma_semaphore, #tpu.memory_space<semaphore_mem>>) src(%dma_wait3A_428 : memref<10240x8xf32, #tpu.memory_space<hbm>>) dst(%dma_wait3A_422 : memref<2000x8xf32, #tpu.memory_space<vmem>>)
    %dma_start3A_431 = arith.constant 0 : i32
    %dma_start3A_432 = arith.constant 0 : i32
    %dma_start3A_433 = arith.constant 0 : i32
    %dma_start3A_434 = arith.constant 0 : i32
    %dma_start3A_435 = arith.constant 0 : i32
    %dma_start3A_436 = tpu.memref_slice %arg8[%dma_start3A_431, %dma_start3A_434, %dma_start3A_435] : memref<5x2000x8xf32, #tpu.memory_space<vmem>> -> memref<1x2000x8xf32, #tpu.memory_space<vmem>>
    %dma_start3A_437 = tpu.memref_squeeze %dma_start3A_436 : memref<1x2000x8xf32, #tpu.memory_space<vmem>> -> memref<2000x8xf32, #tpu.memory_space<vmem>>
    %dma_start3A_438 = arith.constant 0 : i32
    %dma_start3A_439 = tpu.memref_slice %arg7[%dma_start3A_432, %dma_start3A_438] : memref<5x2000xi32, #tpu.memory_space<vmem>> -> memref<1x2000xi32, #tpu.memory_space<vmem>>
    %dma_start3A_440 = tpu.memref_squeeze %dma_start3A_439 : memref<1x2000xi32, #tpu.memory_space<vmem>> -> memref<2000xi32, #tpu.memory_space<vmem>>
    %dma_start3A_441 = arith.constant 0 : i32
    %dma_start3A_442 = arith.constant 0 : i32
    %dma_start3A_443 = tpu.memref_slice %arg9[%dma_start3A_441, %dma_start3A_442] : memref<10240x8xf32, #tpu.memory_space<vmem_shared>> -> memref<10240x8xf32, #tpu.memory_space<vmem_shared>>
    %dma_start3A_444 = tpu.memref_slice %arg12[%dma_start3A_433] : memref<5x!tpu.dma_semaphore, #tpu.memory_space<semaphore_mem>> -> memref<1x!tpu.dma_semaphore, #tpu.memory_space<semaphore_mem>>
    %dma_start3A_445 = tpu.memref_squeeze %dma_start3A_444 : memref<1x!tpu.dma_semaphore, #tpu.memory_space<semaphore_mem>> -> memref<!tpu.dma_semaphore, #tpu.memory_space<semaphore_mem>>
    tpu.enqueue_indirect_dma source(%dma_start3A_437 : memref<2000x8xf32, #tpu.memory_space<vmem>>) target(%dma_start3A_443 : memref<10240x8xf32, #tpu.memory_space<vmem_shared>>) offsets(%dma_start3A_440 : memref<2000xi32, #tpu.memory_space<vmem>>) semaphore(%dma_start3A_445 : memref<!tpu.dma_semaphore, #tpu.memory_space<semaphore_mem>>) {add = true}
    %dma_wait3A_446 = arith.constant 1 : i32
    %dma_wait3A_447 = arith.constant 1 : i32
    %dma_wait3A_448 = arith.constant 1 : i32
    %dma_wait3A_449 = arith.constant 0 : i32
    %dma_wait3A_450 = arith.constant 0 : i32
    %dma_wait3A_451 = tpu.memref_slice %arg8[%dma_wait3A_447, %dma_wait3A_449, %dma_wait3A_450] : memref<5x2000x8xf32, #tpu.memory_space<vmem>> -> memref<1x2000x8xf32, #tpu.memory_space<vmem>>
    %dma_wait3A_452 = tpu.memref_squeeze %dma_wait3A_451 : memref<1x2000x8xf32, #tpu.memory_space<vmem>> -> memref<2000x8xf32, #tpu.memory_space<vmem>>
    %dma_wait3A_453 = arith.constant 0 : i32
    %dma_wait3A_454 = tpu.memref_slice %arg6[%dma_wait3A_446, %dma_wait3A_453] : memref<5x2000xi32, #tpu.memory_space<vmem>> -> memref<1x2000xi32, #tpu.memory_space<vmem>>
    %dma_wait3A_455 = tpu.memref_squeeze %dma_wait3A_454 : memref<1x2000xi32, #tpu.memory_space<vmem>> -> memref<2000xi32, #tpu.memory_space<vmem>>
    %dma_wait3A_456 = arith.constant 0 : i32
    %dma_wait3A_457 = arith.constant 0 : i32
    %dma_wait3A_458 = tpu.memref_slice %arg2[%dma_wait3A_456, %dma_wait3A_457] : memref<10240x8xf32, #tpu.memory_space<hbm>> -> memref<10240x8xf32, #tpu.memory_space<hbm>>
    %dma_wait3A_459 = tpu.memref_slice %arg11[%dma_wait3A_448] : memref<5x!tpu.dma_semaphore, #tpu.memory_space<semaphore_mem>> -> memref<1x!tpu.dma_semaphore, #tpu.memory_space<semaphore_mem>>
    %dma_wait3A_460 = tpu.memref_squeeze %dma_wait3A_459 : memref<1x!tpu.dma_semaphore, #tpu.memory_space<semaphore_mem>> -> memref<!tpu.dma_semaphore, #tpu.memory_space<semaphore_mem>>
    tpu.wait_indirect_dma semaphore(%dma_wait3A_460 : memref<!tpu.dma_semaphore, #tpu.memory_space<semaphore_mem>>) src(%dma_wait3A_458 : memref<10240x8xf32, #tpu.memory_space<hbm>>) dst(%dma_wait3A_452 : memref<2000x8xf32, #tpu.memory_space<vmem>>)
    %dma_start3A_461 = arith.constant 1 : i32
    %dma_start3A_462 = arith.constant 1 : i32
    %dma_start3A_463 = arith.constant 1 : i32
    %dma_start3A_464 = arith.constant 0 : i32
    %dma_start3A_465 = arith.constant 0 : i32
    %dma_start3A_466 = tpu.memref_slice %arg8[%dma_start3A_461, %dma_start3A_464, %dma_start3A_465] : memref<5x2000x8xf32, #tpu.memory_space<vmem>> -> memref<1x2000x8xf32, #tpu.memory_space<vmem>>
    %dma_start3A_467 = tpu.memref_squeeze %dma_start3A_466 : memref<1x2000x8xf32, #tpu.memory_space<vmem>> -> memref<2000x8xf32, #tpu.memory_space<vmem>>
    %dma_start3A_468 = arith.constant 0 : i32
    %dma_start3A_469 = tpu.memref_slice %arg7[%dma_start3A_462, %dma_start3A_468] : memref<5x2000xi32, #tpu.memory_space<vmem>> -> memref<1x2000xi32, #tpu.memory_space<vmem>>
    %dma_start3A_470 = tpu.memref_squeeze %dma_start3A_469 : memref<1x2000xi32, #tpu.memory_space<vmem>> -> memref<2000xi32, #tpu.memory_space<vmem>>
    %dma_start3A_471 = arith.constant 0 : i32
    %dma_start3A_472 = arith.constant 0 : i32
    %dma_start3A_473 = tpu.memref_slice %arg9[%dma_start3A_471, %dma_start3A_472] : memref<10240x8xf32, #tpu.memory_space<vmem_shared>> -> memref<10240x8xf32, #tpu.memory_space<vmem_shared>>
    %dma_start3A_474 = tpu.memref_slice %arg12[%dma_start3A_463] : memref<5x!tpu.dma_semaphore, #tpu.memory_space<semaphore_mem>> -> memref<1x!tpu.dma_semaphore, #tpu.memory_space<semaphore_mem>>
    %dma_start3A_475 = tpu.memref_squeeze %dma_start3A_474 : memref<1x!tpu.dma_semaphore, #tpu.memory_space<semaphore_mem>> -> memref<!tpu.dma_semaphore, #tpu.memory_space<semaphore_mem>>
    tpu.enqueue_indirect_dma source(%dma_start3A_467 : memref<2000x8xf32, #tpu.memory_space<vmem>>) target(%dma_start3A_473 : memref<10240x8xf32, #tpu.memory_space<vmem_shared>>) offsets(%dma_start3A_470 : memref<2000xi32, #tpu.memory_space<vmem>>) semaphore(%dma_start3A_475 : memref<!tpu.dma_semaphore, #tpu.memory_space<semaphore_mem>>) {add = true}
    %dma_wait3A_476 = arith.constant 2 : i32
    %dma_wait3A_477 = arith.constant 2 : i32
    %dma_wait3A_478 = arith.constant 2 : i32
    %dma_wait3A_479 = arith.constant 0 : i32
    %dma_wait3A_480 = arith.constant 0 : i32
    %dma_wait3A_481 = tpu.memref_slice %arg8[%dma_wait3A_477, %dma_wait3A_479, %dma_wait3A_480] : memref<5x2000x8xf32, #tpu.memory_space<vmem>> -> memref<1x2000x8xf32, #tpu.memory_space<vmem>>
    %dma_wait3A_482 = tpu.memref_squeeze %dma_wait3A_481 : memref<1x2000x8xf32, #tpu.memory_space<vmem>> -> memref<2000x8xf32, #tpu.memory_space<vmem>>
    %dma_wait3A_483 = arith.constant 0 : i32
    %dma_wait3A_484 = tpu.memref_slice %arg6[%dma_wait3A_476, %dma_wait3A_483] : memref<5x2000xi32, #tpu.memory_space<vmem>> -> memref<1x2000xi32, #tpu.memory_space<vmem>>
    %dma_wait3A_485 = tpu.memref_squeeze %dma_wait3A_484 : memref<1x2000xi32, #tpu.memory_space<vmem>> -> memref<2000xi32, #tpu.memory_space<vmem>>
    %dma_wait3A_486 = arith.constant 0 : i32
    %dma_wait3A_487 = arith.constant 0 : i32
    %dma_wait3A_488 = tpu.memref_slice %arg2[%dma_wait3A_486, %dma_wait3A_487] : memref<10240x8xf32, #tpu.memory_space<hbm>> -> memref<10240x8xf32, #tpu.memory_space<hbm>>
    %dma_wait3A_489 = tpu.memref_slice %arg11[%dma_wait3A_478] : memref<5x!tpu.dma_semaphore, #tpu.memory_space<semaphore_mem>> -> memref<1x!tpu.dma_semaphore, #tpu.memory_space<semaphore_mem>>
    %dma_wait3A_490 = tpu.memref_squeeze %dma_wait3A_489 : memref<1x!tpu.dma_semaphore, #tpu.memory_space<semaphore_mem>> -> memref<!tpu.dma_semaphore, #tpu.memory_space<semaphore_mem>>
    tpu.wait_indirect_dma semaphore(%dma_wait3A_490 : memref<!tpu.dma_semaphore, #tpu.memory_space<semaphore_mem>>) src(%dma_wait3A_488 : memref<10240x8xf32, #tpu.memory_space<hbm>>) dst(%dma_wait3A_482 : memref<2000x8xf32, #tpu.memory_space<vmem>>)
    %dma_start3A_491 = arith.constant 2 : i32
    %dma_start3A_492 = arith.constant 2 : i32
    %dma_start3A_493 = arith.constant 2 : i32
    %dma_start3A_494 = arith.constant 0 : i32
    %dma_start3A_495 = arith.constant 0 : i32
    %dma_start3A_496 = tpu.memref_slice %arg8[%dma_start3A_491, %dma_start3A_494, %dma_start3A_495] : memref<5x2000x8xf32, #tpu.memory_space<vmem>> -> memref<1x2000x8xf32, #tpu.memory_space<vmem>>
    %dma_start3A_497 = tpu.memref_squeeze %dma_start3A_496 : memref<1x2000x8xf32, #tpu.memory_space<vmem>> -> memref<2000x8xf32, #tpu.memory_space<vmem>>
    %dma_start3A_498 = arith.constant 0 : i32
    %dma_start3A_499 = tpu.memref_slice %arg7[%dma_start3A_492, %dma_start3A_498] : memref<5x2000xi32, #tpu.memory_space<vmem>> -> memref<1x2000xi32, #tpu.memory_space<vmem>>
    %dma_start3A_500 = tpu.memref_squeeze %dma_start3A_499 : memref<1x2000xi32, #tpu.memory_space<vmem>> -> memref<2000xi32, #tpu.memory_space<vmem>>
    %dma_start3A_501 = arith.constant 0 : i32
    %dma_start3A_502 = arith.constant 0 : i32
    %dma_start3A_503 = tpu.memref_slice %arg9[%dma_start3A_501, %dma_start3A_502] : memref<10240x8xf32, #tpu.memory_space<vmem_shared>> -> memref<10240x8xf32, #tpu.memory_space<vmem_shared>>
    %dma_start3A_504 = tpu.memref_slice %arg12[%dma_start3A_493] : memref<5x!tpu.dma_semaphore, #tpu.memory_space<semaphore_mem>> -> memref<1x!tpu.dma_semaphore, #tpu.memory_space<semaphore_mem>>
    %dma_start3A_505 = tpu.memref_squeeze %dma_start3A_504 : memref<1x!tpu.dma_semaphore, #tpu.memory_space<semaphore_mem>> -> memref<!tpu.dma_semaphore, #tpu.memory_space<semaphore_mem>>
    tpu.enqueue_indirect_dma source(%dma_start3A_497 : memref<2000x8xf32, #tpu.memory_space<vmem>>) target(%dma_start3A_503 : memref<10240x8xf32, #tpu.memory_space<vmem_shared>>) offsets(%dma_start3A_500 : memref<2000xi32, #tpu.memory_space<vmem>>) semaphore(%dma_start3A_505 : memref<!tpu.dma_semaphore, #tpu.memory_space<semaphore_mem>>) {add = true}
    %dma_wait3A_506 = arith.constant 3 : i32
    %dma_wait3A_507 = arith.constant 3 : i32
    %dma_wait3A_508 = arith.constant 3 : i32
    %dma_wait3A_509 = arith.constant 0 : i32
    %dma_wait3A_510 = arith.constant 0 : i32
    %dma_wait3A_511 = tpu.memref_slice %arg8[%dma_wait3A_507, %dma_wait3A_509, %dma_wait3A_510] : memref<5x2000x8xf32, #tpu.memory_space<vmem>> -> memref<1x2000x8xf32, #tpu.memory_space<vmem>>
    %dma_wait3A_512 = tpu.memref_squeeze %dma_wait3A_511 : memref<1x2000x8xf32, #tpu.memory_space<vmem>> -> memref<2000x8xf32, #tpu.memory_space<vmem>>
    %dma_wait3A_513 = arith.constant 0 : i32
    %dma_wait3A_514 = tpu.memref_slice %arg6[%dma_wait3A_506, %dma_wait3A_513] : memref<5x2000xi32, #tpu.memory_space<vmem>> -> memref<1x2000xi32, #tpu.memory_space<vmem>>
    %dma_wait3A_515 = tpu.memref_squeeze %dma_wait3A_514 : memref<1x2000xi32, #tpu.memory_space<vmem>> -> memref<2000xi32, #tpu.memory_space<vmem>>
    %dma_wait3A_516 = arith.constant 0 : i32
    %dma_wait3A_517 = arith.constant 0 : i32
    %dma_wait3A_518 = tpu.memref_slice %arg2[%dma_wait3A_516, %dma_wait3A_517] : memref<10240x8xf32, #tpu.memory_space<hbm>> -> memref<10240x8xf32, #tpu.memory_space<hbm>>
    %dma_wait3A_519 = tpu.memref_slice %arg11[%dma_wait3A_508] : memref<5x!tpu.dma_semaphore, #tpu.memory_space<semaphore_mem>> -> memref<1x!tpu.dma_semaphore, #tpu.memory_space<semaphore_mem>>
    %dma_wait3A_520 = tpu.memref_squeeze %dma_wait3A_519 : memref<1x!tpu.dma_semaphore, #tpu.memory_space<semaphore_mem>> -> memref<!tpu.dma_semaphore, #tpu.memory_space<semaphore_mem>>
    tpu.wait_indirect_dma semaphore(%dma_wait3A_520 : memref<!tpu.dma_semaphore, #tpu.memory_space<semaphore_mem>>) src(%dma_wait3A_518 : memref<10240x8xf32, #tpu.memory_space<hbm>>) dst(%dma_wait3A_512 : memref<2000x8xf32, #tpu.memory_space<vmem>>)
    %dma_start3A_521 = arith.constant 3 : i32
    %dma_start3A_522 = arith.constant 3 : i32
    %dma_start3A_523 = arith.constant 3 : i32
    %dma_start3A_524 = arith.constant 0 : i32
    %dma_start3A_525 = arith.constant 0 : i32
    %dma_start3A_526 = tpu.memref_slice %arg8[%dma_start3A_521, %dma_start3A_524, %dma_start3A_525] : memref<5x2000x8xf32, #tpu.memory_space<vmem>> -> memref<1x2000x8xf32, #tpu.memory_space<vmem>>
    %dma_start3A_527 = tpu.memref_squeeze %dma_start3A_526 : memref<1x2000x8xf32, #tpu.memory_space<vmem>> -> memref<2000x8xf32, #tpu.memory_space<vmem>>
    %dma_start3A_528 = arith.constant 0 : i32
    %dma_start3A_529 = tpu.memref_slice %arg7[%dma_start3A_522, %dma_start3A_528] : memref<5x2000xi32, #tpu.memory_space<vmem>> -> memref<1x2000xi32, #tpu.memory_space<vmem>>
    %dma_start3A_530 = tpu.memref_squeeze %dma_start3A_529 : memref<1x2000xi32, #tpu.memory_space<vmem>> -> memref<2000xi32, #tpu.memory_space<vmem>>
    %dma_start3A_531 = arith.constant 0 : i32
    %dma_start3A_532 = arith.constant 0 : i32
    %dma_start3A_533 = tpu.memref_slice %arg9[%dma_start3A_531, %dma_start3A_532] : memref<10240x8xf32, #tpu.memory_space<vmem_shared>> -> memref<10240x8xf32, #tpu.memory_space<vmem_shared>>
    %dma_start3A_534 = tpu.memref_slice %arg12[%dma_start3A_523] : memref<5x!tpu.dma_semaphore, #tpu.memory_space<semaphore_mem>> -> memref<1x!tpu.dma_semaphore, #tpu.memory_space<semaphore_mem>>
    %dma_start3A_535 = tpu.memref_squeeze %dma_start3A_534 : memref<1x!tpu.dma_semaphore, #tpu.memory_space<semaphore_mem>> -> memref<!tpu.dma_semaphore, #tpu.memory_space<semaphore_mem>>
    tpu.enqueue_indirect_dma source(%dma_start3A_527 : memref<2000x8xf32, #tpu.memory_space<vmem>>) target(%dma_start3A_533 : memref<10240x8xf32, #tpu.memory_space<vmem_shared>>) offsets(%dma_start3A_530 : memref<2000xi32, #tpu.memory_space<vmem>>) semaphore(%dma_start3A_535 : memref<!tpu.dma_semaphore, #tpu.memory_space<semaphore_mem>>) {add = true}
    %dma_wait3A_536 = arith.constant 4 : i32
    %dma_wait3A_537 = arith.constant 4 : i32
    %dma_wait3A_538 = arith.constant 4 : i32
    %dma_wait3A_539 = arith.constant 0 : i32
    %dma_wait3A_540 = arith.constant 0 : i32
    %dma_wait3A_541 = tpu.memref_slice %arg8[%dma_wait3A_537, %dma_wait3A_539, %dma_wait3A_540] : memref<5x2000x8xf32, #tpu.memory_space<vmem>> -> memref<1x2000x8xf32, #tpu.memory_space<vmem>>
    %dma_wait3A_542 = tpu.memref_squeeze %dma_wait3A_541 : memref<1x2000x8xf32, #tpu.memory_space<vmem>> -> memref<2000x8xf32, #tpu.memory_space<vmem>>
    %dma_wait3A_543 = arith.constant 0 : i32
    %dma_wait3A_544 = tpu.memref_slice %arg6[%dma_wait3A_536, %dma_wait3A_543] : memref<5x2000xi32, #tpu.memory_space<vmem>> -> memref<1x2000xi32, #tpu.memory_space<vmem>>
    %dma_wait3A_545 = tpu.memref_squeeze %dma_wait3A_544 : memref<1x2000xi32, #tpu.memory_space<vmem>> -> memref<2000xi32, #tpu.memory_space<vmem>>
    %dma_wait3A_546 = arith.constant 0 : i32
    %dma_wait3A_547 = arith.constant 0 : i32
    %dma_wait3A_548 = tpu.memref_slice %arg2[%dma_wait3A_546, %dma_wait3A_547] : memref<10240x8xf32, #tpu.memory_space<hbm>> -> memref<10240x8xf32, #tpu.memory_space<hbm>>
    %dma_wait3A_549 = tpu.memref_slice %arg11[%dma_wait3A_538] : memref<5x!tpu.dma_semaphore, #tpu.memory_space<semaphore_mem>> -> memref<1x!tpu.dma_semaphore, #tpu.memory_space<semaphore_mem>>
    %dma_wait3A_550 = tpu.memref_squeeze %dma_wait3A_549 : memref<1x!tpu.dma_semaphore, #tpu.memory_space<semaphore_mem>> -> memref<!tpu.dma_semaphore, #tpu.memory_space<semaphore_mem>>
    tpu.wait_indirect_dma semaphore(%dma_wait3A_550 : memref<!tpu.dma_semaphore, #tpu.memory_space<semaphore_mem>>) src(%dma_wait3A_548 : memref<10240x8xf32, #tpu.memory_space<hbm>>) dst(%dma_wait3A_542 : memref<2000x8xf32, #tpu.memory_space<vmem>>)
    %dma_start3A_551 = arith.constant 4 : i32
    %dma_start3A_552 = arith.constant 4 : i32
    %dma_start3A_553 = arith.constant 4 : i32
    %dma_start3A_554 = arith.constant 0 : i32
    %dma_start3A_555 = arith.constant 0 : i32
    %dma_start3A_556 = tpu.memref_slice %arg8[%dma_start3A_551, %dma_start3A_554, %dma_start3A_555] : memref<5x2000x8xf32, #tpu.memory_space<vmem>> -> memref<1x2000x8xf32, #tpu.memory_space<vmem>>
    %dma_start3A_557 = tpu.memref_squeeze %dma_start3A_556 : memref<1x2000x8xf32, #tpu.memory_space<vmem>> -> memref<2000x8xf32, #tpu.memory_space<vmem>>
    %dma_start3A_558 = arith.constant 0 : i32
    %dma_start3A_559 = tpu.memref_slice %arg7[%dma_start3A_552, %dma_start3A_558] : memref<5x2000xi32, #tpu.memory_space<vmem>> -> memref<1x2000xi32, #tpu.memory_space<vmem>>
    %dma_start3A_560 = tpu.memref_squeeze %dma_start3A_559 : memref<1x2000xi32, #tpu.memory_space<vmem>> -> memref<2000xi32, #tpu.memory_space<vmem>>
    %dma_start3A_561 = arith.constant 0 : i32
    %dma_start3A_562 = arith.constant 0 : i32
    %dma_start3A_563 = tpu.memref_slice %arg9[%dma_start3A_561, %dma_start3A_562] : memref<10240x8xf32, #tpu.memory_space<vmem_shared>> -> memref<10240x8xf32, #tpu.memory_space<vmem_shared>>
    %dma_start3A_564 = tpu.memref_slice %arg12[%dma_start3A_553] : memref<5x!tpu.dma_semaphore, #tpu.memory_space<semaphore_mem>> -> memref<1x!tpu.dma_semaphore, #tpu.memory_space<semaphore_mem>>
    %dma_start3A_565 = tpu.memref_squeeze %dma_start3A_564 : memref<1x!tpu.dma_semaphore, #tpu.memory_space<semaphore_mem>> -> memref<!tpu.dma_semaphore, #tpu.memory_space<semaphore_mem>>
    tpu.enqueue_indirect_dma source(%dma_start3A_557 : memref<2000x8xf32, #tpu.memory_space<vmem>>) target(%dma_start3A_563 : memref<10240x8xf32, #tpu.memory_space<vmem_shared>>) offsets(%dma_start3A_560 : memref<2000xi32, #tpu.memory_space<vmem>>) semaphore(%dma_start3A_565 : memref<!tpu.dma_semaphore, #tpu.memory_space<semaphore_mem>>) {add = true}
    %dma_wait3A_566 = arith.constant 0 : i32
    %dma_wait3A_567 = arith.constant 0 : i32
    %dma_wait3A_568 = arith.constant 0 : i32
    %dma_wait3A_569 = arith.constant 0 : i32
    %dma_wait3A_570 = arith.constant 0 : i32
    %dma_wait3A_571 = tpu.memref_slice %arg8[%dma_wait3A_566, %dma_wait3A_569, %dma_wait3A_570] : memref<5x2000x8xf32, #tpu.memory_space<vmem>> -> memref<1x2000x8xf32, #tpu.memory_space<vmem>>
    %dma_wait3A_572 = tpu.memref_squeeze %dma_wait3A_571 : memref<1x2000x8xf32, #tpu.memory_space<vmem>> -> memref<2000x8xf32, #tpu.memory_space<vmem>>
    %dma_wait3A_573 = arith.constant 0 : i32
    %dma_wait3A_574 = tpu.memref_slice %arg7[%dma_wait3A_567, %dma_wait3A_573] : memref<5x2000xi32, #tpu.memory_space<vmem>> -> memref<1x2000xi32, #tpu.memory_space<vmem>>
    %dma_wait3A_575 = tpu.memref_squeeze %dma_wait3A_574 : memref<1x2000xi32, #tpu.memory_space<vmem>> -> memref<2000xi32, #tpu.memory_space<vmem>>
    %dma_wait3A_576 = arith.constant 0 : i32
    %dma_wait3A_577 = arith.constant 0 : i32
    %dma_wait3A_578 = tpu.memref_slice %arg9[%dma_wait3A_576, %dma_wait3A_577] : memref<10240x8xf32, #tpu.memory_space<vmem_shared>> -> memref<10240x8xf32, #tpu.memory_space<vmem_shared>>
    %dma_wait3A_579 = tpu.memref_slice %arg12[%dma_wait3A_568] : memref<5x!tpu.dma_semaphore, #tpu.memory_space<semaphore_mem>> -> memref<1x!tpu.dma_semaphore, #tpu.memory_space<semaphore_mem>>
    %dma_wait3A_580 = tpu.memref_squeeze %dma_wait3A_579 : memref<1x!tpu.dma_semaphore, #tpu.memory_space<semaphore_mem>> -> memref<!tpu.dma_semaphore, #tpu.memory_space<semaphore_mem>>
    tpu.wait_indirect_dma semaphore(%dma_wait3A_580 : memref<!tpu.dma_semaphore, #tpu.memory_space<semaphore_mem>>) src(%dma_wait3A_572 : memref<2000x8xf32, #tpu.memory_space<vmem>>) dst(%dma_wait3A_578 : memref<10240x8xf32, #tpu.memory_space<vmem_shared>>)
    %dma_wait3A_581 = arith.constant 1 : i32
    %dma_wait3A_582 = arith.constant 1 : i32
    %dma_wait3A_583 = arith.constant 1 : i32
    %dma_wait3A_584 = arith.constant 0 : i32
    %dma_wait3A_585 = arith.constant 0 : i32
    %dma_wait3A_586 = tpu.memref_slice %arg8[%dma_wait3A_581, %dma_wait3A_584, %dma_wait3A_585] : memref<5x2000x8xf32, #tpu.memory_space<vmem>> -> memref<1x2000x8xf32, #tpu.memory_space<vmem>>
    %dma_wait3A_587 = tpu.memref_squeeze %dma_wait3A_586 : memref<1x2000x8xf32, #tpu.memory_space<vmem>> -> memref<2000x8xf32, #tpu.memory_space<vmem>>
    %dma_wait3A_588 = arith.constant 0 : i32
    %dma_wait3A_589 = tpu.memref_slice %arg7[%dma_wait3A_582, %dma_wait3A_588] : memref<5x2000xi32, #tpu.memory_space<vmem>> -> memref<1x2000xi32, #tpu.memory_space<vmem>>
    %dma_wait3A_590 = tpu.memref_squeeze %dma_wait3A_589 : memref<1x2000xi32, #tpu.memory_space<vmem>> -> memref<2000xi32, #tpu.memory_space<vmem>>
    %dma_wait3A_591 = arith.constant 0 : i32
    %dma_wait3A_592 = arith.constant 0 : i32
    %dma_wait3A_593 = tpu.memref_slice %arg9[%dma_wait3A_591, %dma_wait3A_592] : memref<10240x8xf32, #tpu.memory_space<vmem_shared>> -> memref<10240x8xf32, #tpu.memory_space<vmem_shared>>
    %dma_wait3A_594 = tpu.memref_slice %arg12[%dma_wait3A_583] : memref<5x!tpu.dma_semaphore, #tpu.memory_space<semaphore_mem>> -> memref<1x!tpu.dma_semaphore, #tpu.memory_space<semaphore_mem>>
    %dma_wait3A_595 = tpu.memref_squeeze %dma_wait3A_594 : memref<1x!tpu.dma_semaphore, #tpu.memory_space<semaphore_mem>> -> memref<!tpu.dma_semaphore, #tpu.memory_space<semaphore_mem>>
    tpu.wait_indirect_dma semaphore(%dma_wait3A_595 : memref<!tpu.dma_semaphore, #tpu.memory_space<semaphore_mem>>) src(%dma_wait3A_587 : memref<2000x8xf32, #tpu.memory_space<vmem>>) dst(%dma_wait3A_593 : memref<10240x8xf32, #tpu.memory_space<vmem_shared>>)
    %dma_wait3A_596 = arith.constant 2 : i32
    %dma_wait3A_597 = arith.constant 2 : i32
    %dma_wait3A_598 = arith.constant 2 : i32
    %dma_wait3A_599 = arith.constant 0 : i32
    %dma_wait3A_600 = arith.constant 0 : i32
    %dma_wait3A_601 = tpu.memref_slice %arg8[%dma_wait3A_596, %dma_wait3A_599, %dma_wait3A_600] : memref<5x2000x8xf32, #tpu.memory_space<vmem>> -> memref<1x2000x8xf32, #tpu.memory_space<vmem>>
    %dma_wait3A_602 = tpu.memref_squeeze %dma_wait3A_601 : memref<1x2000x8xf32, #tpu.memory_space<vmem>> -> memref<2000x8xf32, #tpu.memory_space<vmem>>
    %dma_wait3A_603 = arith.constant 0 : i32
    %dma_wait3A_604 = tpu.memref_slice %arg7[%dma_wait3A_597, %dma_wait3A_603] : memref<5x2000xi32, #tpu.memory_space<vmem>> -> memref<1x2000xi32, #tpu.memory_space<vmem>>
    %dma_wait3A_605 = tpu.memref_squeeze %dma_wait3A_604 : memref<1x2000xi32, #tpu.memory_space<vmem>> -> memref<2000xi32, #tpu.memory_space<vmem>>
    %dma_wait3A_606 = arith.constant 0 : i32
    %dma_wait3A_607 = arith.constant 0 : i32
    %dma_wait3A_608 = tpu.memref_slice %arg9[%dma_wait3A_606, %dma_wait3A_607] : memref<10240x8xf32, #tpu.memory_space<vmem_shared>> -> memref<10240x8xf32, #tpu.memory_space<vmem_shared>>
    %dma_wait3A_609 = tpu.memref_slice %arg12[%dma_wait3A_598] : memref<5x!tpu.dma_semaphore, #tpu.memory_space<semaphore_mem>> -> memref<1x!tpu.dma_semaphore, #tpu.memory_space<semaphore_mem>>
    %dma_wait3A_610 = tpu.memref_squeeze %dma_wait3A_609 : memref<1x!tpu.dma_semaphore, #tpu.memory_space<semaphore_mem>> -> memref<!tpu.dma_semaphore, #tpu.memory_space<semaphore_mem>>
    tpu.wait_indirect_dma semaphore(%dma_wait3A_610 : memref<!tpu.dma_semaphore, #tpu.memory_space<semaphore_mem>>) src(%dma_wait3A_602 : memref<2000x8xf32, #tpu.memory_space<vmem>>) dst(%dma_wait3A_608 : memref<10240x8xf32, #tpu.memory_space<vmem_shared>>)
    %dma_wait3A_611 = arith.constant 3 : i32
    %dma_wait3A_612 = arith.constant 3 : i32
    %dma_wait3A_613 = arith.constant 3 : i32
    %dma_wait3A_614 = arith.constant 0 : i32
    %dma_wait3A_615 = arith.constant 0 : i32
    %dma_wait3A_616 = tpu.memref_slice %arg8[%dma_wait3A_611, %dma_wait3A_614, %dma_wait3A_615] : memref<5x2000x8xf32, #tpu.memory_space<vmem>> -> memref<1x2000x8xf32, #tpu.memory_space<vmem>>
    %dma_wait3A_617 = tpu.memref_squeeze %dma_wait3A_616 : memref<1x2000x8xf32, #tpu.memory_space<vmem>> -> memref<2000x8xf32, #tpu.memory_space<vmem>>
    %dma_wait3A_618 = arith.constant 0 : i32
    %dma_wait3A_619 = tpu.memref_slice %arg7[%dma_wait3A_612, %dma_wait3A_618] : memref<5x2000xi32, #tpu.memory_space<vmem>> -> memref<1x2000xi32, #tpu.memory_space<vmem>>
    %dma_wait3A_620 = tpu.memref_squeeze %dma_wait3A_619 : memref<1x2000xi32, #tpu.memory_space<vmem>> -> memref<2000xi32, #tpu.memory_space<vmem>>
    %dma_wait3A_621 = arith.constant 0 : i32
    %dma_wait3A_622 = arith.constant 0 : i32
    %dma_wait3A_623 = tpu.memref_slice %arg9[%dma_wait3A_621, %dma_wait3A_622] : memref<10240x8xf32, #tpu.memory_space<vmem_shared>> -> memref<10240x8xf32, #tpu.memory_space<vmem_shared>>
    %dma_wait3A_624 = tpu.memref_slice %arg12[%dma_wait3A_613] : memref<5x!tpu.dma_semaphore, #tpu.memory_space<semaphore_mem>> -> memref<1x!tpu.dma_semaphore, #tpu.memory_space<semaphore_mem>>
    %dma_wait3A_625 = tpu.memref_squeeze %dma_wait3A_624 : memref<1x!tpu.dma_semaphore, #tpu.memory_space<semaphore_mem>> -> memref<!tpu.dma_semaphore, #tpu.memory_space<semaphore_mem>>
    tpu.wait_indirect_dma semaphore(%dma_wait3A_625 : memref<!tpu.dma_semaphore, #tpu.memory_space<semaphore_mem>>) src(%dma_wait3A_617 : memref<2000x8xf32, #tpu.memory_space<vmem>>) dst(%dma_wait3A_623 : memref<10240x8xf32, #tpu.memory_space<vmem_shared>>)
    %dma_wait3A_626 = arith.constant 4 : i32
    %dma_wait3A_627 = arith.constant 4 : i32
    %dma_wait3A_628 = arith.constant 4 : i32
    %dma_wait3A_629 = arith.constant 0 : i32
    %dma_wait3A_630 = arith.constant 0 : i32
    %dma_wait3A_631 = tpu.memref_slice %arg8[%dma_wait3A_626, %dma_wait3A_629, %dma_wait3A_630] : memref<5x2000x8xf32, #tpu.memory_space<vmem>> -> memref<1x2000x8xf32, #tpu.memory_space<vmem>>
    %dma_wait3A_632 = tpu.memref_squeeze %dma_wait3A_631 : memref<1x2000x8xf32, #tpu.memory_space<vmem>> -> memref<2000x8xf32, #tpu.memory_space<vmem>>
    %dma_wait3A_633 = arith.constant 0 : i32
    %dma_wait3A_634 = tpu.memref_slice %arg7[%dma_wait3A_627, %dma_wait3A_633] : memref<5x2000xi32, #tpu.memory_space<vmem>> -> memref<1x2000xi32, #tpu.memory_space<vmem>>
    %dma_wait3A_635 = tpu.memref_squeeze %dma_wait3A_634 : memref<1x2000xi32, #tpu.memory_space<vmem>> -> memref<2000xi32, #tpu.memory_space<vmem>>
    %dma_wait3A_636 = arith.constant 0 : i32
    %dma_wait3A_637 = arith.constant 0 : i32
    %dma_wait3A_638 = tpu.memref_slice %arg9[%dma_wait3A_636, %dma_wait3A_637] : memref<10240x8xf32, #tpu.memory_space<vmem_shared>> -> memref<10240x8xf32, #tpu.memory_space<vmem_shared>>
    %dma_wait3A_639 = tpu.memref_slice %arg12[%dma_wait3A_628] : memref<5x!tpu.dma_semaphore, #tpu.memory_space<semaphore_mem>> -> memref<1x!tpu.dma_semaphore, #tpu.memory_space<semaphore_mem>>
    %dma_wait3A_640 = tpu.memref_squeeze %dma_wait3A_639 : memref<1x!tpu.dma_semaphore, #tpu.memory_space<semaphore_mem>> -> memref<!tpu.dma_semaphore, #tpu.memory_space<semaphore_mem>>
    tpu.wait_indirect_dma semaphore(%dma_wait3A_640 : memref<!tpu.dma_semaphore, #tpu.memory_space<semaphore_mem>>) src(%dma_wait3A_632 : memref<2000x8xf32, #tpu.memory_space<vmem>>) dst(%dma_wait3A_638 : memref<10240x8xf32, #tpu.memory_space<vmem_shared>>)
    %barrier3A_641 = arith.constant 0 : index
    tpu.barrier barrier_id(%barrier3A_641)
    %mul3A_642 = arith.constant 640 : i32
    %mul3A_643 = arith.muli %arg1, %mul3A_642 : i32
    %mul3A_644 = arith.constant 640 : i32
    %mul3A_645 = arith.muli %arg1, %mul3A_644 : i32
    "tpu.region"() ({
      %run_scoped3A = tpu.sem_alloc : memref<!tpu.dma_semaphore, #tpu.memory_space<semaphore_mem>>
      %dma_start3A_646 = arith.constant 0 : i32
      %dma_start3A_647 = tpu.memref_slice %arg5[%arg0, %mul3A_645, %dma_start3A_646] : memref<2x10240x8xf32, #tpu.memory_space<hbm>> -> memref<1x640x8xf32, #tpu.memory_space<hbm>>
      %dma_start3A_648 = tpu.memref_squeeze %dma_start3A_647 : memref<1x640x8xf32, #tpu.memory_space<hbm>> -> memref<640x8xf32, #tpu.memory_space<hbm>>
      %dma_start3A_649 = arith.constant 0 : i32
      %dma_start3A_650 = tpu.memref_slice %arg9[%mul3A_643, %dma_start3A_649] : memref<10240x8xf32, #tpu.memory_space<vmem_shared>> -> memref<640x8xf32, #tpu.memory_space<vmem_shared>>
      tpu.enqueue_dma source(%dma_start3A_650 : memref<640x8xf32, #tpu.memory_space<vmem_shared>>) target(%dma_start3A_648 : memref<640x8xf32, #tpu.memory_space<hbm>>) target_semaphore(%run_scoped3A : memref<!tpu.dma_semaphore, #tpu.memory_space<semaphore_mem>>)
      %dma_wait3A_651 = arith.constant 0 : i32
      %dma_wait3A_652 = tpu.memref_slice %arg5[%arg0, %mul3A_645, %dma_wait3A_651] : memref<2x10240x8xf32, #tpu.memory_space<hbm>> -> memref<1x640x8xf32, #tpu.memory_space<hbm>>
      %dma_wait3A_653 = tpu.memref_squeeze %dma_wait3A_652 : memref<1x640x8xf32, #tpu.memory_space<hbm>> -> memref<640x8xf32, #tpu.memory_space<hbm>>
      %dma_wait3A_654 = arith.constant 0 : i32
      %dma_wait3A_655 = tpu.memref_slice %arg9[%mul3A_643, %dma_wait3A_654] : memref<10240x8xf32, #tpu.memory_space<vmem_shared>> -> memref<640x8xf32, #tpu.memory_space<vmem_shared>>
      tpu.wait_dma2 semaphore(%run_scoped3A : memref<!tpu.dma_semaphore, #tpu.memory_space<semaphore_mem>>) src(%dma_wait3A_655 : memref<640x8xf32, #tpu.memory_space<vmem_shared>>) dst(%dma_wait3A_653 : memref<640x8xf32, #tpu.memory_space<hbm>>)
      tpu.yield
    }) : () -> ()
    return
  }
}

module attributes {stable_mosaic.version = 14 : i64} {
  func.func @_mm1_body(%arg0: memref<640x2048xf32, #tpu.memory_space<vmem>>, %arg1: memref<2048x128xf32, #tpu.memory_space<vmem>>, %arg2: memref<640x128xf32, #tpu.memory_space<vmem>>) attributes {dimension_semantics = [], scalar_prefetch = 0 : i64, scratch_operands = 0 : i64, tpu.core_type = #tpu.core_type<tc>} {
    %get3A = arith.constant 0 : index
    %get3A_0 = arith.constant 0 : index
    %get3A_1 = vector.load %arg0[%get3A, %get3A_0] : memref<640x2048xf32, #tpu.memory_space<vmem>>, vector<640x2048xf32>
    %get3A_2 = arith.constant 0 : index
    %get3A_3 = arith.constant 0 : index
    %get3A_4 = vector.load %arg1[%get3A_2, %get3A_3] : memref<2048x128xf32, #tpu.memory_space<vmem>>, vector<2048x128xf32>
    %dot_general3A = arith.constant dense<0.000000e+00> : vector<640x128xf32>
    %dot_general3A_5 = tpu.matmul %get3A_1, %get3A_4, %dot_general3A {dimension_numbers = #tpu.dot_dimension_numbers<[1], [0], [0], [1], [0, 0, 1, 1], [], []>, precision = #tpu.contract_precision<fp32>, transpose_lhs_hint = false} : vector<640x2048xf32>, vector<2048x128xf32>, vector<640x128xf32> -> vector<640x128xf32>
    %swap3A = arith.constant 0 : index
    %swap3A_6 = arith.constant 0 : index
    %swap3A_7 = vector.load %arg2[%swap3A, %swap3A_6] : memref<640x128xf32, #tpu.memory_space<vmem>>, vector<640x128xf32>
    tpu.vector_store %arg2[%swap3A, %swap3A_6], %dot_general3A_5 {strides = array<i32>} : memref<640x128xf32, #tpu.memory_space<vmem>>, vector<640x128xf32>,
    return
  }
}

module attributes {stable_mosaic.version = 14 : i64} {
  func.func @_scale_body(%arg0: memref<640x128xf32, #tpu.memory_space<vmem>>, %arg1: memref<2x640x16xf32, #tpu.memory_space<vmem>>, %arg2: memref<16x128xf32, #tpu.memory_space<vmem>>, %arg3: memref<640x128xf32, #tpu.memory_space<vmem>>, %arg4: memref<640x128xf32, #tpu.memory_space<vmem>>) attributes {dimension_semantics = [], scalar_prefetch = 0 : i64, scratch_operands = 0 : i64, tpu.core_type = #tpu.core_type<tc>} {
    %get3A = arith.constant 0 : index
    %get3A_0 = arith.constant 0 : index
    %get3A_1 = arith.constant 0 : index
    %get3A_2 = vector.load %arg1[%get3A, %get3A_0, %get3A_1] : memref<2x640x16xf32, #tpu.memory_space<vmem>>, vector<1x640x16xf32>
    %get3A_3 = vector.shape_cast %get3A_2 : vector<1x640x16xf32> to vector<640x16xf32>
    %get3A_4 = arith.constant 1 : index
    %get3A_5 = arith.constant 0 : index
    %get3A_6 = arith.constant 0 : index
    %get3A_7 = vector.load %arg1[%get3A_4, %get3A_5, %get3A_6] : memref<2x640x16xf32, #tpu.memory_space<vmem>>, vector<1x640x16xf32>
    %get3A_8 = vector.shape_cast %get3A_7 : vector<1x640x16xf32> to vector<640x16xf32>
    %add3A = arith.addf %get3A_3, %get3A_8 : vector<640x16xf32>
    %add3A_9 = arith.constant 1.000000e+00 : f32
    %add3A_10 = vector.broadcast %add3A_9 : f32 to vector<640x16xf32>
    %add3A_11 = arith.addf %add3A, %add3A_10 : vector<640x16xf32>
    %rsqrt3A = math.rsqrt %add3A_11 : vector<640x16xf32>
    %get3A_12 = arith.constant 0 : index
    %get3A_13 = arith.constant 0 : index
    %get3A_14 = vector.load %arg2[%get3A_12, %get3A_13] : memref<16x128xf32, #tpu.memory_space<vmem>>, vector<16x128xf32>
    %dot_general3A = arith.constant dense<0.000000e+00> : vector<640x128xf32>
    %dot_general3A_15 = tpu.matmul %rsqrt3A, %get3A_14, %dot_general3A {dimension_numbers = #tpu.dot_dimension_numbers<[1], [0], [0], [1], [0, 0, 1, 1], [], []>, precision = #tpu.contract_precision<fp32>, transpose_lhs_hint = false} : vector<640x16xf32>, vector<16x128xf32>, vector<640x128xf32> -> vector<640x128xf32>
    %swap3A = arith.constant 0 : index
    %swap3A_16 = arith.constant 0 : index
    %swap3A_17 = vector.load %arg4[%swap3A, %swap3A_16] : memref<640x128xf32, #tpu.memory_space<vmem>>, vector<640x128xf32>
    tpu.vector_store %arg4[%swap3A, %swap3A_16], %dot_general3A_15 {strides = array<i32>} : memref<640x128xf32, #tpu.memory_space<vmem>>, vector<640x128xf32>,
    %get3A_18 = arith.constant 0 : index
    %get3A_19 = arith.constant 0 : index
    %get3A_20 = vector.load %arg0[%get3A_18, %get3A_19] : memref<640x128xf32, #tpu.memory_space<vmem>>, vector<640x128xf32>
    %mul3A = arith.mulf %get3A_20, %dot_general3A_15 : vector<640x128xf32>
    %swap3A_21 = arith.constant 0 : index
    %swap3A_22 = arith.constant 0 : index
    %swap3A_23 = vector.load %arg3[%swap3A_21, %swap3A_22] : memref<640x128xf32, #tpu.memory_space<vmem>>, vector<640x128xf32>
    tpu.vector_store %arg3[%swap3A_21, %swap3A_22], %mul3A {strides = array<i32>} : memref<640x128xf32, #tpu.memory_space<vmem>>, vector<640x128xf32>,
    return
  }
}

module attributes {stable_mosaic.version = 14 : i64} {
  func.func @_layer_body(%arg0: memref<2x640x128xf32, #tpu.memory_space<vmem>>, %arg1: memref<640x128xf32, #tpu.memory_space<vmem>>, %arg2: memref<640x128xf32, #tpu.memory_space<vmem>>, %arg3: memref<128x128xf32, #tpu.memory_space<vmem>>, %arg4: memref<1x128xf32, #tpu.memory_space<vmem>>, %arg5: memref<640x128xf32, #tpu.memory_space<vmem>>) attributes {dimension_semantics = [], scalar_prefetch = 0 : i64, scratch_operands = 0 : i64, tpu.core_type = #tpu.core_type<tc>} {
    %get3A = arith.constant 0 : index
    %get3A_0 = arith.constant 0 : index
    %get3A_1 = vector.load %arg2[%get3A, %get3A_0] : memref<640x128xf32, #tpu.memory_space<vmem>>, vector<640x128xf32>
    %get3A_2 = arith.constant 0 : index
    %get3A_3 = arith.constant 0 : index
    %get3A_4 = arith.constant 0 : index
    %get3A_5 = vector.load %arg0[%get3A_2, %get3A_3, %get3A_4] : memref<2x640x128xf32, #tpu.memory_space<vmem>>, vector<1x640x128xf32>
    %get3A_6 = vector.shape_cast %get3A_5 : vector<1x640x128xf32> to vector<640x128xf32>
    %get3A_7 = arith.constant 1 : index
    %get3A_8 = arith.constant 0 : index
    %get3A_9 = arith.constant 0 : index
    %get3A_10 = vector.load %arg0[%get3A_7, %get3A_8, %get3A_9] : memref<2x640x128xf32, #tpu.memory_space<vmem>>, vector<1x640x128xf32>
    %get3A_11 = vector.shape_cast %get3A_10 : vector<1x640x128xf32> to vector<640x128xf32>
    %add3A = arith.addf %get3A_6, %get3A_11 : vector<640x128xf32>
    %get3A_12 = arith.constant 0 : index
    %get3A_13 = arith.constant 0 : index
    %get3A_14 = vector.load %arg1[%get3A_12, %get3A_13] : memref<640x128xf32, #tpu.memory_space<vmem>>, vector<640x128xf32>
    %add3A_15 = arith.addf %add3A, %get3A_14 : vector<640x128xf32>
    %mul3A = arith.mulf %add3A_15, %get3A_1 : vector<640x128xf32>
    %get3A_16 = arith.constant 0 : index
    %get3A_17 = arith.constant 0 : index
    %get3A_18 = vector.load %arg4[%get3A_16, %get3A_17] : memref<1x128xf32, #tpu.memory_space<vmem>>, vector<1x128xf32>
    %add3A_19 = vector.broadcast %get3A_18 : vector<1x128xf32> to vector<640x128xf32>
    %add3A_20 = arith.addf %mul3A, %add3A_19 : vector<640x128xf32>
    %max3A = arith.constant 0.000000e+00 : f32
    %max3A_21 = vector.broadcast %max3A : f32 to vector<640x128xf32>
    %max3A_22 = arith.maximumf %add3A_20, %max3A_21 : vector<640x128xf32>
    %get3A_23 = arith.constant 0 : index
    %get3A_24 = arith.constant 0 : index
    %get3A_25 = vector.load %arg3[%get3A_23, %get3A_24] : memref<128x128xf32, #tpu.memory_space<vmem>>, vector<128x128xf32>
    %dot_general3A = arith.constant dense<0.000000e+00> : vector<640x128xf32>
    %dot_general3A_26 = tpu.matmul %max3A_22, %get3A_25, %dot_general3A {dimension_numbers = #tpu.dot_dimension_numbers<[1], [0], [0], [1], [0, 0, 1, 1], [], []>, precision = #tpu.contract_precision<fp32>, transpose_lhs_hint = false} : vector<640x128xf32>, vector<128x128xf32>, vector<640x128xf32> -> vector<640x128xf32>
    %mul3A_27 = arith.mulf %dot_general3A_26, %get3A_1 : vector<640x128xf32>
    %swap3A = arith.constant 0 : index
    %swap3A_28 = arith.constant 0 : index
    %swap3A_29 = vector.load %arg5[%swap3A, %swap3A_28] : memref<640x128xf32, #tpu.memory_space<vmem>>, vector<640x128xf32>
    tpu.vector_store %arg5[%swap3A, %swap3A_28], %mul3A_27 {strides = array<i32>} : memref<640x128xf32, #tpu.memory_space<vmem>>, vector<640x128xf32>,
    return
  }
}

module attributes {stable_mosaic.version = 14 : i64} {
  func.func @_final_body(%arg0: memref<2x640x128xf32, #tpu.memory_space<vmem>>, %arg1: memref<640x128xf32, #tpu.memory_space<vmem>>, %arg2: memref<640x128xf32, #tpu.memory_space<vmem>>, %arg3: memref<1x128xf32, #tpu.memory_space<vmem>>, %arg4: memref<128x16xf32, #tpu.memory_space<vmem>>, %arg5: memref<128x8xf32, #tpu.memory_space<vmem>>, %arg6: memref<8x1xf32, #tpu.memory_space<vmem>>, %arg7: memref<1x1xf32, #tpu.memory_space<vmem>>, %arg8: memref<1x1xf32, #tpu.memory_space<vmem>>, %arg9: memref<640x16xf32, #tpu.memory_space<vmem>>, %arg10: memref<1x1xf32, #tpu.memory_space<vmem>>) attributes {dimension_semantics = [], scalar_prefetch = 0 : i64, scratch_operands = 0 : i64, tpu.core_type = #tpu.core_type<tc>} {
    %get3A = arith.constant 0 : index
    %get3A_0 = arith.constant 0 : index
    %get3A_1 = arith.constant 0 : index
    %get3A_2 = vector.load %arg0[%get3A, %get3A_0, %get3A_1] : memref<2x640x128xf32, #tpu.memory_space<vmem>>, vector<1x640x128xf32>
    %get3A_3 = vector.shape_cast %get3A_2 : vector<1x640x128xf32> to vector<640x128xf32>
    %get3A_4 = arith.constant 1 : index
    %get3A_5 = arith.constant 0 : index
    %get3A_6 = arith.constant 0 : index
    %get3A_7 = vector.load %arg0[%get3A_4, %get3A_5, %get3A_6] : memref<2x640x128xf32, #tpu.memory_space<vmem>>, vector<1x640x128xf32>
    %get3A_8 = vector.shape_cast %get3A_7 : vector<1x640x128xf32> to vector<640x128xf32>
    %add3A = arith.addf %get3A_3, %get3A_8 : vector<640x128xf32>
    %get3A_9 = arith.constant 0 : index
    %get3A_10 = arith.constant 0 : index
    %get3A_11 = vector.load %arg1[%get3A_9, %get3A_10] : memref<640x128xf32, #tpu.memory_space<vmem>>, vector<640x128xf32>
    %add3A_12 = arith.addf %add3A, %get3A_11 : vector<640x128xf32>
    %get3A_13 = arith.constant 0 : index
    %get3A_14 = arith.constant 0 : index
    %get3A_15 = vector.load %arg2[%get3A_13, %get3A_14] : memref<640x128xf32, #tpu.memory_space<vmem>>, vector<640x128xf32>
    %mul3A = arith.mulf %add3A_12, %get3A_15 : vector<640x128xf32>
    %get3A_16 = arith.constant 0 : index
    %get3A_17 = arith.constant 0 : index
    %get3A_18 = vector.load %arg3[%get3A_16, %get3A_17] : memref<1x128xf32, #tpu.memory_space<vmem>>, vector<1x128xf32>
    %add3A_19 = vector.broadcast %get3A_18 : vector<1x128xf32> to vector<640x128xf32>
    %add3A_20 = arith.addf %mul3A, %add3A_19 : vector<640x128xf32>
    %max3A = arith.constant 0.000000e+00 : f32
    %max3A_21 = vector.broadcast %max3A : f32 to vector<640x128xf32>
    %max3A_22 = arith.maximumf %add3A_20, %max3A_21 : vector<640x128xf32>
    %get3A_23 = arith.constant 0 : index
    %get3A_24 = arith.constant 0 : index
    %get3A_25 = vector.load %arg4[%get3A_23, %get3A_24] : memref<128x16xf32, #tpu.memory_space<vmem>>, vector<128x16xf32>
    %dot_general3A = arith.constant dense<0.000000e+00> : vector<640x16xf32>
    %dot_general3A_26 = tpu.matmul %max3A_22, %get3A_25, %dot_general3A {dimension_numbers = #tpu.dot_dimension_numbers<[1], [0], [0], [1], [0, 0, 1, 1], [], []>, precision = #tpu.contract_precision<fp32>, transpose_lhs_hint = false} : vector<640x128xf32>, vector<128x16xf32>, vector<640x16xf32> -> vector<640x16xf32>
    %get3A_27 = arith.constant 0 : index
    %get3A_28 = arith.constant 0 : index
    %get3A_29 = vector.load %arg7[%get3A_27, %get3A_28] : memref<1x1xf32, #tpu.memory_space<vmem>>, vector<1x1xf32>
    %add3A_30 = vector.broadcast %get3A_29 : vector<1x1xf32> to vector<640x16xf32>
    %add3A_31 = arith.addf %dot_general3A_26, %add3A_30 : vector<640x16xf32>
    %swap3A = arith.constant 0 : index
    %swap3A_32 = arith.constant 0 : index
    %swap3A_33 = vector.load %arg9[%swap3A, %swap3A_32] : memref<640x16xf32, #tpu.memory_space<vmem>>, vector<640x16xf32>
    tpu.vector_store %arg9[%swap3A, %swap3A_32], %add3A_31 {strides = array<i32>} : memref<640x16xf32, #tpu.memory_space<vmem>>, vector<640x16xf32>,
    %slice3A = vector.extract_strided_slice %max3A_22 {offsets = [0, 0], sizes = [625, 128], strides = [1, 1]} : vector<640x128xf32> to vector<625x128xf32>
    %reduce_sum3A = arith.constant dense<0.000000e+00> : vector<128xf32>
    %reduce_sum3A_34 = vector.multi_reduction <add>, %slice3A, %reduce_sum3A [0] : vector<625x128xf32> to vector<128xf32>
    %broadcast_in_dim3A = vector.shape_cast %reduce_sum3A_34 : vector<128xf32> to vector<1x128xf32>
    %get3A_35 = arith.constant 0 : index
    %get3A_36 = arith.constant 0 : index
    %get3A_37 = vector.load %arg5[%get3A_35, %get3A_36] : memref<128x8xf32, #tpu.memory_space<vmem>>, vector<128x8xf32>
    %dot_general3A_38 = arith.constant dense<0.000000e+00> : vector<1x8xf32>
    %dot_general3A_39 = tpu.matmul %broadcast_in_dim3A, %get3A_37, %dot_general3A_38 {dimension_numbers = #tpu.dot_dimension_numbers<[1], [0], [0], [1], [0, 0, 1, 1], [], []>, precision = #tpu.contract_precision<fp32>, transpose_lhs_hint = false} : vector<1x128xf32>, vector<128x8xf32>, vector<1x8xf32> -> vector<1x8xf32>
    %mul3A_40 = arith.constant 9.99999974E-5 : f32
    %mul3A_41 = vector.broadcast %mul3A_40 : f32 to vector<1x8xf32>
    %mul3A_42 = arith.mulf %dot_general3A_39, %mul3A_41 : vector<1x8xf32>
    %get3A_43 = arith.constant 0 : index
    %get3A_44 = arith.constant 0 : index
    %get3A_45 = vector.load %arg6[%get3A_43, %get3A_44] : memref<8x1xf32, #tpu.memory_space<vmem>>, vector<8x1xf32>
    %dot_general3A_46 = arith.constant dense<0.000000e+00> : vector<1x1xf32>
    %dot_general3A_47 = tpu.matmul %mul3A_42, %get3A_45, %dot_general3A_46 {dimension_numbers = #tpu.dot_dimension_numbers<[1], [0], [0], [1], [0, 0, 1, 1], [], []>, precision = #tpu.contract_precision<fp32>, transpose_lhs_hint = false} : vector<1x8xf32>, vector<8x1xf32>, vector<1x1xf32> -> vector<1x1xf32>
    %get3A_48 = arith.constant 0 : index
    %get3A_49 = arith.constant 0 : index
    %get3A_50 = vector.load %arg8[%get3A_48, %get3A_49] : memref<1x1xf32, #tpu.memory_space<vmem>>, vector<1x1xf32>
    %add3A_51 = arith.addf %dot_general3A_47, %get3A_50 : vector<1x1xf32>
    %swap3A_52 = arith.constant 0 : index
    %swap3A_53 = arith.constant 0 : index
    %swap3A_54 = vector.load %arg10[%swap3A_52, %swap3A_53] : memref<1x1xf32, #tpu.memory_space<vmem>>, vector<1x1xf32>
    tpu.vector_store %arg10[%swap3A_52, %swap3A_53], %add3A_51 {strides = array<i32>} : memref<1x1xf32, #tpu.memory_space<vmem>>, vector<1x1xf32>,
    return
  }
}

</mosaic_0001>

<sc_bundles>
// kernel: kernel.11.cloned.1.call-start
scs
__scs_entry_jumppad:
0x0: {  	(pc) =	sbr.rel $0x88, $3  }
0x1: {  	(tag) =	ssettag $0x0;
	lr =	simm.s32 $0x1  }
0x2: {  	[smem:$0x3F95] =	sst lr;
	_ =	strace $0xD0000000  }
0x3: {  	_ = 	snop  }
0x4: {  	_ = 	snop  }
0x5: {  	_ = 	snop  }
0x6: {  	_ = 	snop  }
0x7: {  	_ = 	snop  }
__scs_overlays_trampoline_lowered:
0x8: {  	[smem:$0x3FA4] =	sst s0  }
0x9: {  	[smem:$0x3FA5] =	sst s1  }
0xa: {  	[smem:$0x3FA6] =	sst s2  }
0xb: {  	[smem:$0x3FA7] =	sst s3  }
0xc: {  	[smem:$0x3FA8] =	sst s4  }
0xd: {  	[smem:$0x3FA9] =	sst s5  }
0xe: {  	[smem:$0x3FAA] =	sst s6  }
0xf: {  	[smem:$0x3FAB] =	sst s7  }
0x10: {  	[smem:$0x3FAC] =	sst s8  }
0x11: {  	[smem:$0x3FAD] =	sst s9;
	s0 =	simm.s32 @!p0 $0x0  }
0x12: {  	s1 =	sld [smem:$0x3F93];
	s0 =	simm.s32 @p0 $0x1  }
0x13: {  	[smem:$0x3FAE] =	sst s0;
	s0 =	simm.s32 @!p1 $0x0  }
0x14: {  	s2 =	sld [smem:$0x3F92];
	s0 =	simm.s32 @p1 $0x1  }
0x15: {  	[smem:$0x3FAF] =	sst s0;
	s0 =	simm.s32 @!p2 $0x0  }
0x16: {  	s3 =	sld [smem:$0x3FDB];
	s0 =	simm.s32 @p2 $0x1  }
0x17: {  	s4 =	simm.s32 $0x1BF5;
	[smem:$0x3FB1] =	sst s0  }
0x18: {  	s0 =	sld [smem:$0x3F94];
	_ =	swait.ge [sflag:s4], $0x0  }
0x19: {  	s7 =	sld [smem:$0x3F95]  }
0x1a: {  	s8 =	sadd.s32 $0xFFFFE003, lr  }
0x1b: {  	s9 =	sadd.s32 $0xFFFFFEF7, lr;
	s5 =	simm.s32 $0xFFFFFFFF;
	p2 =	slt.u32 s8, $0xFFFFF086  }
0x1c: {  	p1 =	slt.u32 s9, $0xF7A;
	s5 =	simm.s32 @!p2 $0x0  }
0x1d: {  	s5 =	simm.s32 @p1 $0x1;
	p0 =	seq.s32 s7, s2  }
0x1e: {  	s7 =	smul.u32 @!p0 $0xF7A, s2;
	p2 =	seq.s32 @!p0 s5, $0x0  }
0x1f: {  	s9 =	smul.u32 $0xF7A, s1;
	s8 =	simm.s32 @!p0 $0x1BF5;
	p2 =	por !p2, p0  }
0x20: {  	[sflag:s8] =	ssyncset.s32 @!p0 $0xFFFFF086;
	s6 =	sadd.s32 @!p0 s3, s7;
	s7 =	simm.s32 @!p0 $0x108  }
0x21: {  	s3 =	sadd.s32 s3, s9;
	s6 =	sadd.s32 @!p0 $0x88, s6;
	s7 =	simm.s32 @p2 $0x1082  }
0x22: {  	[simem:s7], [sflag:s8] =	dma.local @!p0 [hbm:s6], $0xF7A  }
0x23: {  	s9 =	sor.u32 $0xD0000000, s2;
	s6 =	simm.s32 $0x108;
	_ =	swait.ge @!p0 [sflag:s8], $0x0  }
0x24: {  	s3 =	sadd.s32 $0x88, s3;
	s6 =	simm.s32 @!p1 $0x1082;
	[sflag:s4] =	ssyncset.s32 $0xFFFFF086  }
0x25: {  	[simem:s6], [sflag:s4] =	dma.local [hbm:s3], $0xF7A  }
0x26: {  	[smem:$0x3F95] =	sst s1;
	(tag) =	ssettag s2;
	_ =	strace s9  }
0x27: {  	s1 =	sld [smem:$0x3FA5]  }
0x28: {  	s2 =	sld [smem:$0x3FA6]  }
0x29: {  	s4 =	sld [smem:$0x3FA8]  }
0x2a: {  	p0 =	seq.s32 s5, $0x0;
	s5 =	sld [smem:$0x3FA9]  }
0x2b: {  	s6 =	sld [smem:$0x3FAA]  }
0x2c: {  	s7 =	sld [smem:$0x3FAB]  }
0x2d: {  	s3 =	simm.s32 $0x108;
	s8 =	sld [smem:$0x3FAC]  }
0x2e: {  	s3 =	simm.s32 @!p0 $0x1082;
	s9 =	sld [smem:$0x3FAD]  }
0x2f: {  	lr =	sadd.s32 s0, s3;
	s0 =	sld [smem:$0x3FA4]  }
0x30: {  	s3 =	sld [smem:$0x3FA7]  }
0x31: {  	[smem:$0x3FB0] =	sst s10  }
0x32: {  	s10 =	sld [smem:$0x3FAE];
	_ =	sdelay $0x3  }
0x33: {  	p0 =	seq.s32 s10, $0x1;
	s10 =	sld [smem:$0x3FB0];
	_ =	sdelay $0x3  }
0x34: {  	[smem:$0x3FB0] =	sst s10  }
0x35: {  	s10 =	sld [smem:$0x3FAF];
	_ =	sdelay $0x3  }
0x36: {  	p1 =	seq.s32 s10, $0x1;
	s10 =	sld [smem:$0x3FB0];
	_ =	sdelay $0x3  }
0x37: {  	[smem:$0x3FB0] =	sst s10  }
0x38: {  	s10 =	sld [smem:$0x3FB1]  }
0x39: {  	_ = 	snop;
	(pc) =	sbr.ind lr, $3  }
0x3a: {  	_ = 	snop  }
0x3b: {  	_ = 	snop  }
0x3c: {  	p2 =	seq.s32 s10, $0x1;
	s10 =	sld [smem:$0x3FB0]  }
0x3d: {  	_ =	shalt  }
0x3e: {  	_ =	shalt  }
0x3f: {  	_ =	shalt  }
0x40: {  	_ =	shalt  }
0x41: {  	_ =	shalt  }
0x42: {  	_ =	shalt  }
0x43: {  	_ =	shalt  }
0x44: {  	_ =	shalt  }
0x45: {  	_ =	shalt  }
0x46: {  	_ =	shalt  }
0x47: {  	_ =	shalt  }
0x48: {  	_ =	shalt  }
0x49: {  	_ =	shalt  }
0x4a: {  	_ =	shalt  }
0x4b: {  	_ =	shalt  }
0x4c: {  	_ =	shalt  }
0x4d: {  	_ =	shalt  }
0x4e: {  	_ =	shalt  }
0x4f: {  	_ =	shalt  }
0x50: {  	_ =	shalt  }
0x51: {  	_ =	shalt  }
0x52: {  	_ =	shalt  }
0x53: {  	_ =	shalt  }
0x54: {  	_ =	shalt  }
0x55: {  	_ =	shalt  }
0x56: {  	_ =	shalt  }
0x57: {  	_ =	shalt  }
0x58: {  	_ =	shalt  }
0x59: {  	_ =	shalt  }
0x5a: {  	_ =	shalt  }
0x5b: {  	_ =	shalt  }
0x5c: {  	_ =	shalt  }
0x5d: {  	_ =	shalt  }
0x5e: {  	_ =	shalt  }
0x5f: {  	_ =	shalt  }
0x60: {  	_ =	shalt  }
0x61: {  	_ =	shalt  }
0x62: {  	_ =	shalt  }
0x63: {  	_ =	shalt  }
0x64: {  	_ =	shalt  }
0x65: {  	_ =	shalt  }
0x66: {  	_ =	shalt  }
0x67: {  	_ =	shalt  }
0x68: {  	_ =	shalt  }
0x69: {  	_ =	shalt  }
0x6a: {  	_ =	shalt  }
0x6b: {  	_ =	shalt  }
0x6c: {  	_ =	shalt  }
0x6d: {  	_ =	shalt  }
0x6e: {  	_ =	shalt  }
0x6f: {  	_ =	shalt  }
0x70: {  	_ =	shalt  }
0x71: {  	_ =	shalt  }
0x72: {  	_ =	shalt  }
0x73: {  	_ =	shalt  }
0x74: {  	_ =	shalt  }
0x75: {  	_ =	shalt  }
0x76: {  	_ =	shalt  }
0x77: {  	_ =	shalt  }
0x78: {  	_ =	shalt  }
0x79: {  	_ =	shalt  }
0x7a: {  	_ =	shalt  }
0x7b: {  	_ =	shalt  }
0x7c: {  	_ =	shalt  }
0x7d: {  	_ =	shalt  }
0x7e: {  	_ =	shalt  }
0x7f: {  	_ =	shalt  }
0x80: {  	_ =	shalt  }
0x81: {  	_ =	shalt  }
0x82: {  	_ =	shalt  }
0x83: {  	_ =	shalt  }
0x84: {  	_ =	shalt  }
0x85: {  	_ =	shalt  }
0x86: {  	_ =	shalt  }
0x87: {  	_ =	shalt  }
.Lfunc_end0:
.L_simem_size_0:
called_computation_lowered:
.L_overlay_start_0:
0x88: {  	s2 =	sld [smem:$0x3FD9]  }
0x89: {  	s3 =	sld [smem:$0x3FFE];
	_ =	sdelay $0x1  }
0x8a: {  	s1 =	srdreg.scid  }
0x8b: {  	s0 =	sand.u32 $0x1, s1  }
0x8c: {  	s14 =	sshll.u32 s0, $0xA;
	s2 =	sadd.s32 s3, s2  }
0x8d: {  	s2 =	sadd.s32 s2, s14  }
0x8e: {  	[smem:$0x3FBC] =	sst s2  }
0x8f: {  	_ = 	snop  }
0x90: {  	s2 =	sld [smem:$0x3FD0];
	_ =	sdelay $0x2  }
0x91: {  	s15 =	simm.s32 $0xA;
	s4 =	simm.s32 $0x10  }
0x92: {  	[smem:s4], [sflag:s15] =	dma.local [hbm:s2], $0x1  }
0x93: {  	_ =	swait.eq [sflag:s15], $0x1  }
0x94: {  	[sflag:s15] =	ssyncset.done $0x0  }
0x95: {  	[sflag:s15] =	ssyncadd.s32 $0xFFFFFFFF  }
0x96: {  	s16 =	sld [smem:$0x10];
	(tm) =	ssettm $0x1  }
0x97: {  	s17 =	sld [smem:$0x3FFB];
	_ =	sdelay $0x3  }
0x98: {  	_ =	strace s17  }
0x99: {  	s3 =	sld [smem:$0x3FFC];
	_ =	sdelay $0x3  }
0x9a: {  	_ =	strace s3  }
0x9b: {  	s3 =	sld [smem:$0x3FFD];
	_ =	sdelay $0x3  }
0x9c: {  	_ =	strace s3  }
0x9d: {  	_ =	strace $0x8FFFFFFF  }
0x9e: {  	s18 =	sld [smem:$0x3FDB];
	_ =	sdelay $0x1  }
0x9f: {  	s19 =	simm.s32 $_scs_section_size  }
0xa0: {  	s5 =	simm.s32 $_size__tile_overlayer_lowered;
	s6 =	simm.s32 $_tile_overlayer_lowered  }
0xa1: {  	s22 =	simm.s32 $0x1BFF;
	s21 =	sshll.u32 s6, $0x1;
	s3 =	sadd.s32 s19, s18  }
0xa2: {  	s7 =	simm.s32 $0x0;
	s20 =	sshll.u32 s5, $0x1;
	s5 =	sadd.s32 s21, s3  }
0xa3: {  	[timem:s7], [sflag:s22] =	dma.local [hbm:s5], s20  }
0xa4: {  	_ =	swait.ge [sflag:s22], s20  }
0xa5: {  	s4 =	ssub.s32 $0x0, s20;
	[sflag:s22] =	ssyncset.done $0x0  }
0xa6: {  	[sflag:s22] =	ssyncadd.s32 s4;
	_ =	sdelay $0x1  }
0xa7: {  	s23 =	simm.s32 $0x1B8B  }
0xa8: {  	_ =	swait.ge [sflag:s23], $0x1  }
0xa9: {  	[sflag:s23] =	ssyncset.done $0x0  }
0xaa: {  	s25 =	simm.s32 $0x1B8E;
	s24 =	sld [smem:$0x3FFE];
	[sflag:s23] =	ssyncadd.s32 $0xFFFFFFFF  }
0xab: {  	s26 =	simm.s32 $execute0_lowered;
	[smem:$0x3FD2] =	sst s25  }
0xac: {  	s5 =	sshll.u32 s26, $0x1;
	_ =	strace $0x80000046;
	[dreg:$0x1] =	wrdreg $0xFFFFFFFF  }
0xad: {  	s28 =	simm.s32 $_size_execute0_lowered;
	s3 =	sadd.s32 s3, s5;
	[dreg:$0x0] =	wrdreg $0x0  }
0xae: {  	s5 =	sshll.u32 s28, $0x1;
	[dreg:$0x2] =	wrdreg s3  }
0xaf: {  	[dreg:$0x3] =	wrdreg s5  }
0xb0: {  	[dreg:$0x4] =	wrdreg $0xC0  }
0xb1: {  	_ =	task [dreg:s7], $0x5FFFF  }
0xb2: {  	[dreg:$0x1] =	wrdreg $0xFFFFFFFF  }
0xb3: {  	[dreg:$0x0] =	wrdreg $0x60  }
0xb4: {  	[dreg:$0x2] =	wrdreg s24  }
0xb5: {  	[dreg:$0x3] =	wrdreg s16  }
0xb6: {  	[dreg:$0x4] =	wrdreg $0x2EE00  }
0xb7: {  	[dreg:$0x5] =	wrdreg $0x9  }
0xb8: {  	_ =	task.clear_ibuf [dreg:s7], $0x6FFFF;
	_ =	strace $0x90000046  }
0xb9: {  	s29 =	simm.s32 $0x9;
	_ =	strace $0x80000048  }
0xba: {  	_ =	swait.ge [sflag:s29], $0x1  }
0xbb: {  	[sflag:s29] =	ssyncadd.s32 $0xFFFFFFFF  }
0xbc: {  	_ =	strace $0x90000048  }
0xbd: {  	_ =	sfence  }
0xbe: {  	s30 =	sld [smem:$0x0];
	_ =	sdelay $0x2  }
0xbf: {  	s31 =	sshll.u32 s1, $0xD;
	s1 =	sshrl.u32 s1, $0x2  }
0xc0: {  	s3 =	sand.u32 $0x4000, s31;
	s1 =	sadd.s32 s1, s30  }
0xc1: {  	s0 =	sor.u32 s3, s0;
	s1 =	sshll.u32 s1, $0x11  }
0xc2: {  	s0 =	sor.u32 s1, s0  }
0xc3: {  	s0 =	sadd.s32 $0x8F2B, s0  }
0xc4: {  	[sflag:s0] =	ssyncadd.remote.s32 $0x1  }
0xc5: {  	_ =	sfence.sel $0xFFFF  }
0xc6: {  	[dreg:$0x0] =	wrdreg $0xFFFFFFFF;
	(pc) =	sbr.abs _section_cstart, $3  }
0xc7: {  	[dreg:$0x1] =	wrdreg $0xFFFFFFFF  }
0xc8: {  	_ =	task.clear_ibuf [dreg:s7], $0x2FFFF;
	_ =	strace $0x9FFFFFFF  }
0xc9: {  	(tm) =	ssettm $0x7FFFFFFF  }
tec
execute0_lowered:
.L_overlay_start_1:
0x0: {  	(tag) =	ssettag $0x1  }
0x1: {  	s1 =	srdreg.scid;
	s26 =	rddreg [dreg:$0x0]  }
0x2: {  	s0 =	stileid.u32;
	s2 =	rddreg [dreg:$0x1]  }
0x3: {  	s3 =	rddreg [dreg:$0x2];
	s28 =	sand.u32 $0x1, s1;
	s25 =	sshll.u32 s0, $0x1  }
0x4: {  	s4 =	simm.s32 $0x0;
	s29 =	smul.u32 $0x280, s0;
	s1 =	sor.u32 s28, s25  }
0x5: {  	[smem:$0x7FF] =	sst s4;
	s5 =	smul.u32 $0x2710, s1  }
0x6: {  	s30 =	sshll.u32 s0, $0x6;
	s1 =	rddreg [dreg:$0x3];
	s6 =	sshrl.u32 s29, $0x3  }
0x7: {  	_ =	strace $0x80000047;
	s8 =	sadd.s32 s29, s3;
	s5 =	sshrl.u32 s5, $0x3  }
0x8: {  	s31 =	sadd.s32 s6, s26;
	s6 =	sor.u32 $0x1C01, s30;
	s15 =	sadd.s32 s5, s26  }
0x9: {  	s8 =	sshrl.u32 s8, $0x3;
	s5 =	sadd.s32 $0x17A00, s31;
	s7 =	sadd.s32 $0xDC40, s15  }
0xa: {  	[spmem:s8], [sflag:s6] =	dma.local [hbm:s5], $0x50  }
0xb: {  	[tilespmem:s4], [sflag:$0x2] =	stream.linear.gather [hbm4b:s7+s4], $0x7D0, $0x38;
	[tilespmem:$0x3160] =	vst v63  }
0xc: {  	s10 =	simm.s32 $0x7D0;
	s9 =	sadd.s32 $0xDD3A, s15  }
0xd: {  	[tilespmem:s10], [sflag:$0x2] =	stream.linear.gather [hbm4b:s9+s4], $0x7D0, $0x38;
	[tilespmem:$0x3160] =	vst v63  }
0xe: {  	s12 =	simm.s32 $0xFA0;
	s11 =	sadd.s32 $0xDE34, s15  }
0xf: {  	[tilespmem:s12], [sflag:$0x2] =	stream.linear.gather [hbm4b:s11+s4], $0x7D0, $0x38;
	[tilespmem:$0x3160] =	vst v63  }
0x10: {  	s14 =	simm.s32 $0x1770;
	s13 =	sadd.s32 $0xDF2E, s15  }
0x11: {  	[tilespmem:s14], [sflag:$0x2] =	stream.linear.gather [hbm4b:s13+s4], $0x7D0, $0x38;
	[tilespmem:$0x3160] =	vst v63  }
0x12: {  	s16 =	simm.s32 $0x1F40;
	s15 =	sadd.s32 $0xE028, s15  }
0x13: {  	[tilespmem:s16], [sflag:$0x2] =	stream.linear.gather [hbm4b:s15+s4], $0x7D0, $0x38;
	[tilespmem:$0x3160] =	vst v63  }
0x14: {  	s17 =	simm.s32 $0x2710;
	s18 =	simm.s32 $0x1  }
0x15: {  	[tilespmem:s17], [sflag:$0x3] =	stream.linear.gather [hbm4b:s2+s4], $0x7D0, $0x38;
	[tilespmem:$0x3160] =	vst v63  }
0x16: {  	_ =	swait.ge [sflag:s18], $0x50  }
0x17: {  	[sflag:s18] =	ssyncset.done $0x0  }
0x18: {  	s19 =	simm.s32 $0x2;
	[sflag:s18] =	ssyncadd.s32 $0xFFFFFFB0  }
0x19: {  	_ =	swait.ge [sflag:s19], $0x7D0  }
0x1a: {  	[sflag:s19] =	ssyncset.done $0x0  }
0x1b: {  	[sflag:s19] =	ssyncadd.s32 $0xFFFFF830  }
0x1c: {  	_ =	swait.ge [sflag:s19], $0x7D0  }
0x1d: {  	[sflag:s19] =	ssyncset.done $0x0  }
0x1e: {  	[sflag:s19] =	ssyncadd.s32 $0xFFFFF830  }
0x1f: {  	_ =	swait.ge [sflag:s19], $0x7D0  }
0x20: {  	[sflag:s19] =	ssyncset.done $0x0  }
0x21: {  	[sflag:s19] =	ssyncadd.s32 $0xFFFFF830  }
0x22: {  	_ =	swait.ge [sflag:s19], $0x7D0  }
0x23: {  	[sflag:s19] =	ssyncset.done $0x0  }
0x24: {  	[sflag:s19] =	ssyncadd.s32 $0xFFFFF830  }
0x25: {  	_ =	swait.ge [sflag:s19], $0x7D0  }
0x26: {  	[sflag:s19] =	ssyncset.done $0x0  }
0x27: {  	s20 =	simm.s32 $0x3;
	[sflag:s19] =	ssyncadd.s32 $0xFFFFF830  }
0x28: {  	_ =	swait.ge [sflag:s20], $0x7D0  }
0x29: {  	[sflag:s20] =	ssyncset.done $0x0  }
0x2a: {  	[sflag:s20] =	ssyncadd.s32 $0xFFFFF830  }
0x2b: {  	[bflag:$0x0] =	sbarrier.arrive $0xFFFF  }
0x2c: {  	[spmem:s3] =	stream.indirect.scatter.add.f32 [tilespmem:s17], [sflag:$0x4], $0x1, s4, s10, $0xb8;
	[tilespmem:$0x3160] =	vst v63  }
0x2d: {  	_ = 	snop  }
0x2e: {  	[spmem:s3] =	stream.indirect.scatter.add.f32 [tilespmem:s17], [sflag:$0x5], $0x1, s10, s10, $0xb8;
	[tilespmem:$0x3160] =	vst v63  }
0x2f: {  	_ = 	snop  }
0x30: {  	[spmem:s3] =	stream.indirect.scatter.add.f32 [tilespmem:s17], [sflag:$0x6], $0x1, s12, s10, $0xb8;
	[tilespmem:$0x3160] =	vst v63  }
0x31: {  	_ = 	snop  }
0x32: {  	[spmem:s3] =	stream.indirect.scatter.add.f32 [tilespmem:s17], [sflag:$0x7], $0x1, s14, s10, $0xb8;
	[tilespmem:$0x3160] =	vst v63  }
0x33: {  	s21 =	simm.s32 $0x4  }
0x34: {  	[spmem:s3] =	stream.indirect.scatter.add.f32 [tilespmem:s17], [sflag:$0x8], $0x1, s16, s10, $0xb8;
	[tilespmem:$0x3160] =	vst v63  }
0x35: {  	_ =	swait.ge [sflag:s21], $0x7D0  }
0x36: {  	[sflag:s21] =	ssyncset.done $0x0  }
0x37: {  	s22 =	simm.s32 $0x5;
	[sflag:s21] =	ssyncadd.s32 $0xFFFFF830  }
0x38: {  	_ =	swait.ge [sflag:s22], $0x7D0  }
0x39: {  	[sflag:s22] =	ssyncset.done $0x0  }
0x3a: {  	s23 =	simm.s32 $0x6;
	[sflag:s22] =	ssyncadd.s32 $0xFFFFF830  }
0x3b: {  	_ =	swait.ge [sflag:s23], $0x7D0  }
0x3c: {  	s31 =	smul.u32 $0x2800, s28;
	[sflag:s23] =	ssyncset.done $0x0  }
0x3d: {  	s24 =	simm.s32 $0x7;
	s25 =	simm.s32 $0x8;
	[sflag:s23] =	ssyncadd.s32 $0xFFFFF830  }
0x3e: {  	s28 =	ssub.s32 $0x2, s28;
	s29 =	sadd.s32 s29, s31;
	_ =	swait.ge [sflag:s24], $0x7D0  }
0x3f: {  	s31 =	sshrl.u32 s28, $0x1;
	s29 =	sshrl.u32 s29, $0x3;
	[sflag:s24] =	ssyncset.done $0x0  }
0x40: {  	s26 =	sadd.s32 s29, s26;
	s29 =	ssub.s32 s28, s31;
	[sflag:s24] =	ssyncadd.s32 $0xFFFFF830  }
0x41: {  	s28 =	sor.u32 $0x1C09, s30;
	s30 =	smax.u32 s29, $0x1;
	_ =	swait.ge [sflag:s25], $0x7D0  }
0x42: {  	p0 =	sne.s32 s30, $0x1;
	[sflag:s25] =	ssyncset.done $0x0  }
.Ltmp0:
0x43: {  	[sflag:s25] =	ssyncadd.s32 $0xFFFFF830;
	(pc) =	sbr.rel @!p0 .LBB2_2-.Ltmp0, $4  }
0x44: {  	s26 =	sadd.s32 $0x18000, s26;
	s29 =	simm.s32 $0x9;
	[bflag:$0x0] =	sbarrier.arrive $0xFFFF  }
0x45: {  	[hbm:s26], [sflag:s28] =	dma.local [spmem:s8], $0x50  }
0x46: {  	_ =	swait.ge [sflag:s29], $0x50  }
0x47: {  	s30 =	sadd.s32 $0xFFFFFFFF, s30;
	[sflag:s29] =	ssyncset.done $0x0  }
.LBB2_1:
0x48: {  	p0 =	sne.s32 s30, $0x1;
	s30 =	sadd.s32 $0xFFFFFFFF, s30;
	[sflag:s29] =	ssyncadd.s32 $0xFFFFFFB0  }
0x49: {  	[spmem:s8], [sflag:s6] =	dma.local [hbm:s5], $0x50  }
0x4a: {  	[tilespmem:s4], [sflag:$0x2] =	stream.linear.gather [hbm4b:s7+s4], $0x7D0, $0x38;
	[tilespmem:$0x3160] =	vst v63  }
0x4b: {  	_ = 	snop  }
0x4c: {  	[tilespmem:s10], [sflag:$0x2] =	stream.linear.gather [hbm4b:s9+s4], $0x7D0, $0x38;
	[tilespmem:$0x3160] =	vst v63  }
0x4d: {  	_ = 	snop  }
0x4e: {  	[tilespmem:s12], [sflag:$0x2] =	stream.linear.gather [hbm4b:s11+s4], $0x7D0, $0x38;
	[tilespmem:$0x3160] =	vst v63  }
0x4f: {  	_ = 	snop  }
0x50: {  	[tilespmem:s14], [sflag:$0x2] =	stream.linear.gather [hbm4b:s13+s4], $0x7D0, $0x38;
	[tilespmem:$0x3160] =	vst v63  }
0x51: {  	_ = 	snop  }
0x52: {  	[tilespmem:s16], [sflag:$0x2] =	stream.linear.gather [hbm4b:s15+s4], $0x7D0, $0x38;
	[tilespmem:$0x3160] =	vst v63  }
0x53: {  	_ = 	snop  }
0x54: {  	[tilespmem:s17], [sflag:$0x3] =	stream.linear.gather [hbm4b:s2+s4], $0x7D0, $0x38;
	[tilespmem:$0x3160] =	vst v63  }
0x55: {  	_ =	swait.ge [sflag:s18], $0x50  }
0x56: {  	[sflag:s18] =	ssyncset.done $0x0  }
0x57: {  	[sflag:s18] =	ssyncadd.s32 $0xFFFFFFB0  }
0x58: {  	_ =	swait.ge [sflag:s19], $0x7D0  }
0x59: {  	[sflag:s19] =	ssyncset.done $0x0  }
0x5a: {  	[sflag:s19] =	ssyncadd.s32 $0xFFFFF830  }
0x5b: {  	_ =	swait.ge [sflag:s19], $0x7D0  }
0x5c: {  	[sflag:s19] =	ssyncset.done $0x0  }
0x5d: {  	[sflag:s19] =	ssyncadd.s32 $0xFFFFF830  }
0x5e: {  	_ =	swait.ge [sflag:s19], $0x7D0  }
0x5f: {  	[sflag:s19] =	ssyncset.done $0x0  }
0x60: {  	[sflag:s19] =	ssyncadd.s32 $0xFFFFF830  }
0x61: {  	_ =	swait.ge [sflag:s19], $0x7D0  }
0x62: {  	[sflag:s19] =	ssyncset.done $0x0  }
0x63: {  	[sflag:s19] =	ssyncadd.s32 $0xFFFFF830  }
0x64: {  	_ =	swait.ge [sflag:s19], $0x7D0  }
0x65: {  	[sflag:s19] =	ssyncset.done $0x0  }
0x66: {  	[sflag:s19] =	ssyncadd.s32 $0xFFFFF830  }
0x67: {  	_ =	swait.ge [sflag:s20], $0x7D0  }
0x68: {  	[sflag:s20] =	ssyncset.done $0x0  }
0x69: {  	[sflag:s20] =	ssyncadd.s32 $0xFFFFF830  }
0x6a: {  	[bflag:$0x0] =	sbarrier.arrive $0xFFFF  }
0x6b: {  	[spmem:s3] =	stream.indirect.scatter.add.f32 [tilespmem:s17], [sflag:$0x4], $0x1, s4, s10, $0xb8;
	[tilespmem:$0x3160] =	vst v63  }
0x6c: {  	_ = 	snop  }
0x6d: {  	[spmem:s3] =	stream.indirect.scatter.add.f32 [tilespmem:s17], [sflag:$0x5], $0x1, s10, s10, $0xb8;
	[tilespmem:$0x3160] =	vst v63  }
0x6e: {  	_ = 	snop  }
0x6f: {  	[spmem:s3] =	stream.indirect.scatter.add.f32 [tilespmem:s17], [sflag:$0x6], $0x1, s12, s10, $0xb8;
	[tilespmem:$0x3160] =	vst v63  }
0x70: {  	_ = 	snop  }
0x71: {  	[spmem:s3] =	stream.indirect.scatter.add.f32 [tilespmem:s17], [sflag:$0x7], $0x1, s14, s10, $0xb8;
	[tilespmem:$0x3160] =	vst v63  }
0x72: {  	_ = 	snop  }
0x73: {  	[spmem:s3] =	stream.indirect.scatter.add.f32 [tilespmem:s17], [sflag:$0x8], $0x1, s16, s10, $0xb8;
	[tilespmem:$0x3160] =	vst v63  }
0x74: {  	_ =	swait.ge [sflag:s21], $0x7D0  }
0x75: {  	[sflag:s21] =	ssyncset.done $0x0  }
0x76: {  	[sflag:s21] =	ssyncadd.s32 $0xFFFFF830  }
0x77: {  	_ =	swait.ge [sflag:s22], $0x7D0  }
0x78: {  	[sflag:s22] =	ssyncset.done $0x0  }
0x79: {  	[sflag:s22] =	ssyncadd.s32 $0xFFFFF830  }
0x7a: {  	_ =	swait.ge [sflag:s23], $0x7D0  }
0x7b: {  	[sflag:s23] =	ssyncset.done $0x0  }
0x7c: {  	[sflag:s23] =	ssyncadd.s32 $0xFFFFF830  }
0x7d: {  	_ =	swait.ge [sflag:s24], $0x7D0  }
0x7e: {  	[sflag:s24] =	ssyncset.done $0x0  }
0x7f: {  	[sflag:s24] =	ssyncadd.s32 $0xFFFFF830  }
0x80: {  	_ =	swait.ge [sflag:s25], $0x7D0  }
0x81: {  	[sflag:s25] =	ssyncset.done $0x0  }
.Ltmp1:
0x82: {  	[sflag:s25] =	ssyncadd.s32 $0xFFFFF830;
	(pc) =	sbr.rel @p0 .LBB2_1-.Ltmp1, $4  }
0x83: {  	[bflag:$0x0] =	sbarrier.arrive $0xFFFF  }
0x84: {  	[hbm:s26], [sflag:s28] =	dma.local [spmem:s8], $0x50  }
0x85: {  	_ =	swait.ge [sflag:s29], $0x50  }
0x86: {  	[sflag:s29] =	ssyncset.done $0x0  }
.LBB2_2:
0x87: {  	[sflag:s29] =	ssyncadd.s32 $0xFFFFFFB0  }
0x88: {  	_ =	sfence.sel $0x180000  }
0x89: {  	[bflag:$0x0] =	sbarrier.arrive $0xFFFF  }
0x8a: {  	p0 =	sne.s32 s0, $0x0;
	_ =	strace $0x90000047  }
0x8b: {  	s0 =	sadd.s32 @!p0 $0x100000, s1;
	[bflag:$0x2] =	sbarrier.arrive $0xFFFF  }
0x8c: {  	[sflag:s0] =	ssyncadd.tile.s32 @!p0 $0x1;
	_ =	shalt  }
.Lfunc_end2:
_tile_overlayer_lowered:
.L_overlay_start_2:
0x8d: {  	(tag) =	ssettag $0x2  }
0x8e: {  	s0 =	rddreg [dreg:$0x0];
	s2 =	stileid.u32  }
0x8f: {  	s1 =	rddreg [dreg:$0x1];
	p0 =	sne.s32 s2, $0x0  }
0x90: {  	s3 =	rddreg [dreg:$0x2];
	[bflag:$0x3] =	sbarrier.arrive $0xFFFF;
	s2 =	simm.s32 @!p0 $0x1C09  }
0x91: {  	[timem:s3], [sflag:s2] =	dma.local @!p0 [hbm:s0], s1  }
0x92: {  	s0 =	simm.s32 @!p0 $0x9  }
0x93: {  	_ =	swait.ge @!p0 [sflag:s0], s1  }
0x94: {  	s1 =	ssub.s32 @!p0 $0x0, s1;
	[sflag:s0] =	ssyncset.done @!p0 $0x0  }
0x95: {  	[sflag:s0] =	ssyncadd.s32 @!p0 s1  }
0x96: {  	[bflag:$0x3] =	sbarrier.arrive $0xFFFF  }
0x97: {  	_ =	shalt  }

// kernel: kernel.14.cloned.1.call-start
scs
__scs_entry_jumppad:
0x0: {  	(pc) =	sbr.rel $0x88, $3  }
0x1: {  	(tag) =	ssettag $0x0;
	lr =	simm.s32 $0x1  }
0x2: {  	[smem:$0x3F95] =	sst lr;
	_ =	strace $0xD0000000  }
0x3: {  	_ = 	snop  }
0x4: {  	_ = 	snop  }
0x5: {  	_ = 	snop  }
0x6: {  	_ = 	snop  }
0x7: {  	_ = 	snop  }
__scs_overlays_trampoline_lowered:
0x8: {  	[smem:$0x3FA4] =	sst s0  }
0x9: {  	[smem:$0x3FA5] =	sst s1  }
0xa: {  	[smem:$0x3FA6] =	sst s2  }
0xb: {  	[smem:$0x3FA7] =	sst s3  }
0xc: {  	[smem:$0x3FA8] =	sst s4  }
0xd: {  	[smem:$0x3FA9] =	sst s5  }
0xe: {  	[smem:$0x3FAA] =	sst s6  }
0xf: {  	[smem:$0x3FAB] =	sst s7  }
0x10: {  	[smem:$0x3FAC] =	sst s8  }
0x11: {  	[smem:$0x3FAD] =	sst s9;
	s0 =	simm.s32 @!p0 $0x0  }
0x12: {  	s1 =	sld [smem:$0x3F93];
	s0 =	simm.s32 @p0 $0x1  }
0x13: {  	[smem:$0x3FAE] =	sst s0;
	s0 =	simm.s32 @!p1 $0x0  }
0x14: {  	s2 =	sld [smem:$0x3F92];
	s0 =	simm.s32 @p1 $0x1  }
0x15: {  	[smem:$0x3FAF] =	sst s0;
	s0 =	simm.s32 @!p2 $0x0  }
0x16: {  	s3 =	sld [smem:$0x3FDB];
	s0 =	simm.s32 @p2 $0x1  }
0x17: {  	s4 =	simm.s32 $0x1BF5;
	[smem:$0x3FB1] =	sst s0  }
0x18: {  	s0 =	sld [smem:$0x3F94];
	_ =	swait.ge [sflag:s4], $0x0  }
0x19: {  	s7 =	sld [smem:$0x3F95]  }
0x1a: {  	s8 =	sadd.s32 $0xFFFFE003, lr  }
0x1b: {  	s9 =	sadd.s32 $0xFFFFFEF7, lr;
	s5 =	simm.s32 $0xFFFFFFFF;
	p2 =	slt.u32 s8, $0xFFFFF086  }
0x1c: {  	p1 =	slt.u32 s9, $0xF7A;
	s5 =	simm.s32 @!p2 $0x0  }
0x1d: {  	s5 =	simm.s32 @p1 $0x1;
	p0 =	seq.s32 s7, s2  }
0x1e: {  	s7 =	smul.u32 @!p0 $0xF7A, s2;
	p2 =	seq.s32 @!p0 s5, $0x0  }
0x1f: {  	s9 =	smul.u32 $0xF7A, s1;
	s8 =	simm.s32 @!p0 $0x1BF5;
	p2 =	por !p2, p0  }
0x20: {  	[sflag:s8] =	ssyncset.s32 @!p0 $0xFFFFF086;
	s6 =	sadd.s32 @!p0 s3, s7;
	s7 =	simm.s32 @!p0 $0x108  }
0x21: {  	s3 =	sadd.s32 s3, s9;
	s6 =	sadd.s32 @!p0 $0x88, s6;
	s7 =	simm.s32 @p2 $0x1082  }
0x22: {  	[simem:s7], [sflag:s8] =	dma.local @!p0 [hbm:s6], $0xF7A  }
0x23: {  	s9 =	sor.u32 $0xD0000000, s2;
	s6 =	simm.s32 $0x108;
	_ =	swait.ge @!p0 [sflag:s8], $0x0  }
0x24: {  	s3 =	sadd.s32 $0x88, s3;
	s6 =	simm.s32 @!p1 $0x1082;
	[sflag:s4] =	ssyncset.s32 $0xFFFFF086  }
0x25: {  	[simem:s6], [sflag:s4] =	dma.local [hbm:s3], $0xF7A  }
0x26: {  	[smem:$0x3F95] =	sst s1;
	(tag) =	ssettag s2;
	_ =	strace s9  }
0x27: {  	s1 =	sld [smem:$0x3FA5]  }
0x28: {  	s2 =	sld [smem:$0x3FA6]  }
0x29: {  	s4 =	sld [smem:$0x3FA8]  }
0x2a: {  	p0 =	seq.s32 s5, $0x0;
	s5 =	sld [smem:$0x3FA9]  }
0x2b: {  	s6 =	sld [smem:$0x3FAA]  }
0x2c: {  	s7 =	sld [smem:$0x3FAB]  }
0x2d: {  	s3 =	simm.s32 $0x108;
	s8 =	sld [smem:$0x3FAC]  }
0x2e: {  	s3 =	simm.s32 @!p0 $0x1082;
	s9 =	sld [smem:$0x3FAD]  }
0x2f: {  	lr =	sadd.s32 s0, s3;
	s0 =	sld [smem:$0x3FA4]  }
0x30: {  	s3 =	sld [smem:$0x3FA7]  }
0x31: {  	[smem:$0x3FB0] =	sst s10  }
0x32: {  	s10 =	sld [smem:$0x3FAE];
	_ =	sdelay $0x3  }
0x33: {  	p0 =	seq.s32 s10, $0x1;
	s10 =	sld [smem:$0x3FB0];
	_ =	sdelay $0x3  }
0x34: {  	[smem:$0x3FB0] =	sst s10  }
0x35: {  	s10 =	sld [smem:$0x3FAF];
	_ =	sdelay $0x3  }
0x36: {  	p1 =	seq.s32 s10, $0x1;
	s10 =	sld [smem:$0x3FB0];
	_ =	sdelay $0x3  }
0x37: {  	[smem:$0x3FB0] =	sst s10  }
0x38: {  	s10 =	sld [smem:$0x3FB1]  }
0x39: {  	_ = 	snop;
	(pc) =	sbr.ind lr, $3  }
0x3a: {  	_ = 	snop  }
0x3b: {  	_ = 	snop  }
0x3c: {  	p2 =	seq.s32 s10, $0x1;
	s10 =	sld [smem:$0x3FB0]  }
0x3d: {  	_ =	shalt  }
0x3e: {  	_ =	shalt  }
0x3f: {  	_ =	shalt  }
0x40: {  	_ =	shalt  }
0x41: {  	_ =	shalt  }
0x42: {  	_ =	shalt  }
0x43: {  	_ =	shalt  }
0x44: {  	_ =	shalt  }
0x45: {  	_ =	shalt  }
0x46: {  	_ =	shalt  }
0x47: {  	_ =	shalt  }
0x48: {  	_ =	shalt  }
0x49: {  	_ =	shalt  }
0x4a: {  	_ =	shalt  }
0x4b: {  	_ =	shalt  }
0x4c: {  	_ =	shalt  }
0x4d: {  	_ =	shalt  }
0x4e: {  	_ =	shalt  }
0x4f: {  	_ =	shalt  }
0x50: {  	_ =	shalt  }
0x51: {  	_ =	shalt  }
0x52: {  	_ =	shalt  }
0x53: {  	_ =	shalt  }
0x54: {  	_ =	shalt  }
0x55: {  	_ =	shalt  }
0x56: {  	_ =	shalt  }
0x57: {  	_ =	shalt  }
0x58: {  	_ =	shalt  }
0x59: {  	_ =	shalt  }
0x5a: {  	_ =	shalt  }
0x5b: {  	_ =	shalt  }
0x5c: {  	_ =	shalt  }
0x5d: {  	_ =	shalt  }
0x5e: {  	_ =	shalt  }
0x5f: {  	_ =	shalt  }
0x60: {  	_ =	shalt  }
0x61: {  	_ =	shalt  }
0x62: {  	_ =	shalt  }
0x63: {  	_ =	shalt  }
0x64: {  	_ =	shalt  }
0x65: {  	_ =	shalt  }
0x66: {  	_ =	shalt  }
0x67: {  	_ =	shalt  }
0x68: {  	_ =	shalt  }
0x69: {  	_ =	shalt  }
0x6a: {  	_ =	shalt  }
0x6b: {  	_ =	shalt  }
0x6c: {  	_ =	shalt  }
0x6d: {  	_ =	shalt  }
0x6e: {  	_ =	shalt  }
0x6f: {  	_ =	shalt  }
0x70: {  	_ =	shalt  }
0x71: {  	_ =	shalt  }
0x72: {  	_ =	shalt  }
0x73: {  	_ =	shalt  }
0x74: {  	_ =	shalt  }
0x75: {  	_ =	shalt  }
0x76: {  	_ =	shalt  }
0x77: {  	_ =	shalt  }
0x78: {  	_ =	shalt  }
0x79: {  	_ =	shalt  }
0x7a: {  	_ =	shalt  }
0x7b: {  	_ =	shalt  }
0x7c: {  	_ =	shalt  }
0x7d: {  	_ =	shalt  }
0x7e: {  	_ =	shalt  }
0x7f: {  	_ =	shalt  }
0x80: {  	_ =	shalt  }
0x81: {  	_ =	shalt  }
0x82: {  	_ =	shalt  }
0x83: {  	_ =	shalt  }
0x84: {  	_ =	shalt  }
0x85: {  	_ =	shalt  }
0x86: {  	_ =	shalt  }
0x87: {  	_ =	shalt  }
.Lfunc_end0:
.L_simem_size_0:
called_computation.1_lowered:
.L_overlay_start_0:
0x88: {  	s2 =	sld [smem:$0x3FD9]  }
0x89: {  	s3 =	sld [smem:$0x3FFE];
	_ =	sdelay $0x1  }
0x8a: {  	s1 =	srdreg.scid  }
0x8b: {  	s0 =	sand.u32 $0x1, s1  }
0x8c: {  	s16 =	sshll.u32 s0, $0xA;
	s2 =	sadd.s32 s3, s2  }
0x8d: {  	s2 =	sadd.s32 s2, s16  }
0x8e: {  	[smem:$0x3FBC] =	sst s2  }
0x8f: {  	_ = 	snop  }
0x90: {  	(tm) =	ssettm $0x1  }
0x91: {  	s17 =	sld [smem:$0x3FFB];
	_ =	sdelay $0x3  }
0x92: {  	_ =	strace s17  }
0x93: {  	s2 =	sld [smem:$0x3FFC];
	_ =	sdelay $0x3  }
0x94: {  	_ =	strace s2  }
0x95: {  	s2 =	sld [smem:$0x3FFD];
	_ =	sdelay $0x3  }
0x96: {  	_ =	strace s2  }
0x97: {  	_ =	strace $0x8FFFFFFF  }
0x98: {  	s18 =	sld [smem:$0x3FDB];
	_ =	sdelay $0x1  }
0x99: {  	s19 =	simm.s32 $_scs_section_size  }
0x9a: {  	s4 =	simm.s32 $_size__tile_overlayer_lowered;
	s5 =	simm.s32 $_tile_overlayer_lowered  }
0x9b: {  	s22 =	simm.s32 $0x1BFF;
	s21 =	sshll.u32 s5, $0x1;
	s2 =	sadd.s32 s19, s18  }
0x9c: {  	s6 =	simm.s32 $0x0;
	s20 =	sshll.u32 s4, $0x1;
	s4 =	sadd.s32 s21, s2  }
0x9d: {  	[timem:s6], [sflag:s22] =	dma.local [hbm:s4], s20  }
0x9e: {  	_ =	swait.ge [sflag:s22], s20  }
0x9f: {  	s3 =	ssub.s32 $0x0, s20;
	[sflag:s22] =	ssyncset.done $0x0  }
0xa0: {  	[sflag:s22] =	ssyncadd.s32 s3;
	_ =	sdelay $0x1  }
0xa1: {  	s23 =	simm.s32 $0x1B8B  }
0xa2: {  	_ =	swait.ge [sflag:s23], $0x1  }
0xa3: {  	[sflag:s23] =	ssyncset.done $0x0  }
0xa4: {  	s25 =	simm.s32 $0x1B8E;
	s24 =	sld [smem:$0x3FFE];
	[sflag:s23] =	ssyncadd.s32 $0xFFFFFFFF  }
0xa5: {  	s26 =	simm.s32 $execute0_lowered;
	[smem:$0x3FD2] =	sst s25  }
0xa6: {  	s4 =	sshll.u32 s26, $0x1;
	_ =	strace $0x80000049;
	[dreg:$0x1] =	wrdreg $0xFFFFFFFF  }
0xa7: {  	s28 =	simm.s32 $_size_execute0_lowered;
	s2 =	sadd.s32 s2, s4;
	[dreg:$0x0] =	wrdreg $0x0  }
0xa8: {  	s4 =	sshll.u32 s28, $0x1;
	[dreg:$0x2] =	wrdreg s2  }
0xa9: {  	[dreg:$0x3] =	wrdreg s4  }
0xaa: {  	[dreg:$0x4] =	wrdreg $0xC0  }
0xab: {  	_ =	task [dreg:s6], $0x5FFFF  }
0xac: {  	[dreg:$0x1] =	wrdreg $0xFFFFFFFF  }
0xad: {  	[dreg:$0x0] =	wrdreg $0x60  }
0xae: {  	[dreg:$0x2] =	wrdreg s24  }
0xaf: {  	[dreg:$0x3] =	wrdreg $0x186A00  }
0xb0: {  	[dreg:$0x4] =	wrdreg $0x9  }
0xb1: {  	_ =	task.clear_ibuf [dreg:s6], $0x5FFFF;
	_ =	strace $0x90000049  }
0xb2: {  	s29 =	simm.s32 $0x9;
	_ =	strace $0x8000004B  }
0xb3: {  	_ =	swait.ge [sflag:s29], $0x1  }
0xb4: {  	[sflag:s29] =	ssyncadd.s32 $0xFFFFFFFF  }
0xb5: {  	_ =	strace $0x9000004B  }
0xb6: {  	_ =	sfence  }
0xb7: {  	s30 =	sld [smem:$0x0];
	_ =	sdelay $0x2  }
0xb8: {  	s31 =	sshll.u32 s1, $0xD;
	s1 =	sshrl.u32 s1, $0x2  }
0xb9: {  	s3 =	sand.u32 $0x4000, s31;
	s1 =	sadd.s32 s1, s30  }
0xba: {  	s0 =	sor.u32 s3, s0;
	s1 =	sshll.u32 s1, $0x11  }
0xbb: {  	s0 =	sor.u32 s1, s0  }
0xbc: {  	s0 =	sadd.s32 $0x8F2B, s0  }
0xbd: {  	[sflag:s0] =	ssyncadd.remote.s32 $0x1  }
0xbe: {  	_ =	sfence.sel $0xFFFF  }
0xbf: {  	[dreg:$0x0] =	wrdreg $0xFFFFFFFF;
	(pc) =	sbr.abs _section_cstart, $3  }
0xc0: {  	[dreg:$0x1] =	wrdreg $0xFFFFFFFF  }
0xc1: {  	_ =	task.clear_ibuf [dreg:s6], $0x2FFFF;
	_ =	strace $0x9FFFFFFF  }
0xc2: {  	(tm) =	ssettm $0x7FFFFFFF  }
0xc3: {  	_ =	shalt  }
tec
execute0_lowered:
.L_overlay_start_1:
0x0: {  	(tag) =	ssettag $0x1  }
0x1: {  	s0 =	rddreg [dreg:$0x0]  }
0x2: {  	s3 =	rddreg [dreg:$0x1];
	s1 =	srdreg.scid  }
0x3: {  	s15 =	stileid.u32;
	s5 =	simm.s32 $0x0;
	s30 =	simm.s32 $0x3  }
0x4: {  	s28 =	simm.s32 $0x4;
	p0 =	por $0x0, $0x0;
	s29 =	simm.s32 $0x5  }
0x5: {  	s13 =	simm.s32 $0xD;
	s31 =	simm.s32 $0xE;
	s1 =	sand.u32 $0x1, s1  }
0x6: {  	s2 =	sshll.u32 s15, $0x1;
	s4 =	smul.u32 $0x1400, s15;
	[smem:$0x7FF] =	sst s5  }
0x7: {  	s9 =	sshll.u32 s15, $0x6;
	s10 =	sadd.s32 $0x17A00, s0;
	s2 =	sor.u32 s1, s2  }
0x8: {  	_ =	strace $0x8000004A;
	s14 =	sor.u32 $0x1C01, s9;
	s7 =	smul.u32 $0x14000, s1  }
0x9: {  	s1 =	ssub.s32 $0x2, s1;
	[dreg:$0x10] =	wrdreg s9;
	s2 =	smul.u32 $0x2710, s2  }
0xa: {  	s6 =	sshrl.u32 s4, $0x3;
	[dreg:$0x4] =	wrdreg s14;
	s25 =	sshrl.u32 s1, $0x1  }
0xb: {  	s26 =	sadd.s32 s4, s3;
	s14 =	simm.s32 $0xC;
	s6 =	sadd.s32 s6, s0  }
0xc: {  	s7 =	sadd.s32 s4, s7;
	s2 =	sshrl.u32 s2, $0x3;
	s6 =	sadd.s32 $0x1A200, s6  }
0xd: {  	s1 =	ssub.s32 s1, s25;
	s2 =	sadd.s32 s2, s0;
	[dreg:$0x3] =	wrdreg s6  }
0xe: {  	s4 =	sshrl.u32 s26, $0x3;
	s16 =	sadd.s32 $0x4000, s2;
	s12 =	rddreg [dreg:$0x3]  }
0xf: {  	s26 =	simm.s32 $0x6;
	s17 =	sadd.s32 $0x40FA, s2;
	[dreg:$0x5] =	wrdreg s16  }
0x10: {  	s25 =	simm.s32 $0x7;
	s18 =	sadd.s32 $0x41F4, s2;
	[dreg:$0x6] =	wrdreg s17  }
0x11: {  	s7 =	sshrl.u32 s7, $0x3;
	s19 =	sadd.s32 $0x42EE, s2;
	[dreg:$0x7] =	wrdreg s18  }
0x12: {  	s8 =	smax.u32 s1, $0x1;
	s20 =	sadd.s32 $0x43E8, s2;
	[dreg:$0x8] =	wrdreg s19  }
0x13: {  	s0 =	sadd.s32 s7, s0;
	s21 =	sadd.s32 $0xDC40, s2;
	[dreg:$0x9] =	wrdreg s20  }
0x14: {  	s6 =	simm.s32 $0x7D0;
	s22 =	sadd.s32 $0xDD3A, s2;
	[dreg:$0xa] =	wrdreg s21  }
0x15: {  	p1 =	sne.s32 s8, $0x1;
	s23 =	sadd.s32 $0xDE34, s2;
	[dreg:$0xb] =	wrdreg s22  }
.Ltmp0:
0x16: {  	s24 =	sadd.s32 $0xDF2E, s2;
	[dreg:$0xc] =	wrdreg s23;
	(pc) =	sbr.rel @!p1 .LBB2_5-.Ltmp0, $4  }
0x17: {  	s7 =	simm.s32 $0x2;
	s2 =	sadd.s32 $0xE028, s2;
	[dreg:$0xd] =	wrdreg s24  }
0x18: {  	s11 =	sadd.s32 $0xFFFFFFFF, s8;
	s0 =	sadd.s32 $0x1CA00, s0;
	[dreg:$0xe] =	wrdreg s2  }
0x19: {  	[dreg:$0xf] =	wrdreg s0;
	s2 =	simm.s32 $0x1;
	s23 =	simm.s32 $0x8  }
0x1a: {  	s21 =	simm.s32 $0x9;
	s20 =	simm.s32 $0xA;
	s17 =	simm.s32 $0xB  }
0x1b: {  	s1 =	rddreg [dreg:$0x4]  }
0x1c: {  	[spmem:s4], [sflag:s1] =	dma.local [hbm:s12], $0x280  }
0x1d: {  	s0 =	smov.u32 s9;
	s9 =	rddreg [dreg:$0x5]  }
0x1e: {  	[tilespmem:s5], [sflag:$0x2] =	stream.linear.gather [hbm4b:s9+s5], $0x7D0, $0x38;
	[tilespmem:$0x19AA0] =	vst v63  }
0x1f: {  	s12 =	rddreg [dreg:$0x6]  }
0x20: {  	[tilespmem:s6], [sflag:$0x2] =	stream.linear.gather [hbm4b:s12+s5], $0x7D0, $0x38;
	[tilespmem:$0x19AA0] =	vst v63  }
0x21: {  	s18 =	simm.s32 $0xFA0;
	s8 =	rddreg [dreg:$0x7]  }
0x22: {  	[tilespmem:s18], [sflag:$0x2] =	stream.linear.gather [hbm4b:s8+s5], $0x7D0, $0x38;
	[tilespmem:$0x19AA0] =	vst v63  }
0x23: {  	s1 =	simm.s32 $0x1770;
	s15 =	rddreg [dreg:$0x8]  }
0x24: {  	[tilespmem:s1], [sflag:$0x2] =	stream.linear.gather [hbm4b:s15+s5], $0x7D0, $0x38;
	[tilespmem:$0x19AA0] =	vst v63  }
0x25: {  	s22 =	simm.s32 $0x1F40;
	s16 =	rddreg [dreg:$0x9]  }
0x26: {  	[tilespmem:s22], [sflag:$0x2] =	stream.linear.gather [hbm4b:s16+s5], $0x7D0, $0x38;
	[tilespmem:$0x19AA0] =	vst v63  }
0x27: {  	s19 =	rddreg [dreg:$0xa];
	s15 =	simm.s32 $0x2710  }
0x28: {  	[tilespmem:s15], [sflag:$0x3] =	stream.linear.gather [hbm4b:s19+s5], $0x7D0, $0x38;
	[tilespmem:$0x19AA0] =	vst v63  }
0x29: {  	s24 =	rddreg [dreg:$0xb];
	s16 =	simm.s32 $0x2EE0  }
0x2a: {  	[tilespmem:s16], [sflag:$0x3] =	stream.linear.gather [hbm4b:s24+s5], $0x7D0, $0x38;
	[tilespmem:$0x19AA0] =	vst v63  }
0x2b: {  	s8 =	rddreg [dreg:$0xc];
	s19 =	simm.s32 $0x36B0  }
0x2c: {  	[tilespmem:s19], [sflag:$0x3] =	stream.linear.gather [hbm4b:s8+s5], $0x7D0, $0x38;
	[tilespmem:$0x19AA0] =	vst v63  }
0x2d: {  	s9 =	rddreg [dreg:$0xd];
	s8 =	simm.s32 $0x3E80  }
0x2e: {  	[tilespmem:s8], [sflag:$0x3] =	stream.linear.gather [hbm4b:s9+s5], $0x7D0, $0x38;
	[tilespmem:$0x19AA0] =	vst v63  }
0x2f: {  	s24 =	rddreg [dreg:$0xe];
	s9 =	simm.s32 $0x4650  }
0x30: {  	[tilespmem:s9], [sflag:$0x3] =	stream.linear.gather [hbm4b:s24+s5], $0x7D0, $0x38;
	[tilespmem:$0x19AA0] =	vst v63  }
0x31: {  	_ =	swait.ge [sflag:s7], $0x7D0  }
0x32: {  	[sflag:s7] =	ssyncset.done $0x0  }
0x33: {  	[sflag:s7] =	ssyncadd.s32 $0xFFFFF830  }
0x34: {  	_ =	swait.ge [sflag:s7], $0x7D0  }
0x35: {  	[sflag:s7] =	ssyncset.done $0x0  }
0x36: {  	[sflag:s7] =	ssyncadd.s32 $0xFFFFF830  }
0x37: {  	_ =	swait.ge [sflag:s7], $0x7D0  }
0x38: {  	[sflag:s7] =	ssyncset.done $0x0  }
0x39: {  	[sflag:s7] =	ssyncadd.s32 $0xFFFFF830  }
0x3a: {  	_ =	swait.ge [sflag:s7], $0x7D0  }
0x3b: {  	[sflag:s7] =	ssyncset.done $0x0  }
0x3c: {  	[sflag:s7] =	ssyncadd.s32 $0xFFFFF830  }
0x3d: {  	_ =	swait.ge [sflag:s7], $0x7D0  }
0x3e: {  	[sflag:s7] =	ssyncset.done $0x0  }
0x3f: {  	s12 =	simm.s32 $0x4E20;
	[sflag:s7] =	ssyncadd.s32 $0xFFFFF830  }
0x40: {  	[tilespmem:s12], [sflag:$0x4] =	stream.indirect.gather [hbm4b:s10+s6], $0x8, s5, s6, $0xb8;
	[tilespmem:$0x19AA0] =	vst v63  }
0x41: {  	s24 =	simm.s32 $0x8CA0  }
0x42: {  	[tilespmem:s24], [sflag:$0x5] =	stream.indirect.gather [hbm4b:s10+s6], $0x8, s6, s6, $0xb8;
	[tilespmem:$0x19AA0] =	vst v63  }
0x43: {  	s8 =	simm.s32 $0xCB20  }
0x44: {  	[tilespmem:s8], [sflag:$0x6] =	stream.indirect.gather [hbm4b:s10+s6], $0x8, s18, s6, $0xb8;
	[tilespmem:$0x19AA0] =	vst v63  }
0x45: {  	s18 =	simm.s32 $0x109A0  }
0x46: {  	[tilespmem:s18], [sflag:$0x7] =	stream.indirect.gather [hbm4b:s10+s6], $0x8, s1, s6, $0xb8;
	[tilespmem:$0x19AA0] =	vst v63  }
0x47: {  	s1 =	simm.s32 $0x14820  }
0x48: {  	[tilespmem:s1], [sflag:$0x8] =	stream.indirect.gather [hbm4b:s10+s6], $0x8, s22, s6, $0xb8;
	[tilespmem:$0x19AA0] =	vst v63  }
0x49: {  	_ =	swait.ge [sflag:s2], $0x280  }
0x4a: {  	[sflag:s2] =	ssyncset.done $0x0  }
0x4b: {  	[sflag:s2] =	ssyncadd.s32 $0xFFFFFD80  }
0x4c: {  	_ =	swait.ge [sflag:s30], $0x7D0  }
0x4d: {  	[sflag:s30] =	ssyncset.done $0x0  }
0x4e: {  	[sflag:s30] =	ssyncadd.s32 $0xFFFFF830  }
0x4f: {  	_ =	swait.ge [sflag:s30], $0x7D0  }
0x50: {  	[sflag:s30] =	ssyncset.done $0x0  }
0x51: {  	[sflag:s30] =	ssyncadd.s32 $0xFFFFF830  }
0x52: {  	_ =	swait.ge [sflag:s30], $0x7D0  }
0x53: {  	[sflag:s30] =	ssyncset.done $0x0  }
0x54: {  	[sflag:s30] =	ssyncadd.s32 $0xFFFFF830  }
0x55: {  	_ =	swait.ge [sflag:s30], $0x7D0  }
0x56: {  	[sflag:s30] =	ssyncset.done $0x0  }
0x57: {  	[sflag:s30] =	ssyncadd.s32 $0xFFFFF830  }
0x58: {  	_ =	swait.ge [sflag:s30], $0x7D0  }
0x59: {  	[sflag:s30] =	ssyncset.done $0x0  }
0x5a: {  	[sflag:s30] =	ssyncadd.s32 $0xFFFFF830  }
0x5b: {  	[bflag:$0x0] =	sbarrier.arrive $0xFFFF  }
0x5c: {  	_ =	swait.ge [sflag:s28], $0x3E80  }
0x5d: {  	[sflag:s28] =	ssyncset.done $0x0  }
0x5e: {  	[sflag:s28] =	ssyncadd.s32 $0xFFFFC180  }
0x5f: {  	[spmem:s3] =	stream.indirect.scatter.add.f32 [tilespmem:s12], [sflag:$0x9], $0x8, s15, s6, $0xb8;
	[tilespmem:$0x19AA0] =	vst v63  }
0x60: {  	_ =	swait.ge [sflag:s29], $0x3E80  }
0x61: {  	[sflag:s29] =	ssyncset.done $0x0  }
0x62: {  	[sflag:s29] =	ssyncadd.s32 $0xFFFFC180  }
0x63: {  	[spmem:s3] =	stream.indirect.scatter.add.f32 [tilespmem:s24], [sflag:$0xA], $0x8, s16, s6, $0xb8;
	[tilespmem:$0x19AA0] =	vst v63  }
0x64: {  	_ =	swait.ge [sflag:s26], $0x3E80  }
0x65: {  	[sflag:s26] =	ssyncset.done $0x0  }
0x66: {  	[sflag:s26] =	ssyncadd.s32 $0xFFFFC180  }
0x67: {  	[spmem:s3] =	stream.indirect.scatter.add.f32 [tilespmem:s8], [sflag:$0xB], $0x8, s19, s6, $0xb8;
	[tilespmem:$0x19AA0] =	vst v63  }
0x68: {  	_ =	swait.ge [sflag:s25], $0x3E80  }
0x69: {  	[sflag:s25] =	ssyncset.done $0x0  }
0x6a: {  	s22 =	simm.s32 $0x3E80;
	[sflag:s25] =	ssyncadd.s32 $0xFFFFC180  }
0x6b: {  	[spmem:s3] =	stream.indirect.scatter.add.f32 [tilespmem:s18], [sflag:$0xC], $0x8, s22, s6, $0xb8;
	[tilespmem:$0x19AA0] =	vst v63  }
0x6c: {  	_ =	swait.ge [sflag:s23], $0x3E80  }
0x6d: {  	[sflag:s23] =	ssyncset.done $0x0  }
0x6e: {  	[sflag:s23] =	ssyncadd.s32 $0xFFFFC180  }
0x6f: {  	[spmem:s3] =	stream.indirect.scatter.add.f32 [tilespmem:s1], [sflag:$0xD], $0x8, s9, s6, $0xb8;
	[tilespmem:$0x19AA0] =	vst v63  }
0x70: {  	_ =	swait.ge [sflag:s21], $0x3E80  }
0x71: {  	[sflag:s21] =	ssyncset.done $0x0  }
0x72: {  	[sflag:s21] =	ssyncadd.s32 $0xFFFFC180  }
0x73: {  	_ =	swait.ge [sflag:s20], $0x3E80  }
0x74: {  	[sflag:s20] =	ssyncset.done $0x0  }
0x75: {  	[sflag:s20] =	ssyncadd.s32 $0xFFFFC180  }
0x76: {  	_ =	swait.ge [sflag:s17], $0x3E80  }
0x77: {  	[sflag:s17] =	ssyncset.done $0x0  }
0x78: {  	[sflag:s17] =	ssyncadd.s32 $0xFFFFC180  }
0x79: {  	_ =	swait.ge [sflag:s14], $0x3E80  }
0x7a: {  	[sflag:s14] =	ssyncset.done $0x0  }
0x7b: {  	[sflag:s14] =	ssyncadd.s32 $0xFFFFC180  }
0x7c: {  	_ =	swait.ge [sflag:s13], $0x3E80  }
0x7d: {  	[sflag:s13] =	ssyncset.done $0x0  }
0x7e: {  	p1 =	sne.s32 s11, $0x1;
	[sflag:s13] =	ssyncadd.s32 $0xFFFFC180  }
.Ltmp1:
0x7f: {  	[bflag:$0x0] =	sbarrier.arrive $0xFFFF;
	(pc) =	sbr.rel @!p1 .LBB2_6-.Ltmp1, $4  }
0x80: {  	s9 =	sor.u32 $0x1C0E, s0;
	s24 =	rddreg [dreg:$0xf]  }
0x81: {  	[hbm:s24], [sflag:s9] =	dma.local [spmem:s4], $0x280  }
0x82: {  	s11 =	sadd.s32 $0xFFFFFFFF, s11;
	_ =	swait.ge [sflag:s31], $0x280  }
0x83: {  	p0 =	por $0x1, $0x1;
	s12 =	rddreg [dreg:$0x3];
	[sflag:s31] =	ssyncset.done $0x0  }
0x84: {  	s22 =	simm.s32 $0x1F40;
	s0 =	simm.s32 $0x2710;
	s16 =	simm.s32 $0x2EE0  }
0x85: {  	s18 =	simm.s32 $0x36B0;
	s19 =	simm.s32 $0x3E80;
	s8 =	simm.s32 $0xCB20  }
.LBB2_3:
0x86: {  	s15 =	rddreg [dreg:$0x4];
	[sflag:s31] =	ssyncadd.s32 $0xFFFFFD80  }
0x87: {  	[spmem:s4], [sflag:s15] =	dma.local [hbm:s12], $0x280  }
0x88: {  	s12 =	rddreg [dreg:$0x5]  }
0x89: {  	[tilespmem:s5], [sflag:$0x2] =	stream.linear.gather [hbm4b:s12+s5], $0x7D0, $0x38;
	[tilespmem:$0x19AA0] =	vst v63  }
0x8a: {  	s15 =	rddreg [dreg:$0x6]  }
0x8b: {  	[tilespmem:s6], [sflag:$0x2] =	stream.linear.gather [hbm4b:s15+s5], $0x7D0, $0x38;
	[tilespmem:$0x19AA0] =	vst v63  }
0x8c: {  	s24 =	simm.s32 $0xFA0;
	s1 =	rddreg [dreg:$0x7]  }
0x8d: {  	[tilespmem:s24], [sflag:$0x2] =	stream.linear.gather [hbm4b:s1+s5], $0x7D0, $0x38;
	[tilespmem:$0x19AA0] =	vst v63  }
0x8e: {  	s15 =	rddreg [dreg:$0x8];
	s1 =	simm.s32 $0x1770  }
0x8f: {  	[tilespmem:s1], [sflag:$0x2] =	stream.linear.gather [hbm4b:s15+s5], $0x7D0, $0x38;
	[tilespmem:$0x19AA0] =	vst v63  }
0x90: {  	s12 =	rddreg [dreg:$0x9]  }
0x91: {  	[tilespmem:s22], [sflag:$0x2] =	stream.linear.gather [hbm4b:s12+s5], $0x7D0, $0x38;
	[tilespmem:$0x19AA0] =	vst v63  }
0x92: {  	s15 =	rddreg [dreg:$0xa]  }
0x93: {  	[tilespmem:s0], [sflag:$0x3] =	stream.linear.gather [hbm4b:s15+s5], $0x7D0, $0x38;
	[tilespmem:$0x19AA0] =	vst v63  }
0x94: {  	s12 =	rddreg [dreg:$0xb]  }
0x95: {  	[tilespmem:s16], [sflag:$0x3] =	stream.linear.gather [hbm4b:s12+s5], $0x7D0, $0x38;
	[tilespmem:$0x19AA0] =	vst v63  }
0x96: {  	s15 =	rddreg [dreg:$0xc]  }
0x97: {  	[tilespmem:s18], [sflag:$0x3] =	stream.linear.gather [hbm4b:s15+s5], $0x7D0, $0x38;
	[tilespmem:$0x19AA0] =	vst v63  }
0x98: {  	s12 =	rddreg [dreg:$0xd]  }
0x99: {  	[tilespmem:s19], [sflag:$0x3] =	stream.linear.gather [hbm4b:s12+s5], $0x7D0, $0x38;
	[tilespmem:$0x19AA0] =	vst v63  }
0x9a: {  	s15 =	rddreg [dreg:$0xe];
	s12 =	simm.s32 $0x4650  }
0x9b: {  	[tilespmem:s12], [sflag:$0x3] =	stream.linear.gather [hbm4b:s15+s5], $0x7D0, $0x38;
	[tilespmem:$0x19AA0] =	vst v63  }
0x9c: {  	_ =	swait.ge [sflag:s7], $0x7D0  }
0x9d: {  	[sflag:s7] =	ssyncset.done $0x0  }
0x9e: {  	[sflag:s7] =	ssyncadd.s32 $0xFFFFF830  }
0x9f: {  	_ =	swait.ge [sflag:s7], $0x7D0  }
0xa0: {  	[sflag:s7] =	ssyncset.done $0x0  }
0xa1: {  	[sflag:s7] =	ssyncadd.s32 $0xFFFFF830  }
0xa2: {  	_ =	swait.ge [sflag:s7], $0x7D0  }
0xa3: {  	[sflag:s7] =	ssyncset.done $0x0  }
0xa4: {  	[sflag:s7] =	ssyncadd.s32 $0xFFFFF830  }
0xa5: {  	_ =	swait.ge [sflag:s7], $0x7D0  }
0xa6: {  	[sflag:s7] =	ssyncset.done $0x0  }
0xa7: {  	[sflag:s7] =	ssyncadd.s32 $0xFFFFF830  }
0xa8: {  	_ =	swait.ge [sflag:s7], $0x7D0  }
0xa9: {  	[sflag:s7] =	ssyncset.done $0x0  }
0xaa: {  	s15 =	simm.s32 $0x4E20;
	[sflag:s7] =	ssyncadd.s32 $0xFFFFF830  }
0xab: {  	[tilespmem:s15], [sflag:$0x4] =	stream.indirect.gather [hbm4b:s10+s6], $0x8, s5, s6, $0xb8;
	[tilespmem:$0x19AA0] =	vst v63  }
0xac: {  	s31 =	simm.s32 $0x8CA0  }
0xad: {  	[tilespmem:s31], [sflag:$0x5] =	stream.indirect.gather [hbm4b:s10+s6], $0x8, s6, s6, $0xb8;
	[tilespmem:$0x19AA0] =	vst v63  }
0xae: {  	_ = 	snop  }
0xaf: {  	[tilespmem:s8], [sflag:$0x6] =	stream.indirect.gather [hbm4b:s10+s6], $0x8, s24, s6, $0xb8;
	[tilespmem:$0x19AA0] =	vst v63  }
0xb0: {  	s24 =	simm.s32 $0x109A0  }
0xb1: {  	[tilespmem:s24], [sflag:$0x7] =	stream.indirect.gather [hbm4b:s10+s6], $0x8, s1, s6, $0xb8;
	[tilespmem:$0x19AA0] =	vst v63  }
0xb2: {  	s1 =	simm.s32 $0x14820  }
0xb3: {  	[tilespmem:s1], [sflag:$0x8] =	stream.indirect.gather [hbm4b:s10+s6], $0x8, s22, s6, $0xb8;
	[tilespmem:$0x19AA0] =	vst v63  }
0xb4: {  	_ =	swait.ge [sflag:s2], $0x280  }
0xb5: {  	[sflag:s2] =	ssyncset.done $0x0  }
0xb6: {  	[sflag:s2] =	ssyncadd.s32 $0xFFFFFD80  }
0xb7: {  	_ =	swait.ge [sflag:s30], $0x7D0  }
0xb8: {  	[sflag:s30] =	ssyncset.done $0x0  }
0xb9: {  	[sflag:s30] =	ssyncadd.s32 $0xFFFFF830  }
0xba: {  	_ =	swait.ge [sflag:s30], $0x7D0  }
0xbb: {  	[sflag:s30] =	ssyncset.done $0x0  }
0xbc: {  	[sflag:s30] =	ssyncadd.s32 $0xFFFFF830  }
0xbd: {  	_ =	swait.ge [sflag:s30], $0x7D0  }
0xbe: {  	[sflag:s30] =	ssyncset.done $0x0  }
0xbf: {  	[sflag:s30] =	ssyncadd.s32 $0xFFFFF830  }
0xc0: {  	_ =	swait.ge [sflag:s30], $0x7D0  }
0xc1: {  	[sflag:s30] =	ssyncset.done $0x0  }
0xc2: {  	[sflag:s30] =	ssyncadd.s32 $0xFFFFF830  }
0xc3: {  	_ =	swait.ge [sflag:s30], $0x7D0  }
0xc4: {  	[sflag:s30] =	ssyncset.done $0x0  }
0xc5: {  	[sflag:s30] =	ssyncadd.s32 $0xFFFFF830  }
0xc6: {  	[bflag:$0x0] =	sbarrier.arrive $0xFFFF  }
0xc7: {  	_ =	swait.ge [sflag:s28], $0x3E80  }
0xc8: {  	[sflag:s28] =	ssyncset.done $0x0  }
0xc9: {  	[sflag:s28] =	ssyncadd.s32 $0xFFFFC180  }
0xca: {  	[spmem:s3] =	stream.indirect.scatter.add.f32 [tilespmem:s15], [sflag:$0x9], $0x8, s0, s6, $0xb8;
	[tilespmem:$0x19AA0] =	vst v63  }
0xcb: {  	_ =	swait.ge [sflag:s29], $0x3E80  }
0xcc: {  	[sflag:s29] =	ssyncset.done $0x0  }
0xcd: {  	[sflag:s29] =	ssyncadd.s32 $0xFFFFC180  }
0xce: {  	[spmem:s3] =	stream.indirect.scatter.add.f32 [tilespmem:s31], [sflag:$0xA], $0x8, s16, s6, $0xb8;
	[tilespmem:$0x19AA0] =	vst v63  }
0xcf: {  	_ =	swait.ge [sflag:s26], $0x3E80  }
0xd0: {  	[sflag:s26] =	ssyncset.done $0x0  }
0xd1: {  	[sflag:s26] =	ssyncadd.s32 $0xFFFFC180  }
0xd2: {  	[spmem:s3] =	stream.indirect.scatter.add.f32 [tilespmem:s8], [sflag:$0xB], $0x8, s18, s6, $0xb8;
	[tilespmem:$0x19AA0] =	vst v63  }
0xd3: {  	_ =	swait.ge [sflag:s25], $0x3E80  }
0xd4: {  	[sflag:s25] =	ssyncset.done $0x0  }
0xd5: {  	[sflag:s25] =	ssyncadd.s32 $0xFFFFC180  }
0xd6: {  	[spmem:s3] =	stream.indirect.scatter.add.f32 [tilespmem:s24], [sflag:$0xC], $0x8, s19, s6, $0xb8;
	[tilespmem:$0x19AA0] =	vst v63  }
0xd7: {  	_ =	swait.ge [sflag:s23], $0x3E80  }
0xd8: {  	[sflag:s23] =	ssyncset.done $0x0  }
0xd9: {  	[sflag:s23] =	ssyncadd.s32 $0xFFFFC180  }
0xda: {  	[spmem:s3] =	stream.indirect.scatter.add.f32 [tilespmem:s1], [sflag:$0xD], $0x8, s12, s6, $0xb8;
	[tilespmem:$0x19AA0] =	vst v63  }
0xdb: {  	_ =	swait.ge [sflag:s21], $0x3E80  }
0xdc: {  	[sflag:s21] =	ssyncset.done $0x0  }
0xdd: {  	[sflag:s21] =	ssyncadd.s32 $0xFFFFC180  }
0xde: {  	_ =	swait.ge [sflag:s20], $0x3E80  }
0xdf: {  	[sflag:s20] =	ssyncset.done $0x0  }
0xe0: {  	[sflag:s20] =	ssyncadd.s32 $0xFFFFC180  }
0xe1: {  	_ =	swait.ge [sflag:s17], $0x3E80  }
0xe2: {  	[sflag:s17] =	ssyncset.done $0x0  }
0xe3: {  	[sflag:s17] =	ssyncadd.s32 $0xFFFFC180  }
0xe4: {  	_ =	swait.ge [sflag:s14], $0x3E80  }
0xe5: {  	[sflag:s14] =	ssyncset.done $0x0  }
0xe6: {  	[sflag:s14] =	ssyncadd.s32 $0xFFFFC180  }
0xe7: {  	_ =	swait.ge [sflag:s13], $0x3E80  }
0xe8: {  	[sflag:s13] =	ssyncset.done $0x0  }
0xe9: {  	p1 =	sne.s32 s11, $0x1;
	[sflag:s13] =	ssyncadd.s32 $0xFFFFC180  }
.Ltmp2:
0xea: {  	[bflag:$0x0] =	sbarrier.arrive $0xFFFF;
	(pc) =	sbr.rel @p1 .LBB2_3-.Ltmp2, $4  }
0xeb: {  	s31 =	simm.s32 $0xE;
	s24 =	rddreg [dreg:$0xf]  }
0xec: {  	[hbm:s24], [sflag:s9] =	dma.local [spmem:s4], $0x280  }
0xed: {  	_ =	swait.ge [sflag:s31], $0x280  }
0xee: {  	s11 =	sadd.s32 $0xFFFFFFFF, s11;
	s12 =	rddreg [dreg:$0x3];
	[sflag:s31] =	ssyncset.done $0x0  }
0xef: {  	s15 =	stileid.u32  }
.LBB2_5:
0xf0: {  	s9 =	rddreg [dreg:$0x4];
	[sflag:s31] =	ssyncadd.s32 @p0 $0xFFFFFD80  }
0xf1: {  	[spmem:s4], [sflag:s9] =	dma.local [hbm:s12], $0x280  }
0xf2: {  	s9 =	rddreg [dreg:$0x5]  }
0xf3: {  	[tilespmem:s5], [sflag:$0x2] =	stream.linear.gather [hbm4b:s9+s5], $0x7D0, $0x38;
	[tilespmem:$0x19AA0] =	vst v63  }
0xf4: {  	s11 =	rddreg [dreg:$0x6]  }
0xf5: {  	[tilespmem:s6], [sflag:$0x2] =	stream.linear.gather [hbm4b:s11+s5], $0x7D0, $0x38;
	[tilespmem:$0x19AA0] =	vst v63  }
0xf6: {  	s0 =	simm.s32 $0xFA0;
	s22 =	rddreg [dreg:$0x7]  }
0xf7: {  	[tilespmem:s0], [sflag:$0x2] =	stream.linear.gather [hbm4b:s22+s5], $0x7D0, $0x38;
	[tilespmem:$0x19AA0] =	vst v63  }
0xf8: {  	s1 =	simm.s32 $0x1770;
	s24 =	rddreg [dreg:$0x8]  }
0xf9: {  	[tilespmem:s1], [sflag:$0x2] =	stream.linear.gather [hbm4b:s24+s5], $0x7D0, $0x38;
	[tilespmem:$0x19AA0] =	vst v63  }
0xfa: {  	s8 =	rddreg [dreg:$0x9];
	s22 =	simm.s32 $0x1F40  }
0xfb: {  	[tilespmem:s22], [sflag:$0x2] =	stream.linear.gather [hbm4b:s8+s5], $0x7D0, $0x38;
	[tilespmem:$0x19AA0] =	vst v63  }
0xfc: {  	s19 =	simm.s32 $0x2710;
	s12 =	rddreg [dreg:$0xa]  }
0xfd: {  	[tilespmem:s19], [sflag:$0x3] =	stream.linear.gather [hbm4b:s12+s5], $0x7D0, $0x38;
	[tilespmem:$0x19AA0] =	vst v63  }
0xfe: {  	s18 =	simm.s32 $0x2EE0;
	s16 =	rddreg [dreg:$0xb]  }
0xff: {  	[tilespmem:s18], [sflag:$0x3] =	stream.linear.gather [hbm4b:s16+s5], $0x7D0, $0x38;
	[tilespmem:$0x19AA0] =	vst v63  }
0x100: {  	s24 =	rddreg [dreg:$0xc];
	s16 =	simm.s32 $0x36B0  }
0x101: {  	[tilespmem:s16], [sflag:$0x3] =	stream.linear.gather [hbm4b:s24+s5], $0x7D0, $0x38;
	[tilespmem:$0x19AA0] =	vst v63  }
0x102: {  	s8 =	rddreg [dreg:$0xd];
	s12 =	simm.s32 $0x3E80  }
0x103: {  	[tilespmem:s12], [sflag:$0x3] =	stream.linear.gather [hbm4b:s8+s5], $0x7D0, $0x38;
	[tilespmem:$0x19AA0] =	vst v63  }
0x104: {  	s9 =	simm.s32 $0x4650;
	s24 =	rddreg [dreg:$0xe]  }
0x105: {  	[tilespmem:s9], [sflag:$0x3] =	stream.linear.gather [hbm4b:s24+s5], $0x7D0, $0x38;
	[tilespmem:$0x19AA0] =	vst v63  }
0x106: {  	_ =	swait.ge [sflag:s7], $0x7D0  }
0x107: {  	[sflag:s7] =	ssyncset.done $0x0  }
0x108: {  	[sflag:s7] =	ssyncadd.s32 $0xFFFFF830  }
0x109: {  	_ =	swait.ge [sflag:s7], $0x7D0  }
0x10a: {  	[sflag:s7] =	ssyncset.done $0x0  }
0x10b: {  	[sflag:s7] =	ssyncadd.s32 $0xFFFFF830  }
0x10c: {  	_ =	swait.ge [sflag:s7], $0x7D0  }
0x10d: {  	[sflag:s7] =	ssyncset.done $0x0  }
0x10e: {  	[sflag:s7] =	ssyncadd.s32 $0xFFFFF830  }
0x10f: {  	_ =	swait.ge [sflag:s7], $0x7D0  }
0x110: {  	[sflag:s7] =	ssyncset.done $0x0  }
0x111: {  	[sflag:s7] =	ssyncadd.s32 $0xFFFFF830  }
0x112: {  	_ =	swait.ge [sflag:s7], $0x7D0  }
0x113: {  	[sflag:s7] =	ssyncset.done $0x0  }
0x114: {  	s11 =	simm.s32 $0x4E20;
	[sflag:s7] =	ssyncadd.s32 $0xFFFFF830  }
0x115: {  	[tilespmem:s11], [sflag:$0x4] =	stream.indirect.gather [hbm4b:s10+s6], $0x8, s5, s6, $0xb8;
	[tilespmem:$0x19AA0] =	vst v63  }
0x116: {  	s7 =	simm.s32 $0x8CA0  }
0x117: {  	[tilespmem:s7], [sflag:$0x5] =	stream.indirect.gather [hbm4b:s10+s6], $0x8, s6, s6, $0xb8;
	[tilespmem:$0x19AA0] =	vst v63  }
0x118: {  	s5 =	simm.s32 $0xCB20  }
0x119: {  	[tilespmem:s5], [sflag:$0x6] =	stream.indirect.gather [hbm4b:s10+s6], $0x8, s0, s6, $0xb8;
	[tilespmem:$0x19AA0] =	vst v63  }
0x11a: {  	s8 =	simm.s32 $0x109A0  }
0x11b: {  	[tilespmem:s8], [sflag:$0x7] =	stream.indirect.gather [hbm4b:s10+s6], $0x8, s1, s6, $0xb8;
	[tilespmem:$0x19AA0] =	vst v63  }
0x11c: {  	s24 =	simm.s32 $0x14820  }
0x11d: {  	[tilespmem:s24], [sflag:$0x8] =	stream.indirect.gather [hbm4b:s10+s6], $0x8, s22, s6, $0xb8;
	[tilespmem:$0x19AA0] =	vst v63  }
0x11e: {  	_ =	swait.ge [sflag:s2], $0x280  }
0x11f: {  	[sflag:s2] =	ssyncset.done $0x0  }
0x120: {  	[sflag:s2] =	ssyncadd.s32 $0xFFFFFD80  }
0x121: {  	_ =	swait.ge [sflag:s30], $0x7D0  }
0x122: {  	[sflag:s30] =	ssyncset.done $0x0  }
0x123: {  	[sflag:s30] =	ssyncadd.s32 $0xFFFFF830  }
0x124: {  	_ =	swait.ge [sflag:s30], $0x7D0  }
0x125: {  	[sflag:s30] =	ssyncset.done $0x0  }
0x126: {  	[sflag:s30] =	ssyncadd.s32 $0xFFFFF830  }
0x127: {  	_ =	swait.ge [sflag:s30], $0x7D0  }
0x128: {  	[sflag:s30] =	ssyncset.done $0x0  }
0x129: {  	[sflag:s30] =	ssyncadd.s32 $0xFFFFF830  }
0x12a: {  	_ =	swait.ge [sflag:s30], $0x7D0  }
0x12b: {  	[sflag:s30] =	ssyncset.done $0x0  }
0x12c: {  	[sflag:s30] =	ssyncadd.s32 $0xFFFFF830  }
0x12d: {  	_ =	swait.ge [sflag:s30], $0x7D0  }
0x12e: {  	[sflag:s30] =	ssyncset.done $0x0  }
0x12f: {  	[sflag:s30] =	ssyncadd.s32 $0xFFFFF830  }
0x130: {  	[bflag:$0x0] =	sbarrier.arrive $0xFFFF  }
0x131: {  	_ =	swait.ge [sflag:s28], $0x3E80  }
0x132: {  	[sflag:s28] =	ssyncset.done $0x0  }
0x133: {  	[sflag:s28] =	ssyncadd.s32 $0xFFFFC180  }
0x134: {  	[spmem:s3] =	stream.indirect.scatter.add.f32 [tilespmem:s11], [sflag:$0x9], $0x8, s19, s6, $0xb8;
	[tilespmem:$0x19AA0] =	vst v63  }
0x135: {  	_ =	swait.ge [sflag:s29], $0x3E80  }
0x136: {  	[sflag:s29] =	ssyncset.done $0x0  }
0x137: {  	[sflag:s29] =	ssyncadd.s32 $0xFFFFC180  }
0x138: {  	[spmem:s3] =	stream.indirect.scatter.add.f32 [tilespmem:s7], [sflag:$0xA], $0x8, s18, s6, $0xb8;
	[tilespmem:$0x19AA0] =	vst v63  }
0x139: {  	_ =	swait.ge [sflag:s26], $0x3E80  }
0x13a: {  	[sflag:s26] =	ssyncset.done $0x0  }
0x13b: {  	[sflag:s26] =	ssyncadd.s32 $0xFFFFC180  }
0x13c: {  	[spmem:s3] =	stream.indirect.scatter.add.f32 [tilespmem:s5], [sflag:$0xB], $0x8, s16, s6, $0xb8;
	[tilespmem:$0x19AA0] =	vst v63  }
0x13d: {  	_ =	swait.ge [sflag:s25], $0x3E80  }
0x13e: {  	[sflag:s25] =	ssyncset.done $0x0  }
0x13f: {  	[sflag:s25] =	ssyncadd.s32 $0xFFFFC180  }
0x140: {  	[spmem:s3] =	stream.indirect.scatter.add.f32 [tilespmem:s8], [sflag:$0xC], $0x8, s12, s6, $0xb8;
	[tilespmem:$0x19AA0] =	vst v63  }
0x141: {  	_ =	swait.ge [sflag:s23], $0x3E80  }
0x142: {  	[sflag:s23] =	ssyncset.done $0x0  }
0x143: {  	[sflag:s23] =	ssyncadd.s32 $0xFFFFC180  }
0x144: {  	[spmem:s3] =	stream.indirect.scatter.add.f32 [tilespmem:s24], [sflag:$0xD], $0x8, s9, s6, $0xb8;
	[tilespmem:$0x19AA0] =	vst v63  }
0x145: {  	_ =	swait.ge [sflag:s21], $0x3E80  }
0x146: {  	[sflag:s21] =	ssyncset.done $0x0  }
0x147: {  	[sflag:s21] =	ssyncadd.s32 $0xFFFFC180  }
0x148: {  	_ =	swait.ge [sflag:s20], $0x3E80  }
0x149: {  	[sflag:s20] =	ssyncset.done $0x0  }
0x14a: {  	[sflag:s20] =	ssyncadd.s32 $0xFFFFC180  }
0x14b: {  	_ =	swait.ge [sflag:s17], $0x3E80  }
0x14c: {  	[sflag:s17] =	ssyncset.done $0x0  }
0x14d: {  	[sflag:s17] =	ssyncadd.s32 $0xFFFFC180  }
0x14e: {  	_ =	swait.ge [sflag:s14], $0x3E80  }
0x14f: {  	[sflag:s14] =	ssyncset.done $0x0  }
0x150: {  	[sflag:s14] =	ssyncadd.s32 $0xFFFFC180  }
0x151: {  	_ =	swait.ge [sflag:s13], $0x3E80  }
0x152: {  	[sflag:s13] =	ssyncset.done $0x0  }
0x153: {  	[sflag:s13] =	ssyncadd.s32 $0xFFFFC180  }
0x154: {  	[bflag:$0x0] =	sbarrier.arrive $0xFFFF  }
0x155: {  	s30 =	rddreg [dreg:$0x10]  }
0x156: {  	s29 =	rddreg [dreg:$0xf];
	s1 =	sor.u32 $0x1C0E, s30  }
0x157: {  	[hbm:s29], [sflag:s1] =	dma.local [spmem:s4], $0x280  }
0x158: {  	_ =	swait.ge [sflag:s31], $0x280  }
0x159: {  	[sflag:s31] =	ssyncset.done $0x0  }
0x15a: {  	[sflag:s31] =	ssyncadd.s32 $0xFFFFFD80  }
0x15b: {  	_ =	sfence.sel $0x180000  }
0x15c: {  	[bflag:$0x0] =	sbarrier.arrive $0xFFFF  }
0x15d: {  	_ =	strace $0x9000004A  }
0x15e: {  	[bflag:$0x2] =	sbarrier.arrive $0xFFFF  }
0x15f: {  	p0 =	sne.s32 s15, $0x0;
	s0 =	rddreg [dreg:$0x2]  }
0x160: {  	s0 =	sadd.s32 @!p0 $0x100000, s0  }
0x161: {  	[sflag:s0] =	ssyncadd.tile.s32 @!p0 $0x1;
	_ =	shalt  }
.LBB2_6:
.Ltmp3:
0x162: {  	(pc) =	sbr.rel .LBB2_5-.Ltmp3, $2  }
0x163: {  	_ =	sdelay $0x2  }
0x164: {  	s15 =	stileid.u32  }
.Lfunc_end2:
_tile_overlayer_lowered:
.L_overlay_start_2:
0x165: {  	(tag) =	ssettag $0x2  }
0x166: {  	s0 =	rddreg [dreg:$0x0];
	s2 =	stileid.u32  }
0x167: {  	s1 =	rddreg [dreg:$0x1];
	p0 =	sne.s32 s2, $0x0  }
0x168: {  	s3 =	rddreg [dreg:$0x2];
	[bflag:$0x3] =	sbarrier.arrive $0xFFFF;
	s2 =	simm.s32 @!p0 $0x1C0E  }
0x169: {  	[timem:s3], [sflag:s2] =	dma.local @!p0 [hbm:s0], s1  }
0x16a: {  	s0 =	simm.s32 @!p0 $0xE  }
0x16b: {  	_ =	swait.ge @!p0 [sflag:s0], s1  }
0x16c: {  	s1 =	ssub.s32 @!p0 $0x0, s1;
	[sflag:s0] =	ssyncset.done @!p0 $0x0  }
0x16d: {  	[sflag:s0] =	ssyncadd.s32 @!p0 s1  }
0x16e: {  	[bflag:$0x3] =	sbarrier.arrive $0xFFFF  }
0x16f: {  	_ =	shalt  }

// kernel: kernel.17.cloned.1.call-start
scs
__scs_entry_jumppad:
0x0: {  	(pc) =	sbr.rel $0x88, $3  }
0x1: {  	(tag) =	ssettag $0x0;
	lr =	simm.s32 $0x1  }
0x2: {  	[smem:$0x3F95] =	sst lr;
	_ =	strace $0xD0000000  }
0x3: {  	_ = 	snop  }
0x4: {  	_ = 	snop  }
0x5: {  	_ = 	snop  }
0x6: {  	_ = 	snop  }
0x7: {  	_ = 	snop  }
__scs_overlays_trampoline_lowered:
0x8: {  	[smem:$0x3FA4] =	sst s0  }
0x9: {  	[smem:$0x3FA5] =	sst s1  }
0xa: {  	[smem:$0x3FA6] =	sst s2  }
0xb: {  	[smem:$0x3FA7] =	sst s3  }
0xc: {  	[smem:$0x3FA8] =	sst s4  }
0xd: {  	[smem:$0x3FA9] =	sst s5  }
0xe: {  	[smem:$0x3FAA] =	sst s6  }
0xf: {  	[smem:$0x3FAB] =	sst s7  }
0x10: {  	[smem:$0x3FAC] =	sst s8  }
0x11: {  	[smem:$0x3FAD] =	sst s9;
	s0 =	simm.s32 @!p0 $0x0  }
0x12: {  	s1 =	sld [smem:$0x3F93];
	s0 =	simm.s32 @p0 $0x1  }
0x13: {  	[smem:$0x3FAE] =	sst s0;
	s0 =	simm.s32 @!p1 $0x0  }
0x14: {  	s2 =	sld [smem:$0x3F92];
	s0 =	simm.s32 @p1 $0x1  }
0x15: {  	[smem:$0x3FAF] =	sst s0;
	s0 =	simm.s32 @!p2 $0x0  }
0x16: {  	s3 =	sld [smem:$0x3FDB];
	s0 =	simm.s32 @p2 $0x1  }
0x17: {  	s4 =	simm.s32 $0x1BF5;
	[smem:$0x3FB1] =	sst s0  }
0x18: {  	s0 =	sld [smem:$0x3F94];
	_ =	swait.ge [sflag:s4], $0x0  }
0x19: {  	s7 =	sld [smem:$0x3F95]  }
0x1a: {  	s8 =	sadd.s32 $0xFFFFE003, lr  }
0x1b: {  	s9 =	sadd.s32 $0xFFFFFEF7, lr;
	s5 =	simm.s32 $0xFFFFFFFF;
	p2 =	slt.u32 s8, $0xFFFFF086  }
0x1c: {  	p1 =	slt.u32 s9, $0xF7A;
	s5 =	simm.s32 @!p2 $0x0  }
0x1d: {  	s5 =	simm.s32 @p1 $0x1;
	p0 =	seq.s32 s7, s2  }
0x1e: {  	s7 =	smul.u32 @!p0 $0xF7A, s2;
	p2 =	seq.s32 @!p0 s5, $0x0  }
0x1f: {  	s9 =	smul.u32 $0xF7A, s1;
	s8 =	simm.s32 @!p0 $0x1BF5;
	p2 =	por !p2, p0  }
0x20: {  	[sflag:s8] =	ssyncset.s32 @!p0 $0xFFFFF086;
	s6 =	sadd.s32 @!p0 s3, s7;
	s7 =	simm.s32 @!p0 $0x108  }
0x21: {  	s3 =	sadd.s32 s3, s9;
	s6 =	sadd.s32 @!p0 $0x88, s6;
	s7 =	simm.s32 @p2 $0x1082  }
0x22: {  	[simem:s7], [sflag:s8] =	dma.local @!p0 [hbm:s6], $0xF7A  }
0x23: {  	s9 =	sor.u32 $0xD0000000, s2;
	s6 =	simm.s32 $0x108;
	_ =	swait.ge @!p0 [sflag:s8], $0x0  }
0x24: {  	s3 =	sadd.s32 $0x88, s3;
	s6 =	simm.s32 @!p1 $0x1082;
	[sflag:s4] =	ssyncset.s32 $0xFFFFF086  }
0x25: {  	[simem:s6], [sflag:s4] =	dma.local [hbm:s3], $0xF7A  }
0x26: {  	[smem:$0x3F95] =	sst s1;
	(tag) =	ssettag s2;
	_ =	strace s9  }
0x27: {  	s1 =	sld [smem:$0x3FA5]  }
0x28: {  	s2 =	sld [smem:$0x3FA6]  }
0x29: {  	s4 =	sld [smem:$0x3FA8]  }
0x2a: {  	p0 =	seq.s32 s5, $0x0;
	s5 =	sld [smem:$0x3FA9]  }
0x2b: {  	s6 =	sld [smem:$0x3FAA]  }
0x2c: {  	s7 =	sld [smem:$0x3FAB]  }
0x2d: {  	s3 =	simm.s32 $0x108;
	s8 =	sld [smem:$0x3FAC]  }
0x2e: {  	s3 =	simm.s32 @!p0 $0x1082;
	s9 =	sld [smem:$0x3FAD]  }
0x2f: {  	lr =	sadd.s32 s0, s3;
	s0 =	sld [smem:$0x3FA4]  }
0x30: {  	s3 =	sld [smem:$0x3FA7]  }
0x31: {  	[smem:$0x3FB0] =	sst s10  }
0x32: {  	s10 =	sld [smem:$0x3FAE];
	_ =	sdelay $0x3  }
0x33: {  	p0 =	seq.s32 s10, $0x1;
	s10 =	sld [smem:$0x3FB0];
	_ =	sdelay $0x3  }
0x34: {  	[smem:$0x3FB0] =	sst s10  }
0x35: {  	s10 =	sld [smem:$0x3FAF];
	_ =	sdelay $0x3  }
0x36: {  	p1 =	seq.s32 s10, $0x1;
	s10 =	sld [smem:$0x3FB0];
	_ =	sdelay $0x3  }
0x37: {  	[smem:$0x3FB0] =	sst s10  }
0x38: {  	s10 =	sld [smem:$0x3FB1]  }
0x39: {  	_ = 	snop;
	(pc) =	sbr.ind lr, $3  }
0x3a: {  	_ = 	snop  }
0x3b: {  	_ = 	snop  }
0x3c: {  	p2 =	seq.s32 s10, $0x1;
	s10 =	sld [smem:$0x3FB0]  }
0x3d: {  	_ =	shalt  }
0x3e: {  	_ =	shalt  }
0x3f: {  	_ =	shalt  }
0x40: {  	_ =	shalt  }
0x41: {  	_ =	shalt  }
0x42: {  	_ =	shalt  }
0x43: {  	_ =	shalt  }
0x44: {  	_ =	shalt  }
0x45: {  	_ =	shalt  }
0x46: {  	_ =	shalt  }
0x47: {  	_ =	shalt  }
0x48: {  	_ =	shalt  }
0x49: {  	_ =	shalt  }
0x4a: {  	_ =	shalt  }
0x4b: {  	_ =	shalt  }
0x4c: {  	_ =	shalt  }
0x4d: {  	_ =	shalt  }
0x4e: {  	_ =	shalt  }
0x4f: {  	_ =	shalt  }
0x50: {  	_ =	shalt  }
0x51: {  	_ =	shalt  }
0x52: {  	_ =	shalt  }
0x53: {  	_ =	shalt  }
0x54: {  	_ =	shalt  }
0x55: {  	_ =	shalt  }
0x56: {  	_ =	shalt  }
0x57: {  	_ =	shalt  }
0x58: {  	_ =	shalt  }
0x59: {  	_ =	shalt  }
0x5a: {  	_ =	shalt  }
0x5b: {  	_ =	shalt  }
0x5c: {  	_ =	shalt  }
0x5d: {  	_ =	shalt  }
0x5e: {  	_ =	shalt  }
0x5f: {  	_ =	shalt  }
0x60: {  	_ =	shalt  }
0x61: {  	_ =	shalt  }
0x62: {  	_ =	shalt  }
0x63: {  	_ =	shalt  }
0x64: {  	_ =	shalt  }
0x65: {  	_ =	shalt  }
0x66: {  	_ =	shalt  }
0x67: {  	_ =	shalt  }
0x68: {  	_ =	shalt  }
0x69: {  	_ =	shalt  }
0x6a: {  	_ =	shalt  }
0x6b: {  	_ =	shalt  }
0x6c: {  	_ =	shalt  }
0x6d: {  	_ =	shalt  }
0x6e: {  	_ =	shalt  }
0x6f: {  	_ =	shalt  }
0x70: {  	_ =	shalt  }
0x71: {  	_ =	shalt  }
0x72: {  	_ =	shalt  }
0x73: {  	_ =	shalt  }
0x74: {  	_ =	shalt  }
0x75: {  	_ =	shalt  }
0x76: {  	_ =	shalt  }
0x77: {  	_ =	shalt  }
0x78: {  	_ =	shalt  }
0x79: {  	_ =	shalt  }
0x7a: {  	_ =	shalt  }
0x7b: {  	_ =	shalt  }
0x7c: {  	_ =	shalt  }
0x7d: {  	_ =	shalt  }
0x7e: {  	_ =	shalt  }
0x7f: {  	_ =	shalt  }
0x80: {  	_ =	shalt  }
0x81: {  	_ =	shalt  }
0x82: {  	_ =	shalt  }
0x83: {  	_ =	shalt  }
0x84: {  	_ =	shalt  }
0x85: {  	_ =	shalt  }
0x86: {  	_ =	shalt  }
0x87: {  	_ =	shalt  }
.Lfunc_end0:
.L_simem_size_0:
called_computation.2_lowered:
.L_overlay_start_0:
0x88: {  	s2 =	sld [smem:$0x3FD9]  }
0x89: {  	s3 =	sld [smem:$0x3FFE];
	_ =	sdelay $0x1  }
0x8a: {  	s1 =	srdreg.scid  }
0x8b: {  	s0 =	sand.u32 $0x1, s1  }
0x8c: {  	s16 =	sshll.u32 s0, $0xA;
	s2 =	sadd.s32 s3, s2  }
0x8d: {  	s2 =	sadd.s32 s2, s16  }
0x8e: {  	[smem:$0x3FBC] =	sst s2  }
0x8f: {  	_ = 	snop  }
0x90: {  	(tm) =	ssettm $0x1  }
0x91: {  	s17 =	sld [smem:$0x3FFB];
	_ =	sdelay $0x3  }
0x92: {  	_ =	strace s17  }
0x93: {  	s2 =	sld [smem:$0x3FFC];
	_ =	sdelay $0x3  }
0x94: {  	_ =	strace s2  }
0x95: {  	s2 =	sld [smem:$0x3FFD];
	_ =	sdelay $0x3  }
0x96: {  	_ =	strace s2  }
0x97: {  	_ =	strace $0x8FFFFFFF  }
0x98: {  	s18 =	sld [smem:$0x3FDB];
	_ =	sdelay $0x1  }
0x99: {  	s19 =	simm.s32 $_scs_section_size  }
0x9a: {  	s4 =	simm.s32 $_size__tile_overlayer_lowered;
	s5 =	simm.s32 $_tile_overlayer_lowered  }
0x9b: {  	s22 =	simm.s32 $0x1BFF;
	s21 =	sshll.u32 s5, $0x1;
	s2 =	sadd.s32 s19, s18  }
0x9c: {  	s6 =	simm.s32 $0x0;
	s20 =	sshll.u32 s4, $0x1;
	s4 =	sadd.s32 s21, s2  }
0x9d: {  	[timem:s6], [sflag:s22] =	dma.local [hbm:s4], s20  }
0x9e: {  	_ =	swait.ge [sflag:s22], s20  }
0x9f: {  	s3 =	ssub.s32 $0x0, s20;
	[sflag:s22] =	ssyncset.done $0x0  }
0xa0: {  	[sflag:s22] =	ssyncadd.s32 s3;
	_ =	sdelay $0x1  }
0xa1: {  	s23 =	simm.s32 $0x1B8B  }
0xa2: {  	_ =	swait.ge [sflag:s23], $0x1  }
0xa3: {  	[sflag:s23] =	ssyncset.done $0x0  }
0xa4: {  	s25 =	simm.s32 $0x1B8E;
	s24 =	sld [smem:$0x3FFE];
	[sflag:s23] =	ssyncadd.s32 $0xFFFFFFFF  }
0xa5: {  	s26 =	simm.s32 $execute0_lowered;
	[smem:$0x3FD2] =	sst s25  }
0xa6: {  	s4 =	sshll.u32 s26, $0x1;
	_ =	strace $0x8000004C;
	[dreg:$0x1] =	wrdreg $0xFFFFFFFF  }
0xa7: {  	s28 =	simm.s32 $_size_execute0_lowered;
	s2 =	sadd.s32 s2, s4;
	[dreg:$0x0] =	wrdreg $0x0  }
0xa8: {  	s4 =	sshll.u32 s28, $0x1;
	[dreg:$0x2] =	wrdreg s2  }
0xa9: {  	[dreg:$0x3] =	wrdreg s4  }
0xaa: {  	[dreg:$0x4] =	wrdreg $0xC0  }
0xab: {  	_ =	task [dreg:s6], $0x5FFFF  }
0xac: {  	[dreg:$0x1] =	wrdreg $0xFFFFFFFF  }
0xad: {  	[dreg:$0x0] =	wrdreg $0x60  }
0xae: {  	[dreg:$0x2] =	wrdreg s24  }
0xaf: {  	[dreg:$0x3] =	wrdreg $0x186A00  }
0xb0: {  	[dreg:$0x4] =	wrdreg $0x9  }
0xb1: {  	_ =	task.clear_ibuf [dreg:s6], $0x5FFFF;
	_ =	strace $0x9000004C  }
0xb2: {  	s29 =	simm.s32 $0x9;
	_ =	strace $0x8000004E  }
0xb3: {  	_ =	swait.ge [sflag:s29], $0x1  }
0xb4: {  	[sflag:s29] =	ssyncadd.s32 $0xFFFFFFFF  }
0xb5: {  	_ =	strace $0x9000004E  }
0xb6: {  	_ =	sfence  }
0xb7: {  	s30 =	sld [smem:$0x0];
	_ =	sdelay $0x2  }
0xb8: {  	s31 =	sshll.u32 s1, $0xD;
	s1 =	sshrl.u32 s1, $0x2  }
0xb9: {  	s3 =	sand.u32 $0x4000, s31;
	s1 =	sadd.s32 s1, s30  }
0xba: {  	s0 =	sor.u32 s3, s0;
	s1 =	sshll.u32 s1, $0x11  }
0xbb: {  	s0 =	sor.u32 s1, s0  }
0xbc: {  	s0 =	sadd.s32 $0x8F2B, s0  }
0xbd: {  	[sflag:s0] =	ssyncadd.remote.s32 $0x1  }
0xbe: {  	_ =	sfence.sel $0xFFFF  }
0xbf: {  	[dreg:$0x0] =	wrdreg $0xFFFFFFFF;
	(pc) =	sbr.abs _section_cstart, $3  }
0xc0: {  	[dreg:$0x1] =	wrdreg $0xFFFFFFFF  }
0xc1: {  	_ =	task.clear_ibuf [dreg:s6], $0x2FFFF;
	_ =	strace $0x9FFFFFFF  }
0xc2: {  	(tm) =	ssettm $0x7FFFFFFF  }
0xc3: {  	_ =	shalt  }
tec
execute0_lowered:
.L_overlay_start_1:
0x0: {  	(tag) =	ssettag $0x1  }
0x1: {  	s0 =	rddreg [dreg:$0x0]  }
0x2: {  	s3 =	rddreg [dreg:$0x1];
	s1 =	srdreg.scid  }
0x3: {  	s15 =	stileid.u32;
	s5 =	simm.s32 $0x0;
	s30 =	simm.s32 $0x3  }
0x4: {  	s28 =	simm.s32 $0x4;
	p0 =	por $0x0, $0x0;
	s29 =	simm.s32 $0x5  }
0x5: {  	s13 =	simm.s32 $0xD;
	s31 =	simm.s32 $0xE;
	s1 =	sand.u32 $0x1, s1  }
0x6: {  	s2 =	sshll.u32 s15, $0x1;
	s4 =	smul.u32 $0x1400, s15;
	[smem:$0x7FF] =	sst s5  }
0x7: {  	s9 =	sshll.u32 s15, $0x6;
	s10 =	sadd.s32 $0x17A00, s0;
	s2 =	sor.u32 s1, s2  }
0x8: {  	_ =	strace $0x8000004D;
	s14 =	sor.u32 $0x1C01, s9;
	s7 =	smul.u32 $0x14000, s1  }
0x9: {  	s1 =	ssub.s32 $0x2, s1;
	[dreg:$0x10] =	wrdreg s9;
	s2 =	smul.u32 $0x2710, s2  }
0xa: {  	s6 =	sshrl.u32 s4, $0x3;
	[dreg:$0x4] =	wrdreg s14;
	s25 =	sshrl.u32 s1, $0x1  }
0xb: {  	s26 =	sadd.s32 s4, s3;
	s14 =	simm.s32 $0xC;
	s6 =	sadd.s32 s6, s0  }
0xc: {  	s7 =	sadd.s32 s4, s7;
	s2 =	sshrl.u32 s2, $0x3;
	s6 =	sadd.s32 $0x1A200, s6  }
0xd: {  	s1 =	ssub.s32 s1, s25;
	s2 =	sadd.s32 s2, s0;
	[dreg:$0x3] =	wrdreg s6  }
0xe: {  	s4 =	sshrl.u32 s26, $0x3;
	s16 =	sadd.s32 $0x4000, s2;
	s12 =	rddreg [dreg:$0x3]  }
0xf: {  	s26 =	simm.s32 $0x6;
	s17 =	sadd.s32 $0x40FA, s2;
	[dreg:$0x5] =	wrdreg s16  }
0x10: {  	s25 =	simm.s32 $0x7;
	s18 =	sadd.s32 $0x41F4, s2;
	[dreg:$0x6] =	wrdreg s17  }
0x11: {  	s7 =	sshrl.u32 s7, $0x3;
	s19 =	sadd.s32 $0x42EE, s2;
	[dreg:$0x7] =	wrdreg s18  }
0x12: {  	s8 =	smax.u32 s1, $0x1;
	s20 =	sadd.s32 $0x43E8, s2;
	[dreg:$0x8] =	wrdreg s19  }
0x13: {  	s0 =	sadd.s32 s7, s0;
	s21 =	sadd.s32 $0xDC40, s2;
	[dreg:$0x9] =	wrdreg s20  }
0x14: {  	s6 =	simm.s32 $0x7D0;
	s22 =	sadd.s32 $0xDD3A, s2;
	[dreg:$0xa] =	wrdreg s21  }
0x15: {  	p1 =	sne.s32 s8, $0x1;
	s23 =	sadd.s32 $0xDE34, s2;
	[dreg:$0xb] =	wrdreg s22  }
.Ltmp0:
0x16: {  	s24 =	sadd.s32 $0xDF2E, s2;
	[dreg:$0xc] =	wrdreg s23;
	(pc) =	sbr.rel @!p1 .LBB2_5-.Ltmp0, $4  }
0x17: {  	s7 =	simm.s32 $0x2;
	s2 =	sadd.s32 $0xE028, s2;
	[dreg:$0xd] =	wrdreg s24  }
0x18: {  	s11 =	sadd.s32 $0xFFFFFFFF, s8;
	s0 =	sadd.s32 $0x1CA00, s0;
	[dreg:$0xe] =	wrdreg s2  }
0x19: {  	[dreg:$0xf] =	wrdreg s0;
	s2 =	simm.s32 $0x1;
	s23 =	simm.s32 $0x8  }
0x1a: {  	s21 =	simm.s32 $0x9;
	s20 =	simm.s32 $0xA;
	s17 =	simm.s32 $0xB  }
0x1b: {  	s1 =	rddreg [dreg:$0x4]  }
0x1c: {  	[spmem:s4], [sflag:s1] =	dma.local [hbm:s12], $0x280  }
0x1d: {  	s0 =	smov.u32 s9;
	s9 =	rddreg [dreg:$0x5]  }
0x1e: {  	[tilespmem:s5], [sflag:$0x2] =	stream.linear.gather [hbm4b:s9+s5], $0x7D0, $0x38;
	[tilespmem:$0x19AA0] =	vst v63  }
0x1f: {  	s12 =	rddreg [dreg:$0x6]  }
0x20: {  	[tilespmem:s6], [sflag:$0x2] =	stream.linear.gather [hbm4b:s12+s5], $0x7D0, $0x38;
	[tilespmem:$0x19AA0] =	vst v63  }
0x21: {  	s18 =	simm.s32 $0xFA0;
	s8 =	rddreg [dreg:$0x7]  }
0x22: {  	[tilespmem:s18], [sflag:$0x2] =	stream.linear.gather [hbm4b:s8+s5], $0x7D0, $0x38;
	[tilespmem:$0x19AA0] =	vst v63  }
0x23: {  	s1 =	simm.s32 $0x1770;
	s15 =	rddreg [dreg:$0x8]  }
0x24: {  	[tilespmem:s1], [sflag:$0x2] =	stream.linear.gather [hbm4b:s15+s5], $0x7D0, $0x38;
	[tilespmem:$0x19AA0] =	vst v63  }
0x25: {  	s22 =	simm.s32 $0x1F40;
	s16 =	rddreg [dreg:$0x9]  }
0x26: {  	[tilespmem:s22], [sflag:$0x2] =	stream.linear.gather [hbm4b:s16+s5], $0x7D0, $0x38;
	[tilespmem:$0x19AA0] =	vst v63  }
0x27: {  	s19 =	rddreg [dreg:$0xa];
	s15 =	simm.s32 $0x2710  }
0x28: {  	[tilespmem:s15], [sflag:$0x3] =	stream.linear.gather [hbm4b:s19+s5], $0x7D0, $0x38;
	[tilespmem:$0x19AA0] =	vst v63  }
0x29: {  	s24 =	rddreg [dreg:$0xb];
	s16 =	simm.s32 $0x2EE0  }
0x2a: {  	[tilespmem:s16], [sflag:$0x3] =	stream.linear.gather [hbm4b:s24+s5], $0x7D0, $0x38;
	[tilespmem:$0x19AA0] =	vst v63  }
0x2b: {  	s8 =	rddreg [dreg:$0xc];
	s19 =	simm.s32 $0x36B0  }
0x2c: {  	[tilespmem:s19], [sflag:$0x3] =	stream.linear.gather [hbm4b:s8+s5], $0x7D0, $0x38;
	[tilespmem:$0x19AA0] =	vst v63  }
0x2d: {  	s9 =	rddreg [dreg:$0xd];
	s8 =	simm.s32 $0x3E80  }
0x2e: {  	[tilespmem:s8], [sflag:$0x3] =	stream.linear.gather [hbm4b:s9+s5], $0x7D0, $0x38;
	[tilespmem:$0x19AA0] =	vst v63  }
0x2f: {  	s24 =	rddreg [dreg:$0xe];
	s9 =	simm.s32 $0x4650  }
0x30: {  	[tilespmem:s9], [sflag:$0x3] =	stream.linear.gather [hbm4b:s24+s5], $0x7D0, $0x38;
	[tilespmem:$0x19AA0] =	vst v63  }
0x31: {  	_ =	swait.ge [sflag:s7], $0x7D0  }
0x32: {  	[sflag:s7] =	ssyncset.done $0x0  }
0x33: {  	[sflag:s7] =	ssyncadd.s32 $0xFFFFF830  }
0x34: {  	_ =	swait.ge [sflag:s7], $0x7D0  }
0x35: {  	[sflag:s7] =	ssyncset.done $0x0  }
0x36: {  	[sflag:s7] =	ssyncadd.s32 $0xFFFFF830  }
0x37: {  	_ =	swait.ge [sflag:s7], $0x7D0  }
0x38: {  	[sflag:s7] =	ssyncset.done $0x0  }
0x39: {  	[sflag:s7] =	ssyncadd.s32 $0xFFFFF830  }
0x3a: {  	_ =	swait.ge [sflag:s7], $0x7D0  }
0x3b: {  	[sflag:s7] =	ssyncset.done $0x0  }
0x3c: {  	[sflag:s7] =	ssyncadd.s32 $0xFFFFF830  }
0x3d: {  	_ =	swait.ge [sflag:s7], $0x7D0  }
0x3e: {  	[sflag:s7] =	ssyncset.done $0x0  }
0x3f: {  	s12 =	simm.s32 $0x4E20;
	[sflag:s7] =	ssyncadd.s32 $0xFFFFF830  }
0x40: {  	[tilespmem:s12], [sflag:$0x4] =	stream.indirect.gather [hbm4b:s10+s6], $0x8, s5, s6, $0xb8;
	[tilespmem:$0x19AA0] =	vst v63  }
0x41: {  	s24 =	simm.s32 $0x8CA0  }
0x42: {  	[tilespmem:s24], [sflag:$0x5] =	stream.indirect.gather [hbm4b:s10+s6], $0x8, s6, s6, $0xb8;
	[tilespmem:$0x19AA0] =	vst v63  }
0x43: {  	s8 =	simm.s32 $0xCB20  }
0x44: {  	[tilespmem:s8], [sflag:$0x6] =	stream.indirect.gather [hbm4b:s10+s6], $0x8, s18, s6, $0xb8;
	[tilespmem:$0x19AA0] =	vst v63  }
0x45: {  	s18 =	simm.s32 $0x109A0  }
0x46: {  	[tilespmem:s18], [sflag:$0x7] =	stream.indirect.gather [hbm4b:s10+s6], $0x8, s1, s6, $0xb8;
	[tilespmem:$0x19AA0] =	vst v63  }
0x47: {  	s1 =	simm.s32 $0x14820  }
0x48: {  	[tilespmem:s1], [sflag:$0x8] =	stream.indirect.gather [hbm4b:s10+s6], $0x8, s22, s6, $0xb8;
	[tilespmem:$0x19AA0] =	vst v63  }
0x49: {  	_ =	swait.ge [sflag:s2], $0x280  }
0x4a: {  	[sflag:s2] =	ssyncset.done $0x0  }
0x4b: {  	[sflag:s2] =	ssyncadd.s32 $0xFFFFFD80  }
0x4c: {  	_ =	swait.ge [sflag:s30], $0x7D0  }
0x4d: {  	[sflag:s30] =	ssyncset.done $0x0  }
0x4e: {  	[sflag:s30] =	ssyncadd.s32 $0xFFFFF830  }
0x4f: {  	_ =	swait.ge [sflag:s30], $0x7D0  }
0x50: {  	[sflag:s30] =	ssyncset.done $0x0  }
0x51: {  	[sflag:s30] =	ssyncadd.s32 $0xFFFFF830  }
0x52: {  	_ =	swait.ge [sflag:s30], $0x7D0  }
0x53: {  	[sflag:s30] =	ssyncset.done $0x0  }
0x54: {  	[sflag:s30] =	ssyncadd.s32 $0xFFFFF830  }
0x55: {  	_ =	swait.ge [sflag:s30], $0x7D0  }
0x56: {  	[sflag:s30] =	ssyncset.done $0x0  }
0x57: {  	[sflag:s30] =	ssyncadd.s32 $0xFFFFF830  }
0x58: {  	_ =	swait.ge [sflag:s30], $0x7D0  }
0x59: {  	[sflag:s30] =	ssyncset.done $0x0  }
0x5a: {  	[sflag:s30] =	ssyncadd.s32 $0xFFFFF830  }
0x5b: {  	[bflag:$0x0] =	sbarrier.arrive $0xFFFF  }
0x5c: {  	_ =	swait.ge [sflag:s28], $0x3E80  }
0x5d: {  	[sflag:s28] =	ssyncset.done $0x0  }
0x5e: {  	[sflag:s28] =	ssyncadd.s32 $0xFFFFC180  }
0x5f: {  	[spmem:s3] =	stream.indirect.scatter.add.f32 [tilespmem:s12], [sflag:$0x9], $0x8, s15, s6, $0xb8;
	[tilespmem:$0x19AA0] =	vst v63  }
0x60: {  	_ =	swait.ge [sflag:s29], $0x3E80  }
0x61: {  	[sflag:s29] =	ssyncset.done $0x0  }
0x62: {  	[sflag:s29] =	ssyncadd.s32 $0xFFFFC180  }
0x63: {  	[spmem:s3] =	stream.indirect.scatter.add.f32 [tilespmem:s24], [sflag:$0xA], $0x8, s16, s6, $0xb8;
	[tilespmem:$0x19AA0] =	vst v63  }
0x64: {  	_ =	swait.ge [sflag:s26], $0x3E80  }
0x65: {  	[sflag:s26] =	ssyncset.done $0x0  }
0x66: {  	[sflag:s26] =	ssyncadd.s32 $0xFFFFC180  }
0x67: {  	[spmem:s3] =	stream.indirect.scatter.add.f32 [tilespmem:s8], [sflag:$0xB], $0x8, s19, s6, $0xb8;
	[tilespmem:$0x19AA0] =	vst v63  }
0x68: {  	_ =	swait.ge [sflag:s25], $0x3E80  }
0x69: {  	[sflag:s25] =	ssyncset.done $0x0  }
0x6a: {  	s22 =	simm.s32 $0x3E80;
	[sflag:s25] =	ssyncadd.s32 $0xFFFFC180  }
0x6b: {  	[spmem:s3] =	stream.indirect.scatter.add.f32 [tilespmem:s18], [sflag:$0xC], $0x8, s22, s6, $0xb8;
	[tilespmem:$0x19AA0] =	vst v63  }
0x6c: {  	_ =	swait.ge [sflag:s23], $0x3E80  }
0x6d: {  	[sflag:s23] =	ssyncset.done $0x0  }
0x6e: {  	[sflag:s23] =	ssyncadd.s32 $0xFFFFC180  }
0x6f: {  	[spmem:s3] =	stream.indirect.scatter.add.f32 [tilespmem:s1], [sflag:$0xD], $0x8, s9, s6, $0xb8;
	[tilespmem:$0x19AA0] =	vst v63  }
0x70: {  	_ =	swait.ge [sflag:s21], $0x3E80  }
0x71: {  	[sflag:s21] =	ssyncset.done $0x0  }
0x72: {  	[sflag:s21] =	ssyncadd.s32 $0xFFFFC180  }
0x73: {  	_ =	swait.ge [sflag:s20], $0x3E80  }
0x74: {  	[sflag:s20] =	ssyncset.done $0x0  }
0x75: {  	[sflag:s20] =	ssyncadd.s32 $0xFFFFC180  }
0x76: {  	_ =	swait.ge [sflag:s17], $0x3E80  }
0x77: {  	[sflag:s17] =	ssyncset.done $0x0  }
0x78: {  	[sflag:s17] =	ssyncadd.s32 $0xFFFFC180  }
0x79: {  	_ =	swait.ge [sflag:s14], $0x3E80  }
0x7a: {  	[sflag:s14] =	ssyncset.done $0x0  }
0x7b: {  	[sflag:s14] =	ssyncadd.s32 $0xFFFFC180  }
0x7c: {  	_ =	swait.ge [sflag:s13], $0x3E80  }
0x7d: {  	[sflag:s13] =	ssyncset.done $0x0  }
0x7e: {  	p1 =	sne.s32 s11, $0x1;
	[sflag:s13] =	ssyncadd.s32 $0xFFFFC180  }
.Ltmp1:
0x7f: {  	[bflag:$0x0] =	sbarrier.arrive $0xFFFF;
	(pc) =	sbr.rel @!p1 .LBB2_6-.Ltmp1, $4  }
0x80: {  	s9 =	sor.u32 $0x1C0E, s0;
	s24 =	rddreg [dreg:$0xf]  }
0x81: {  	[hbm:s24], [sflag:s9] =	dma.local [spmem:s4], $0x280  }
0x82: {  	s11 =	sadd.s32 $0xFFFFFFFF, s11;
	_ =	swait.ge [sflag:s31], $0x280  }
0x83: {  	p0 =	por $0x1, $0x1;
	s12 =	rddreg [dreg:$0x3];
	[sflag:s31] =	ssyncset.done $0x0  }
0x84: {  	s22 =	simm.s32 $0x1F40;
	s0 =	simm.s32 $0x2710;
	s16 =	simm.s32 $0x2EE0  }
0x85: {  	s18 =	simm.s32 $0x36B0;
	s19 =	simm.s32 $0x3E80;
	s8 =	simm.s32 $0xCB20  }
.LBB2_3:
0x86: {  	s15 =	rddreg [dreg:$0x4];
	[sflag:s31] =	ssyncadd.s32 $0xFFFFFD80  }
0x87: {  	[spmem:s4], [sflag:s15] =	dma.local [hbm:s12], $0x280  }
0x88: {  	s12 =	rddreg [dreg:$0x5]  }
0x89: {  	[tilespmem:s5], [sflag:$0x2] =	stream.linear.gather [hbm4b:s12+s5], $0x7D0, $0x38;
	[tilespmem:$0x19AA0] =	vst v63  }
0x8a: {  	s15 =	rddreg [dreg:$0x6]  }
0x8b: {  	[tilespmem:s6], [sflag:$0x2] =	stream.linear.gather [hbm4b:s15+s5], $0x7D0, $0x38;
	[tilespmem:$0x19AA0] =	vst v63  }
0x8c: {  	s24 =	simm.s32 $0xFA0;
	s1 =	rddreg [dreg:$0x7]  }
0x8d: {  	[tilespmem:s24], [sflag:$0x2] =	stream.linear.gather [hbm4b:s1+s5], $0x7D0, $0x38;
	[tilespmem:$0x19AA0] =	vst v63  }
0x8e: {  	s15 =	rddreg [dreg:$0x8];
	s1 =	simm.s32 $0x1770  }
0x8f: {  	[tilespmem:s1], [sflag:$0x2] =	stream.linear.gather [hbm4b:s15+s5], $0x7D0, $0x38;
	[tilespmem:$0x19AA0] =	vst v63  }
0x90: {  	s12 =	rddreg [dreg:$0x9]  }
0x91: {  	[tilespmem:s22], [sflag:$0x2] =	stream.linear.gather [hbm4b:s12+s5], $0x7D0, $0x38;
	[tilespmem:$0x19AA0] =	vst v63  }
0x92: {  	s15 =	rddreg [dreg:$0xa]  }
0x93: {  	[tilespmem:s0], [sflag:$0x3] =	stream.linear.gather [hbm4b:s15+s5], $0x7D0, $0x38;
	[tilespmem:$0x19AA0] =	vst v63  }
0x94: {  	s12 =	rddreg [dreg:$0xb]  }
0x95: {  	[tilespmem:s16], [sflag:$0x3] =	stream.linear.gather [hbm4b:s12+s5], $0x7D0, $0x38;
	[tilespmem:$0x19AA0] =	vst v63  }
0x96: {  	s15 =	rddreg [dreg:$0xc]  }
0x97: {  	[tilespmem:s18], [sflag:$0x3] =	stream.linear.gather [hbm4b:s15+s5], $0x7D0, $0x38;
	[tilespmem:$0x19AA0] =	vst v63  }
0x98: {  	s12 =	rddreg [dreg:$0xd]  }
0x99: {  	[tilespmem:s19], [sflag:$0x3] =	stream.linear.gather [hbm4b:s12+s5], $0x7D0, $0x38;
	[tilespmem:$0x19AA0] =	vst v63  }
0x9a: {  	s15 =	rddreg [dreg:$0xe];
	s12 =	simm.s32 $0x4650  }
0x9b: {  	[tilespmem:s12], [sflag:$0x3] =	stream.linear.gather [hbm4b:s15+s5], $0x7D0, $0x38;
	[tilespmem:$0x19AA0] =	vst v63  }
0x9c: {  	_ =	swait.ge [sflag:s7], $0x7D0  }
0x9d: {  	[sflag:s7] =	ssyncset.done $0x0  }
0x9e: {  	[sflag:s7] =	ssyncadd.s32 $0xFFFFF830  }
0x9f: {  	_ =	swait.ge [sflag:s7], $0x7D0  }
0xa0: {  	[sflag:s7] =	ssyncset.done $0x0  }
0xa1: {  	[sflag:s7] =	ssyncadd.s32 $0xFFFFF830  }
0xa2: {  	_ =	swait.ge [sflag:s7], $0x7D0  }
0xa3: {  	[sflag:s7] =	ssyncset.done $0x0  }
0xa4: {  	[sflag:s7] =	ssyncadd.s32 $0xFFFFF830  }
0xa5: {  	_ =	swait.ge [sflag:s7], $0x7D0  }
0xa6: {  	[sflag:s7] =	ssyncset.done $0x0  }
0xa7: {  	[sflag:s7] =	ssyncadd.s32 $0xFFFFF830  }
0xa8: {  	_ =	swait.ge [sflag:s7], $0x7D0  }
0xa9: {  	[sflag:s7] =	ssyncset.done $0x0  }
0xaa: {  	s15 =	simm.s32 $0x4E20;
	[sflag:s7] =	ssyncadd.s32 $0xFFFFF830  }
0xab: {  	[tilespmem:s15], [sflag:$0x4] =	stream.indirect.gather [hbm4b:s10+s6], $0x8, s5, s6, $0xb8;
	[tilespmem:$0x19AA0] =	vst v63  }
0xac: {  	s31 =	simm.s32 $0x8CA0  }
0xad: {  	[tilespmem:s31], [sflag:$0x5] =	stream.indirect.gather [hbm4b:s10+s6], $0x8, s6, s6, $0xb8;
	[tilespmem:$0x19AA0] =	vst v63  }
0xae: {  	_ = 	snop  }
0xaf: {  	[tilespmem:s8], [sflag:$0x6] =	stream.indirect.gather [hbm4b:s10+s6], $0x8, s24, s6, $0xb8;
	[tilespmem:$0x19AA0] =	vst v63  }
0xb0: {  	s24 =	simm.s32 $0x109A0  }
0xb1: {  	[tilespmem:s24], [sflag:$0x7] =	stream.indirect.gather [hbm4b:s10+s6], $0x8, s1, s6, $0xb8;
	[tilespmem:$0x19AA0] =	vst v63  }
0xb2: {  	s1 =	simm.s32 $0x14820  }
0xb3: {  	[tilespmem:s1], [sflag:$0x8] =	stream.indirect.gather [hbm4b:s10+s6], $0x8, s22, s6, $0xb8;
	[tilespmem:$0x19AA0] =	vst v63  }
0xb4: {  	_ =	swait.ge [sflag:s2], $0x280  }
0xb5: {  	[sflag:s2] =	ssyncset.done $0x0  }
0xb6: {  	[sflag:s2] =	ssyncadd.s32 $0xFFFFFD80  }
0xb7: {  	_ =	swait.ge [sflag:s30], $0x7D0  }
0xb8: {  	[sflag:s30] =	ssyncset.done $0x0  }
0xb9: {  	[sflag:s30] =	ssyncadd.s32 $0xFFFFF830  }
0xba: {  	_ =	swait.ge [sflag:s30], $0x7D0  }
0xbb: {  	[sflag:s30] =	ssyncset.done $0x0  }
0xbc: {  	[sflag:s30] =	ssyncadd.s32 $0xFFFFF830  }
0xbd: {  	_ =	swait.ge [sflag:s30], $0x7D0  }
0xbe: {  	[sflag:s30] =	ssyncset.done $0x0  }
0xbf: {  	[sflag:s30] =	ssyncadd.s32 $0xFFFFF830  }
0xc0: {  	_ =	swait.ge [sflag:s30], $0x7D0  }
0xc1: {  	[sflag:s30] =	ssyncset.done $0x0  }
0xc2: {  	[sflag:s30] =	ssyncadd.s32 $0xFFFFF830  }
0xc3: {  	_ =	swait.ge [sflag:s30], $0x7D0  }
0xc4: {  	[sflag:s30] =	ssyncset.done $0x0  }
0xc5: {  	[sflag:s30] =	ssyncadd.s32 $0xFFFFF830  }
0xc6: {  	[bflag:$0x0] =	sbarrier.arrive $0xFFFF  }
0xc7: {  	_ =	swait.ge [sflag:s28], $0x3E80  }
0xc8: {  	[sflag:s28] =	ssyncset.done $0x0  }
0xc9: {  	[sflag:s28] =	ssyncadd.s32 $0xFFFFC180  }
0xca: {  	[spmem:s3] =	stream.indirect.scatter.add.f32 [tilespmem:s15], [sflag:$0x9], $0x8, s0, s6, $0xb8;
	[tilespmem:$0x19AA0] =	vst v63  }
0xcb: {  	_ =	swait.ge [sflag:s29], $0x3E80  }
0xcc: {  	[sflag:s29] =	ssyncset.done $0x0  }
0xcd: {  	[sflag:s29] =	ssyncadd.s32 $0xFFFFC180  }
0xce: {  	[spmem:s3] =	stream.indirect.scatter.add.f32 [tilespmem:s31], [sflag:$0xA], $0x8, s16, s6, $0xb8;
	[tilespmem:$0x19AA0] =	vst v63  }
0xcf: {  	_ =	swait.ge [sflag:s26], $0x3E80  }
0xd0: {  	[sflag:s26] =	ssyncset.done $0x0  }
0xd1: {  	[sflag:s26] =	ssyncadd.s32 $0xFFFFC180  }
0xd2: {  	[spmem:s3] =	stream.indirect.scatter.add.f32 [tilespmem:s8], [sflag:$0xB], $0x8, s18, s6, $0xb8;
	[tilespmem:$0x19AA0] =	vst v63  }
0xd3: {  	_ =	swait.ge [sflag:s25], $0x3E80  }
0xd4: {  	[sflag:s25] =	ssyncset.done $0x0  }
0xd5: {  	[sflag:s25] =	ssyncadd.s32 $0xFFFFC180  }
0xd6: {  	[spmem:s3] =	stream.indirect.scatter.add.f32 [tilespmem:s24], [sflag:$0xC], $0x8, s19, s6, $0xb8;
	[tilespmem:$0x19AA0] =	vst v63  }
0xd7: {  	_ =	swait.ge [sflag:s23], $0x3E80  }
0xd8: {  	[sflag:s23] =	ssyncset.done $0x0  }
0xd9: {  	[sflag:s23] =	ssyncadd.s32 $0xFFFFC180  }
0xda: {  	[spmem:s3] =	stream.indirect.scatter.add.f32 [tilespmem:s1], [sflag:$0xD], $0x8, s12, s6, $0xb8;
	[tilespmem:$0x19AA0] =	vst v63  }
0xdb: {  	_ =	swait.ge [sflag:s21], $0x3E80  }
0xdc: {  	[sflag:s21] =	ssyncset.done $0x0  }
0xdd: {  	[sflag:s21] =	ssyncadd.s32 $0xFFFFC180  }
0xde: {  	_ =	swait.ge [sflag:s20], $0x3E80  }
0xdf: {  	[sflag:s20] =	ssyncset.done $0x0  }
0xe0: {  	[sflag:s20] =	ssyncadd.s32 $0xFFFFC180  }
0xe1: {  	_ =	swait.ge [sflag:s17], $0x3E80  }
0xe2: {  	[sflag:s17] =	ssyncset.done $0x0  }
0xe3: {  	[sflag:s17] =	ssyncadd.s32 $0xFFFFC180  }
0xe4: {  	_ =	swait.ge [sflag:s14], $0x3E80  }
0xe5: {  	[sflag:s14] =	ssyncset.done $0x0  }
0xe6: {  	[sflag:s14] =	ssyncadd.s32 $0xFFFFC180  }
0xe7: {  	_ =	swait.ge [sflag:s13], $0x3E80  }
0xe8: {  	[sflag:s13] =	ssyncset.done $0x0  }
0xe9: {  	p1 =	sne.s32 s11, $0x1;
	[sflag:s13] =	ssyncadd.s32 $0xFFFFC180  }
.Ltmp2:
0xea: {  	[bflag:$0x0] =	sbarrier.arrive $0xFFFF;
	(pc) =	sbr.rel @p1 .LBB2_3-.Ltmp2, $4  }
0xeb: {  	s31 =	simm.s32 $0xE;
	s24 =	rddreg [dreg:$0xf]  }
0xec: {  	[hbm:s24], [sflag:s9] =	dma.local [spmem:s4], $0x280  }
0xed: {  	_ =	swait.ge [sflag:s31], $0x280  }
0xee: {  	s11 =	sadd.s32 $0xFFFFFFFF, s11;
	s12 =	rddreg [dreg:$0x3];
	[sflag:s31] =	ssyncset.done $0x0  }
0xef: {  	s15 =	stileid.u32  }
.LBB2_5:
0xf0: {  	s9 =	rddreg [dreg:$0x4];
	[sflag:s31] =	ssyncadd.s32 @p0 $0xFFFFFD80  }
0xf1: {  	[spmem:s4], [sflag:s9] =	dma.local [hbm:s12], $0x280  }
0xf2: {  	s9 =	rddreg [dreg:$0x5]  }
0xf3: {  	[tilespmem:s5], [sflag:$0x2] =	stream.linear.gather [hbm4b:s9+s5], $0x7D0, $0x38;
	[tilespmem:$0x19AA0] =	vst v63  }
0xf4: {  	s11 =	rddreg [dreg:$0x6]  }
0xf5: {  	[tilespmem:s6], [sflag:$0x2] =	stream.linear.gather [hbm4b:s11+s5], $0x7D0, $0x38;
	[tilespmem:$0x19AA0] =	vst v63  }
0xf6: {  	s0 =	simm.s32 $0xFA0;
	s22 =	rddreg [dreg:$0x7]  }
0xf7: {  	[tilespmem:s0], [sflag:$0x2] =	stream.linear.gather [hbm4b:s22+s5], $0x7D0, $0x38;
	[tilespmem:$0x19AA0] =	vst v63  }
0xf8: {  	s1 =	simm.s32 $0x1770;
	s24 =	rddreg [dreg:$0x8]  }
0xf9: {  	[tilespmem:s1], [sflag:$0x2] =	stream.linear.gather [hbm4b:s24+s5], $0x7D0, $0x38;
	[tilespmem:$0x19AA0] =	vst v63  }
0xfa: {  	s8 =	rddreg [dreg:$0x9];
	s22 =	simm.s32 $0x1F40  }
0xfb: {  	[tilespmem:s22], [sflag:$0x2] =	stream.linear.gather [hbm4b:s8+s5], $0x7D0, $0x38;
	[tilespmem:$0x19AA0] =	vst v63  }
0xfc: {  	s19 =	simm.s32 $0x2710;
	s12 =	rddreg [dreg:$0xa]  }
0xfd: {  	[tilespmem:s19], [sflag:$0x3] =	stream.linear.gather [hbm4b:s12+s5], $0x7D0, $0x38;
	[tilespmem:$0x19AA0] =	vst v63  }
0xfe: {  	s18 =	simm.s32 $0x2EE0;
	s16 =	rddreg [dreg:$0xb]  }
0xff: {  	[tilespmem:s18], [sflag:$0x3] =	stream.linear.gather [hbm4b:s16+s5], $0x7D0, $0x38;
	[tilespmem:$0x19AA0] =	vst v63  }
0x100: {  	s24 =	rddreg [dreg:$0xc];
	s16 =	simm.s32 $0x36B0  }
0x101: {  	[tilespmem:s16], [sflag:$0x3] =	stream.linear.gather [hbm4b:s24+s5], $0x7D0, $0x38;
	[tilespmem:$0x19AA0] =	vst v63  }
0x102: {  	s8 =	rddreg [dreg:$0xd];
	s12 =	simm.s32 $0x3E80  }
0x103: {  	[tilespmem:s12], [sflag:$0x3] =	stream.linear.gather [hbm4b:s8+s5], $0x7D0, $0x38;
	[tilespmem:$0x19AA0] =	vst v63  }
0x104: {  	s9 =	simm.s32 $0x4650;
	s24 =	rddreg [dreg:$0xe]  }
0x105: {  	[tilespmem:s9], [sflag:$0x3] =	stream.linear.gather [hbm4b:s24+s5], $0x7D0, $0x38;
	[tilespmem:$0x19AA0] =	vst v63  }
0x106: {  	_ =	swait.ge [sflag:s7], $0x7D0  }
0x107: {  	[sflag:s7] =	ssyncset.done $0x0  }
0x108: {  	[sflag:s7] =	ssyncadd.s32 $0xFFFFF830  }
0x109: {  	_ =	swait.ge [sflag:s7], $0x7D0  }
0x10a: {  	[sflag:s7] =	ssyncset.done $0x0  }
0x10b: {  	[sflag:s7] =	ssyncadd.s32 $0xFFFFF830  }
0x10c: {  	_ =	swait.ge [sflag:s7], $0x7D0  }
0x10d: {  	[sflag:s7] =	ssyncset.done $0x0  }
0x10e: {  	[sflag:s7] =	ssyncadd.s32 $0xFFFFF830  }
0x10f: {  	_ =	swait.ge [sflag:s7], $0x7D0  }
0x110: {  	[sflag:s7] =	ssyncset.done $0x0  }
0x111: {  	[sflag:s7] =	ssyncadd.s32 $0xFFFFF830  }
0x112: {  	_ =	swait.ge [sflag:s7], $0x7D0  }
0x113: {  	[sflag:s7] =	ssyncset.done $0x0  }
0x114: {  	s11 =	simm.s32 $0x4E20;
	[sflag:s7] =	ssyncadd.s32 $0xFFFFF830  }
0x115: {  	[tilespmem:s11], [sflag:$0x4] =	stream.indirect.gather [hbm4b:s10+s6], $0x8, s5, s6, $0xb8;
	[tilespmem:$0x19AA0] =	vst v63  }
0x116: {  	s7 =	simm.s32 $0x8CA0  }
0x117: {  	[tilespmem:s7], [sflag:$0x5] =	stream.indirect.gather [hbm4b:s10+s6], $0x8, s6, s6, $0xb8;
	[tilespmem:$0x19AA0] =	vst v63  }
0x118: {  	s5 =	simm.s32 $0xCB20  }
0x119: {  	[tilespmem:s5], [sflag:$0x6] =	stream.indirect.gather [hbm4b:s10+s6], $0x8, s0, s6, $0xb8;
	[tilespmem:$0x19AA0] =	vst v63  }
0x11a: {  	s8 =	simm.s32 $0x109A0  }
0x11b: {  	[tilespmem:s8], [sflag:$0x7] =	stream.indirect.gather [hbm4b:s10+s6], $0x8, s1, s6, $0xb8;
	[tilespmem:$0x19AA0] =	vst v63  }
0x11c: {  	s24 =	simm.s32 $0x14820  }
0x11d: {  	[tilespmem:s24], [sflag:$0x8] =	stream.indirect.gather [hbm4b:s10+s6], $0x8, s22, s6, $0xb8;
	[tilespmem:$0x19AA0] =	vst v63  }
0x11e: {  	_ =	swait.ge [sflag:s2], $0x280  }
0x11f: {  	[sflag:s2] =	ssyncset.done $0x0  }
0x120: {  	[sflag:s2] =	ssyncadd.s32 $0xFFFFFD80  }
0x121: {  	_ =	swait.ge [sflag:s30], $0x7D0  }
0x122: {  	[sflag:s30] =	ssyncset.done $0x0  }
0x123: {  	[sflag:s30] =	ssyncadd.s32 $0xFFFFF830  }
0x124: {  	_ =	swait.ge [sflag:s30], $0x7D0  }
0x125: {  	[sflag:s30] =	ssyncset.done $0x0  }
0x126: {  	[sflag:s30] =	ssyncadd.s32 $0xFFFFF830  }
0x127: {  	_ =	swait.ge [sflag:s30], $0x7D0  }
0x128: {  	[sflag:s30] =	ssyncset.done $0x0  }
0x129: {  	[sflag:s30] =	ssyncadd.s32 $0xFFFFF830  }
0x12a: {  	_ =	swait.ge [sflag:s30], $0x7D0  }
0x12b: {  	[sflag:s30] =	ssyncset.done $0x0  }
0x12c: {  	[sflag:s30] =	ssyncadd.s32 $0xFFFFF830  }
0x12d: {  	_ =	swait.ge [sflag:s30], $0x7D0  }
0x12e: {  	[sflag:s30] =	ssyncset.done $0x0  }
0x12f: {  	[sflag:s30] =	ssyncadd.s32 $0xFFFFF830  }
0x130: {  	[bflag:$0x0] =	sbarrier.arrive $0xFFFF  }
0x131: {  	_ =	swait.ge [sflag:s28], $0x3E80  }
0x132: {  	[sflag:s28] =	ssyncset.done $0x0  }
0x133: {  	[sflag:s28] =	ssyncadd.s32 $0xFFFFC180  }
0x134: {  	[spmem:s3] =	stream.indirect.scatter.add.f32 [tilespmem:s11], [sflag:$0x9], $0x8, s19, s6, $0xb8;
	[tilespmem:$0x19AA0] =	vst v63  }
0x135: {  	_ =	swait.ge [sflag:s29], $0x3E80  }
0x136: {  	[sflag:s29] =	ssyncset.done $0x0  }
0x137: {  	[sflag:s29] =	ssyncadd.s32 $0xFFFFC180  }
0x138: {  	[spmem:s3] =	stream.indirect.scatter.add.f32 [tilespmem:s7], [sflag:$0xA], $0x8, s18, s6, $0xb8;
	[tilespmem:$0x19AA0] =	vst v63  }
0x139: {  	_ =	swait.ge [sflag:s26], $0x3E80  }
0x13a: {  	[sflag:s26] =	ssyncset.done $0x0  }
0x13b: {  	[sflag:s26] =	ssyncadd.s32 $0xFFFFC180  }
0x13c: {  	[spmem:s3] =	stream.indirect.scatter.add.f32 [tilespmem:s5], [sflag:$0xB], $0x8, s16, s6, $0xb8;
	[tilespmem:$0x19AA0] =	vst v63  }
0x13d: {  	_ =	swait.ge [sflag:s25], $0x3E80  }
0x13e: {  	[sflag:s25] =	ssyncset.done $0x0  }
0x13f: {  	[sflag:s25] =	ssyncadd.s32 $0xFFFFC180  }
0x140: {  	[spmem:s3] =	stream.indirect.scatter.add.f32 [tilespmem:s8], [sflag:$0xC], $0x8, s12, s6, $0xb8;
	[tilespmem:$0x19AA0] =	vst v63  }
0x141: {  	_ =	swait.ge [sflag:s23], $0x3E80  }
0x142: {  	[sflag:s23] =	ssyncset.done $0x0  }
0x143: {  	[sflag:s23] =	ssyncadd.s32 $0xFFFFC180  }
0x144: {  	[spmem:s3] =	stream.indirect.scatter.add.f32 [tilespmem:s24], [sflag:$0xD], $0x8, s9, s6, $0xb8;
	[tilespmem:$0x19AA0] =	vst v63  }
0x145: {  	_ =	swait.ge [sflag:s21], $0x3E80  }
0x146: {  	[sflag:s21] =	ssyncset.done $0x0  }
0x147: {  	[sflag:s21] =	ssyncadd.s32 $0xFFFFC180  }
0x148: {  	_ =	swait.ge [sflag:s20], $0x3E80  }
0x149: {  	[sflag:s20] =	ssyncset.done $0x0  }
0x14a: {  	[sflag:s20] =	ssyncadd.s32 $0xFFFFC180  }
0x14b: {  	_ =	swait.ge [sflag:s17], $0x3E80  }
0x14c: {  	[sflag:s17] =	ssyncset.done $0x0  }
0x14d: {  	[sflag:s17] =	ssyncadd.s32 $0xFFFFC180  }
0x14e: {  	_ =	swait.ge [sflag:s14], $0x3E80  }
0x14f: {  	[sflag:s14] =	ssyncset.done $0x0  }
0x150: {  	[sflag:s14] =	ssyncadd.s32 $0xFFFFC180  }
0x151: {  	_ =	swait.ge [sflag:s13], $0x3E80  }
0x152: {  	[sflag:s13] =	ssyncset.done $0x0  }
0x153: {  	[sflag:s13] =	ssyncadd.s32 $0xFFFFC180  }
0x154: {  	[bflag:$0x0] =	sbarrier.arrive $0xFFFF  }
0x155: {  	s30 =	rddreg [dreg:$0x10]  }
0x156: {  	s29 =	rddreg [dreg:$0xf];
	s1 =	sor.u32 $0x1C0E, s30  }
0x157: {  	[hbm:s29], [sflag:s1] =	dma.local [spmem:s4], $0x280  }
0x158: {  	_ =	swait.ge [sflag:s31], $0x280  }
0x159: {  	[sflag:s31] =	ssyncset.done $0x0  }
0x15a: {  	[sflag:s31] =	ssyncadd.s32 $0xFFFFFD80  }
0x15b: {  	_ =	sfence.sel $0x180000  }
0x15c: {  	[bflag:$0x0] =	sbarrier.arrive $0xFFFF  }
0x15d: {  	_ =	strace $0x9000004D  }
0x15e: {  	[bflag:$0x2] =	sbarrier.arrive $0xFFFF  }
0x15f: {  	p0 =	sne.s32 s15, $0x0;
	s0 =	rddreg [dreg:$0x2]  }
0x160: {  	s0 =	sadd.s32 @!p0 $0x100000, s0  }
0x161: {  	[sflag:s0] =	ssyncadd.tile.s32 @!p0 $0x1;
	_ =	shalt  }
.LBB2_6:
.Ltmp3:
0x162: {  	(pc) =	sbr.rel .LBB2_5-.Ltmp3, $2  }
0x163: {  	_ =	sdelay $0x2  }
0x164: {  	s15 =	stileid.u32  }
.Lfunc_end2:
_tile_overlayer_lowered:
.L_overlay_start_2:
0x165: {  	(tag) =	ssettag $0x2  }
0x166: {  	s0 =	rddreg [dreg:$0x0];
	s2 =	stileid.u32  }
0x167: {  	s1 =	rddreg [dreg:$0x1];
	p0 =	sne.s32 s2, $0x0  }
0x168: {  	s3 =	rddreg [dreg:$0x2];
	[bflag:$0x3] =	sbarrier.arrive $0xFFFF;
	s2 =	simm.s32 @!p0 $0x1C0E  }
0x169: {  	[timem:s3], [sflag:s2] =	dma.local @!p0 [hbm:s0], s1  }
0x16a: {  	s0 =	simm.s32 @!p0 $0xE  }
0x16b: {  	_ =	swait.ge @!p0 [sflag:s0], s1  }
0x16c: {  	s1 =	ssub.s32 @!p0 $0x0, s1;
	[sflag:s0] =	ssyncset.done @!p0 $0x0  }
0x16d: {  	[sflag:s0] =	ssyncadd.s32 @!p0 s1  }
0x16e: {  	[bflag:$0x3] =	sbarrier.arrive $0xFFFF  }
0x16f: {  	_ =	shalt  }

// kernel: kernel.20.cloned.1.call-start
scs
__scs_entry_jumppad:
0x0: {  	(pc) =	sbr.rel $0x88, $3  }
0x1: {  	(tag) =	ssettag $0x0;
	lr =	simm.s32 $0x1  }
0x2: {  	[smem:$0x3F95] =	sst lr;
	_ =	strace $0xD0000000  }
0x3: {  	_ = 	snop  }
0x4: {  	_ = 	snop  }
0x5: {  	_ = 	snop  }
0x6: {  	_ = 	snop  }
0x7: {  	_ = 	snop  }
__scs_overlays_trampoline_lowered:
0x8: {  	[smem:$0x3FA4] =	sst s0  }
0x9: {  	[smem:$0x3FA5] =	sst s1  }
0xa: {  	[smem:$0x3FA6] =	sst s2  }
0xb: {  	[smem:$0x3FA7] =	sst s3  }
0xc: {  	[smem:$0x3FA8] =	sst s4  }
0xd: {  	[smem:$0x3FA9] =	sst s5  }
0xe: {  	[smem:$0x3FAA] =	sst s6  }
0xf: {  	[smem:$0x3FAB] =	sst s7  }
0x10: {  	[smem:$0x3FAC] =	sst s8  }
0x11: {  	[smem:$0x3FAD] =	sst s9;
	s0 =	simm.s32 @!p0 $0x0  }
0x12: {  	s1 =	sld [smem:$0x3F93];
	s0 =	simm.s32 @p0 $0x1  }
0x13: {  	[smem:$0x3FAE] =	sst s0;
	s0 =	simm.s32 @!p1 $0x0  }
0x14: {  	s2 =	sld [smem:$0x3F92];
	s0 =	simm.s32 @p1 $0x1  }
0x15: {  	[smem:$0x3FAF] =	sst s0;
	s0 =	simm.s32 @!p2 $0x0  }
0x16: {  	s3 =	sld [smem:$0x3FDB];
	s0 =	simm.s32 @p2 $0x1  }
0x17: {  	s4 =	simm.s32 $0x1BF5;
	[smem:$0x3FB1] =	sst s0  }
0x18: {  	s0 =	sld [smem:$0x3F94];
	_ =	swait.ge [sflag:s4], $0x0  }
0x19: {  	s7 =	sld [smem:$0x3F95]  }
0x1a: {  	s8 =	sadd.s32 $0xFFFFE003, lr  }
0x1b: {  	s9 =	sadd.s32 $0xFFFFFEF7, lr;
	s5 =	simm.s32 $0xFFFFFFFF;
	p2 =	slt.u32 s8, $0xFFFFF086  }
0x1c: {  	p1 =	slt.u32 s9, $0xF7A;
	s5 =	simm.s32 @!p2 $0x0  }
0x1d: {  	s5 =	simm.s32 @p1 $0x1;
	p0 =	seq.s32 s7, s2  }
0x1e: {  	s7 =	smul.u32 @!p0 $0xF7A, s2;
	p2 =	seq.s32 @!p0 s5, $0x0  }
0x1f: {  	s9 =	smul.u32 $0xF7A, s1;
	s8 =	simm.s32 @!p0 $0x1BF5;
	p2 =	por !p2, p0  }
0x20: {  	[sflag:s8] =	ssyncset.s32 @!p0 $0xFFFFF086;
	s6 =	sadd.s32 @!p0 s3, s7;
	s7 =	simm.s32 @!p0 $0x108  }
0x21: {  	s3 =	sadd.s32 s3, s9;
	s6 =	sadd.s32 @!p0 $0x88, s6;
	s7 =	simm.s32 @p2 $0x1082  }
0x22: {  	[simem:s7], [sflag:s8] =	dma.local @!p0 [hbm:s6], $0xF7A  }
0x23: {  	s9 =	sor.u32 $0xD0000000, s2;
	s6 =	simm.s32 $0x108;
	_ =	swait.ge @!p0 [sflag:s8], $0x0  }
0x24: {  	s3 =	sadd.s32 $0x88, s3;
	s6 =	simm.s32 @!p1 $0x1082;
	[sflag:s4] =	ssyncset.s32 $0xFFFFF086  }
0x25: {  	[simem:s6], [sflag:s4] =	dma.local [hbm:s3], $0xF7A  }
0x26: {  	[smem:$0x3F95] =	sst s1;
	(tag) =	ssettag s2;
	_ =	strace s9  }
0x27: {  	s1 =	sld [smem:$0x3FA5]  }
0x28: {  	s2 =	sld [smem:$0x3FA6]  }
0x29: {  	s4 =	sld [smem:$0x3FA8]  }
0x2a: {  	p0 =	seq.s32 s5, $0x0;
	s5 =	sld [smem:$0x3FA9]  }
0x2b: {  	s6 =	sld [smem:$0x3FAA]  }
0x2c: {  	s7 =	sld [smem:$0x3FAB]  }
0x2d: {  	s3 =	simm.s32 $0x108;
	s8 =	sld [smem:$0x3FAC]  }
0x2e: {  	s3 =	simm.s32 @!p0 $0x1082;
	s9 =	sld [smem:$0x3FAD]  }
0x2f: {  	lr =	sadd.s32 s0, s3;
	s0 =	sld [smem:$0x3FA4]  }
0x30: {  	s3 =	sld [smem:$0x3FA7]  }
0x31: {  	[smem:$0x3FB0] =	sst s10  }
0x32: {  	s10 =	sld [smem:$0x3FAE];
	_ =	sdelay $0x3  }
0x33: {  	p0 =	seq.s32 s10, $0x1;
	s10 =	sld [smem:$0x3FB0];
	_ =	sdelay $0x3  }
0x34: {  	[smem:$0x3FB0] =	sst s10  }
0x35: {  	s10 =	sld [smem:$0x3FAF];
	_ =	sdelay $0x3  }
0x36: {  	p1 =	seq.s32 s10, $0x1;
	s10 =	sld [smem:$0x3FB0];
	_ =	sdelay $0x3  }
0x37: {  	[smem:$0x3FB0] =	sst s10  }
0x38: {  	s10 =	sld [smem:$0x3FB1]  }
0x39: {  	_ = 	snop;
	(pc) =	sbr.ind lr, $3  }
0x3a: {  	_ = 	snop  }
0x3b: {  	_ = 	snop  }
0x3c: {  	p2 =	seq.s32 s10, $0x1;
	s10 =	sld [smem:$0x3FB0]  }
0x3d: {  	_ =	shalt  }
0x3e: {  	_ =	shalt  }
0x3f: {  	_ =	shalt  }
0x40: {  	_ =	shalt  }
0x41: {  	_ =	shalt  }
0x42: {  	_ =	shalt  }
0x43: {  	_ =	shalt  }
0x44: {  	_ =	shalt  }
0x45: {  	_ =	shalt  }
0x46: {  	_ =	shalt  }
0x47: {  	_ =	shalt  }
0x48: {  	_ =	shalt  }
0x49: {  	_ =	shalt  }
0x4a: {  	_ =	shalt  }
0x4b: {  	_ =	shalt  }
0x4c: {  	_ =	shalt  }
0x4d: {  	_ =	shalt  }
0x4e: {  	_ =	shalt  }
0x4f: {  	_ =	shalt  }
0x50: {  	_ =	shalt  }
0x51: {  	_ =	shalt  }
0x52: {  	_ =	shalt  }
0x53: {  	_ =	shalt  }
0x54: {  	_ =	shalt  }
0x55: {  	_ =	shalt  }
0x56: {  	_ =	shalt  }
0x57: {  	_ =	shalt  }
0x58: {  	_ =	shalt  }
0x59: {  	_ =	shalt  }
0x5a: {  	_ =	shalt  }
0x5b: {  	_ =	shalt  }
0x5c: {  	_ =	shalt  }
0x5d: {  	_ =	shalt  }
0x5e: {  	_ =	shalt  }
0x5f: {  	_ =	shalt  }
0x60: {  	_ =	shalt  }
0x61: {  	_ =	shalt  }
0x62: {  	_ =	shalt  }
0x63: {  	_ =	shalt  }
0x64: {  	_ =	shalt  }
0x65: {  	_ =	shalt  }
0x66: {  	_ =	shalt  }
0x67: {  	_ =	shalt  }
0x68: {  	_ =	shalt  }
0x69: {  	_ =	shalt  }
0x6a: {  	_ =	shalt  }
0x6b: {  	_ =	shalt  }
0x6c: {  	_ =	shalt  }
0x6d: {  	_ =	shalt  }
0x6e: {  	_ =	shalt  }
0x6f: {  	_ =	shalt  }
0x70: {  	_ =	shalt  }
0x71: {  	_ =	shalt  }
0x72: {  	_ =	shalt  }
0x73: {  	_ =	shalt  }
0x74: {  	_ =	shalt  }
0x75: {  	_ =	shalt  }
0x76: {  	_ =	shalt  }
0x77: {  	_ =	shalt  }
0x78: {  	_ =	shalt  }
0x79: {  	_ =	shalt  }
0x7a: {  	_ =	shalt  }
0x7b: {  	_ =	shalt  }
0x7c: {  	_ =	shalt  }
0x7d: {  	_ =	shalt  }
0x7e: {  	_ =	shalt  }
0x7f: {  	_ =	shalt  }
0x80: {  	_ =	shalt  }
0x81: {  	_ =	shalt  }
0x82: {  	_ =	shalt  }
0x83: {  	_ =	shalt  }
0x84: {  	_ =	shalt  }
0x85: {  	_ =	shalt  }
0x86: {  	_ =	shalt  }
0x87: {  	_ =	shalt  }
.Lfunc_end0:
.L_simem_size_0:
called_computation.3_lowered:
.L_overlay_start_0:
0x88: {  	s2 =	sld [smem:$0x3FD9]  }
0x89: {  	s3 =	sld [smem:$0x3FFE];
	_ =	sdelay $0x1  }
0x8a: {  	s1 =	srdreg.scid  }
0x8b: {  	s0 =	sand.u32 $0x1, s1  }
0x8c: {  	s16 =	sshll.u32 s0, $0xA;
	s2 =	sadd.s32 s3, s2  }
0x8d: {  	s2 =	sadd.s32 s2, s16  }
0x8e: {  	[smem:$0x3FBC] =	sst s2  }
0x8f: {  	_ = 	snop  }
0x90: {  	(tm) =	ssettm $0x1  }
0x91: {  	s17 =	sld [smem:$0x3FFB];
	_ =	sdelay $0x3  }
0x92: {  	_ =	strace s17  }
0x93: {  	s2 =	sld [smem:$0x3FFC];
	_ =	sdelay $0x3  }
0x94: {  	_ =	strace s2  }
0x95: {  	s2 =	sld [smem:$0x3FFD];
	_ =	sdelay $0x3  }
0x96: {  	_ =	strace s2  }
0x97: {  	_ =	strace $0x8FFFFFFF  }
0x98: {  	s18 =	sld [smem:$0x3FDB];
	_ =	sdelay $0x1  }
0x99: {  	s19 =	simm.s32 $_scs_section_size  }
0x9a: {  	s4 =	simm.s32 $_size__tile_overlayer_lowered;
	s5 =	simm.s32 $_tile_overlayer_lowered  }
0x9b: {  	s22 =	simm.s32 $0x1BFF;
	s21 =	sshll.u32 s5, $0x1;
	s2 =	sadd.s32 s19, s18  }
0x9c: {  	s6 =	simm.s32 $0x0;
	s20 =	sshll.u32 s4, $0x1;
	s4 =	sadd.s32 s21, s2  }
0x9d: {  	[timem:s6], [sflag:s22] =	dma.local [hbm:s4], s20  }
0x9e: {  	_ =	swait.ge [sflag:s22], s20  }
0x9f: {  	s3 =	ssub.s32 $0x0, s20;
	[sflag:s22] =	ssyncset.done $0x0  }
0xa0: {  	[sflag:s22] =	ssyncadd.s32 s3;
	_ =	sdelay $0x1  }
0xa1: {  	s23 =	simm.s32 $0x1B8B  }
0xa2: {  	_ =	swait.ge [sflag:s23], $0x1  }
0xa3: {  	[sflag:s23] =	ssyncset.done $0x0  }
0xa4: {  	s25 =	simm.s32 $0x1B8E;
	s24 =	sld [smem:$0x3FFE];
	[sflag:s23] =	ssyncadd.s32 $0xFFFFFFFF  }
0xa5: {  	s26 =	simm.s32 $execute0_lowered;
	[smem:$0x3FD2] =	sst s25  }
0xa6: {  	s4 =	sshll.u32 s26, $0x1;
	_ =	strace $0x8000004F;
	[dreg:$0x1] =	wrdreg $0xFFFFFFFF  }
0xa7: {  	s28 =	simm.s32 $_size_execute0_lowered;
	s2 =	sadd.s32 s2, s4;
	[dreg:$0x0] =	wrdreg $0x0  }
0xa8: {  	s4 =	sshll.u32 s28, $0x1;
	[dreg:$0x2] =	wrdreg s2  }
0xa9: {  	[dreg:$0x3] =	wrdreg s4  }
0xaa: {  	[dreg:$0x4] =	wrdreg $0xC0  }
0xab: {  	_ =	task [dreg:s6], $0x5FFFF  }
0xac: {  	[dreg:$0x1] =	wrdreg $0xFFFFFFFF  }
0xad: {  	[dreg:$0x0] =	wrdreg $0x60  }
0xae: {  	[dreg:$0x2] =	wrdreg s24  }
0xaf: {  	[dreg:$0x3] =	wrdreg $0x186A00  }
0xb0: {  	[dreg:$0x4] =	wrdreg $0x9  }
0xb1: {  	_ =	task.clear_ibuf [dreg:s6], $0x5FFFF;
	_ =	strace $0x9000004F  }
0xb2: {  	s29 =	simm.s32 $0x9;
	_ =	strace $0x80000051  }
0xb3: {  	_ =	swait.ge [sflag:s29], $0x1  }
0xb4: {  	[sflag:s29] =	ssyncadd.s32 $0xFFFFFFFF  }
0xb5: {  	_ =	strace $0x90000051  }
0xb6: {  	_ =	sfence  }
0xb7: {  	s30 =	sld [smem:$0x0];
	_ =	sdelay $0x2  }
0xb8: {  	s31 =	sshll.u32 s1, $0xD;
	s1 =	sshrl.u32 s1, $0x2  }
0xb9: {  	s3 =	sand.u32 $0x4000, s31;
	s1 =	sadd.s32 s1, s30  }
0xba: {  	s0 =	sor.u32 s3, s0;
	s1 =	sshll.u32 s1, $0x11  }
0xbb: {  	s0 =	sor.u32 s1, s0  }
0xbc: {  	s0 =	sadd.s32 $0x8F2B, s0  }
0xbd: {  	[sflag:s0] =	ssyncadd.remote.s32 $0x1  }
0xbe: {  	_ =	sfence.sel $0xFFFF  }
0xbf: {  	[dreg:$0x0] =	wrdreg $0xFFFFFFFF;
	(pc) =	sbr.abs _section_cstart, $3  }
0xc0: {  	[dreg:$0x1] =	wrdreg $0xFFFFFFFF  }
0xc1: {  	_ =	task.clear_ibuf [dreg:s6], $0x2FFFF;
	_ =	strace $0x9FFFFFFF  }
0xc2: {  	(tm) =	ssettm $0x7FFFFFFF  }
0xc3: {  	_ =	shalt  }
tec
execute0_lowered:
.L_overlay_start_1:
0x0: {  	(tag) =	ssettag $0x1  }
0x1: {  	s0 =	rddreg [dreg:$0x0]  }
0x2: {  	s3 =	rddreg [dreg:$0x1];
	s1 =	srdreg.scid  }
0x3: {  	s15 =	stileid.u32;
	s5 =	simm.s32 $0x0;
	s30 =	simm.s32 $0x3  }
0x4: {  	s28 =	simm.s32 $0x4;
	p0 =	por $0x0, $0x0;
	s29 =	simm.s32 $0x5  }
0x5: {  	s13 =	simm.s32 $0xD;
	s31 =	simm.s32 $0xE;
	s1 =	sand.u32 $0x1, s1  }
0x6: {  	s2 =	sshll.u32 s15, $0x1;
	s4 =	smul.u32 $0x1400, s15;
	[smem:$0x7FF] =	sst s5  }
0x7: {  	s9 =	sshll.u32 s15, $0x6;
	s10 =	sadd.s32 $0x17A00, s0;
	s2 =	sor.u32 s1, s2  }
0x8: {  	_ =	strace $0x80000050;
	s14 =	sor.u32 $0x1C01, s9;
	s7 =	smul.u32 $0x14000, s1  }
0x9: {  	s1 =	ssub.s32 $0x2, s1;
	[dreg:$0x10] =	wrdreg s9;
	s2 =	smul.u32 $0x2710, s2  }
0xa: {  	s6 =	sshrl.u32 s4, $0x3;
	[dreg:$0x4] =	wrdreg s14;
	s25 =	sshrl.u32 s1, $0x1  }
0xb: {  	s26 =	sadd.s32 s4, s3;
	s14 =	simm.s32 $0xC;
	s6 =	sadd.s32 s6, s0  }
0xc: {  	s7 =	sadd.s32 s4, s7;
	s2 =	sshrl.u32 s2, $0x3;
	s6 =	sadd.s32 $0x1A200, s6  }
0xd: {  	s1 =	ssub.s32 s1, s25;
	s2 =	sadd.s32 s2, s0;
	[dreg:$0x3] =	wrdreg s6  }
0xe: {  	s4 =	sshrl.u32 s26, $0x3;
	s16 =	sadd.s32 $0x4000, s2;
	s12 =	rddreg [dreg:$0x3]  }
0xf: {  	s26 =	simm.s32 $0x6;
	s17 =	sadd.s32 $0x40FA, s2;
	[dreg:$0x5] =	wrdreg s16  }
0x10: {  	s25 =	simm.s32 $0x7;
	s18 =	sadd.s32 $0x41F4, s2;
	[dreg:$0x6] =	wrdreg s17  }
0x11: {  	s7 =	sshrl.u32 s7, $0x3;
	s19 =	sadd.s32 $0x42EE, s2;
	[dreg:$0x7] =	wrdreg s18  }
0x12: {  	s8 =	smax.u32 s1, $0x1;
	s20 =	sadd.s32 $0x43E8, s2;
	[dreg:$0x8] =	wrdreg s19  }
0x13: {  	s0 =	sadd.s32 s7, s0;
	s21 =	sadd.s32 $0xDC40, s2;
	[dreg:$0x9] =	wrdreg s20  }
0x14: {  	s6 =	simm.s32 $0x7D0;
	s22 =	sadd.s32 $0xDD3A, s2;
	[dreg:$0xa] =	wrdreg s21  }
0x15: {  	p1 =	sne.s32 s8, $0x1;
	s23 =	sadd.s32 $0xDE34, s2;
	[dreg:$0xb] =	wrdreg s22  }
.Ltmp0:
0x16: {  	s24 =	sadd.s32 $0xDF2E, s2;
	[dreg:$0xc] =	wrdreg s23;
	(pc) =	sbr.rel @!p1 .LBB2_5-.Ltmp0, $4  }
0x17: {  	s7 =	simm.s32 $0x2;
	s2 =	sadd.s32 $0xE028, s2;
	[dreg:$0xd] =	wrdreg s24  }
0x18: {  	s11 =	sadd.s32 $0xFFFFFFFF, s8;
	s0 =	sadd.s32 $0x1CA00, s0;
	[dreg:$0xe] =	wrdreg s2  }
0x19: {  	[dreg:$0xf] =	wrdreg s0;
	s2 =	simm.s32 $0x1;
	s23 =	simm.s32 $0x8  }
0x1a: {  	s21 =	simm.s32 $0x9;
	s20 =	simm.s32 $0xA;
	s17 =	simm.s32 $0xB  }
0x1b: {  	s1 =	rddreg [dreg:$0x4]  }
0x1c: {  	[spmem:s4], [sflag:s1] =	dma.local [hbm:s12], $0x280  }
0x1d: {  	s0 =	smov.u32 s9;
	s9 =	rddreg [dreg:$0x5]  }
0x1e: {  	[tilespmem:s5], [sflag:$0x2] =	stream.linear.gather [hbm4b:s9+s5], $0x7D0, $0x38;
	[tilespmem:$0x19AA0] =	vst v63  }
0x1f: {  	s12 =	rddreg [dreg:$0x6]  }
0x20: {  	[tilespmem:s6], [sflag:$0x2] =	stream.linear.gather [hbm4b:s12+s5], $0x7D0, $0x38;
	[tilespmem:$0x19AA0] =	vst v63  }
0x21: {  	s18 =	simm.s32 $0xFA0;
	s8 =	rddreg [dreg:$0x7]  }
0x22: {  	[tilespmem:s18], [sflag:$0x2] =	stream.linear.gather [hbm4b:s8+s5], $0x7D0, $0x38;
	[tilespmem:$0x19AA0] =	vst v63  }
0x23: {  	s1 =	simm.s32 $0x1770;
	s15 =	rddreg [dreg:$0x8]  }
0x24: {  	[tilespmem:s1], [sflag:$0x2] =	stream.linear.gather [hbm4b:s15+s5], $0x7D0, $0x38;
	[tilespmem:$0x19AA0] =	vst v63  }
0x25: {  	s22 =	simm.s32 $0x1F40;
	s16 =	rddreg [dreg:$0x9]  }
0x26: {  	[tilespmem:s22], [sflag:$0x2] =	stream.linear.gather [hbm4b:s16+s5], $0x7D0, $0x38;
	[tilespmem:$0x19AA0] =	vst v63  }
0x27: {  	s19 =	rddreg [dreg:$0xa];
	s15 =	simm.s32 $0x2710  }
0x28: {  	[tilespmem:s15], [sflag:$0x3] =	stream.linear.gather [hbm4b:s19+s5], $0x7D0, $0x38;
	[tilespmem:$0x19AA0] =	vst v63  }
0x29: {  	s24 =	rddreg [dreg:$0xb];
	s16 =	simm.s32 $0x2EE0  }
0x2a: {  	[tilespmem:s16], [sflag:$0x3] =	stream.linear.gather [hbm4b:s24+s5], $0x7D0, $0x38;
	[tilespmem:$0x19AA0] =	vst v63  }
0x2b: {  	s8 =	rddreg [dreg:$0xc];
	s19 =	simm.s32 $0x36B0  }
0x2c: {  	[tilespmem:s19], [sflag:$0x3] =	stream.linear.gather [hbm4b:s8+s5], $0x7D0, $0x38;
	[tilespmem:$0x19AA0] =	vst v63  }
0x2d: {  	s9 =	rddreg [dreg:$0xd];
	s8 =	simm.s32 $0x3E80  }
0x2e: {  	[tilespmem:s8], [sflag:$0x3] =	stream.linear.gather [hbm4b:s9+s5], $0x7D0, $0x38;
	[tilespmem:$0x19AA0] =	vst v63  }
0x2f: {  	s24 =	rddreg [dreg:$0xe];
	s9 =	simm.s32 $0x4650  }
0x30: {  	[tilespmem:s9], [sflag:$0x3] =	stream.linear.gather [hbm4b:s24+s5], $0x7D0, $0x38;
	[tilespmem:$0x19AA0] =	vst v63  }
0x31: {  	_ =	swait.ge [sflag:s7], $0x7D0  }
0x32: {  	[sflag:s7] =	ssyncset.done $0x0  }
0x33: {  	[sflag:s7] =	ssyncadd.s32 $0xFFFFF830  }
0x34: {  	_ =	swait.ge [sflag:s7], $0x7D0  }
0x35: {  	[sflag:s7] =	ssyncset.done $0x0  }
0x36: {  	[sflag:s7] =	ssyncadd.s32 $0xFFFFF830  }
0x37: {  	_ =	swait.ge [sflag:s7], $0x7D0  }
0x38: {  	[sflag:s7] =	ssyncset.done $0x0  }
0x39: {  	[sflag:s7] =	ssyncadd.s32 $0xFFFFF830  }
0x3a: {  	_ =	swait.ge [sflag:s7], $0x7D0  }
0x3b: {  	[sflag:s7] =	ssyncset.done $0x0  }
0x3c: {  	[sflag:s7] =	ssyncadd.s32 $0xFFFFF830  }
0x3d: {  	_ =	swait.ge [sflag:s7], $0x7D0  }
0x3e: {  	[sflag:s7] =	ssyncset.done $0x0  }
0x3f: {  	s12 =	simm.s32 $0x4E20;
	[sflag:s7] =	ssyncadd.s32 $0xFFFFF830  }
0x40: {  	[tilespmem:s12], [sflag:$0x4] =	stream.indirect.gather [hbm4b:s10+s6], $0x8, s5, s6, $0xb8;
	[tilespmem:$0x19AA0] =	vst v63  }
0x41: {  	s24 =	simm.s32 $0x8CA0  }
0x42: {  	[tilespmem:s24], [sflag:$0x5] =	stream.indirect.gather [hbm4b:s10+s6], $0x8, s6, s6, $0xb8;
	[tilespmem:$0x19AA0] =	vst v63  }
0x43: {  	s8 =	simm.s32 $0xCB20  }
0x44: {  	[tilespmem:s8], [sflag:$0x6] =	stream.indirect.gather [hbm4b:s10+s6], $0x8, s18, s6, $0xb8;
	[tilespmem:$0x19AA0] =	vst v63  }
0x45: {  	s18 =	simm.s32 $0x109A0  }
0x46: {  	[tilespmem:s18], [sflag:$0x7] =	stream.indirect.gather [hbm4b:s10+s6], $0x8, s1, s6, $0xb8;
	[tilespmem:$0x19AA0] =	vst v63  }
0x47: {  	s1 =	simm.s32 $0x14820  }
0x48: {  	[tilespmem:s1], [sflag:$0x8] =	stream.indirect.gather [hbm4b:s10+s6], $0x8, s22, s6, $0xb8;
	[tilespmem:$0x19AA0] =	vst v63  }
0x49: {  	_ =	swait.ge [sflag:s2], $0x280  }
0x4a: {  	[sflag:s2] =	ssyncset.done $0x0  }
0x4b: {  	[sflag:s2] =	ssyncadd.s32 $0xFFFFFD80  }
0x4c: {  	_ =	swait.ge [sflag:s30], $0x7D0  }
0x4d: {  	[sflag:s30] =	ssyncset.done $0x0  }
0x4e: {  	[sflag:s30] =	ssyncadd.s32 $0xFFFFF830  }
0x4f: {  	_ =	swait.ge [sflag:s30], $0x7D0  }
0x50: {  	[sflag:s30] =	ssyncset.done $0x0  }
0x51: {  	[sflag:s30] =	ssyncadd.s32 $0xFFFFF830  }
0x52: {  	_ =	swait.ge [sflag:s30], $0x7D0  }
0x53: {  	[sflag:s30] =	ssyncset.done $0x0  }
0x54: {  	[sflag:s30] =	ssyncadd.s32 $0xFFFFF830  }
0x55: {  	_ =	swait.ge [sflag:s30], $0x7D0  }
0x56: {  	[sflag:s30] =	ssyncset.done $0x0  }
0x57: {  	[sflag:s30] =	ssyncadd.s32 $0xFFFFF830  }
0x58: {  	_ =	swait.ge [sflag:s30], $0x7D0  }
0x59: {  	[sflag:s30] =	ssyncset.done $0x0  }
0x5a: {  	[sflag:s30] =	ssyncadd.s32 $0xFFFFF830  }
0x5b: {  	[bflag:$0x0] =	sbarrier.arrive $0xFFFF  }
0x5c: {  	_ =	swait.ge [sflag:s28], $0x3E80  }
0x5d: {  	[sflag:s28] =	ssyncset.done $0x0  }
0x5e: {  	[sflag:s28] =	ssyncadd.s32 $0xFFFFC180  }
0x5f: {  	[spmem:s3] =	stream.indirect.scatter.add.f32 [tilespmem:s12], [sflag:$0x9], $0x8, s15, s6, $0xb8;
	[tilespmem:$0x19AA0] =	vst v63  }
0x60: {  	_ =	swait.ge [sflag:s29], $0x3E80  }
0x61: {  	[sflag:s29] =	ssyncset.done $0x0  }
0x62: {  	[sflag:s29] =	ssyncadd.s32 $0xFFFFC180  }
0x63: {  	[spmem:s3] =	stream.indirect.scatter.add.f32 [tilespmem:s24], [sflag:$0xA], $0x8, s16, s6, $0xb8;
	[tilespmem:$0x19AA0] =	vst v63  }
0x64: {  	_ =	swait.ge [sflag:s26], $0x3E80  }
0x65: {  	[sflag:s26] =	ssyncset.done $0x0  }
0x66: {  	[sflag:s26] =	ssyncadd.s32 $0xFFFFC180  }
0x67: {  	[spmem:s3] =	stream.indirect.scatter.add.f32 [tilespmem:s8], [sflag:$0xB], $0x8, s19, s6, $0xb8;
	[tilespmem:$0x19AA0] =	vst v63  }
0x68: {  	_ =	swait.ge [sflag:s25], $0x3E80  }
0x69: {  	[sflag:s25] =	ssyncset.done $0x0  }
0x6a: {  	s22 =	simm.s32 $0x3E80;
	[sflag:s25] =	ssyncadd.s32 $0xFFFFC180  }
0x6b: {  	[spmem:s3] =	stream.indirect.scatter.add.f32 [tilespmem:s18], [sflag:$0xC], $0x8, s22, s6, $0xb8;
	[tilespmem:$0x19AA0] =	vst v63  }
0x6c: {  	_ =	swait.ge [sflag:s23], $0x3E80  }
0x6d: {  	[sflag:s23] =	ssyncset.done $0x0  }
0x6e: {  	[sflag:s23] =	ssyncadd.s32 $0xFFFFC180  }
0x6f: {  	[spmem:s3] =	stream.indirect.scatter.add.f32 [tilespmem:s1], [sflag:$0xD], $0x8, s9, s6, $0xb8;
	[tilespmem:$0x19AA0] =	vst v63  }
0x70: {  	_ =	swait.ge [sflag:s21], $0x3E80  }
0x71: {  	[sflag:s21] =	ssyncset.done $0x0  }
0x72: {  	[sflag:s21] =	ssyncadd.s32 $0xFFFFC180  }
0x73: {  	_ =	swait.ge [sflag:s20], $0x3E80  }
0x74: {  	[sflag:s20] =	ssyncset.done $0x0  }
0x75: {  	[sflag:s20] =	ssyncadd.s32 $0xFFFFC180  }
0x76: {  	_ =	swait.ge [sflag:s17], $0x3E80  }
0x77: {  	[sflag:s17] =	ssyncset.done $0x0  }
0x78: {  	[sflag:s17] =	ssyncadd.s32 $0xFFFFC180  }
0x79: {  	_ =	swait.ge [sflag:s14], $0x3E80  }
0x7a: {  	[sflag:s14] =	ssyncset.done $0x0  }
0x7b: {  	[sflag:s14] =	ssyncadd.s32 $0xFFFFC180  }
0x7c: {  	_ =	swait.ge [sflag:s13], $0x3E80  }
0x7d: {  	[sflag:s13] =	ssyncset.done $0x0  }
0x7e: {  	p1 =	sne.s32 s11, $0x1;
	[sflag:s13] =	ssyncadd.s32 $0xFFFFC180  }
.Ltmp1:
0x7f: {  	[bflag:$0x0] =	sbarrier.arrive $0xFFFF;
	(pc) =	sbr.rel @!p1 .LBB2_6-.Ltmp1, $4  }
0x80: {  	s9 =	sor.u32 $0x1C0E, s0;
	s24 =	rddreg [dreg:$0xf]  }
0x81: {  	[hbm:s24], [sflag:s9] =	dma.local [spmem:s4], $0x280  }
0x82: {  	s11 =	sadd.s32 $0xFFFFFFFF, s11;
	_ =	swait.ge [sflag:s31], $0x280  }
0x83: {  	p0 =	por $0x1, $0x1;
	s12 =	rddreg [dreg:$0x3];
	[sflag:s31] =	ssyncset.done $0x0  }
0x84: {  	s22 =	simm.s32 $0x1F40;
	s0 =	simm.s32 $0x2710;
	s16 =	simm.s32 $0x2EE0  }
0x85: {  	s18 =	simm.s32 $0x36B0;
	s19 =	simm.s32 $0x3E80;
	s8 =	simm.s32 $0xCB20  }
.LBB2_3:
0x86: {  	s15 =	rddreg [dreg:$0x4];
	[sflag:s31] =	ssyncadd.s32 $0xFFFFFD80  }
0x87: {  	[spmem:s4], [sflag:s15] =	dma.local [hbm:s12], $0x280  }
0x88: {  	s12 =	rddreg [dreg:$0x5]  }
0x89: {  	[tilespmem:s5], [sflag:$0x2] =	stream.linear.gather [hbm4b:s12+s5], $0x7D0, $0x38;
	[tilespmem:$0x19AA0] =	vst v63  }
0x8a: {  	s15 =	rddreg [dreg:$0x6]  }
0x8b: {  	[tilespmem:s6], [sflag:$0x2] =	stream.linear.gather [hbm4b:s15+s5], $0x7D0, $0x38;
	[tilespmem:$0x19AA0] =	vst v63  }
0x8c: {  	s24 =	simm.s32 $0xFA0;
	s1 =	rddreg [dreg:$0x7]  }
0x8d: {  	[tilespmem:s24], [sflag:$0x2] =	stream.linear.gather [hbm4b:s1+s5], $0x7D0, $0x38;
	[tilespmem:$0x19AA0] =	vst v63  }
0x8e: {  	s15 =	rddreg [dreg:$0x8];
	s1 =	simm.s32 $0x1770  }
0x8f: {  	[tilespmem:s1], [sflag:$0x2] =	stream.linear.gather [hbm4b:s15+s5], $0x7D0, $0x38;
	[tilespmem:$0x19AA0] =	vst v63  }
0x90: {  	s12 =	rddreg [dreg:$0x9]  }
0x91: {  	[tilespmem:s22], [sflag:$0x2] =	stream.linear.gather [hbm4b:s12+s5], $0x7D0, $0x38;
	[tilespmem:$0x19AA0] =	vst v63  }
0x92: {  	s15 =	rddreg [dreg:$0xa]  }
0x93: {  	[tilespmem:s0], [sflag:$0x3] =	stream.linear.gather [hbm4b:s15+s5], $0x7D0, $0x38;
	[tilespmem:$0x19AA0] =	vst v63  }
0x94: {  	s12 =	rddreg [dreg:$0xb]  }
0x95: {  	[tilespmem:s16], [sflag:$0x3] =	stream.linear.gather [hbm4b:s12+s5], $0x7D0, $0x38;
	[tilespmem:$0x19AA0] =	vst v63  }
0x96: {  	s15 =	rddreg [dreg:$0xc]  }
0x97: {  	[tilespmem:s18], [sflag:$0x3] =	stream.linear.gather [hbm4b:s15+s5], $0x7D0, $0x38;
	[tilespmem:$0x19AA0] =	vst v63  }
0x98: {  	s12 =	rddreg [dreg:$0xd]  }
0x99: {  	[tilespmem:s19], [sflag:$0x3] =	stream.linear.gather [hbm4b:s12+s5], $0x7D0, $0x38;
	[tilespmem:$0x19AA0] =	vst v63  }
0x9a: {  	s15 =	rddreg [dreg:$0xe];
	s12 =	simm.s32 $0x4650  }
0x9b: {  	[tilespmem:s12], [sflag:$0x3] =	stream.linear.gather [hbm4b:s15+s5], $0x7D0, $0x38;
	[tilespmem:$0x19AA0] =	vst v63  }
0x9c: {  	_ =	swait.ge [sflag:s7], $0x7D0  }
0x9d: {  	[sflag:s7] =	ssyncset.done $0x0  }
0x9e: {  	[sflag:s7] =	ssyncadd.s32 $0xFFFFF830  }
0x9f: {  	_ =	swait.ge [sflag:s7], $0x7D0  }
0xa0: {  	[sflag:s7] =	ssyncset.done $0x0  }
0xa1: {  	[sflag:s7] =	ssyncadd.s32 $0xFFFFF830  }
0xa2: {  	_ =	swait.ge [sflag:s7], $0x7D0  }
0xa3: {  	[sflag:s7] =	ssyncset.done $0x0  }
0xa4: {  	[sflag:s7] =	ssyncadd.s32 $0xFFFFF830  }
0xa5: {  	_ =	swait.ge [sflag:s7], $0x7D0  }
0xa6: {  	[sflag:s7] =	ssyncset.done $0x0  }
0xa7: {  	[sflag:s7] =	ssyncadd.s32 $0xFFFFF830  }
0xa8: {  	_ =	swait.ge [sflag:s7], $0x7D0  }
0xa9: {  	[sflag:s7] =	ssyncset.done $0x0  }
0xaa: {  	s15 =	simm.s32 $0x4E20;
	[sflag:s7] =	ssyncadd.s32 $0xFFFFF830  }
0xab: {  	[tilespmem:s15], [sflag:$0x4] =	stream.indirect.gather [hbm4b:s10+s6], $0x8, s5, s6, $0xb8;
	[tilespmem:$0x19AA0] =	vst v63  }
0xac: {  	s31 =	simm.s32 $0x8CA0  }
0xad: {  	[tilespmem:s31], [sflag:$0x5] =	stream.indirect.gather [hbm4b:s10+s6], $0x8, s6, s6, $0xb8;
	[tilespmem:$0x19AA0] =	vst v63  }
0xae: {  	_ = 	snop  }
0xaf: {  	[tilespmem:s8], [sflag:$0x6] =	stream.indirect.gather [hbm4b:s10+s6], $0x8, s24, s6, $0xb8;
	[tilespmem:$0x19AA0] =	vst v63  }
0xb0: {  	s24 =	simm.s32 $0x109A0  }
0xb1: {  	[tilespmem:s24], [sflag:$0x7] =	stream.indirect.gather [hbm4b:s10+s6], $0x8, s1, s6, $0xb8;
	[tilespmem:$0x19AA0] =	vst v63  }
0xb2: {  	s1 =	simm.s32 $0x14820  }
0xb3: {  	[tilespmem:s1], [sflag:$0x8] =	stream.indirect.gather [hbm4b:s10+s6], $0x8, s22, s6, $0xb8;
	[tilespmem:$0x19AA0] =	vst v63  }
0xb4: {  	_ =	swait.ge [sflag:s2], $0x280  }
0xb5: {  	[sflag:s2] =	ssyncset.done $0x0  }
0xb6: {  	[sflag:s2] =	ssyncadd.s32 $0xFFFFFD80  }
0xb7: {  	_ =	swait.ge [sflag:s30], $0x7D0  }
0xb8: {  	[sflag:s30] =	ssyncset.done $0x0  }
0xb9: {  	[sflag:s30] =	ssyncadd.s32 $0xFFFFF830  }
0xba: {  	_ =	swait.ge [sflag:s30], $0x7D0  }
0xbb: {  	[sflag:s30] =	ssyncset.done $0x0  }
0xbc: {  	[sflag:s30] =	ssyncadd.s32 $0xFFFFF830  }
0xbd: {  	_ =	swait.ge [sflag:s30], $0x7D0  }
0xbe: {  	[sflag:s30] =	ssyncset.done $0x0  }
0xbf: {  	[sflag:s30] =	ssyncadd.s32 $0xFFFFF830  }
0xc0: {  	_ =	swait.ge [sflag:s30], $0x7D0  }
0xc1: {  	[sflag:s30] =	ssyncset.done $0x0  }
0xc2: {  	[sflag:s30] =	ssyncadd.s32 $0xFFFFF830  }
0xc3: {  	_ =	swait.ge [sflag:s30], $0x7D0  }
0xc4: {  	[sflag:s30] =	ssyncset.done $0x0  }
0xc5: {  	[sflag:s30] =	ssyncadd.s32 $0xFFFFF830  }
0xc6: {  	[bflag:$0x0] =	sbarrier.arrive $0xFFFF  }
0xc7: {  	_ =	swait.ge [sflag:s28], $0x3E80  }
0xc8: {  	[sflag:s28] =	ssyncset.done $0x0  }
0xc9: {  	[sflag:s28] =	ssyncadd.s32 $0xFFFFC180  }
0xca: {  	[spmem:s3] =	stream.indirect.scatter.add.f32 [tilespmem:s15], [sflag:$0x9], $0x8, s0, s6, $0xb8;
	[tilespmem:$0x19AA0] =	vst v63  }
0xcb: {  	_ =	swait.ge [sflag:s29], $0x3E80  }
0xcc: {  	[sflag:s29] =	ssyncset.done $0x0  }
0xcd: {  	[sflag:s29] =	ssyncadd.s32 $0xFFFFC180  }
0xce: {  	[spmem:s3] =	stream.indirect.scatter.add.f32 [tilespmem:s31], [sflag:$0xA], $0x8, s16, s6, $0xb8;
	[tilespmem:$0x19AA0] =	vst v63  }
0xcf: {  	_ =	swait.ge [sflag:s26], $0x3E80  }
0xd0: {  	[sflag:s26] =	ssyncset.done $0x0  }
0xd1: {  	[sflag:s26] =	ssyncadd.s32 $0xFFFFC180  }
0xd2: {  	[spmem:s3] =	stream.indirect.scatter.add.f32 [tilespmem:s8], [sflag:$0xB], $0x8, s18, s6, $0xb8;
	[tilespmem:$0x19AA0] =	vst v63  }
0xd3: {  	_ =	swait.ge [sflag:s25], $0x3E80  }
0xd4: {  	[sflag:s25] =	ssyncset.done $0x0  }
0xd5: {  	[sflag:s25] =	ssyncadd.s32 $0xFFFFC180  }
0xd6: {  	[spmem:s3] =	stream.indirect.scatter.add.f32 [tilespmem:s24], [sflag:$0xC], $0x8, s19, s6, $0xb8;
	[tilespmem:$0x19AA0] =	vst v63  }
0xd7: {  	_ =	swait.ge [sflag:s23], $0x3E80  }
0xd8: {  	[sflag:s23] =	ssyncset.done $0x0  }
0xd9: {  	[sflag:s23] =	ssyncadd.s32 $0xFFFFC180  }
0xda: {  	[spmem:s3] =	stream.indirect.scatter.add.f32 [tilespmem:s1], [sflag:$0xD], $0x8, s12, s6, $0xb8;
	[tilespmem:$0x19AA0] =	vst v63  }
0xdb: {  	_ =	swait.ge [sflag:s21], $0x3E80  }
0xdc: {  	[sflag:s21] =	ssyncset.done $0x0  }
0xdd: {  	[sflag:s21] =	ssyncadd.s32 $0xFFFFC180  }
0xde: {  	_ =	swait.ge [sflag:s20], $0x3E80  }
0xdf: {  	[sflag:s20] =	ssyncset.done $0x0  }
0xe0: {  	[sflag:s20] =	ssyncadd.s32 $0xFFFFC180  }
0xe1: {  	_ =	swait.ge [sflag:s17], $0x3E80  }
0xe2: {  	[sflag:s17] =	ssyncset.done $0x0  }
0xe3: {  	[sflag:s17] =	ssyncadd.s32 $0xFFFFC180  }
0xe4: {  	_ =	swait.ge [sflag:s14], $0x3E80  }
0xe5: {  	[sflag:s14] =	ssyncset.done $0x0  }
0xe6: {  	[sflag:s14] =	ssyncadd.s32 $0xFFFFC180  }
0xe7: {  	_ =	swait.ge [sflag:s13], $0x3E80  }
0xe8: {  	[sflag:s13] =	ssyncset.done $0x0  }
0xe9: {  	p1 =	sne.s32 s11, $0x1;
	[sflag:s13] =	ssyncadd.s32 $0xFFFFC180  }
.Ltmp2:
0xea: {  	[bflag:$0x0] =	sbarrier.arrive $0xFFFF;
	(pc) =	sbr.rel @p1 .LBB2_3-.Ltmp2, $4  }
0xeb: {  	s31 =	simm.s32 $0xE;
	s24 =	rddreg [dreg:$0xf]  }
0xec: {  	[hbm:s24], [sflag:s9] =	dma.local [spmem:s4], $0x280  }
0xed: {  	_ =	swait.ge [sflag:s31], $0x280  }
0xee: {  	s11 =	sadd.s32 $0xFFFFFFFF, s11;
	s12 =	rddreg [dreg:$0x3];
	[sflag:s31] =	ssyncset.done $0x0  }
0xef: {  	s15 =	stileid.u32  }
.LBB2_5:
0xf0: {  	s9 =	rddreg [dreg:$0x4];
	[sflag:s31] =	ssyncadd.s32 @p0 $0xFFFFFD80  }
0xf1: {  	[spmem:s4], [sflag:s9] =	dma.local [hbm:s12], $0x280  }
0xf2: {  	s9 =	rddreg [dreg:$0x5]  }
0xf3: {  	[tilespmem:s5], [sflag:$0x2] =	stream.linear.gather [hbm4b:s9+s5], $0x7D0, $0x38;
	[tilespmem:$0x19AA0] =	vst v63  }
0xf4: {  	s11 =	rddreg [dreg:$0x6]  }
0xf5: {  	[tilespmem:s6], [sflag:$0x2] =	stream.linear.gather [hbm4b:s11+s5], $0x7D0, $0x38;
	[tilespmem:$0x19AA0] =	vst v63  }
0xf6: {  	s0 =	simm.s32 $0xFA0;
	s22 =	rddreg [dreg:$0x7]  }
0xf7: {  	[tilespmem:s0], [sflag:$0x2] =	stream.linear.gather [hbm4b:s22+s5], $0x7D0, $0x38;
	[tilespmem:$0x19AA0] =	vst v63  }
0xf8: {  	s1 =	simm.s32 $0x1770;
	s24 =	rddreg [dreg:$0x8]  }
0xf9: {  	[tilespmem:s1], [sflag:$0x2] =	stream.linear.gather [hbm4b:s24+s5], $0x7D0, $0x38;
	[tilespmem:$0x19AA0] =	vst v63  }
0xfa: {  	s8 =	rddreg [dreg:$0x9];
	s22 =	simm.s32 $0x1F40  }
0xfb: {  	[tilespmem:s22], [sflag:$0x2] =	stream.linear.gather [hbm4b:s8+s5], $0x7D0, $0x38;
	[tilespmem:$0x19AA0] =	vst v63  }
0xfc: {  	s19 =	simm.s32 $0x2710;
	s12 =	rddreg [dreg:$0xa]  }
0xfd: {  	[tilespmem:s19], [sflag:$0x3] =	stream.linear.gather [hbm4b:s12+s5], $0x7D0, $0x38;
	[tilespmem:$0x19AA0] =	vst v63  }
0xfe: {  	s18 =	simm.s32 $0x2EE0;
	s16 =	rddreg [dreg:$0xb]  }
0xff: {  	[tilespmem:s18], [sflag:$0x3] =	stream.linear.gather [hbm4b:s16+s5], $0x7D0, $0x38;
	[tilespmem:$0x19AA0] =	vst v63  }
0x100: {  	s24 =	rddreg [dreg:$0xc];
	s16 =	simm.s32 $0x36B0  }
0x101: {  	[tilespmem:s16], [sflag:$0x3] =	stream.linear.gather [hbm4b:s24+s5], $0x7D0, $0x38;
	[tilespmem:$0x19AA0] =	vst v63  }
0x102: {  	s8 =	rddreg [dreg:$0xd];
	s12 =	simm.s32 $0x3E80  }
0x103: {  	[tilespmem:s12], [sflag:$0x3] =	stream.linear.gather [hbm4b:s8+s5], $0x7D0, $0x38;
	[tilespmem:$0x19AA0] =	vst v63  }
0x104: {  	s9 =	simm.s32 $0x4650;
	s24 =	rddreg [dreg:$0xe]  }
0x105: {  	[tilespmem:s9], [sflag:$0x3] =	stream.linear.gather [hbm4b:s24+s5], $0x7D0, $0x38;
	[tilespmem:$0x19AA0] =	vst v63  }
0x106: {  	_ =	swait.ge [sflag:s7], $0x7D0  }
0x107: {  	[sflag:s7] =	ssyncset.done $0x0  }
0x108: {  	[sflag:s7] =	ssyncadd.s32 $0xFFFFF830  }
0x109: {  	_ =	swait.ge [sflag:s7], $0x7D0  }
0x10a: {  	[sflag:s7] =	ssyncset.done $0x0  }
0x10b: {  	[sflag:s7] =	ssyncadd.s32 $0xFFFFF830  }
0x10c: {  	_ =	swait.ge [sflag:s7], $0x7D0  }
0x10d: {  	[sflag:s7] =	ssyncset.done $0x0  }
0x10e: {  	[sflag:s7] =	ssyncadd.s32 $0xFFFFF830  }
0x10f: {  	_ =	swait.ge [sflag:s7], $0x7D0  }
0x110: {  	[sflag:s7] =	ssyncset.done $0x0  }
0x111: {  	[sflag:s7] =	ssyncadd.s32 $0xFFFFF830  }
0x112: {  	_ =	swait.ge [sflag:s7], $0x7D0  }
0x113: {  	[sflag:s7] =	ssyncset.done $0x0  }
0x114: {  	s11 =	simm.s32 $0x4E20;
	[sflag:s7] =	ssyncadd.s32 $0xFFFFF830  }
0x115: {  	[tilespmem:s11], [sflag:$0x4] =	stream.indirect.gather [hbm4b:s10+s6], $0x8, s5, s6, $0xb8;
	[tilespmem:$0x19AA0] =	vst v63  }
0x116: {  	s7 =	simm.s32 $0x8CA0  }
0x117: {  	[tilespmem:s7], [sflag:$0x5] =	stream.indirect.gather [hbm4b:s10+s6], $0x8, s6, s6, $0xb8;
	[tilespmem:$0x19AA0] =	vst v63  }
0x118: {  	s5 =	simm.s32 $0xCB20  }
0x119: {  	[tilespmem:s5], [sflag:$0x6] =	stream.indirect.gather [hbm4b:s10+s6], $0x8, s0, s6, $0xb8;
	[tilespmem:$0x19AA0] =	vst v63  }
0x11a: {  	s8 =	simm.s32 $0x109A0  }
0x11b: {  	[tilespmem:s8], [sflag:$0x7] =	stream.indirect.gather [hbm4b:s10+s6], $0x8, s1, s6, $0xb8;
	[tilespmem:$0x19AA0] =	vst v63  }
0x11c: {  	s24 =	simm.s32 $0x14820  }
0x11d: {  	[tilespmem:s24], [sflag:$0x8] =	stream.indirect.gather [hbm4b:s10+s6], $0x8, s22, s6, $0xb8;
	[tilespmem:$0x19AA0] =	vst v63  }
0x11e: {  	_ =	swait.ge [sflag:s2], $0x280  }
0x11f: {  	[sflag:s2] =	ssyncset.done $0x0  }
0x120: {  	[sflag:s2] =	ssyncadd.s32 $0xFFFFFD80  }
0x121: {  	_ =	swait.ge [sflag:s30], $0x7D0  }
0x122: {  	[sflag:s30] =	ssyncset.done $0x0  }
0x123: {  	[sflag:s30] =	ssyncadd.s32 $0xFFFFF830  }
0x124: {  	_ =	swait.ge [sflag:s30], $0x7D0  }
0x125: {  	[sflag:s30] =	ssyncset.done $0x0  }
0x126: {  	[sflag:s30] =	ssyncadd.s32 $0xFFFFF830  }
0x127: {  	_ =	swait.ge [sflag:s30], $0x7D0  }
0x128: {  	[sflag:s30] =	ssyncset.done $0x0  }
0x129: {  	[sflag:s30] =	ssyncadd.s32 $0xFFFFF830  }
0x12a: {  	_ =	swait.ge [sflag:s30], $0x7D0  }
0x12b: {  	[sflag:s30] =	ssyncset.done $0x0  }
0x12c: {  	[sflag:s30] =	ssyncadd.s32 $0xFFFFF830  }
0x12d: {  	_ =	swait.ge [sflag:s30], $0x7D0  }
0x12e: {  	[sflag:s30] =	ssyncset.done $0x0  }
0x12f: {  	[sflag:s30] =	ssyncadd.s32 $0xFFFFF830  }
0x130: {  	[bflag:$0x0] =	sbarrier.arrive $0xFFFF  }
0x131: {  	_ =	swait.ge [sflag:s28], $0x3E80  }
0x132: {  	[sflag:s28] =	ssyncset.done $0x0  }
0x133: {  	[sflag:s28] =	ssyncadd.s32 $0xFFFFC180  }
0x134: {  	[spmem:s3] =	stream.indirect.scatter.add.f32 [tilespmem:s11], [sflag:$0x9], $0x8, s19, s6, $0xb8;
	[tilespmem:$0x19AA0] =	vst v63  }
0x135: {  	_ =	swait.ge [sflag:s29], $0x3E80  }
0x136: {  	[sflag:s29] =	ssyncset.done $0x0  }
0x137: {  	[sflag:s29] =	ssyncadd.s32 $0xFFFFC180  }
0x138: {  	[spmem:s3] =	stream.indirect.scatter.add.f32 [tilespmem:s7], [sflag:$0xA], $0x8, s18, s6, $0xb8;
	[tilespmem:$0x19AA0] =	vst v63  }
0x139: {  	_ =	swait.ge [sflag:s26], $0x3E80  }
0x13a: {  	[sflag:s26] =	ssyncset.done $0x0  }
0x13b: {  	[sflag:s26] =	ssyncadd.s32 $0xFFFFC180  }
0x13c: {  	[spmem:s3] =	stream.indirect.scatter.add.f32 [tilespmem:s5], [sflag:$0xB], $0x8, s16, s6, $0xb8;
	[tilespmem:$0x19AA0] =	vst v63  }
0x13d: {  	_ =	swait.ge [sflag:s25], $0x3E80  }
0x13e: {  	[sflag:s25] =	ssyncset.done $0x0  }
0x13f: {  	[sflag:s25] =	ssyncadd.s32 $0xFFFFC180  }
0x140: {  	[spmem:s3] =	stream.indirect.scatter.add.f32 [tilespmem:s8], [sflag:$0xC], $0x8, s12, s6, $0xb8;
	[tilespmem:$0x19AA0] =	vst v63  }
0x141: {  	_ =	swait.ge [sflag:s23], $0x3E80  }
0x142: {  	[sflag:s23] =	ssyncset.done $0x0  }
0x143: {  	[sflag:s23] =	ssyncadd.s32 $0xFFFFC180  }
0x144: {  	[spmem:s3] =	stream.indirect.scatter.add.f32 [tilespmem:s24], [sflag:$0xD], $0x8, s9, s6, $0xb8;
	[tilespmem:$0x19AA0] =	vst v63  }
0x145: {  	_ =	swait.ge [sflag:s21], $0x3E80  }
0x146: {  	[sflag:s21] =	ssyncset.done $0x0  }
0x147: {  	[sflag:s21] =	ssyncadd.s32 $0xFFFFC180  }
0x148: {  	_ =	swait.ge [sflag:s20], $0x3E80  }
0x149: {  	[sflag:s20] =	ssyncset.done $0x0  }
0x14a: {  	[sflag:s20] =	ssyncadd.s32 $0xFFFFC180  }
0x14b: {  	_ =	swait.ge [sflag:s17], $0x3E80  }
0x14c: {  	[sflag:s17] =	ssyncset.done $0x0  }
0x14d: {  	[sflag:s17] =	ssyncadd.s32 $0xFFFFC180  }
0x14e: {  	_ =	swait.ge [sflag:s14], $0x3E80  }
0x14f: {  	[sflag:s14] =	ssyncset.done $0x0  }
0x150: {  	[sflag:s14] =	ssyncadd.s32 $0xFFFFC180  }
0x151: {  	_ =	swait.ge [sflag:s13], $0x3E80  }
0x152: {  	[sflag:s13] =	ssyncset.done $0x0  }
0x153: {  	[sflag:s13] =	ssyncadd.s32 $0xFFFFC180  }
0x154: {  	[bflag:$0x0] =	sbarrier.arrive $0xFFFF  }
0x155: {  	s30 =	rddreg [dreg:$0x10]  }
0x156: {  	s29 =	rddreg [dreg:$0xf];
	s1 =	sor.u32 $0x1C0E, s30  }
0x157: {  	[hbm:s29], [sflag:s1] =	dma.local [spmem:s4], $0x280  }
0x158: {  	_ =	swait.ge [sflag:s31], $0x280  }
0x159: {  	[sflag:s31] =	ssyncset.done $0x0  }
0x15a: {  	[sflag:s31] =	ssyncadd.s32 $0xFFFFFD80  }
0x15b: {  	_ =	sfence.sel $0x180000  }
0x15c: {  	[bflag:$0x0] =	sbarrier.arrive $0xFFFF  }
0x15d: {  	_ =	strace $0x90000050  }
0x15e: {  	[bflag:$0x2] =	sbarrier.arrive $0xFFFF  }
0x15f: {  	p0 =	sne.s32 s15, $0x0;
	s0 =	rddreg [dreg:$0x2]  }
0x160: {  	s0 =	sadd.s32 @!p0 $0x100000, s0  }
0x161: {  	[sflag:s0] =	ssyncadd.tile.s32 @!p0 $0x1;
	_ =	shalt  }
.LBB2_6:
.Ltmp3:
0x162: {  	(pc) =	sbr.rel .LBB2_5-.Ltmp3, $2  }
0x163: {  	_ =	sdelay $0x2  }
0x164: {  	s15 =	stileid.u32  }
.Lfunc_end2:
_tile_overlayer_lowered:
.L_overlay_start_2:
0x165: {  	(tag) =	ssettag $0x2  }
0x166: {  	s0 =	rddreg [dreg:$0x0];
	s2 =	stileid.u32  }
0x167: {  	s1 =	rddreg [dreg:$0x1];
	p0 =	sne.s32 s2, $0x0  }
0x168: {  	s3 =	rddreg [dreg:$0x2];
	[bflag:$0x3] =	sbarrier.arrive $0xFFFF;
	s2 =	simm.s32 @!p0 $0x1C0E  }
0x169: {  	[timem:s3], [sflag:s2] =	dma.local @!p0 [hbm:s0], s1  }
0x16a: {  	s0 =	simm.s32 @!p0 $0xE  }
0x16b: {  	_ =	swait.ge @!p0 [sflag:s0], s1  }
0x16c: {  	s1 =	ssub.s32 @!p0 $0x0, s1;
	[sflag:s0] =	ssyncset.done @!p0 $0x0  }
0x16d: {  	[sflag:s0] =	ssyncadd.s32 @!p0 s1  }
0x16e: {  	[bflag:$0x3] =	sbarrier.arrive $0xFFFF  }
0x16f: {  	_ =	shalt  }

</sc_bundles>
